<compile_context>
chip_gen: v7x
topology: tpu7x:2x2x1
jax: 0.10.2.dev20260603
libtpu: 0.0.44.dev20260713+nightly
codegen_flags: <defaults>
</compile_context>

<pallas_src>
import jax
import jax.numpy as jnp
from jax import lax
from jax.experimental import pallas as pl
from jax.experimental.pallas import tpu as pltpu
from jax.experimental.pallas import tpu_sc as plsc

N = 10000
NP = 10240
E = 320000
D = 128
G = 64
NSC = 2
NTILE = 16
NW = NSC * NTILE
EPW = E // NW
CHUNK = 128
WCH = 8
NWIN = 10
NCH = WCH * NWIN
RPT = NP // NTILE
BLK = 2560
NBLK = NP // BLK

_mesh = plsc.VectorSubcoreMesh(core_axis_name="c", subcore_axis_name="s")


def _deg_body(dstp, zdeg, onesb, deg_out, deg_sh, dst_v, ones_v):
    c = lax.axis_index("c")
    s = lax.axis_index("s")
    w = c * NTILE + s
    pltpu.sync_copy(dstp.at[w], dst_v)
    pltpu.sync_copy(onesb, ones_v)
    r0 = s * RPT
    pltpu.sync_copy(zdeg.at[pl.ds(r0, RPT)], deg_sh.at[pl.ds(r0, RPT)])
    plsc.subcore_barrier()

    def body(j, carry):
        pltpu.sync_copy(ones_v, deg_sh.at[dst_v.at[j]], add=True)
        return carry

    lax.fori_loop(0, NCH, body, 0, unroll=4)
    plsc.subcore_barrier()
    pltpu.sync_copy(deg_sh.at[pl.ds(r0, RPT)], deg_out.at[c, pl.ds(r0, RPT)])


_deg_call = pl.kernel(
    _deg_body,
    out_type=jax.ShapeDtypeStruct((NSC, NP), jnp.float32),
    mesh=_mesh,
    scratch_types=[
        pltpu.VMEM_SHARED((NP,), jnp.float32),
        pltpu.VMEM((NCH, CHUNK), jnp.int32),
        pltpu.VMEM((CHUNK,), jnp.float32),
    ],
)


def _edge_body(g_hbm, srcp, dstp, zinit, acc_out,
               acc_sh, src_w, dst_w, bufs, gsems, ssems):
    c = lax.axis_index("c")
    s = lax.axis_index("s")
    w = c * NTILE + s
    r0 = s * RPT
    @pl.when(c == 0)
    def _():
        pltpu.sync_copy(g_hbm.at[pl.ds(r0, RPT)], acc_sh.at[pl.ds(r0, RPT)])

    @pl.when(c == 1)
    def _():
        pltpu.sync_copy(zinit.at[pl.ds(r0, RPT)], acc_sh.at[pl.ds(r0, RPT)])

    plsc.subcore_barrier()

    HC = CHUNK // 2

    def gather2(p_, k_, b_):
        pltpu.async_copy(g_hbm.at[src_w.at[p_, k_, pl.ds(0, HC)]],
                         bufs.at[b_, pl.ds(0, HC)], gsems.at[b_])
        pltpu.async_copy(g_hbm.at[src_w.at[p_, k_, pl.ds(HC, HC)]],
                         bufs.at[b_, pl.ds(HC, HC)], gsems.at[b_])

    pltpu.sync_copy(srcp.at[w, pl.ds(0, WCH)], src_w.at[0])
    pltpu.sync_copy(dstp.at[w, pl.ds(0, WCH)], dst_w.at[0])
    gather2(0, 0, 0)
    gather2(0, 1, 1)

    def window(wi, carry):
        p = wi % 2
        pn = (wi + 1) % 2
        for k in range(WCH):
            b = k % 2
            pltpu.make_async_copy(
                g_hbm.at[src_w.at[p, k]], bufs.at[b], gsems.at[b]).wait()
            pltpu.async_copy(
                bufs.at[b], acc_sh.at[dst_w.at[p, k]], ssems.at[b], add=True)
            if k == WCH - 3:
                @pl.when(wi < NWIN - 1)
                def _():
                    pltpu.sync_copy(
                        srcp.at[w, pl.ds((wi + 1) * WCH, WCH)], src_w.at[pn])
                    pltpu.sync_copy(
                        dstp.at[w, pl.ds((wi + 1) * WCH, WCH)], dst_w.at[pn])
            pltpu.make_async_copy(
                bufs.at[b], acc_sh.at[dst_w.at[p, k]], ssems.at[b]).wait()
            if k < WCH - 2:
                gather2(p, k + 2, b)
            else:
                @pl.when(wi < NWIN - 1)
                def _():
                    gather2(pn, k - (WCH - 2), b)
        return carry

    lax.fori_loop(0, NWIN, window, 0)
    plsc.subcore_barrier()
    pltpu.sync_copy(acc_sh.at[pl.ds(r0, RPT)], acc_out.at[c, pl.ds(r0, RPT)])


_edge_call = pl.kernel(
    _edge_body,
    out_type=jax.ShapeDtypeStruct((NSC, NP, D), jnp.float32),
    mesh=_mesh,
    scratch_types=[
        pltpu.VMEM_SHARED((NP, D), jnp.float32),
        pltpu.VMEM((2, WCH, CHUNK), jnp.int32),
        pltpu.VMEM((2, WCH, CHUNK), jnp.int32),
        pltpu.VMEM((2, CHUNK, D), jnp.float32),
        pltpu.SemaphoreType.DMA((2,)),
        pltpu.SemaphoreType.DMA((2,)),
    ],
)


def _tc1_body(deg_ref, x_ref, w_ref, g_ref, dinv_ref):
    deg = deg_ref[...]
    dinv = lax.rsqrt(deg[0, 0] + deg[1, 0] + 1.0)
    dinvc = dinv.reshape(BLK, 1)
    g_ref[...] = dinvc * jnp.dot(x_ref[...], w_ref[...],
                                 preferred_element_type=jnp.float32)
    dinv_ref[...] = dinv.reshape(1, 1, BLK)


def _tc1(deg4, xp, W1):
    return pl.pallas_call(
        _tc1_body,
        grid=(NBLK,),
        in_specs=[
            pl.BlockSpec((NSC, 1, 1, BLK), lambda i: (0, i, 0, 0)),
            pl.BlockSpec((BLK, D), lambda i: (i, 0)),
            pl.BlockSpec((D, D), lambda i: (0, 0)),
        ],
        out_specs=[
            pl.BlockSpec((BLK, D), lambda i: (i, 0)),
            pl.BlockSpec((1, 1, BLK), lambda i: (i, 0, 0)),
        ],
        out_shape=[
            jax.ShapeDtypeStruct((NP, D), jnp.float32),
            jax.ShapeDtypeStruct((NBLK, 1, BLK), jnp.float32),
        ],
    )(deg4, xp, W1)


def _mask_from_batch(batch_row):
    gid = lax.broadcasted_iota(jnp.int32, (G, BLK), 0)
    return (gid == batch_row).astype(jnp.float32)


def _tc_mid_body(acc_ref, dinv_ref, b_ref, w_ref, batch_ref,
                 gn_ref, pool_ref):
    i = pl.program_id(0)
    acc = acc_ref[...]
    dinvc = dinv_ref[...].reshape(BLK, 1)
    h = dinvc * (acc[0] + acc[1]) + b_ref[...]
    h = jnp.where(h > 0, h, 0.01 * h)
    gn_ref[...] = dinvc * jnp.dot(h, w_ref[...],
                                  preferred_element_type=jnp.float32)
    mf = _mask_from_batch(batch_ref[...].reshape(1, BLK))

    @pl.when(i == 0)
    def _():
        pool_ref[...] = jnp.zeros_like(pool_ref)

    pool_ref[...] += jnp.dot(mf, h, preferred_element_type=jnp.float32)


def _tc_mid(acc, dinv, b, Wn, batchp):
    return pl.pallas_call(
        _tc_mid_body,
        grid=(NBLK,),
        in_specs=[
            pl.BlockSpec((NSC, BLK, D), lambda i: (0, i, 0)),
            pl.BlockSpec((1, 1, BLK), lambda i: (i, 0, 0)),
            pl.BlockSpec((1, D), lambda i: (0, 0)),
            pl.BlockSpec((D, D), lambda i: (0, 0)),
            pl.BlockSpec((1, 1, BLK), lambda i: (i, 0, 0)),
        ],
        out_specs=[
            pl.BlockSpec((BLK, D), lambda i: (i, 0)),
            pl.BlockSpec((G, D), lambda i: (0, 0)),
        ],
        out_shape=[
            jax.ShapeDtypeStruct((NP, D), jnp.float32),
            jax.ShapeDtypeStruct((G, D), jnp.float32),
        ],
    )(acc, dinv, b, Wn, batchp)


def _tc_final_body(acc_ref, dinv_ref, b_ref, batch_ref, p1_ref, p2_ref,
                   merge_ref, pool_s, cnt_s):
    i = pl.program_id(0)
    acc = acc_ref[...]
    dinvc = dinv_ref[...].reshape(BLK, 1)
    h = dinvc * (acc[0] + acc[1]) + b_ref[...]
    h = jnp.where(h > 0, h, 0.01 * h)
    mf = _mask_from_batch(batch_ref[...].reshape(1, BLK))

    @pl.when(i == 0)
    def _():
        pool_s[...] = jnp.zeros_like(pool_s)
        cnt_s[...] = jnp.zeros_like(cnt_s)

    pool_s[...] += jnp.dot(mf, h, preferred_element_type=jnp.float32)
    cnt_s[...] += jnp.broadcast_to(
        jnp.sum(mf, axis=1, keepdims=True), (G, D))

    @pl.when(i == NBLK - 1)
    def _():
        tot = p1_ref[...] + p2_ref[...] + pool_s[...]
        merge_ref[...] = tot / (3.0 * jnp.maximum(cnt_s[...], 1.0))


def _tc_final(acc, dinv, b, batchp, p1, p2):
    return pl.pallas_call(
        _tc_final_body,
        grid=(NBLK,),
        in_specs=[
            pl.BlockSpec((NSC, BLK, D), lambda i: (0, i, 0)),
            pl.BlockSpec((1, 1, BLK), lambda i: (i, 0, 0)),
            pl.BlockSpec((1, D), lambda i: (0, 0)),
            pl.BlockSpec((1, 1, BLK), lambda i: (i, 0, 0)),
            pl.BlockSpec((G, D), lambda i: (0, 0)),
            pl.BlockSpec((G, D), lambda i: (0, 0)),
        ],
        out_specs=pl.BlockSpec((G, D), lambda i: (0, 0)),
        out_shape=jax.ShapeDtypeStruct((G, D), jnp.float32),
        scratch_shapes=[
            pltpu.VMEM((G, D), jnp.float32),
            pltpu.VMEM((G, D), jnp.float32),
        ],
    )(acc, dinv, b, batchp, p1, p2)


def kernel(x, edge_index, batch, W1, b1, W2, b2, W3, b3):
    src = edge_index[0].reshape(NW, EPW)
    dst = edge_index[1].reshape(NW, EPW)
    padn = NCH * CHUNK - EPW
    trash = N + (jnp.arange(padn, dtype=jnp.int32) % (NP - N))
    srcp = jnp.concatenate(
        [src, jnp.broadcast_to(trash, (NW, padn))], axis=1).reshape(NW, NCH, CHUNK)
    dstp = jnp.concatenate(
        [dst, jnp.broadcast_to(trash, (NW, padn))], axis=1).reshape(NW, NCH, CHUNK)
    xp = jnp.concatenate([x, jnp.zeros((NP - N, D), x.dtype)])
    batchp = jnp.concatenate(
        [batch, jnp.full((NP - N,), G, jnp.int32)]).reshape(NBLK, 1, BLK)
    zinit = jnp.zeros((NP, D), jnp.float32)
    zdeg = jnp.zeros((NP,), jnp.float32)
    onesb = jnp.ones((CHUNK,), jnp.float32)
    b1r, b2r, b3r = (b.reshape(1, D) for b in (b1, b2, b3))

    deg = _deg_call(dstp, zdeg, onesb)
    deg4 = deg.reshape(NSC, NBLK, 1, BLK)
    g1, dinv = _tc1(deg4, xp, W1)
    acc1 = _edge_call(g1, srcp, dstp, zinit)
    g2, p1 = _tc_mid(acc1, dinv, b1r, W2, batchp)
    acc2 = _edge_call(g2, srcp, dstp, zinit)
    g3, p2 = _tc_mid(acc2, dinv, b2r, W3, batchp)
    acc3 = _edge_call(g3, srcp, dstp, zinit)
    merge = _tc_final(acc3, dinv, b3r, batchp, p1, p2)
    return (merge, 0)

# --- scband reference (transcript-rebuilt; emitter-appended) ---
"""Pipeline reference for scband-base-line-31086973288655 (READ-ONLY COPY).

The authoritative reference and input builder live on the scoring server;
editing this copy changes nothing except your own understanding.
"""

import jax, jax.numpy as jnp
import numpy as np

N_NODES = 10000
N_EDGES = 320000
N_GRAPHS = 64
D_IN = 128
D_HID = 128


def setup_inputs(seed: int = 0) -> dict:
    key = jax.random.key(seed)
    ks = jax.random.split(key, 10)
    inp = {}
    inp["x"] = jax.random.normal(ks[0], (N_NODES, D_IN), dtype=jnp.float32)
    inp["edge_index"] = jax.random.randint(ks[1], (2, N_EDGES), 0, N_NODES, dtype=jnp.int32)
    inp["batch"] = jnp.sort(jax.random.randint(ks[2], (N_NODES,), 0, N_GRAPHS, dtype=jnp.int32))
    # learned params: 3 GCNConv layers (weight [in, out], bias [out])
    dims = [(D_IN, D_HID), (D_HID, D_HID), (D_HID, D_HID)]
    for i, (di, do) in enumerate(dims):
        scale = 1.0 / np.sqrt(di)
        inp[f"W{i+1}"] = jax.random.normal(ks[3 + 2 * i], (di, do), dtype=jnp.float32) * scale
        inp[f"b{i+1}"] = jax.random.normal(ks[4 + 2 * i], (do,), dtype=jnp.float32) * 0.01
    return inp


def reference(x, edge_index, batch, W1, b1, W2, b2, W3, b3):
    src = edge_index[0]
    dst = edge_index[1]
    # GCN normalization with added self-loops (PyG GCNConv default)
    loop = jnp.arange(N_NODES, dtype=src.dtype)
    src_f = jnp.concatenate([src, loop])
    dst_f = jnp.concatenate([dst, loop])
    deg = jnp.zeros((N_NODES,), dtype=jnp.float32).at[dst_f].add(1.0)
    dinv = jnp.where(deg > 0, jax.lax.rsqrt(deg), 0.0)
    norm = dinv[src_f] * dinv[dst_f]

    def gcn_conv(h, W, b):
        hw = h @ W
        msg = norm[:, None] * hw[src_f]
        out = jnp.zeros((N_NODES, W.shape[1]), dtype=hw.dtype).at[dst_f].add(msg)
        return out + b

    def global_mean_pool(h):
        s = jax.ops.segment_sum(h, batch, num_segments=N_GRAPHS)
        cnt = jax.ops.segment_sum(jnp.ones((N_NODES,), dtype=h.dtype), batch, num_segments=N_GRAPHS)
        return s / jnp.maximum(cnt, 1.0)[:, None]

    feats = []
    h = x
    for W, b in ((W1, b1), (W2, b2), (W3, b3)):
        h = gcn_conv(h, W, b)
        h = jax.nn.leaky_relu(h, negative_slope=0.01)
        feats.append(global_mean_pool(h))
    merge_feature = jnp.mean(jnp.stack(feats, axis=0), axis=0)
    return (merge_feature, 0)

if __name__ == "__main__":
    import jax
    _d = setup_inputs()
    print(jax.jit(kernel)(*tuple(_d.values())))

</pallas_src>

<mosaic_0001>
#map = affine_map<(d0, d1) -> (0, 0, 0)>
#map1 = affine_map<(d0, d1) -> (0)>
#map2 = affine_map<(d0, d1) -> (0, 0)>
module attributes {stable_mosaic.version = 14 : i64} {
  func.func @_deg_body(%arg0: i32, %arg1: i32, %arg2: memref<32x80x128xi32, #tpu.memory_space<hbm>>, %arg3: memref<10240xf32, #tpu.memory_space<hbm>>, %arg4: memref<128xf32, #tpu.memory_space<hbm>>, %arg5: memref<2x10240xf32, #tpu.memory_space<hbm>>, %arg6: memref<10240xf32, #tpu.memory_space<vmem_shared>>, %arg7: memref<80x128xi32, #tpu.memory_space<vmem>>, %arg8: memref<128xf32, #tpu.memory_space<vmem>>) attributes {dimension_semantics = [#tpu.dimension_semantics<core_parallel>, #tpu.dimension_semantics<subcore_parallel>], iteration_bounds = array<i64: 2, 16>, scalar_prefetch = 0 : i64, scratch_operands = 3 : i64, tpu.core_type = #tpu.core_type<sc_vector_subcore>, window_params = [{transform_indices = #map}, {transform_indices = #map1}, {transform_indices = #map1}, {transform_indices = #map2}]} {
    %mul3A = arith.constant 16 : i32
    %mul3A_0 = arith.muli %arg0, %mul3A : i32
    %add3A = arith.addi %mul3A_0, %arg1 : i32
    "tpu.region"() ({
      %run_scoped3A = tpu.sem_alloc : memref<!tpu.dma_semaphore, #tpu.memory_space<semaphore_mem>>
      %dma_start3A = arith.constant 0 : i32
      %dma_start3A_9 = arith.constant 0 : i32
      %dma_start3A_10 = tpu.memref_slice %arg2[%add3A, %dma_start3A, %dma_start3A_9] : memref<32x80x128xi32, #tpu.memory_space<hbm>> -> memref<1x80x128xi32, #tpu.memory_space<hbm>>
      %dma_start3A_11 = tpu.memref_squeeze %dma_start3A_10 : memref<1x80x128xi32, #tpu.memory_space<hbm>> -> memref<80x128xi32, #tpu.memory_space<hbm>>
      %dma_start3A_12 = arith.constant 0 : i32
      %dma_start3A_13 = arith.constant 0 : i32
      %dma_start3A_14 = tpu.memref_slice %arg2[%add3A, %dma_start3A_12, %dma_start3A_13] : memref<32x80x128xi32, #tpu.memory_space<hbm>> -> memref<1x80x128xi32, #tpu.memory_space<hbm>>
      %dma_start3A_15 = tpu.memref_squeeze %dma_start3A_14 : memref<1x80x128xi32, #tpu.memory_space<hbm>> -> memref<80x128xi32, #tpu.memory_space<hbm>>
      tpu.enqueue_dma source(%dma_start3A_15 : memref<80x128xi32, #tpu.memory_space<hbm>>) target(%arg7 : memref<80x128xi32, #tpu.memory_space<vmem>>) target_semaphore(%run_scoped3A : memref<!tpu.dma_semaphore, #tpu.memory_space<semaphore_mem>>)
      %dma_wait3A = arith.constant 0 : i32
      %dma_wait3A_16 = arith.constant 0 : i32
      %dma_wait3A_17 = tpu.memref_slice %arg2[%add3A, %dma_wait3A, %dma_wait3A_16] : memref<32x80x128xi32, #tpu.memory_space<hbm>> -> memref<1x80x128xi32, #tpu.memory_space<hbm>>
      %dma_wait3A_18 = tpu.memref_squeeze %dma_wait3A_17 : memref<1x80x128xi32, #tpu.memory_space<hbm>> -> memref<80x128xi32, #tpu.memory_space<hbm>>
      %dma_wait3A_19 = arith.constant 0 : i32
      %dma_wait3A_20 = arith.constant 0 : i32
      %dma_wait3A_21 = tpu.memref_slice %arg2[%add3A, %dma_wait3A_19, %dma_wait3A_20] : memref<32x80x128xi32, #tpu.memory_space<hbm>> -> memref<1x80x128xi32, #tpu.memory_space<hbm>>
      %dma_wait3A_22 = tpu.memref_squeeze %dma_wait3A_21 : memref<1x80x128xi32, #tpu.memory_space<hbm>> -> memref<80x128xi32, #tpu.memory_space<hbm>>
      tpu.wait_dma2 semaphore(%run_scoped3A : memref<!tpu.dma_semaphore, #tpu.memory_space<semaphore_mem>>) src(%dma_wait3A_22 : memref<80x128xi32, #tpu.memory_space<hbm>>) dst(%arg7 : memref<80x128xi32, #tpu.memory_space<vmem>>)
      tpu.yield
    }) : () -> ()
    "tpu.region"() ({
      %run_scoped3A = tpu.sem_alloc : memref<!tpu.dma_semaphore, #tpu.memory_space<semaphore_mem>>
      tpu.enqueue_dma source(%arg4 : memref<128xf32, #tpu.memory_space<hbm>>) target(%arg8 : memref<128xf32, #tpu.memory_space<vmem>>) target_semaphore(%run_scoped3A : memref<!tpu.dma_semaphore, #tpu.memory_space<semaphore_mem>>)
      tpu.wait_dma2 semaphore(%run_scoped3A : memref<!tpu.dma_semaphore, #tpu.memory_space<semaphore_mem>>) src(%arg4 : memref<128xf32, #tpu.memory_space<hbm>>) dst(%arg8 : memref<128xf32, #tpu.memory_space<vmem>>)
      tpu.yield
    }) : () -> ()
    %mul3A_1 = arith.constant 640 : i32
    %mul3A_2 = arith.muli %arg1, %mul3A_1 : i32
    "tpu.region"() ({
      %run_scoped3A = tpu.sem_alloc : memref<!tpu.dma_semaphore, #tpu.memory_space<semaphore_mem>>
      %dma_start3A = tpu.memref_slice %arg6[%mul3A_2] : memref<10240xf32, #tpu.memory_space<vmem_shared>> -> memref<640xf32, #tpu.memory_space<vmem_shared>>
      %dma_start3A_9 = tpu.memref_slice %arg3[%mul3A_2] : memref<10240xf32, #tpu.memory_space<hbm>> -> memref<640xf32, #tpu.memory_space<hbm>>
      tpu.enqueue_dma source(%dma_start3A_9 : memref<640xf32, #tpu.memory_space<hbm>>) target(%dma_start3A : memref<640xf32, #tpu.memory_space<vmem_shared>>) target_semaphore(%run_scoped3A : memref<!tpu.dma_semaphore, #tpu.memory_space<semaphore_mem>>)
      %dma_wait3A = tpu.memref_slice %arg6[%mul3A_2] : memref<10240xf32, #tpu.memory_space<vmem_shared>> -> memref<640xf32, #tpu.memory_space<vmem_shared>>
      %dma_wait3A_10 = tpu.memref_slice %arg3[%mul3A_2] : memref<10240xf32, #tpu.memory_space<hbm>> -> memref<640xf32, #tpu.memory_space<hbm>>
      tpu.wait_dma2 semaphore(%run_scoped3A : memref<!tpu.dma_semaphore, #tpu.memory_space<semaphore_mem>>) src(%dma_wait3A_10 : memref<640xf32, #tpu.memory_space<hbm>>) dst(%dma_wait3A : memref<640xf32, #tpu.memory_space<vmem_shared>>)
      tpu.yield
    }) : () -> ()
    %barrier3A = arith.constant 0 : index
    tpu.barrier barrier_id(%barrier3A)
    %scan3A = arith.constant 0 : i32
    %scan3A_3 = arith.constant 0 : i32
    %scan3A_4 = arith.constant 80 : i32
    %scan3A_5 = arith.addi %scan3A_3, %scan3A_4 : i32
    %scan3A_6 = arith.constant 4 : i32
    scf.for %scan3A_9 = %scan3A_3 to %scan3A_5 step %scan3A_6  : i32 {
      "tpu.region"() ({
        %run_scoped3A = tpu.sem_alloc : memref<!tpu.dma_semaphore, #tpu.memory_space<semaphore_mem>>
        %dma_start3A = arith.constant 0 : i32
        %dma_start3A_16 = tpu.memref_slice %arg7[%scan3A_9, %dma_start3A] : memref<80x128xi32, #tpu.memory_space<vmem>> -> memref<1x128xi32, #tpu.memory_space<vmem>>
        %dma_start3A_17 = tpu.memref_squeeze %dma_start3A_16 : memref<1x128xi32, #tpu.memory_space<vmem>> -> memref<128xi32, #tpu.memory_space<vmem>>
        %dma_start3A_18 = arith.constant 0 : i32
        %dma_start3A_19 = tpu.memref_slice %arg6[%dma_start3A_18] : memref<10240xf32, #tpu.memory_space<vmem_shared>> -> memref<10240xf32, #tpu.memory_space<vmem_shared>>
        tpu.enqueue_indirect_dma source(%arg8 : memref<128xf32, #tpu.memory_space<vmem>>) target(%dma_start3A_19 : memref<10240xf32, #tpu.memory_space<vmem_shared>>) offsets(%dma_start3A_17 : memref<128xi32, #tpu.memory_space<vmem>>) semaphore(%run_scoped3A : memref<!tpu.dma_semaphore, #tpu.memory_space<semaphore_mem>>) {add = true}
        %dma_wait3A = arith.constant 0 : i32
        %dma_wait3A_20 = tpu.memref_slice %arg7[%scan3A_9, %dma_wait3A] : memref<80x128xi32, #tpu.memory_space<vmem>> -> memref<1x128xi32, #tpu.memory_space<vmem>>
        %dma_wait3A_21 = tpu.memref_squeeze %dma_wait3A_20 : memref<1x128xi32, #tpu.memory_space<vmem>> -> memref<128xi32, #tpu.memory_space<vmem>>
        %dma_wait3A_22 = arith.constant 0 : i32
        %dma_wait3A_23 = tpu.memref_slice %arg6[%dma_wait3A_22] : memref<10240xf32, #tpu.memory_space<vmem_shared>> -> memref<10240xf32, #tpu.memory_space<vmem_shared>>
        tpu.wait_indirect_dma semaphore(%run_scoped3A : memref<!tpu.dma_semaphore, #tpu.memory_space<semaphore_mem>>) src(%arg8 : memref<128xf32, #tpu.memory_space<vmem>>) dst(%dma_wait3A_23 : memref<10240xf32, #tpu.memory_space<vmem_shared>>)
        tpu.yield
      }) : () -> ()
      %scan3A_10 = arith.constant 1 : i32
      %scan3A_11 = arith.addi %scan3A_9, %scan3A_10 : i32
      "tpu.region"() ({
        %run_scoped3A = tpu.sem_alloc : memref<!tpu.dma_semaphore, #tpu.memory_space<semaphore_mem>>
        %dma_start3A = arith.constant 0 : i32
        %dma_start3A_16 = tpu.memref_slice %arg7[%scan3A_11, %dma_start3A] : memref<80x128xi32, #tpu.memory_space<vmem>> -> memref<1x128xi32, #tpu.memory_space<vmem>>
        %dma_start3A_17 = tpu.memref_squeeze %dma_start3A_16 : memref<1x128xi32, #tpu.memory_space<vmem>> -> memref<128xi32, #tpu.memory_space<vmem>>
        %dma_start3A_18 = arith.constant 0 : i32
        %dma_start3A_19 = tpu.memref_slice %arg6[%dma_start3A_18] : memref<10240xf32, #tpu.memory_space<vmem_shared>> -> memref<10240xf32, #tpu.memory_space<vmem_shared>>
        tpu.enqueue_indirect_dma source(%arg8 : memref<128xf32, #tpu.memory_space<vmem>>) target(%dma_start3A_19 : memref<10240xf32, #tpu.memory_space<vmem_shared>>) offsets(%dma_start3A_17 : memref<128xi32, #tpu.memory_space<vmem>>) semaphore(%run_scoped3A : memref<!tpu.dma_semaphore, #tpu.memory_space<semaphore_mem>>) {add = true}
        %dma_wait3A = arith.constant 0 : i32
        %dma_wait3A_20 = tpu.memref_slice %arg7[%scan3A_11, %dma_wait3A] : memref<80x128xi32, #tpu.memory_space<vmem>> -> memref<1x128xi32, #tpu.memory_space<vmem>>
        %dma_wait3A_21 = tpu.memref_squeeze %dma_wait3A_20 : memref<1x128xi32, #tpu.memory_space<vmem>> -> memref<128xi32, #tpu.memory_space<vmem>>
        %dma_wait3A_22 = arith.constant 0 : i32
        %dma_wait3A_23 = tpu.memref_slice %arg6[%dma_wait3A_22] : memref<10240xf32, #tpu.memory_space<vmem_shared>> -> memref<10240xf32, #tpu.memory_space<vmem_shared>>
        tpu.wait_indirect_dma semaphore(%run_scoped3A : memref<!tpu.dma_semaphore, #tpu.memory_space<semaphore_mem>>) src(%arg8 : memref<128xf32, #tpu.memory_space<vmem>>) dst(%dma_wait3A_23 : memref<10240xf32, #tpu.memory_space<vmem_shared>>)
        tpu.yield
      }) : () -> ()
      %scan3A_12 = arith.constant 2 : i32
      %scan3A_13 = arith.addi %scan3A_9, %scan3A_12 : i32
      "tpu.region"() ({
        %run_scoped3A = tpu.sem_alloc : memref<!tpu.dma_semaphore, #tpu.memory_space<semaphore_mem>>
        %dma_start3A = arith.constant 0 : i32
        %dma_start3A_16 = tpu.memref_slice %arg7[%scan3A_13, %dma_start3A] : memref<80x128xi32, #tpu.memory_space<vmem>> -> memref<1x128xi32, #tpu.memory_space<vmem>>
        %dma_start3A_17 = tpu.memref_squeeze %dma_start3A_16 : memref<1x128xi32, #tpu.memory_space<vmem>> -> memref<128xi32, #tpu.memory_space<vmem>>
        %dma_start3A_18 = arith.constant 0 : i32
        %dma_start3A_19 = tpu.memref_slice %arg6[%dma_start3A_18] : memref<10240xf32, #tpu.memory_space<vmem_shared>> -> memref<10240xf32, #tpu.memory_space<vmem_shared>>
        tpu.enqueue_indirect_dma source(%arg8 : memref<128xf32, #tpu.memory_space<vmem>>) target(%dma_start3A_19 : memref<10240xf32, #tpu.memory_space<vmem_shared>>) offsets(%dma_start3A_17 : memref<128xi32, #tpu.memory_space<vmem>>) semaphore(%run_scoped3A : memref<!tpu.dma_semaphore, #tpu.memory_space<semaphore_mem>>) {add = true}
        %dma_wait3A = arith.constant 0 : i32
        %dma_wait3A_20 = tpu.memref_slice %arg7[%scan3A_13, %dma_wait3A] : memref<80x128xi32, #tpu.memory_space<vmem>> -> memref<1x128xi32, #tpu.memory_space<vmem>>
        %dma_wait3A_21 = tpu.memref_squeeze %dma_wait3A_20 : memref<1x128xi32, #tpu.memory_space<vmem>> -> memref<128xi32, #tpu.memory_space<vmem>>
        %dma_wait3A_22 = arith.constant 0 : i32
        %dma_wait3A_23 = tpu.memref_slice %arg6[%dma_wait3A_22] : memref<10240xf32, #tpu.memory_space<vmem_shared>> -> memref<10240xf32, #tpu.memory_space<vmem_shared>>
        tpu.wait_indirect_dma semaphore(%run_scoped3A : memref<!tpu.dma_semaphore, #tpu.memory_space<semaphore_mem>>) src(%arg8 : memref<128xf32, #tpu.memory_space<vmem>>) dst(%dma_wait3A_23 : memref<10240xf32, #tpu.memory_space<vmem_shared>>)
        tpu.yield
      }) : () -> ()
      %scan3A_14 = arith.constant 3 : i32
      %scan3A_15 = arith.addi %scan3A_9, %scan3A_14 : i32
      "tpu.region"() ({
        %run_scoped3A = tpu.sem_alloc : memref<!tpu.dma_semaphore, #tpu.memory_space<semaphore_mem>>
        %dma_start3A = arith.constant 0 : i32
        %dma_start3A_16 = tpu.memref_slice %arg7[%scan3A_15, %dma_start3A] : memref<80x128xi32, #tpu.memory_space<vmem>> -> memref<1x128xi32, #tpu.memory_space<vmem>>
        %dma_start3A_17 = tpu.memref_squeeze %dma_start3A_16 : memref<1x128xi32, #tpu.memory_space<vmem>> -> memref<128xi32, #tpu.memory_space<vmem>>
        %dma_start3A_18 = arith.constant 0 : i32
        %dma_start3A_19 = tpu.memref_slice %arg6[%dma_start3A_18] : memref<10240xf32, #tpu.memory_space<vmem_shared>> -> memref<10240xf32, #tpu.memory_space<vmem_shared>>
        tpu.enqueue_indirect_dma source(%arg8 : memref<128xf32, #tpu.memory_space<vmem>>) target(%dma_start3A_19 : memref<10240xf32, #tpu.memory_space<vmem_shared>>) offsets(%dma_start3A_17 : memref<128xi32, #tpu.memory_space<vmem>>) semaphore(%run_scoped3A : memref<!tpu.dma_semaphore, #tpu.memory_space<semaphore_mem>>) {add = true}
        %dma_wait3A = arith.constant 0 : i32
        %dma_wait3A_20 = tpu.memref_slice %arg7[%scan3A_15, %dma_wait3A] : memref<80x128xi32, #tpu.memory_space<vmem>> -> memref<1x128xi32, #tpu.memory_space<vmem>>
        %dma_wait3A_21 = tpu.memref_squeeze %dma_wait3A_20 : memref<1x128xi32, #tpu.memory_space<vmem>> -> memref<128xi32, #tpu.memory_space<vmem>>
        %dma_wait3A_22 = arith.constant 0 : i32
        %dma_wait3A_23 = tpu.memref_slice %arg6[%dma_wait3A_22] : memref<10240xf32, #tpu.memory_space<vmem_shared>> -> memref<10240xf32, #tpu.memory_space<vmem_shared>>
        tpu.wait_indirect_dma semaphore(%run_scoped3A : memref<!tpu.dma_semaphore, #tpu.memory_space<semaphore_mem>>) src(%arg8 : memref<128xf32, #tpu.memory_space<vmem>>) dst(%dma_wait3A_23 : memref<10240xf32, #tpu.memory_space<vmem_shared>>)
        tpu.yield
      }) : () -> ()
    }
    %scan3A_7 = arith.constant 80 : i32
    %barrier3A_8 = arith.constant 0 : index
    tpu.barrier barrier_id(%barrier3A_8)
    "tpu.region"() ({
      %run_scoped3A = tpu.sem_alloc : memref<!tpu.dma_semaphore, #tpu.memory_space<semaphore_mem>>
      %dma_start3A = tpu.memref_slice %arg5[%arg0, %mul3A_2] : memref<2x10240xf32, #tpu.memory_space<hbm>> -> memref<1x640xf32, #tpu.memory_space<hbm>>
      %dma_start3A_9 = tpu.memref_squeeze %dma_start3A : memref<1x640xf32, #tpu.memory_space<hbm>> -> memref<640xf32, #tpu.memory_space<hbm>>
      %dma_start3A_10 = tpu.memref_slice %arg6[%mul3A_2] : memref<10240xf32, #tpu.memory_space<vmem_shared>> -> memref<640xf32, #tpu.memory_space<vmem_shared>>
      tpu.enqueue_dma source(%dma_start3A_10 : memref<640xf32, #tpu.memory_space<vmem_shared>>) target(%dma_start3A_9 : memref<640xf32, #tpu.memory_space<hbm>>) target_semaphore(%run_scoped3A : memref<!tpu.dma_semaphore, #tpu.memory_space<semaphore_mem>>)
      %dma_wait3A = tpu.memref_slice %arg5[%arg0, %mul3A_2] : memref<2x10240xf32, #tpu.memory_space<hbm>> -> memref<1x640xf32, #tpu.memory_space<hbm>>
      %dma_wait3A_11 = tpu.memref_squeeze %dma_wait3A : memref<1x640xf32, #tpu.memory_space<hbm>> -> memref<640xf32, #tpu.memory_space<hbm>>
      %dma_wait3A_12 = tpu.memref_slice %arg6[%mul3A_2] : memref<10240xf32, #tpu.memory_space<vmem_shared>> -> memref<640xf32, #tpu.memory_space<vmem_shared>>
      tpu.wait_dma2 semaphore(%run_scoped3A : memref<!tpu.dma_semaphore, #tpu.memory_space<semaphore_mem>>) src(%dma_wait3A_12 : memref<640xf32, #tpu.memory_space<vmem_shared>>) dst(%dma_wait3A_11 : memref<640xf32, #tpu.memory_space<hbm>>)
      tpu.yield
    }) : () -> ()
    return
  }
}

#map = affine_map<(d0, d1) -> (0, 0)>
#map1 = affine_map<(d0, d1) -> (0, 0, 0)>
module attributes {stable_mosaic.version = 14 : i64} {
  func.func @_edge_body(%arg0: i32, %arg1: i32, %arg2: memref<10240x128xf32, #tpu.memory_space<hbm>>, %arg3: memref<32x80x128xi32, #tpu.memory_space<hbm>>, %arg4: memref<32x80x128xi32, #tpu.memory_space<hbm>>, %arg5: memref<10240x128xf32, #tpu.memory_space<hbm>>, %arg6: memref<2x10240x128xf32, #tpu.memory_space<hbm>>, %arg7: memref<10240x128xf32, #tpu.memory_space<vmem_shared>>, %arg8: memref<2x8x128xi32, #tpu.memory_space<vmem>>, %arg9: memref<2x8x128xi32, #tpu.memory_space<vmem>>, %arg10: memref<2x128x128xf32, #tpu.memory_space<vmem>>, %arg11: memref<2x!tpu.dma_semaphore, #tpu.memory_space<semaphore_mem>>, %arg12: memref<2x!tpu.dma_semaphore, #tpu.memory_space<semaphore_mem>>) attributes {dimension_semantics = [#tpu.dimension_semantics<core_parallel>, #tpu.dimension_semantics<subcore_parallel>], iteration_bounds = array<i64: 2, 16>, scalar_prefetch = 0 : i64, scratch_operands = 6 : i64, tpu.core_type = #tpu.core_type<sc_vector_subcore>, window_params = [{transform_indices = #map}, {transform_indices = #map1}, {transform_indices = #map1}, {transform_indices = #map}, {transform_indices = #map1}]} {
    %mul3A = arith.constant 16 : i32
    %mul3A_0 = arith.muli %arg0, %mul3A : i32
    %add3A = arith.addi %mul3A_0, %arg1 : i32
    %mul3A_1 = arith.constant 640 : i32
    %mul3A_2 = arith.muli %arg1, %mul3A_1 : i32
    %eq3A = arith.constant 0 : i32
    %eq3A_3 = arith.cmpi eq, %arg0, %eq3A : i32
    %convert_element_type3A = arith.extui %eq3A_3 : i1 to i32
    %cond3A = arith.constant 0 : i32
    %cond3A_4 = arith.cmpi ne, %convert_element_type3A, %cond3A : i32
    scf.if %cond3A_4 {
      "tpu.region"() ({
        %run_scoped3A_80 = tpu.sem_alloc : memref<!tpu.dma_semaphore, #tpu.memory_space<semaphore_mem>>
        %dma_start3A_81 = arith.constant 0 : i32
        %dma_start3A_82 = tpu.memref_slice %arg7[%mul3A_2, %dma_start3A_81] : memref<10240x128xf32, #tpu.memory_space<vmem_shared>> -> memref<640x128xf32, #tpu.memory_space<vmem_shared>>
        %dma_start3A_83 = arith.constant 0 : i32
        %dma_start3A_84 = tpu.memref_slice %arg2[%mul3A_2, %dma_start3A_83] : memref<10240x128xf32, #tpu.memory_space<hbm>> -> memref<640x128xf32, #tpu.memory_space<hbm>>
        tpu.enqueue_dma source(%dma_start3A_84 : memref<640x128xf32, #tpu.memory_space<hbm>>) target(%dma_start3A_82 : memref<640x128xf32, #tpu.memory_space<vmem_shared>>) target_semaphore(%run_scoped3A_80 : memref<!tpu.dma_semaphore, #tpu.memory_space<semaphore_mem>>)
        %dma_wait3A = arith.constant 0 : i32
        %dma_wait3A_85 = tpu.memref_slice %arg7[%mul3A_2, %dma_wait3A] : memref<10240x128xf32, #tpu.memory_space<vmem_shared>> -> memref<640x128xf32, #tpu.memory_space<vmem_shared>>
        %dma_wait3A_86 = arith.constant 0 : i32
        %dma_wait3A_87 = tpu.memref_slice %arg2[%mul3A_2, %dma_wait3A_86] : memref<10240x128xf32, #tpu.memory_space<hbm>> -> memref<640x128xf32, #tpu.memory_space<hbm>>
        tpu.wait_dma2 semaphore(%run_scoped3A_80 : memref<!tpu.dma_semaphore, #tpu.memory_space<semaphore_mem>>) src(%dma_wait3A_87 : memref<640x128xf32, #tpu.memory_space<hbm>>) dst(%dma_wait3A_85 : memref<640x128xf32, #tpu.memory_space<vmem_shared>>)
        tpu.yield
      }) : () -> ()
    } else {
    }
    %eq3A_5 = arith.constant 1 : i32
    %eq3A_6 = arith.cmpi eq, %arg0, %eq3A_5 : i32
    %convert_element_type3A_7 = arith.extui %eq3A_6 : i1 to i32
    %cond3A_8 = arith.constant 0 : i32
    %cond3A_9 = arith.cmpi ne, %convert_element_type3A_7, %cond3A_8 : i32
    scf.if %cond3A_9 {
      "tpu.region"() ({
        %run_scoped3A_80 = tpu.sem_alloc : memref<!tpu.dma_semaphore, #tpu.memory_space<semaphore_mem>>
        %dma_start3A_81 = arith.constant 0 : i32
        %dma_start3A_82 = tpu.memref_slice %arg7[%mul3A_2, %dma_start3A_81] : memref<10240x128xf32, #tpu.memory_space<vmem_shared>> -> memref<640x128xf32, #tpu.memory_space<vmem_shared>>
        %dma_start3A_83 = arith.constant 0 : i32
        %dma_start3A_84 = tpu.memref_slice %arg5[%mul3A_2, %dma_start3A_83] : memref<10240x128xf32, #tpu.memory_space<hbm>> -> memref<640x128xf32, #tpu.memory_space<hbm>>
        tpu.enqueue_dma source(%dma_start3A_84 : memref<640x128xf32, #tpu.memory_space<hbm>>) target(%dma_start3A_82 : memref<640x128xf32, #tpu.memory_space<vmem_shared>>) target_semaphore(%run_scoped3A_80 : memref<!tpu.dma_semaphore, #tpu.memory_space<semaphore_mem>>)
        %dma_wait3A = arith.constant 0 : i32
        %dma_wait3A_85 = tpu.memref_slice %arg7[%mul3A_2, %dma_wait3A] : memref<10240x128xf32, #tpu.memory_space<vmem_shared>> -> memref<640x128xf32, #tpu.memory_space<vmem_shared>>
        %dma_wait3A_86 = arith.constant 0 : i32
        %dma_wait3A_87 = tpu.memref_slice %arg5[%mul3A_2, %dma_wait3A_86] : memref<10240x128xf32, #tpu.memory_space<hbm>> -> memref<640x128xf32, #tpu.memory_space<hbm>>
        tpu.wait_dma2 semaphore(%run_scoped3A_80 : memref<!tpu.dma_semaphore, #tpu.memory_space<semaphore_mem>>) src(%dma_wait3A_87 : memref<640x128xf32, #tpu.memory_space<hbm>>) dst(%dma_wait3A_85 : memref<640x128xf32, #tpu.memory_space<vmem_shared>>)
        tpu.yield
      }) : () -> ()
    } else {
    }
    %barrier3A = arith.constant 0 : index
    tpu.barrier barrier_id(%barrier3A)
    %run_scoped3A = arith.constant 0 : i32
    "tpu.region"() ({
      %run_scoped3A_80 = tpu.sem_alloc : memref<!tpu.dma_semaphore, #tpu.memory_space<semaphore_mem>>
      %dma_start3A_81 = arith.constant 0 : i32
      %dma_start3A_82 = arith.constant 0 : i32
      %dma_start3A_83 = tpu.memref_slice %arg8[%run_scoped3A, %dma_start3A_81, %dma_start3A_82] : memref<2x8x128xi32, #tpu.memory_space<vmem>> -> memref<1x8x128xi32, #tpu.memory_space<vmem>>
      %dma_start3A_84 = tpu.memref_squeeze %dma_start3A_83 : memref<1x8x128xi32, #tpu.memory_space<vmem>> -> memref<8x128xi32, #tpu.memory_space<vmem>>
      %dma_start3A_85 = arith.constant 0 : i32
      %dma_start3A_86 = arith.constant 0 : i32
      %dma_start3A_87 = tpu.memref_slice %arg3[%add3A, %dma_start3A_85, %dma_start3A_86] : memref<32x80x128xi32, #tpu.memory_space<hbm>> -> memref<1x8x128xi32, #tpu.memory_space<hbm>>
      %dma_start3A_88 = tpu.memref_squeeze %dma_start3A_87 : memref<1x8x128xi32, #tpu.memory_space<hbm>> -> memref<8x128xi32, #tpu.memory_space<hbm>>
      %dma_start3A_89 = arith.constant 0 : i32
      %dma_start3A_90 = arith.constant 0 : i32
      %dma_start3A_91 = tpu.memref_slice %arg8[%run_scoped3A, %dma_start3A_89, %dma_start3A_90] : memref<2x8x128xi32, #tpu.memory_space<vmem>> -> memref<1x8x128xi32, #tpu.memory_space<vmem>>
      %dma_start3A_92 = tpu.memref_squeeze %dma_start3A_91 : memref<1x8x128xi32, #tpu.memory_space<vmem>> -> memref<8x128xi32, #tpu.memory_space<vmem>>
      %dma_start3A_93 = arith.constant 0 : i32
      %dma_start3A_94 = arith.constant 0 : i32
      %dma_start3A_95 = tpu.memref_slice %arg3[%add3A, %dma_start3A_93, %dma_start3A_94] : memref<32x80x128xi32, #tpu.memory_space<hbm>> -> memref<1x8x128xi32, #tpu.memory_space<hbm>>
      %dma_start3A_96 = tpu.memref_squeeze %dma_start3A_95 : memref<1x8x128xi32, #tpu.memory_space<hbm>> -> memref<8x128xi32, #tpu.memory_space<hbm>>
      tpu.enqueue_dma source(%dma_start3A_96 : memref<8x128xi32, #tpu.memory_space<hbm>>) target(%dma_start3A_92 : memref<8x128xi32, #tpu.memory_space<vmem>>) target_semaphore(%run_scoped3A_80 : memref<!tpu.dma_semaphore, #tpu.memory_space<semaphore_mem>>)
      %dma_wait3A = arith.constant 0 : i32
      %dma_wait3A_97 = arith.constant 0 : i32
      %dma_wait3A_98 = tpu.memref_slice %arg8[%run_scoped3A, %dma_wait3A, %dma_wait3A_97] : memref<2x8x128xi32, #tpu.memory_space<vmem>> -> memref<1x8x128xi32, #tpu.memory_space<vmem>>
      %dma_wait3A_99 = tpu.memref_squeeze %dma_wait3A_98 : memref<1x8x128xi32, #tpu.memory_space<vmem>> -> memref<8x128xi32, #tpu.memory_space<vmem>>
      %dma_wait3A_100 = arith.constant 0 : i32
      %dma_wait3A_101 = arith.constant 0 : i32
      %dma_wait3A_102 = tpu.memref_slice %arg3[%add3A, %dma_wait3A_100, %dma_wait3A_101] : memref<32x80x128xi32, #tpu.memory_space<hbm>> -> memref<1x8x128xi32, #tpu.memory_space<hbm>>
      %dma_wait3A_103 = tpu.memref_squeeze %dma_wait3A_102 : memref<1x8x128xi32, #tpu.memory_space<hbm>> -> memref<8x128xi32, #tpu.memory_space<hbm>>
      %dma_wait3A_104 = arith.constant 0 : i32
      %dma_wait3A_105 = arith.constant 0 : i32
      %dma_wait3A_106 = tpu.memref_slice %arg8[%run_scoped3A, %dma_wait3A_104, %dma_wait3A_105] : memref<2x8x128xi32, #tpu.memory_space<vmem>> -> memref<1x8x128xi32, #tpu.memory_space<vmem>>
      %dma_wait3A_107 = tpu.memref_squeeze %dma_wait3A_106 : memref<1x8x128xi32, #tpu.memory_space<vmem>> -> memref<8x128xi32, #tpu.memory_space<vmem>>
      %dma_wait3A_108 = arith.constant 0 : i32
      %dma_wait3A_109 = arith.constant 0 : i32
      %dma_wait3A_110 = tpu.memref_slice %arg3[%add3A, %dma_wait3A_108, %dma_wait3A_109] : memref<32x80x128xi32, #tpu.memory_space<hbm>> -> memref<1x8x128xi32, #tpu.memory_space<hbm>>
      %dma_wait3A_111 = tpu.memref_squeeze %dma_wait3A_110 : memref<1x8x128xi32, #tpu.memory_space<hbm>> -> memref<8x128xi32, #tpu.memory_space<hbm>>
      tpu.wait_dma2 semaphore(%run_scoped3A_80 : memref<!tpu.dma_semaphore, #tpu.memory_space<semaphore_mem>>) src(%dma_wait3A_111 : memref<8x128xi32, #tpu.memory_space<hbm>>) dst(%dma_wait3A_107 : memref<8x128xi32, #tpu.memory_space<vmem>>)
      tpu.yield
    }) : () -> ()
    %run_scoped3A_10 = arith.constant 0 : i32
    "tpu.region"() ({
      %run_scoped3A_80 = tpu.sem_alloc : memref<!tpu.dma_semaphore, #tpu.memory_space<semaphore_mem>>
      %dma_start3A_81 = arith.constant 0 : i32
      %dma_start3A_82 = arith.constant 0 : i32
      %dma_start3A_83 = tpu.memref_slice %arg9[%run_scoped3A_10, %dma_start3A_81, %dma_start3A_82] : memref<2x8x128xi32, #tpu.memory_space<vmem>> -> memref<1x8x128xi32, #tpu.memory_space<vmem>>
      %dma_start3A_84 = tpu.memref_squeeze %dma_start3A_83 : memref<1x8x128xi32, #tpu.memory_space<vmem>> -> memref<8x128xi32, #tpu.memory_space<vmem>>
      %dma_start3A_85 = arith.constant 0 : i32
      %dma_start3A_86 = arith.constant 0 : i32
      %dma_start3A_87 = tpu.memref_slice %arg4[%add3A, %dma_start3A_85, %dma_start3A_86] : memref<32x80x128xi32, #tpu.memory_space<hbm>> -> memref<1x8x128xi32, #tpu.memory_space<hbm>>
      %dma_start3A_88 = tpu.memref_squeeze %dma_start3A_87 : memref<1x8x128xi32, #tpu.memory_space<hbm>> -> memref<8x128xi32, #tpu.memory_space<hbm>>
      %dma_start3A_89 = arith.constant 0 : i32
      %dma_start3A_90 = arith.constant 0 : i32
      %dma_start3A_91 = tpu.memref_slice %arg9[%run_scoped3A_10, %dma_start3A_89, %dma_start3A_90] : memref<2x8x128xi32, #tpu.memory_space<vmem>> -> memref<1x8x128xi32, #tpu.memory_space<vmem>>
      %dma_start3A_92 = tpu.memref_squeeze %dma_start3A_91 : memref<1x8x128xi32, #tpu.memory_space<vmem>> -> memref<8x128xi32, #tpu.memory_space<vmem>>
      %dma_start3A_93 = arith.constant 0 : i32
      %dma_start3A_94 = arith.constant 0 : i32
      %dma_start3A_95 = tpu.memref_slice %arg4[%add3A, %dma_start3A_93, %dma_start3A_94] : memref<32x80x128xi32, #tpu.memory_space<hbm>> -> memref<1x8x128xi32, #tpu.memory_space<hbm>>
      %dma_start3A_96 = tpu.memref_squeeze %dma_start3A_95 : memref<1x8x128xi32, #tpu.memory_space<hbm>> -> memref<8x128xi32, #tpu.memory_space<hbm>>
      tpu.enqueue_dma source(%dma_start3A_96 : memref<8x128xi32, #tpu.memory_space<hbm>>) target(%dma_start3A_92 : memref<8x128xi32, #tpu.memory_space<vmem>>) target_semaphore(%run_scoped3A_80 : memref<!tpu.dma_semaphore, #tpu.memory_space<semaphore_mem>>)
      %dma_wait3A = arith.constant 0 : i32
      %dma_wait3A_97 = arith.constant 0 : i32
      %dma_wait3A_98 = tpu.memref_slice %arg9[%run_scoped3A_10, %dma_wait3A, %dma_wait3A_97] : memref<2x8x128xi32, #tpu.memory_space<vmem>> -> memref<1x8x128xi32, #tpu.memory_space<vmem>>
      %dma_wait3A_99 = tpu.memref_squeeze %dma_wait3A_98 : memref<1x8x128xi32, #tpu.memory_space<vmem>> -> memref<8x128xi32, #tpu.memory_space<vmem>>
      %dma_wait3A_100 = arith.constant 0 : i32
      %dma_wait3A_101 = arith.constant 0 : i32
      %dma_wait3A_102 = tpu.memref_slice %arg4[%add3A, %dma_wait3A_100, %dma_wait3A_101] : memref<32x80x128xi32, #tpu.memory_space<hbm>> -> memref<1x8x128xi32, #tpu.memory_space<hbm>>
      %dma_wait3A_103 = tpu.memref_squeeze %dma_wait3A_102 : memref<1x8x128xi32, #tpu.memory_space<hbm>> -> memref<8x128xi32, #tpu.memory_space<hbm>>
      %dma_wait3A_104 = arith.constant 0 : i32
      %dma_wait3A_105 = arith.constant 0 : i32
      %dma_wait3A_106 = tpu.memref_slice %arg9[%run_scoped3A_10, %dma_wait3A_104, %dma_wait3A_105] : memref<2x8x128xi32, #tpu.memory_space<vmem>> -> memref<1x8x128xi32, #tpu.memory_space<vmem>>
      %dma_wait3A_107 = tpu.memref_squeeze %dma_wait3A_106 : memref<1x8x128xi32, #tpu.memory_space<vmem>> -> memref<8x128xi32, #tpu.memory_space<vmem>>
      %dma_wait3A_108 = arith.constant 0 : i32
      %dma_wait3A_109 = arith.constant 0 : i32
      %dma_wait3A_110 = tpu.memref_slice %arg4[%add3A, %dma_wait3A_108, %dma_wait3A_109] : memref<32x80x128xi32, #tpu.memory_space<hbm>> -> memref<1x8x128xi32, #tpu.memory_space<hbm>>
      %dma_wait3A_111 = tpu.memref_squeeze %dma_wait3A_110 : memref<1x8x128xi32, #tpu.memory_space<hbm>> -> memref<8x128xi32, #tpu.memory_space<hbm>>
      tpu.wait_dma2 semaphore(%run_scoped3A_80 : memref<!tpu.dma_semaphore, #tpu.memory_space<semaphore_mem>>) src(%dma_wait3A_111 : memref<8x128xi32, #tpu.memory_space<hbm>>) dst(%dma_wait3A_107 : memref<8x128xi32, #tpu.memory_space<vmem>>)
      tpu.yield
    }) : () -> ()
    %dma_start3A = arith.constant 0 : i32
    %dma_start3A_11 = arith.constant 0 : i32
    %dma_start3A_12 = arith.constant 0 : i32
    %dma_start3A_13 = arith.constant 0 : i32
    %dma_start3A_14 = arith.constant 0 : i32
    %dma_start3A_15 = arith.constant 0 : i32
    %dma_start3A_16 = tpu.memref_slice %arg10[%dma_start3A_12, %dma_start3A_14, %dma_start3A_15] : memref<2x128x128xf32, #tpu.memory_space<vmem>> -> memref<1x64x128xf32, #tpu.memory_space<vmem>>
    %dma_start3A_17 = tpu.memref_squeeze %dma_start3A_16 : memref<1x64x128xf32, #tpu.memory_space<vmem>> -> memref<64x128xf32, #tpu.memory_space<vmem>>
    %dma_start3A_18 = arith.constant 0 : i32
    %dma_start3A_19 = tpu.memref_slice %arg8[%dma_start3A, %dma_start3A_11, %dma_start3A_18] : memref<2x8x128xi32, #tpu.memory_space<vmem>> -> memref<1x1x64xi32, #tpu.memory_space<vmem>>
    %dma_start3A_20 = tpu.memref_squeeze %dma_start3A_19 : memref<1x1x64xi32, #tpu.memory_space<vmem>> -> memref<64xi32, #tpu.memory_space<vmem>>
    %dma_start3A_21 = arith.constant 0 : i32
    %dma_start3A_22 = arith.constant 0 : i32
    %dma_start3A_23 = tpu.memref_slice %arg2[%dma_start3A_21, %dma_start3A_22] : memref<10240x128xf32, #tpu.memory_space<hbm>> -> memref<10240x128xf32, #tpu.memory_space<hbm>>
    %dma_start3A_24 = tpu.memref_slice %arg11[%dma_start3A_13] : memref<2x!tpu.dma_semaphore, #tpu.memory_space<semaphore_mem>> -> memref<1x!tpu.dma_semaphore, #tpu.memory_space<semaphore_mem>>
    %dma_start3A_25 = tpu.memref_squeeze %dma_start3A_24 : memref<1x!tpu.dma_semaphore, #tpu.memory_space<semaphore_mem>> -> memref<!tpu.dma_semaphore, #tpu.memory_space<semaphore_mem>>
    tpu.enqueue_indirect_dma source(%dma_start3A_23 : memref<10240x128xf32, #tpu.memory_space<hbm>>) target(%dma_start3A_17 : memref<64x128xf32, #tpu.memory_space<vmem>>) offsets(%dma_start3A_20 : memref<64xi32, #tpu.memory_space<vmem>>) semaphore(%dma_start3A_25 : memref<!tpu.dma_semaphore, #tpu.memory_space<semaphore_mem>>)
    %dma_start3A_26 = arith.constant 0 : i32
    %dma_start3A_27 = arith.constant 0 : i32
    %dma_start3A_28 = arith.constant 0 : i32
    %dma_start3A_29 = arith.constant 0 : i32
    %dma_start3A_30 = arith.constant 64 : i32
    %dma_start3A_31 = arith.constant 0 : i32
    %dma_start3A_32 = tpu.memref_slice %arg10[%dma_start3A_28, %dma_start3A_30, %dma_start3A_31] : memref<2x128x128xf32, #tpu.memory_space<vmem>> -> memref<1x64x128xf32, #tpu.memory_space<vmem>>
    %dma_start3A_33 = tpu.memref_squeeze %dma_start3A_32 : memref<1x64x128xf32, #tpu.memory_space<vmem>> -> memref<64x128xf32, #tpu.memory_space<vmem>>
    %dma_start3A_34 = arith.constant 64 : i32
    %dma_start3A_35 = tpu.memref_slice %arg8[%dma_start3A_26, %dma_start3A_27, %dma_start3A_34] : memref<2x8x128xi32, #tpu.memory_space<vmem>> -> memref<1x1x64xi32, #tpu.memory_space<vmem>>
    %dma_start3A_36 = tpu.memref_squeeze %dma_start3A_35 : memref<1x1x64xi32, #tpu.memory_space<vmem>> -> memref<64xi32, #tpu.memory_space<vmem>>
    %dma_start3A_37 = arith.constant 0 : i32
    %dma_start3A_38 = arith.constant 0 : i32
    %dma_start3A_39 = tpu.memref_slice %arg2[%dma_start3A_37, %dma_start3A_38] : memref<10240x128xf32, #tpu.memory_space<hbm>> -> memref<10240x128xf32, #tpu.memory_space<hbm>>
    %dma_start3A_40 = tpu.memref_slice %arg11[%dma_start3A_29] : memref<2x!tpu.dma_semaphore, #tpu.memory_space<semaphore_mem>> -> memref<1x!tpu.dma_semaphore, #tpu.memory_space<semaphore_mem>>
    %dma_start3A_41 = tpu.memref_squeeze %dma_start3A_40 : memref<1x!tpu.dma_semaphore, #tpu.memory_space<semaphore_mem>> -> memref<!tpu.dma_semaphore, #tpu.memory_space<semaphore_mem>>
    tpu.enqueue_indirect_dma source(%dma_start3A_39 : memref<10240x128xf32, #tpu.memory_space<hbm>>) target(%dma_start3A_33 : memref<64x128xf32, #tpu.memory_space<vmem>>) offsets(%dma_start3A_36 : memref<64xi32, #tpu.memory_space<vmem>>) semaphore(%dma_start3A_41 : memref<!tpu.dma_semaphore, #tpu.memory_space<semaphore_mem>>)
    %dma_start3A_42 = arith.constant 0 : i32
    %dma_start3A_43 = arith.constant 1 : i32
    %dma_start3A_44 = arith.constant 1 : i32
    %dma_start3A_45 = arith.constant 1 : i32
    %dma_start3A_46 = arith.constant 0 : i32
    %dma_start3A_47 = arith.constant 0 : i32
    %dma_start3A_48 = tpu.memref_slice %arg10[%dma_start3A_44, %dma_start3A_46, %dma_start3A_47] : memref<2x128x128xf32, #tpu.memory_space<vmem>> -> memref<1x64x128xf32, #tpu.memory_space<vmem>>
    %dma_start3A_49 = tpu.memref_squeeze %dma_start3A_48 : memref<1x64x128xf32, #tpu.memory_space<vmem>> -> memref<64x128xf32, #tpu.memory_space<vmem>>
    %dma_start3A_50 = arith.constant 0 : i32
    %dma_start3A_51 = tpu.memref_slice %arg8[%dma_start3A_42, %dma_start3A_43, %dma_start3A_50] : memref<2x8x128xi32, #tpu.memory_space<vmem>> -> memref<1x1x64xi32, #tpu.memory_space<vmem>>
    %dma_start3A_52 = tpu.memref_squeeze %dma_start3A_51 : memref<1x1x64xi32, #tpu.memory_space<vmem>> -> memref<64xi32, #tpu.memory_space<vmem>>
    %dma_start3A_53 = arith.constant 0 : i32
    %dma_start3A_54 = arith.constant 0 : i32
    %dma_start3A_55 = tpu.memref_slice %arg2[%dma_start3A_53, %dma_start3A_54] : memref<10240x128xf32, #tpu.memory_space<hbm>> -> memref<10240x128xf32, #tpu.memory_space<hbm>>
    %dma_start3A_56 = tpu.memref_slice %arg11[%dma_start3A_45] : memref<2x!tpu.dma_semaphore, #tpu.memory_space<semaphore_mem>> -> memref<1x!tpu.dma_semaphore, #tpu.memory_space<semaphore_mem>>
    %dma_start3A_57 = tpu.memref_squeeze %dma_start3A_56 : memref<1x!tpu.dma_semaphore, #tpu.memory_space<semaphore_mem>> -> memref<!tpu.dma_semaphore, #tpu.memory_space<semaphore_mem>>
    tpu.enqueue_indirect_dma source(%dma_start3A_55 : memref<10240x128xf32, #tpu.memory_space<hbm>>) target(%dma_start3A_49 : memref<64x128xf32, #tpu.memory_space<vmem>>) offsets(%dma_start3A_52 : memref<64xi32, #tpu.memory_space<vmem>>) semaphore(%dma_start3A_57 : memref<!tpu.dma_semaphore, #tpu.memory_space<semaphore_mem>>)
    %dma_start3A_58 = arith.constant 0 : i32
    %dma_start3A_59 = arith.constant 1 : i32
    %dma_start3A_60 = arith.constant 1 : i32
    %dma_start3A_61 = arith.constant 1 : i32
    %dma_start3A_62 = arith.constant 64 : i32
    %dma_start3A_63 = arith.constant 0 : i32
    %dma_start3A_64 = tpu.memref_slice %arg10[%dma_start3A_60, %dma_start3A_62, %dma_start3A_63] : memref<2x128x128xf32, #tpu.memory_space<vmem>> -> memref<1x64x128xf32, #tpu.memory_space<vmem>>
    %dma_start3A_65 = tpu.memref_squeeze %dma_start3A_64 : memref<1x64x128xf32, #tpu.memory_space<vmem>> -> memref<64x128xf32, #tpu.memory_space<vmem>>
    %dma_start3A_66 = arith.constant 64 : i32
    %dma_start3A_67 = tpu.memref_slice %arg8[%dma_start3A_58, %dma_start3A_59, %dma_start3A_66] : memref<2x8x128xi32, #tpu.memory_space<vmem>> -> memref<1x1x64xi32, #tpu.memory_space<vmem>>
    %dma_start3A_68 = tpu.memref_squeeze %dma_start3A_67 : memref<1x1x64xi32, #tpu.memory_space<vmem>> -> memref<64xi32, #tpu.memory_space<vmem>>
    %dma_start3A_69 = arith.constant 0 : i32
    %dma_start3A_70 = arith.constant 0 : i32
    %dma_start3A_71 = tpu.memref_slice %arg2[%dma_start3A_69, %dma_start3A_70] : memref<10240x128xf32, #tpu.memory_space<hbm>> -> memref<10240x128xf32, #tpu.memory_space<hbm>>
    %dma_start3A_72 = tpu.memref_slice %arg11[%dma_start3A_61] : memref<2x!tpu.dma_semaphore, #tpu.memory_space<semaphore_mem>> -> memref<1x!tpu.dma_semaphore, #tpu.memory_space<semaphore_mem>>
    %dma_start3A_73 = tpu.memref_squeeze %dma_start3A_72 : memref<1x!tpu.dma_semaphore, #tpu.memory_space<semaphore_mem>> -> memref<!tpu.dma_semaphore, #tpu.memory_space<semaphore_mem>>
    tpu.enqueue_indirect_dma source(%dma_start3A_71 : memref<10240x128xf32, #tpu.memory_space<hbm>>) target(%dma_start3A_65 : memref<64x128xf32, #tpu.memory_space<vmem>>) offsets(%dma_start3A_68 : memref<64xi32, #tpu.memory_space<vmem>>) semaphore(%dma_start3A_73 : memref<!tpu.dma_semaphore, #tpu.memory_space<semaphore_mem>>)
    %scan3A = arith.constant 0 : i32
    %scan3A_74 = arith.constant 0 : i32
    %scan3A_75 = arith.constant 10 : i32
    %scan3A_76 = arith.addi %scan3A_74, %scan3A_75 : i32
    %scan3A_77 = arith.constant 1 : i32
    scf.for %scan3A_80 = %scan3A_74 to %scan3A_76 step %scan3A_77  : i32 {
      %jit3A = arith.constant 2 : i32
      %eq3A_81 = arith.constant 0 : i32
      %eq3A_82 = arith.cmpi eq, %jit3A, %eq3A_81 : i32
      %jit3A_83 = arith.constant 1 : i32
      %select_n3A = arith.select %eq3A_82, %jit3A_83, %jit3A : i32
      %rem3A = arith.remsi %scan3A_80, %select_n3A : i32
      %ne3A = arith.constant 0 : i32
      %ne3A_84 = arith.cmpi ne, %rem3A, %ne3A : i32
      %lt3A = arith.constant 0 : i32
      %lt3A_85 = arith.cmpi slt, %rem3A, %lt3A : i32
      %lt3A_86 = arith.constant 0 : i32
      %lt3A_87 = arith.cmpi slt, %select_n3A, %lt3A_86 : i32
      %ne3A_88 = arith.xori %lt3A_85, %lt3A_87 : i1
      %and3A = arith.andi %ne3A_88, %ne3A_84 : i1
      %add3A_89 = arith.addi %rem3A, %select_n3A : i32
      %select_n3A_90 = arith.select %and3A, %add3A_89, %rem3A : i32
      %add3A_91 = arith.constant 1 : i32
      %add3A_92 = arith.addi %scan3A_80, %add3A_91 : i32
      %jit3A_93 = arith.constant 2 : i32
      %eq3A_94 = arith.constant 0 : i32
      %eq3A_95 = arith.cmpi eq, %jit3A_93, %eq3A_94 : i32
      %jit3A_96 = arith.constant 1 : i32
      %select_n3A_97 = arith.select %eq3A_95, %jit3A_96, %jit3A_93 : i32
      %rem3A_98 = arith.remsi %add3A_92, %select_n3A_97 : i32
      %ne3A_99 = arith.constant 0 : i32
      %ne3A_100 = arith.cmpi ne, %rem3A_98, %ne3A_99 : i32
      %lt3A_101 = arith.constant 0 : i32
      %lt3A_102 = arith.cmpi slt, %rem3A_98, %lt3A_101 : i32
      %lt3A_103 = arith.constant 0 : i32
      %lt3A_104 = arith.cmpi slt, %select_n3A_97, %lt3A_103 : i32
      %ne3A_105 = arith.xori %lt3A_102, %lt3A_104 : i1
      %and3A_106 = arith.andi %ne3A_105, %ne3A_100 : i1
      %add3A_107 = arith.addi %rem3A_98, %select_n3A_97 : i32
      %select_n3A_108 = arith.select %and3A_106, %add3A_107, %rem3A_98 : i32
      %dma_wait3A = arith.constant 0 : i32
      %dma_wait3A_109 = arith.constant 0 : i32
      %dma_wait3A_110 = arith.constant 0 : i32
      %dma_wait3A_111 = arith.constant 0 : i32
      %dma_wait3A_112 = arith.constant 0 : i32
      %dma_wait3A_113 = tpu.memref_slice %arg10[%dma_wait3A_109, %dma_wait3A_111, %dma_wait3A_112] : memref<2x128x128xf32, #tpu.memory_space<vmem>> -> memref<1x128x128xf32, #tpu.memory_space<vmem>>
      %dma_wait3A_114 = tpu.memref_squeeze %dma_wait3A_113 : memref<1x128x128xf32, #tpu.memory_space<vmem>> -> memref<128x128xf32, #tpu.memory_space<vmem>>
      %dma_wait3A_115 = arith.constant 0 : i32
      %dma_wait3A_116 = tpu.memref_slice %arg8[%select_n3A_90, %dma_wait3A, %dma_wait3A_115] : memref<2x8x128xi32, #tpu.memory_space<vmem>> -> memref<1x1x128xi32, #tpu.memory_space<vmem>>
      %dma_wait3A_117 = tpu.memref_squeeze %dma_wait3A_116 : memref<1x1x128xi32, #tpu.memory_space<vmem>> -> memref<128xi32, #tpu.memory_space<vmem>>
      %dma_wait3A_118 = arith.constant 0 : i32
      %dma_wait3A_119 = arith.constant 0 : i32
      %dma_wait3A_120 = tpu.memref_slice %arg2[%dma_wait3A_118, %dma_wait3A_119] : memref<10240x128xf32, #tpu.memory_space<hbm>> -> memref<10240x128xf32, #tpu.memory_space<hbm>>
      %dma_wait3A_121 = tpu.memref_slice %arg11[%dma_wait3A_110] : memref<2x!tpu.dma_semaphore, #tpu.memory_space<semaphore_mem>> -> memref<1x!tpu.dma_semaphore, #tpu.memory_space<semaphore_mem>>
      %dma_wait3A_122 = tpu.memref_squeeze %dma_wait3A_121 : memref<1x!tpu.dma_semaphore, #tpu.memory_space<semaphore_mem>> -> memref<!tpu.dma_semaphore, #tpu.memory_space<semaphore_mem>>
      tpu.wait_indirect_dma semaphore(%dma_wait3A_122 : memref<!tpu.dma_semaphore, #tpu.memory_space<semaphore_mem>>) src(%dma_wait3A_120 : memref<10240x128xf32, #tpu.memory_space<hbm>>) dst(%dma_wait3A_114 : memref<128x128xf32, #tpu.memory_space<vmem>>)
      %dma_start3A_123 = arith.constant 0 : i32
      %dma_start3A_124 = arith.constant 0 : i32
      %dma_start3A_125 = arith.constant 0 : i32
      %dma_start3A_126 = arith.constant 0 : i32
      %dma_start3A_127 = arith.constant 0 : i32
      %dma_start3A_128 = tpu.memref_slice %arg10[%dma_start3A_123, %dma_start3A_126, %dma_start3A_127] : memref<2x128x128xf32, #tpu.memory_space<vmem>> -> memref<1x128x128xf32, #tpu.memory_space<vmem>>
      %dma_start3A_129 = tpu.memref_squeeze %dma_start3A_128 : memref<1x128x128xf32, #tpu.memory_space<vmem>> -> memref<128x128xf32, #tpu.memory_space<vmem>>
      %dma_start3A_130 = arith.constant 0 : i32
      %dma_start3A_131 = tpu.memref_slice %arg9[%select_n3A_90, %dma_start3A_124, %dma_start3A_130] : memref<2x8x128xi32, #tpu.memory_space<vmem>> -> memref<1x1x128xi32, #tpu.memory_space<vmem>>
      %dma_start3A_132 = tpu.memref_squeeze %dma_start3A_131 : memref<1x1x128xi32, #tpu.memory_space<vmem>> -> memref<128xi32, #tpu.memory_space<vmem>>
      %dma_start3A_133 = arith.constant 0 : i32
      %dma_start3A_134 = arith.constant 0 : i32
      %dma_start3A_135 = tpu.memref_slice %arg7[%dma_start3A_133, %dma_start3A_134] : memref<10240x128xf32, #tpu.memory_space<vmem_shared>> -> memref<10240x128xf32, #tpu.memory_space<vmem_shared>>
      %dma_start3A_136 = tpu.memref_slice %arg12[%dma_start3A_125] : memref<2x!tpu.dma_semaphore, #tpu.memory_space<semaphore_mem>> -> memref<1x!tpu.dma_semaphore, #tpu.memory_space<semaphore_mem>>
      %dma_start3A_137 = tpu.memref_squeeze %dma_start3A_136 : memref<1x!tpu.dma_semaphore, #tpu.memory_space<semaphore_mem>> -> memref<!tpu.dma_semaphore, #tpu.memory_space<semaphore_mem>>
      tpu.enqueue_indirect_dma source(%dma_start3A_129 : memref<128x128xf32, #tpu.memory_space<vmem>>) target(%dma_start3A_135 : memref<10240x128xf32, #tpu.memory_space<vmem_shared>>) offsets(%dma_start3A_132 : memref<128xi32, #tpu.memory_space<vmem>>) semaphore(%dma_start3A_137 : memref<!tpu.dma_semaphore, #tpu.memory_space<semaphore_mem>>) {add = true}
      %dma_wait3A_138 = arith.constant 0 : i32
      %dma_wait3A_139 = arith.constant 0 : i32
      %dma_wait3A_140 = arith.constant 0 : i32
      %dma_wait3A_141 = arith.constant 0 : i32
      %dma_wait3A_142 = arith.constant 0 : i32
      %dma_wait3A_143 = tpu.memref_slice %arg10[%dma_wait3A_138, %dma_wait3A_141, %dma_wait3A_142] : memref<2x128x128xf32, #tpu.memory_space<vmem>> -> memref<1x128x128xf32, #tpu.memory_space<vmem>>
      %dma_wait3A_144 = tpu.memref_squeeze %dma_wait3A_143 : memref<1x128x128xf32, #tpu.memory_space<vmem>> -> memref<128x128xf32, #tpu.memory_space<vmem>>
      %dma_wait3A_145 = arith.constant 0 : i32
      %dma_wait3A_146 = tpu.memref_slice %arg9[%select_n3A_90, %dma_wait3A_139, %dma_wait3A_145] : memref<2x8x128xi32, #tpu.memory_space<vmem>> -> memref<1x1x128xi32, #tpu.memory_space<vmem>>
      %dma_wait3A_147 = tpu.memref_squeeze %dma_wait3A_146 : memref<1x1x128xi32, #tpu.memory_space<vmem>> -> memref<128xi32, #tpu.memory_space<vmem>>
      %dma_wait3A_148 = arith.constant 0 : i32
      %dma_wait3A_149 = arith.constant 0 : i32
      %dma_wait3A_150 = tpu.memref_slice %arg7[%dma_wait3A_148, %dma_wait3A_149] : memref<10240x128xf32, #tpu.memory_space<vmem_shared>> -> memref<10240x128xf32, #tpu.memory_space<vmem_shared>>
      %dma_wait3A_151 = tpu.memref_slice %arg12[%dma_wait3A_140] : memref<2x!tpu.dma_semaphore, #tpu.memory_space<semaphore_mem>> -> memref<1x!tpu.dma_semaphore, #tpu.memory_space<semaphore_mem>>
      %dma_wait3A_152 = tpu.memref_squeeze %dma_wait3A_151 : memref<1x!tpu.dma_semaphore, #tpu.memory_space<semaphore_mem>> -> memref<!tpu.dma_semaphore, #tpu.memory_space<semaphore_mem>>
      tpu.wait_indirect_dma semaphore(%dma_wait3A_152 : memref<!tpu.dma_semaphore, #tpu.memory_space<semaphore_mem>>) src(%dma_wait3A_144 : memref<128x128xf32, #tpu.memory_space<vmem>>) dst(%dma_wait3A_150 : memref<10240x128xf32, #tpu.memory_space<vmem_shared>>)
      %dma_start3A_153 = arith.constant 2 : i32
      %dma_start3A_154 = arith.constant 0 : i32
      %dma_start3A_155 = arith.constant 0 : i32
      %dma_start3A_156 = arith.constant 0 : i32
      %dma_start3A_157 = arith.constant 0 : i32
      %dma_start3A_158 = tpu.memref_slice %arg10[%dma_start3A_154, %dma_start3A_156, %dma_start3A_157] : memref<2x128x128xf32, #tpu.memory_space<vmem>> -> memref<1x64x128xf32, #tpu.memory_space<vmem>>
      %dma_start3A_159 = tpu.memref_squeeze %dma_start3A_158 : memref<1x64x128xf32, #tpu.memory_space<vmem>> -> memref<64x128xf32, #tpu.memory_space<vmem>>
      %dma_start3A_160 = arith.constant 0 : i32
      %dma_start3A_161 = tpu.memref_slice %arg8[%select_n3A_90, %dma_start3A_153, %dma_start3A_160] : memref<2x8x128xi32, #tpu.memory_space<vmem>> -> memref<1x1x64xi32, #tpu.memory_space<vmem>>
      %dma_start3A_162 = tpu.memref_squeeze %dma_start3A_161 : memref<1x1x64xi32, #tpu.memory_space<vmem>> -> memref<64xi32, #tpu.memory_space<vmem>>
      %dma_start3A_163 = arith.constant 0 : i32
      %dma_start3A_164 = arith.constant 0 : i32
      %dma_start3A_165 = tpu.memref_slice %arg2[%dma_start3A_163, %dma_start3A_164] : memref<10240x128xf32, #tpu.memory_space<hbm>> -> memref<10240x128xf32, #tpu.memory_space<hbm>>
      %dma_start3A_166 = tpu.memref_slice %arg11[%dma_start3A_155] : memref<2x!tpu.dma_semaphore, #tpu.memory_space<semaphore_mem>> -> memref<1x!tpu.dma_semaphore, #tpu.memory_space<semaphore_mem>>
      %dma_start3A_167 = tpu.memref_squeeze %dma_start3A_166 : memref<1x!tpu.dma_semaphore, #tpu.memory_space<semaphore_mem>> -> memref<!tpu.dma_semaphore, #tpu.memory_space<semaphore_mem>>
      tpu.enqueue_indirect_dma source(%dma_start3A_165 : memref<10240x128xf32, #tpu.memory_space<hbm>>) target(%dma_start3A_159 : memref<64x128xf32, #tpu.memory_space<vmem>>) offsets(%dma_start3A_162 : memref<64xi32, #tpu.memory_space<vmem>>) semaphore(%dma_start3A_167 : memref<!tpu.dma_semaphore, #tpu.memory_space<semaphore_mem>>)
      %dma_start3A_168 = arith.constant 2 : i32
      %dma_start3A_169 = arith.constant 0 : i32
      %dma_start3A_170 = arith.constant 0 : i32
      %dma_start3A_171 = arith.constant 64 : i32
      %dma_start3A_172 = arith.constant 0 : i32
      %dma_start3A_173 = tpu.memref_slice %arg10[%dma_start3A_169, %dma_start3A_171, %dma_start3A_172] : memref<2x128x128xf32, #tpu.memory_space<vmem>> -> memref<1x64x128xf32, #tpu.memory_space<vmem>>
      %dma_start3A_174 = tpu.memref_squeeze %dma_start3A_173 : memref<1x64x128xf32, #tpu.memory_space<vmem>> -> memref<64x128xf32, #tpu.memory_space<vmem>>
      %dma_start3A_175 = arith.constant 64 : i32
      %dma_start3A_176 = tpu.memref_slice %arg8[%select_n3A_90, %dma_start3A_168, %dma_start3A_175] : memref<2x8x128xi32, #tpu.memory_space<vmem>> -> memref<1x1x64xi32, #tpu.memory_space<vmem>>
      %dma_start3A_177 = tpu.memref_squeeze %dma_start3A_176 : memref<1x1x64xi32, #tpu.memory_space<vmem>> -> memref<64xi32, #tpu.memory_space<vmem>>
      %dma_start3A_178 = arith.constant 0 : i32
      %dma_start3A_179 = arith.constant 0 : i32
      %dma_start3A_180 = tpu.memref_slice %arg2[%dma_start3A_178, %dma_start3A_179] : memref<10240x128xf32, #tpu.memory_space<hbm>> -> memref<10240x128xf32, #tpu.memory_space<hbm>>
      %dma_start3A_181 = tpu.memref_slice %arg11[%dma_start3A_170] : memref<2x!tpu.dma_semaphore, #tpu.memory_space<semaphore_mem>> -> memref<1x!tpu.dma_semaphore, #tpu.memory_space<semaphore_mem>>
      %dma_start3A_182 = tpu.memref_squeeze %dma_start3A_181 : memref<1x!tpu.dma_semaphore, #tpu.memory_space<semaphore_mem>> -> memref<!tpu.dma_semaphore, #tpu.memory_space<semaphore_mem>>
      tpu.enqueue_indirect_dma source(%dma_start3A_180 : memref<10240x128xf32, #tpu.memory_space<hbm>>) target(%dma_start3A_174 : memref<64x128xf32, #tpu.memory_space<vmem>>) offsets(%dma_start3A_177 : memref<64xi32, #tpu.memory_space<vmem>>) semaphore(%dma_start3A_182 : memref<!tpu.dma_semaphore, #tpu.memory_space<semaphore_mem>>)
      %dma_wait3A_183 = arith.constant 1 : i32
      %dma_wait3A_184 = arith.constant 1 : i32
      %dma_wait3A_185 = arith.constant 1 : i32
      %dma_wait3A_186 = arith.constant 0 : i32
      %dma_wait3A_187 = arith.constant 0 : i32
      %dma_wait3A_188 = tpu.memref_slice %arg10[%dma_wait3A_184, %dma_wait3A_186, %dma_wait3A_187] : memref<2x128x128xf32, #tpu.memory_space<vmem>> -> memref<1x128x128xf32, #tpu.memory_space<vmem>>
      %dma_wait3A_189 = tpu.memref_squeeze %dma_wait3A_188 : memref<1x128x128xf32, #tpu.memory_space<vmem>> -> memref<128x128xf32, #tpu.memory_space<vmem>>
      %dma_wait3A_190 = arith.constant 0 : i32
      %dma_wait3A_191 = tpu.memref_slice %arg8[%select_n3A_90, %dma_wait3A_183, %dma_wait3A_190] : memref<2x8x128xi32, #tpu.memory_space<vmem>> -> memref<1x1x128xi32, #tpu.memory_space<vmem>>
      %dma_wait3A_192 = tpu.memref_squeeze %dma_wait3A_191 : memref<1x1x128xi32, #tpu.memory_space<vmem>> -> memref<128xi32, #tpu.memory_space<vmem>>
      %dma_wait3A_193 = arith.constant 0 : i32
      %dma_wait3A_194 = arith.constant 0 : i32
      %dma_wait3A_195 = tpu.memref_slice %arg2[%dma_wait3A_193, %dma_wait3A_194] : memref<10240x128xf32, #tpu.memory_space<hbm>> -> memref<10240x128xf32, #tpu.memory_space<hbm>>
      %dma_wait3A_196 = tpu.memref_slice %arg11[%dma_wait3A_185] : memref<2x!tpu.dma_semaphore, #tpu.memory_space<semaphore_mem>> -> memref<1x!tpu.dma_semaphore, #tpu.memory_space<semaphore_mem>>
      %dma_wait3A_197 = tpu.memref_squeeze %dma_wait3A_196 : memref<1x!tpu.dma_semaphore, #tpu.memory_space<semaphore_mem>> -> memref<!tpu.dma_semaphore, #tpu.memory_space<semaphore_mem>>
      tpu.wait_indirect_dma semaphore(%dma_wait3A_197 : memref<!tpu.dma_semaphore, #tpu.memory_space<semaphore_mem>>) src(%dma_wait3A_195 : memref<10240x128xf32, #tpu.memory_space<hbm>>) dst(%dma_wait3A_189 : memref<128x128xf32, #tpu.memory_space<vmem>>)
      %dma_start3A_198 = arith.constant 1 : i32
      %dma_start3A_199 = arith.constant 1 : i32
      %dma_start3A_200 = arith.constant 1 : i32
      %dma_start3A_201 = arith.constant 0 : i32
      %dma_start3A_202 = arith.constant 0 : i32
      %dma_start3A_203 = tpu.memref_slice %arg10[%dma_start3A_198, %dma_start3A_201, %dma_start3A_202] : memref<2x128x128xf32, #tpu.memory_space<vmem>> -> memref<1x128x128xf32, #tpu.memory_space<vmem>>
      %dma_start3A_204 = tpu.memref_squeeze %dma_start3A_203 : memref<1x128x128xf32, #tpu.memory_space<vmem>> -> memref<128x128xf32, #tpu.memory_space<vmem>>
      %dma_start3A_205 = arith.constant 0 : i32
      %dma_start3A_206 = tpu.memref_slice %arg9[%select_n3A_90, %dma_start3A_199, %dma_start3A_205] : memref<2x8x128xi32, #tpu.memory_space<vmem>> -> memref<1x1x128xi32, #tpu.memory_space<vmem>>
      %dma_start3A_207 = tpu.memref_squeeze %dma_start3A_206 : memref<1x1x128xi32, #tpu.memory_space<vmem>> -> memref<128xi32, #tpu.memory_space<vmem>>
      %dma_start3A_208 = arith.constant 0 : i32
      %dma_start3A_209 = arith.constant 0 : i32
      %dma_start3A_210 = tpu.memref_slice %arg7[%dma_start3A_208, %dma_start3A_209] : memref<10240x128xf32, #tpu.memory_space<vmem_shared>> -> memref<10240x128xf32, #tpu.memory_space<vmem_shared>>
      %dma_start3A_211 = tpu.memref_slice %arg12[%dma_start3A_200] : memref<2x!tpu.dma_semaphore, #tpu.memory_space<semaphore_mem>> -> memref<1x!tpu.dma_semaphore, #tpu.memory_space<semaphore_mem>>
      %dma_start3A_212 = tpu.memref_squeeze %dma_start3A_211 : memref<1x!tpu.dma_semaphore, #tpu.memory_space<semaphore_mem>> -> memref<!tpu.dma_semaphore, #tpu.memory_space<semaphore_mem>>
      tpu.enqueue_indirect_dma source(%dma_start3A_204 : memref<128x128xf32, #tpu.memory_space<vmem>>) target(%dma_start3A_210 : memref<10240x128xf32, #tpu.memory_space<vmem_shared>>) offsets(%dma_start3A_207 : memref<128xi32, #tpu.memory_space<vmem>>) semaphore(%dma_start3A_212 : memref<!tpu.dma_semaphore, #tpu.memory_space<semaphore_mem>>) {add = true}
      %dma_wait3A_213 = arith.constant 1 : i32
      %dma_wait3A_214 = arith.constant 1 : i32
      %dma_wait3A_215 = arith.constant 1 : i32
      %dma_wait3A_216 = arith.constant 0 : i32
      %dma_wait3A_217 = arith.constant 0 : i32
      %dma_wait3A_218 = tpu.memref_slice %arg10[%dma_wait3A_213, %dma_wait3A_216, %dma_wait3A_217] : memref<2x128x128xf32, #tpu.memory_space<vmem>> -> memref<1x128x128xf32, #tpu.memory_space<vmem>>
      %dma_wait3A_219 = tpu.memref_squeeze %dma_wait3A_218 : memref<1x128x128xf32, #tpu.memory_space<vmem>> -> memref<128x128xf32, #tpu.memory_space<vmem>>
      %dma_wait3A_220 = arith.constant 0 : i32
      %dma_wait3A_221 = tpu.memref_slice %arg9[%select_n3A_90, %dma_wait3A_214, %dma_wait3A_220] : memref<2x8x128xi32, #tpu.memory_space<vmem>> -> memref<1x1x128xi32, #tpu.memory_space<vmem>>
      %dma_wait3A_222 = tpu.memref_squeeze %dma_wait3A_221 : memref<1x1x128xi32, #tpu.memory_space<vmem>> -> memref<128xi32, #tpu.memory_space<vmem>>
      %dma_wait3A_223 = arith.constant 0 : i32
      %dma_wait3A_224 = arith.constant 0 : i32
      %dma_wait3A_225 = tpu.memref_slice %arg7[%dma_wait3A_223, %dma_wait3A_224] : memref<10240x128xf32, #tpu.memory_space<vmem_shared>> -> memref<10240x128xf32, #tpu.memory_space<vmem_shared>>
      %dma_wait3A_226 = tpu.memref_slice %arg12[%dma_wait3A_215] : memref<2x!tpu.dma_semaphore, #tpu.memory_space<semaphore_mem>> -> memref<1x!tpu.dma_semaphore, #tpu.memory_space<semaphore_mem>>
      %dma_wait3A_227 = tpu.memref_squeeze %dma_wait3A_226 : memref<1x!tpu.dma_semaphore, #tpu.memory_space<semaphore_mem>> -> memref<!tpu.dma_semaphore, #tpu.memory_space<semaphore_mem>>
      tpu.wait_indirect_dma semaphore(%dma_wait3A_227 : memref<!tpu.dma_semaphore, #tpu.memory_space<semaphore_mem>>) src(%dma_wait3A_219 : memref<128x128xf32, #tpu.memory_space<vmem>>) dst(%dma_wait3A_225 : memref<10240x128xf32, #tpu.memory_space<vmem_shared>>)
      %dma_start3A_228 = arith.constant 3 : i32
      %dma_start3A_229 = arith.constant 1 : i32
      %dma_start3A_230 = arith.constant 1 : i32
      %dma_start3A_231 = arith.constant 0 : i32
      %dma_start3A_232 = arith.constant 0 : i32
      %dma_start3A_233 = tpu.memref_slice %arg10[%dma_start3A_229, %dma_start3A_231, %dma_start3A_232] : memref<2x128x128xf32, #tpu.memory_space<vmem>> -> memref<1x64x128xf32, #tpu.memory_space<vmem>>
      %dma_start3A_234 = tpu.memref_squeeze %dma_start3A_233 : memref<1x64x128xf32, #tpu.memory_space<vmem>> -> memref<64x128xf32, #tpu.memory_space<vmem>>
      %dma_start3A_235 = arith.constant 0 : i32
      %dma_start3A_236 = tpu.memref_slice %arg8[%select_n3A_90, %dma_start3A_228, %dma_start3A_235] : memref<2x8x128xi32, #tpu.memory_space<vmem>> -> memref<1x1x64xi32, #tpu.memory_space<vmem>>
      %dma_start3A_237 = tpu.memref_squeeze %dma_start3A_236 : memref<1x1x64xi32, #tpu.memory_space<vmem>> -> memref<64xi32, #tpu.memory_space<vmem>>
      %dma_start3A_238 = arith.constant 0 : i32
      %dma_start3A_239 = arith.constant 0 : i32
      %dma_start3A_240 = tpu.memref_slice %arg2[%dma_start3A_238, %dma_start3A_239] : memref<10240x128xf32, #tpu.memory_space<hbm>> -> memref<10240x128xf32, #tpu.memory_space<hbm>>
      %dma_start3A_241 = tpu.memref_slice %arg11[%dma_start3A_230] : memref<2x!tpu.dma_semaphore, #tpu.memory_space<semaphore_mem>> -> memref<1x!tpu.dma_semaphore, #tpu.memory_space<semaphore_mem>>
      %dma_start3A_242 = tpu.memref_squeeze %dma_start3A_241 : memref<1x!tpu.dma_semaphore, #tpu.memory_space<semaphore_mem>> -> memref<!tpu.dma_semaphore, #tpu.memory_space<semaphore_mem>>
      tpu.enqueue_indirect_dma source(%dma_start3A_240 : memref<10240x128xf32, #tpu.memory_space<hbm>>) target(%dma_start3A_234 : memref<64x128xf32, #tpu.memory_space<vmem>>) offsets(%dma_start3A_237 : memref<64xi32, #tpu.memory_space<vmem>>) semaphore(%dma_start3A_242 : memref<!tpu.dma_semaphore, #tpu.memory_space<semaphore_mem>>)
      %dma_start3A_243 = arith.constant 3 : i32
      %dma_start3A_244 = arith.constant 1 : i32
      %dma_start3A_245 = arith.constant 1 : i32
      %dma_start3A_246 = arith.constant 64 : i32
      %dma_start3A_247 = arith.constant 0 : i32
      %dma_start3A_248 = tpu.memref_slice %arg10[%dma_start3A_244, %dma_start3A_246, %dma_start3A_247] : memref<2x128x128xf32, #tpu.memory_space<vmem>> -> memref<1x64x128xf32, #tpu.memory_space<vmem>>
      %dma_start3A_249 = tpu.memref_squeeze %dma_start3A_248 : memref<1x64x128xf32, #tpu.memory_space<vmem>> -> memref<64x128xf32, #tpu.memory_space<vmem>>
      %dma_start3A_250 = arith.constant 64 : i32
      %dma_start3A_251 = tpu.memref_slice %arg8[%select_n3A_90, %dma_start3A_243, %dma_start3A_250] : memref<2x8x128xi32, #tpu.memory_space<vmem>> -> memref<1x1x64xi32, #tpu.memory_space<vmem>>
      %dma_start3A_252 = tpu.memref_squeeze %dma_start3A_251 : memref<1x1x64xi32, #tpu.memory_space<vmem>> -> memref<64xi32, #tpu.memory_space<vmem>>
      %dma_start3A_253 = arith.constant 0 : i32
      %dma_start3A_254 = arith.constant 0 : i32
      %dma_start3A_255 = tpu.memref_slice %arg2[%dma_start3A_253, %dma_start3A_254] : memref<10240x128xf32, #tpu.memory_space<hbm>> -> memref<10240x128xf32, #tpu.memory_space<hbm>>
      %dma_start3A_256 = tpu.memref_slice %arg11[%dma_start3A_245] : memref<2x!tpu.dma_semaphore, #tpu.memory_space<semaphore_mem>> -> memref<1x!tpu.dma_semaphore, #tpu.memory_space<semaphore_mem>>
      %dma_start3A_257 = tpu.memref_squeeze %dma_start3A_256 : memref<1x!tpu.dma_semaphore, #tpu.memory_space<semaphore_mem>> -> memref<!tpu.dma_semaphore, #tpu.memory_space<semaphore_mem>>
      tpu.enqueue_indirect_dma source(%dma_start3A_255 : memref<10240x128xf32, #tpu.memory_space<hbm>>) target(%dma_start3A_249 : memref<64x128xf32, #tpu.memory_space<vmem>>) offsets(%dma_start3A_252 : memref<64xi32, #tpu.memory_space<vmem>>) semaphore(%dma_start3A_257 : memref<!tpu.dma_semaphore, #tpu.memory_space<semaphore_mem>>)
      %dma_wait3A_258 = arith.constant 2 : i32
      %dma_wait3A_259 = arith.constant 0 : i32
      %dma_wait3A_260 = arith.constant 0 : i32
      %dma_wait3A_261 = arith.constant 0 : i32
      %dma_wait3A_262 = arith.constant 0 : i32
      %dma_wait3A_263 = tpu.memref_slice %arg10[%dma_wait3A_259, %dma_wait3A_261, %dma_wait3A_262] : memref<2x128x128xf32, #tpu.memory_space<vmem>> -> memref<1x128x128xf32, #tpu.memory_space<vmem>>
      %dma_wait3A_264 = tpu.memref_squeeze %dma_wait3A_263 : memref<1x128x128xf32, #tpu.memory_space<vmem>> -> memref<128x128xf32, #tpu.memory_space<vmem>>
      %dma_wait3A_265 = arith.constant 0 : i32
      %dma_wait3A_266 = tpu.memref_slice %arg8[%select_n3A_90, %dma_wait3A_258, %dma_wait3A_265] : memref<2x8x128xi32, #tpu.memory_space<vmem>> -> memref<1x1x128xi32, #tpu.memory_space<vmem>>
      %dma_wait3A_267 = tpu.memref_squeeze %dma_wait3A_266 : memref<1x1x128xi32, #tpu.memory_space<vmem>> -> memref<128xi32, #tpu.memory_space<vmem>>
      %dma_wait3A_268 = arith.constant 0 : i32
      %dma_wait3A_269 = arith.constant 0 : i32
      %dma_wait3A_270 = tpu.memref_slice %arg2[%dma_wait3A_268, %dma_wait3A_269] : memref<10240x128xf32, #tpu.memory_space<hbm>> -> memref<10240x128xf32, #tpu.memory_space<hbm>>
      %dma_wait3A_271 = tpu.memref_slice %arg11[%dma_wait3A_260] : memref<2x!tpu.dma_semaphore, #tpu.memory_space<semaphore_mem>> -> memref<1x!tpu.dma_semaphore, #tpu.memory_space<semaphore_mem>>
      %dma_wait3A_272 = tpu.memref_squeeze %dma_wait3A_271 : memref<1x!tpu.dma_semaphore, #tpu.memory_space<semaphore_mem>> -> memref<!tpu.dma_semaphore, #tpu.memory_space<semaphore_mem>>
      tpu.wait_indirect_dma semaphore(%dma_wait3A_272 : memref<!tpu.dma_semaphore, #tpu.memory_space<semaphore_mem>>) src(%dma_wait3A_270 : memref<10240x128xf32, #tpu.memory_space<hbm>>) dst(%dma_wait3A_264 : memref<128x128xf32, #tpu.memory_space<vmem>>)
      %dma_start3A_273 = arith.constant 0 : i32
      %dma_start3A_274 = arith.constant 2 : i32
      %dma_start3A_275 = arith.constant 0 : i32
      %dma_start3A_276 = arith.constant 0 : i32
      %dma_start3A_277 = arith.constant 0 : i32
      %dma_start3A_278 = tpu.memref_slice %arg10[%dma_start3A_273, %dma_start3A_276, %dma_start3A_277] : memref<2x128x128xf32, #tpu.memory_space<vmem>> -> memref<1x128x128xf32, #tpu.memory_space<vmem>>
      %dma_start3A_279 = tpu.memref_squeeze %dma_start3A_278 : memref<1x128x128xf32, #tpu.memory_space<vmem>> -> memref<128x128xf32, #tpu.memory_space<vmem>>
      %dma_start3A_280 = arith.constant 0 : i32
      %dma_start3A_281 = tpu.memref_slice %arg9[%select_n3A_90, %dma_start3A_274, %dma_start3A_280] : memref<2x8x128xi32, #tpu.memory_space<vmem>> -> memref<1x1x128xi32, #tpu.memory_space<vmem>>
      %dma_start3A_282 = tpu.memref_squeeze %dma_start3A_281 : memref<1x1x128xi32, #tpu.memory_space<vmem>> -> memref<128xi32, #tpu.memory_space<vmem>>
      %dma_start3A_283 = arith.constant 0 : i32
      %dma_start3A_284 = arith.constant 0 : i32
      %dma_start3A_285 = tpu.memref_slice %arg7[%dma_start3A_283, %dma_start3A_284] : memref<10240x128xf32, #tpu.memory_space<vmem_shared>> -> memref<10240x128xf32, #tpu.memory_space<vmem_shared>>
      %dma_start3A_286 = tpu.memref_slice %arg12[%dma_start3A_275] : memref<2x!tpu.dma_semaphore, #tpu.memory_space<semaphore_mem>> -> memref<1x!tpu.dma_semaphore, #tpu.memory_space<semaphore_mem>>
      %dma_start3A_287 = tpu.memref_squeeze %dma_start3A_286 : memref<1x!tpu.dma_semaphore, #tpu.memory_space<semaphore_mem>> -> memref<!tpu.dma_semaphore, #tpu.memory_space<semaphore_mem>>
      tpu.enqueue_indirect_dma source(%dma_start3A_279 : memref<128x128xf32, #tpu.memory_space<vmem>>) target(%dma_start3A_285 : memref<10240x128xf32, #tpu.memory_space<vmem_shared>>) offsets(%dma_start3A_282 : memref<128xi32, #tpu.memory_space<vmem>>) semaphore(%dma_start3A_287 : memref<!tpu.dma_semaphore, #tpu.memory_space<semaphore_mem>>) {add = true}
      %dma_wait3A_288 = arith.constant 0 : i32
      %dma_wait3A_289 = arith.constant 2 : i32
      %dma_wait3A_290 = arith.constant 0 : i32
      %dma_wait3A_291 = arith.constant 0 : i32
      %dma_wait3A_292 = arith.constant 0 : i32
      %dma_wait3A_293 = tpu.memref_slice %arg10[%dma_wait3A_288, %dma_wait3A_291, %dma_wait3A_292] : memref<2x128x128xf32, #tpu.memory_space<vmem>> -> memref<1x128x128xf32, #tpu.memory_space<vmem>>
      %dma_wait3A_294 = tpu.memref_squeeze %dma_wait3A_293 : memref<1x128x128xf32, #tpu.memory_space<vmem>> -> memref<128x128xf32, #tpu.memory_space<vmem>>
      %dma_wait3A_295 = arith.constant 0 : i32
      %dma_wait3A_296 = tpu.memref_slice %arg9[%select_n3A_90, %dma_wait3A_289, %dma_wait3A_295] : memref<2x8x128xi32, #tpu.memory_space<vmem>> -> memref<1x1x128xi32, #tpu.memory_space<vmem>>
      %dma_wait3A_297 = tpu.memref_squeeze %dma_wait3A_296 : memref<1x1x128xi32, #tpu.memory_space<vmem>> -> memref<128xi32, #tpu.memory_space<vmem>>
      %dma_wait3A_298 = arith.constant 0 : i32
      %dma_wait3A_299 = arith.constant 0 : i32
      %dma_wait3A_300 = tpu.memref_slice %arg7[%dma_wait3A_298, %dma_wait3A_299] : memref<10240x128xf32, #tpu.memory_space<vmem_shared>> -> memref<10240x128xf32, #tpu.memory_space<vmem_shared>>
      %dma_wait3A_301 = tpu.memref_slice %arg12[%dma_wait3A_290] : memref<2x!tpu.dma_semaphore, #tpu.memory_space<semaphore_mem>> -> memref<1x!tpu.dma_semaphore, #tpu.memory_space<semaphore_mem>>
      %dma_wait3A_302 = tpu.memref_squeeze %dma_wait3A_301 : memref<1x!tpu.dma_semaphore, #tpu.memory_space<semaphore_mem>> -> memref<!tpu.dma_semaphore, #tpu.memory_space<semaphore_mem>>
      tpu.wait_indirect_dma semaphore(%dma_wait3A_302 : memref<!tpu.dma_semaphore, #tpu.memory_space<semaphore_mem>>) src(%dma_wait3A_294 : memref<128x128xf32, #tpu.memory_space<vmem>>) dst(%dma_wait3A_300 : memref<10240x128xf32, #tpu.memory_space<vmem_shared>>)
      %dma_start3A_303 = arith.constant 4 : i32
      %dma_start3A_304 = arith.constant 0 : i32
      %dma_start3A_305 = arith.constant 0 : i32
      %dma_start3A_306 = arith.constant 0 : i32
      %dma_start3A_307 = arith.constant 0 : i32
      %dma_start3A_308 = tpu.memref_slice %arg10[%dma_start3A_304, %dma_start3A_306, %dma_start3A_307] : memref<2x128x128xf32, #tpu.memory_space<vmem>> -> memref<1x64x128xf32, #tpu.memory_space<vmem>>
      %dma_start3A_309 = tpu.memref_squeeze %dma_start3A_308 : memref<1x64x128xf32, #tpu.memory_space<vmem>> -> memref<64x128xf32, #tpu.memory_space<vmem>>
      %dma_start3A_310 = arith.constant 0 : i32
      %dma_start3A_311 = tpu.memref_slice %arg8[%select_n3A_90, %dma_start3A_303, %dma_start3A_310] : memref<2x8x128xi32, #tpu.memory_space<vmem>> -> memref<1x1x64xi32, #tpu.memory_space<vmem>>
      %dma_start3A_312 = tpu.memref_squeeze %dma_start3A_311 : memref<1x1x64xi32, #tpu.memory_space<vmem>> -> memref<64xi32, #tpu.memory_space<vmem>>
      %dma_start3A_313 = arith.constant 0 : i32
      %dma_start3A_314 = arith.constant 0 : i32
      %dma_start3A_315 = tpu.memref_slice %arg2[%dma_start3A_313, %dma_start3A_314] : memref<10240x128xf32, #tpu.memory_space<hbm>> -> memref<10240x128xf32, #tpu.memory_space<hbm>>
      %dma_start3A_316 = tpu.memref_slice %arg11[%dma_start3A_305] : memref<2x!tpu.dma_semaphore, #tpu.memory_space<semaphore_mem>> -> memref<1x!tpu.dma_semaphore, #tpu.memory_space<semaphore_mem>>
      %dma_start3A_317 = tpu.memref_squeeze %dma_start3A_316 : memref<1x!tpu.dma_semaphore, #tpu.memory_space<semaphore_mem>> -> memref<!tpu.dma_semaphore, #tpu.memory_space<semaphore_mem>>
      tpu.enqueue_indirect_dma source(%dma_start3A_315 : memref<10240x128xf32, #tpu.memory_space<hbm>>) target(%dma_start3A_309 : memref<64x128xf32, #tpu.memory_space<vmem>>) offsets(%dma_start3A_312 : memref<64xi32, #tpu.memory_space<vmem>>) semaphore(%dma_start3A_317 : memref<!tpu.dma_semaphore, #tpu.memory_space<semaphore_mem>>)
      %dma_start3A_318 = arith.constant 4 : i32
      %dma_start3A_319 = arith.constant 0 : i32
      %dma_start3A_320 = arith.constant 0 : i32
      %dma_start3A_321 = arith.constant 64 : i32
      %dma_start3A_322 = arith.constant 0 : i32
      %dma_start3A_323 = tpu.memref_slice %arg10[%dma_start3A_319, %dma_start3A_321, %dma_start3A_322] : memref<2x128x128xf32, #tpu.memory_space<vmem>> -> memref<1x64x128xf32, #tpu.memory_space<vmem>>
      %dma_start3A_324 = tpu.memref_squeeze %dma_start3A_323 : memref<1x64x128xf32, #tpu.memory_space<vmem>> -> memref<64x128xf32, #tpu.memory_space<vmem>>
      %dma_start3A_325 = arith.constant 64 : i32
      %dma_start3A_326 = tpu.memref_slice %arg8[%select_n3A_90, %dma_start3A_318, %dma_start3A_325] : memref<2x8x128xi32, #tpu.memory_space<vmem>> -> memref<1x1x64xi32, #tpu.memory_space<vmem>>
      %dma_start3A_327 = tpu.memref_squeeze %dma_start3A_326 : memref<1x1x64xi32, #tpu.memory_space<vmem>> -> memref<64xi32, #tpu.memory_space<vmem>>
      %dma_start3A_328 = arith.constant 0 : i32
      %dma_start3A_329 = arith.constant 0 : i32
      %dma_start3A_330 = tpu.memref_slice %arg2[%dma_start3A_328, %dma_start3A_329] : memref<10240x128xf32, #tpu.memory_space<hbm>> -> memref<10240x128xf32, #tpu.memory_space<hbm>>
      %dma_start3A_331 = tpu.memref_slice %arg11[%dma_start3A_320] : memref<2x!tpu.dma_semaphore, #tpu.memory_space<semaphore_mem>> -> memref<1x!tpu.dma_semaphore, #tpu.memory_space<semaphore_mem>>
      %dma_start3A_332 = tpu.memref_squeeze %dma_start3A_331 : memref<1x!tpu.dma_semaphore, #tpu.memory_space<semaphore_mem>> -> memref<!tpu.dma_semaphore, #tpu.memory_space<semaphore_mem>>
      tpu.enqueue_indirect_dma source(%dma_start3A_330 : memref<10240x128xf32, #tpu.memory_space<hbm>>) target(%dma_start3A_324 : memref<64x128xf32, #tpu.memory_space<vmem>>) offsets(%dma_start3A_327 : memref<64xi32, #tpu.memory_space<vmem>>) semaphore(%dma_start3A_332 : memref<!tpu.dma_semaphore, #tpu.memory_space<semaphore_mem>>)
      %dma_wait3A_333 = arith.constant 3 : i32
      %dma_wait3A_334 = arith.constant 1 : i32
      %dma_wait3A_335 = arith.constant 1 : i32
      %dma_wait3A_336 = arith.constant 0 : i32
      %dma_wait3A_337 = arith.constant 0 : i32
      %dma_wait3A_338 = tpu.memref_slice %arg10[%dma_wait3A_334, %dma_wait3A_336, %dma_wait3A_337] : memref<2x128x128xf32, #tpu.memory_space<vmem>> -> memref<1x128x128xf32, #tpu.memory_space<vmem>>
      %dma_wait3A_339 = tpu.memref_squeeze %dma_wait3A_338 : memref<1x128x128xf32, #tpu.memory_space<vmem>> -> memref<128x128xf32, #tpu.memory_space<vmem>>
      %dma_wait3A_340 = arith.constant 0 : i32
      %dma_wait3A_341 = tpu.memref_slice %arg8[%select_n3A_90, %dma_wait3A_333, %dma_wait3A_340] : memref<2x8x128xi32, #tpu.memory_space<vmem>> -> memref<1x1x128xi32, #tpu.memory_space<vmem>>
      %dma_wait3A_342 = tpu.memref_squeeze %dma_wait3A_341 : memref<1x1x128xi32, #tpu.memory_space<vmem>> -> memref<128xi32, #tpu.memory_space<vmem>>
      %dma_wait3A_343 = arith.constant 0 : i32
      %dma_wait3A_344 = arith.constant 0 : i32
      %dma_wait3A_345 = tpu.memref_slice %arg2[%dma_wait3A_343, %dma_wait3A_344] : memref<10240x128xf32, #tpu.memory_space<hbm>> -> memref<10240x128xf32, #tpu.memory_space<hbm>>
      %dma_wait3A_346 = tpu.memref_slice %arg11[%dma_wait3A_335] : memref<2x!tpu.dma_semaphore, #tpu.memory_space<semaphore_mem>> -> memref<1x!tpu.dma_semaphore, #tpu.memory_space<semaphore_mem>>
      %dma_wait3A_347 = tpu.memref_squeeze %dma_wait3A_346 : memref<1x!tpu.dma_semaphore, #tpu.memory_space<semaphore_mem>> -> memref<!tpu.dma_semaphore, #tpu.memory_space<semaphore_mem>>
      tpu.wait_indirect_dma semaphore(%dma_wait3A_347 : memref<!tpu.dma_semaphore, #tpu.memory_space<semaphore_mem>>) src(%dma_wait3A_345 : memref<10240x128xf32, #tpu.memory_space<hbm>>) dst(%dma_wait3A_339 : memref<128x128xf32, #tpu.memory_space<vmem>>)
      %dma_start3A_348 = arith.constant 1 : i32
      %dma_start3A_349 = arith.constant 3 : i32
      %dma_start3A_350 = arith.constant 1 : i32
      %dma_start3A_351 = arith.constant 0 : i32
      %dma_start3A_352 = arith.constant 0 : i32
      %dma_start3A_353 = tpu.memref_slice %arg10[%dma_start3A_348, %dma_start3A_351, %dma_start3A_352] : memref<2x128x128xf32, #tpu.memory_space<vmem>> -> memref<1x128x128xf32, #tpu.memory_space<vmem>>
      %dma_start3A_354 = tpu.memref_squeeze %dma_start3A_353 : memref<1x128x128xf32, #tpu.memory_space<vmem>> -> memref<128x128xf32, #tpu.memory_space<vmem>>
      %dma_start3A_355 = arith.constant 0 : i32
      %dma_start3A_356 = tpu.memref_slice %arg9[%select_n3A_90, %dma_start3A_349, %dma_start3A_355] : memref<2x8x128xi32, #tpu.memory_space<vmem>> -> memref<1x1x128xi32, #tpu.memory_space<vmem>>
      %dma_start3A_357 = tpu.memref_squeeze %dma_start3A_356 : memref<1x1x128xi32, #tpu.memory_space<vmem>> -> memref<128xi32, #tpu.memory_space<vmem>>
      %dma_start3A_358 = arith.constant 0 : i32
      %dma_start3A_359 = arith.constant 0 : i32
      %dma_start3A_360 = tpu.memref_slice %arg7[%dma_start3A_358, %dma_start3A_359] : memref<10240x128xf32, #tpu.memory_space<vmem_shared>> -> memref<10240x128xf32, #tpu.memory_space<vmem_shared>>
      %dma_start3A_361 = tpu.memref_slice %arg12[%dma_start3A_350] : memref<2x!tpu.dma_semaphore, #tpu.memory_space<semaphore_mem>> -> memref<1x!tpu.dma_semaphore, #tpu.memory_space<semaphore_mem>>
      %dma_start3A_362 = tpu.memref_squeeze %dma_start3A_361 : memref<1x!tpu.dma_semaphore, #tpu.memory_space<semaphore_mem>> -> memref<!tpu.dma_semaphore, #tpu.memory_space<semaphore_mem>>
      tpu.enqueue_indirect_dma source(%dma_start3A_354 : memref<128x128xf32, #tpu.memory_space<vmem>>) target(%dma_start3A_360 : memref<10240x128xf32, #tpu.memory_space<vmem_shared>>) offsets(%dma_start3A_357 : memref<128xi32, #tpu.memory_space<vmem>>) semaphore(%dma_start3A_362 : memref<!tpu.dma_semaphore, #tpu.memory_space<semaphore_mem>>) {add = true}
      %dma_wait3A_363 = arith.constant 1 : i32
      %dma_wait3A_364 = arith.constant 3 : i32
      %dma_wait3A_365 = arith.constant 1 : i32
      %dma_wait3A_366 = arith.constant 0 : i32
      %dma_wait3A_367 = arith.constant 0 : i32
      %dma_wait3A_368 = tpu.memref_slice %arg10[%dma_wait3A_363, %dma_wait3A_366, %dma_wait3A_367] : memref<2x128x128xf32, #tpu.memory_space<vmem>> -> memref<1x128x128xf32, #tpu.memory_space<vmem>>
      %dma_wait3A_369 = tpu.memref_squeeze %dma_wait3A_368 : memref<1x128x128xf32, #tpu.memory_space<vmem>> -> memref<128x128xf32, #tpu.memory_space<vmem>>
      %dma_wait3A_370 = arith.constant 0 : i32
      %dma_wait3A_371 = tpu.memref_slice %arg9[%select_n3A_90, %dma_wait3A_364, %dma_wait3A_370] : memref<2x8x128xi32, #tpu.memory_space<vmem>> -> memref<1x1x128xi32, #tpu.memory_space<vmem>>
      %dma_wait3A_372 = tpu.memref_squeeze %dma_wait3A_371 : memref<1x1x128xi32, #tpu.memory_space<vmem>> -> memref<128xi32, #tpu.memory_space<vmem>>
      %dma_wait3A_373 = arith.constant 0 : i32
      %dma_wait3A_374 = arith.constant 0 : i32
      %dma_wait3A_375 = tpu.memref_slice %arg7[%dma_wait3A_373, %dma_wait3A_374] : memref<10240x128xf32, #tpu.memory_space<vmem_shared>> -> memref<10240x128xf32, #tpu.memory_space<vmem_shared>>
      %dma_wait3A_376 = tpu.memref_slice %arg12[%dma_wait3A_365] : memref<2x!tpu.dma_semaphore, #tpu.memory_space<semaphore_mem>> -> memref<1x!tpu.dma_semaphore, #tpu.memory_space<semaphore_mem>>
      %dma_wait3A_377 = tpu.memref_squeeze %dma_wait3A_376 : memref<1x!tpu.dma_semaphore, #tpu.memory_space<semaphore_mem>> -> memref<!tpu.dma_semaphore, #tpu.memory_space<semaphore_mem>>
      tpu.wait_indirect_dma semaphore(%dma_wait3A_377 : memref<!tpu.dma_semaphore, #tpu.memory_space<semaphore_mem>>) src(%dma_wait3A_369 : memref<128x128xf32, #tpu.memory_space<vmem>>) dst(%dma_wait3A_375 : memref<10240x128xf32, #tpu.memory_space<vmem_shared>>)
      %dma_start3A_378 = arith.constant 5 : i32
      %dma_start3A_379 = arith.constant 1 : i32
      %dma_start3A_380 = arith.constant 1 : i32
      %dma_start3A_381 = arith.constant 0 : i32
      %dma_start3A_382 = arith.constant 0 : i32
      %dma_start3A_383 = tpu.memref_slice %arg10[%dma_start3A_379, %dma_start3A_381, %dma_start3A_382] : memref<2x128x128xf32, #tpu.memory_space<vmem>> -> memref<1x64x128xf32, #tpu.memory_space<vmem>>
      %dma_start3A_384 = tpu.memref_squeeze %dma_start3A_383 : memref<1x64x128xf32, #tpu.memory_space<vmem>> -> memref<64x128xf32, #tpu.memory_space<vmem>>
      %dma_start3A_385 = arith.constant 0 : i32
      %dma_start3A_386 = tpu.memref_slice %arg8[%select_n3A_90, %dma_start3A_378, %dma_start3A_385] : memref<2x8x128xi32, #tpu.memory_space<vmem>> -> memref<1x1x64xi32, #tpu.memory_space<vmem>>
      %dma_start3A_387 = tpu.memref_squeeze %dma_start3A_386 : memref<1x1x64xi32, #tpu.memory_space<vmem>> -> memref<64xi32, #tpu.memory_space<vmem>>
      %dma_start3A_388 = arith.constant 0 : i32
      %dma_start3A_389 = arith.constant 0 : i32
      %dma_start3A_390 = tpu.memref_slice %arg2[%dma_start3A_388, %dma_start3A_389] : memref<10240x128xf32, #tpu.memory_space<hbm>> -> memref<10240x128xf32, #tpu.memory_space<hbm>>
      %dma_start3A_391 = tpu.memref_slice %arg11[%dma_start3A_380] : memref<2x!tpu.dma_semaphore, #tpu.memory_space<semaphore_mem>> -> memref<1x!tpu.dma_semaphore, #tpu.memory_space<semaphore_mem>>
      %dma_start3A_392 = tpu.memref_squeeze %dma_start3A_391 : memref<1x!tpu.dma_semaphore, #tpu.memory_space<semaphore_mem>> -> memref<!tpu.dma_semaphore, #tpu.memory_space<semaphore_mem>>
      tpu.enqueue_indirect_dma source(%dma_start3A_390 : memref<10240x128xf32, #tpu.memory_space<hbm>>) target(%dma_start3A_384 : memref<64x128xf32, #tpu.memory_space<vmem>>) offsets(%dma_start3A_387 : memref<64xi32, #tpu.memory_space<vmem>>) semaphore(%dma_start3A_392 : memref<!tpu.dma_semaphore, #tpu.memory_space<semaphore_mem>>)
      %dma_start3A_393 = arith.constant 5 : i32
      %dma_start3A_394 = arith.constant 1 : i32
      %dma_start3A_395 = arith.constant 1 : i32
      %dma_start3A_396 = arith.constant 64 : i32
      %dma_start3A_397 = arith.constant 0 : i32
      %dma_start3A_398 = tpu.memref_slice %arg10[%dma_start3A_394, %dma_start3A_396, %dma_start3A_397] : memref<2x128x128xf32, #tpu.memory_space<vmem>> -> memref<1x64x128xf32, #tpu.memory_space<vmem>>
      %dma_start3A_399 = tpu.memref_squeeze %dma_start3A_398 : memref<1x64x128xf32, #tpu.memory_space<vmem>> -> memref<64x128xf32, #tpu.memory_space<vmem>>
      %dma_start3A_400 = arith.constant 64 : i32
      %dma_start3A_401 = tpu.memref_slice %arg8[%select_n3A_90, %dma_start3A_393, %dma_start3A_400] : memref<2x8x128xi32, #tpu.memory_space<vmem>> -> memref<1x1x64xi32, #tpu.memory_space<vmem>>
      %dma_start3A_402 = tpu.memref_squeeze %dma_start3A_401 : memref<1x1x64xi32, #tpu.memory_space<vmem>> -> memref<64xi32, #tpu.memory_space<vmem>>
      %dma_start3A_403 = arith.constant 0 : i32
      %dma_start3A_404 = arith.constant 0 : i32
      %dma_start3A_405 = tpu.memref_slice %arg2[%dma_start3A_403, %dma_start3A_404] : memref<10240x128xf32, #tpu.memory_space<hbm>> -> memref<10240x128xf32, #tpu.memory_space<hbm>>
      %dma_start3A_406 = tpu.memref_slice %arg11[%dma_start3A_395] : memref<2x!tpu.dma_semaphore, #tpu.memory_space<semaphore_mem>> -> memref<1x!tpu.dma_semaphore, #tpu.memory_space<semaphore_mem>>
      %dma_start3A_407 = tpu.memref_squeeze %dma_start3A_406 : memref<1x!tpu.dma_semaphore, #tpu.memory_space<semaphore_mem>> -> memref<!tpu.dma_semaphore, #tpu.memory_space<semaphore_mem>>
      tpu.enqueue_indirect_dma source(%dma_start3A_405 : memref<10240x128xf32, #tpu.memory_space<hbm>>) target(%dma_start3A_399 : memref<64x128xf32, #tpu.memory_space<vmem>>) offsets(%dma_start3A_402 : memref<64xi32, #tpu.memory_space<vmem>>) semaphore(%dma_start3A_407 : memref<!tpu.dma_semaphore, #tpu.memory_space<semaphore_mem>>)
      %dma_wait3A_408 = arith.constant 4 : i32
      %dma_wait3A_409 = arith.constant 0 : i32
      %dma_wait3A_410 = arith.constant 0 : i32
      %dma_wait3A_411 = arith.constant 0 : i32
      %dma_wait3A_412 = arith.constant 0 : i32
      %dma_wait3A_413 = tpu.memref_slice %arg10[%dma_wait3A_409, %dma_wait3A_411, %dma_wait3A_412] : memref<2x128x128xf32, #tpu.memory_space<vmem>> -> memref<1x128x128xf32, #tpu.memory_space<vmem>>
      %dma_wait3A_414 = tpu.memref_squeeze %dma_wait3A_413 : memref<1x128x128xf32, #tpu.memory_space<vmem>> -> memref<128x128xf32, #tpu.memory_space<vmem>>
      %dma_wait3A_415 = arith.constant 0 : i32
      %dma_wait3A_416 = tpu.memref_slice %arg8[%select_n3A_90, %dma_wait3A_408, %dma_wait3A_415] : memref<2x8x128xi32, #tpu.memory_space<vmem>> -> memref<1x1x128xi32, #tpu.memory_space<vmem>>
      %dma_wait3A_417 = tpu.memref_squeeze %dma_wait3A_416 : memref<1x1x128xi32, #tpu.memory_space<vmem>> -> memref<128xi32, #tpu.memory_space<vmem>>
      %dma_wait3A_418 = arith.constant 0 : i32
      %dma_wait3A_419 = arith.constant 0 : i32
      %dma_wait3A_420 = tpu.memref_slice %arg2[%dma_wait3A_418, %dma_wait3A_419] : memref<10240x128xf32, #tpu.memory_space<hbm>> -> memref<10240x128xf32, #tpu.memory_space<hbm>>
      %dma_wait3A_421 = tpu.memref_slice %arg11[%dma_wait3A_410] : memref<2x!tpu.dma_semaphore, #tpu.memory_space<semaphore_mem>> -> memref<1x!tpu.dma_semaphore, #tpu.memory_space<semaphore_mem>>
      %dma_wait3A_422 = tpu.memref_squeeze %dma_wait3A_421 : memref<1x!tpu.dma_semaphore, #tpu.memory_space<semaphore_mem>> -> memref<!tpu.dma_semaphore, #tpu.memory_space<semaphore_mem>>
      tpu.wait_indirect_dma semaphore(%dma_wait3A_422 : memref<!tpu.dma_semaphore, #tpu.memory_space<semaphore_mem>>) src(%dma_wait3A_420 : memref<10240x128xf32, #tpu.memory_space<hbm>>) dst(%dma_wait3A_414 : memref<128x128xf32, #tpu.memory_space<vmem>>)
      %dma_start3A_423 = arith.constant 0 : i32
      %dma_start3A_424 = arith.constant 4 : i32
      %dma_start3A_425 = arith.constant 0 : i32
      %dma_start3A_426 = arith.constant 0 : i32
      %dma_start3A_427 = arith.constant 0 : i32
      %dma_start3A_428 = tpu.memref_slice %arg10[%dma_start3A_423, %dma_start3A_426, %dma_start3A_427] : memref<2x128x128xf32, #tpu.memory_space<vmem>> -> memref<1x128x128xf32, #tpu.memory_space<vmem>>
      %dma_start3A_429 = tpu.memref_squeeze %dma_start3A_428 : memref<1x128x128xf32, #tpu.memory_space<vmem>> -> memref<128x128xf32, #tpu.memory_space<vmem>>
      %dma_start3A_430 = arith.constant 0 : i32
      %dma_start3A_431 = tpu.memref_slice %arg9[%select_n3A_90, %dma_start3A_424, %dma_start3A_430] : memref<2x8x128xi32, #tpu.memory_space<vmem>> -> memref<1x1x128xi32, #tpu.memory_space<vmem>>
      %dma_start3A_432 = tpu.memref_squeeze %dma_start3A_431 : memref<1x1x128xi32, #tpu.memory_space<vmem>> -> memref<128xi32, #tpu.memory_space<vmem>>
      %dma_start3A_433 = arith.constant 0 : i32
      %dma_start3A_434 = arith.constant 0 : i32
      %dma_start3A_435 = tpu.memref_slice %arg7[%dma_start3A_433, %dma_start3A_434] : memref<10240x128xf32, #tpu.memory_space<vmem_shared>> -> memref<10240x128xf32, #tpu.memory_space<vmem_shared>>
      %dma_start3A_436 = tpu.memref_slice %arg12[%dma_start3A_425] : memref<2x!tpu.dma_semaphore, #tpu.memory_space<semaphore_mem>> -> memref<1x!tpu.dma_semaphore, #tpu.memory_space<semaphore_mem>>
      %dma_start3A_437 = tpu.memref_squeeze %dma_start3A_436 : memref<1x!tpu.dma_semaphore, #tpu.memory_space<semaphore_mem>> -> memref<!tpu.dma_semaphore, #tpu.memory_space<semaphore_mem>>
      tpu.enqueue_indirect_dma source(%dma_start3A_429 : memref<128x128xf32, #tpu.memory_space<vmem>>) target(%dma_start3A_435 : memref<10240x128xf32, #tpu.memory_space<vmem_shared>>) offsets(%dma_start3A_432 : memref<128xi32, #tpu.memory_space<vmem>>) semaphore(%dma_start3A_437 : memref<!tpu.dma_semaphore, #tpu.memory_space<semaphore_mem>>) {add = true}
      %dma_wait3A_438 = arith.constant 0 : i32
      %dma_wait3A_439 = arith.constant 4 : i32
      %dma_wait3A_440 = arith.constant 0 : i32
      %dma_wait3A_441 = arith.constant 0 : i32
      %dma_wait3A_442 = arith.constant 0 : i32
      %dma_wait3A_443 = tpu.memref_slice %arg10[%dma_wait3A_438, %dma_wait3A_441, %dma_wait3A_442] : memref<2x128x128xf32, #tpu.memory_space<vmem>> -> memref<1x128x128xf32, #tpu.memory_space<vmem>>
      %dma_wait3A_444 = tpu.memref_squeeze %dma_wait3A_443 : memref<1x128x128xf32, #tpu.memory_space<vmem>> -> memref<128x128xf32, #tpu.memory_space<vmem>>
      %dma_wait3A_445 = arith.constant 0 : i32
      %dma_wait3A_446 = tpu.memref_slice %arg9[%select_n3A_90, %dma_wait3A_439, %dma_wait3A_445] : memref<2x8x128xi32, #tpu.memory_space<vmem>> -> memref<1x1x128xi32, #tpu.memory_space<vmem>>
      %dma_wait3A_447 = tpu.memref_squeeze %dma_wait3A_446 : memref<1x1x128xi32, #tpu.memory_space<vmem>> -> memref<128xi32, #tpu.memory_space<vmem>>
      %dma_wait3A_448 = arith.constant 0 : i32
      %dma_wait3A_449 = arith.constant 0 : i32
      %dma_wait3A_450 = tpu.memref_slice %arg7[%dma_wait3A_448, %dma_wait3A_449] : memref<10240x128xf32, #tpu.memory_space<vmem_shared>> -> memref<10240x128xf32, #tpu.memory_space<vmem_shared>>
      %dma_wait3A_451 = tpu.memref_slice %arg12[%dma_wait3A_440] : memref<2x!tpu.dma_semaphore, #tpu.memory_space<semaphore_mem>> -> memref<1x!tpu.dma_semaphore, #tpu.memory_space<semaphore_mem>>
      %dma_wait3A_452 = tpu.memref_squeeze %dma_wait3A_451 : memref<1x!tpu.dma_semaphore, #tpu.memory_space<semaphore_mem>> -> memref<!tpu.dma_semaphore, #tpu.memory_space<semaphore_mem>>
      tpu.wait_indirect_dma semaphore(%dma_wait3A_452 : memref<!tpu.dma_semaphore, #tpu.memory_space<semaphore_mem>>) src(%dma_wait3A_444 : memref<128x128xf32, #tpu.memory_space<vmem>>) dst(%dma_wait3A_450 : memref<10240x128xf32, #tpu.memory_space<vmem_shared>>)
      %dma_start3A_453 = arith.constant 6 : i32
      %dma_start3A_454 = arith.constant 0 : i32
      %dma_start3A_455 = arith.constant 0 : i32
      %dma_start3A_456 = arith.constant 0 : i32
      %dma_start3A_457 = arith.constant 0 : i32
      %dma_start3A_458 = tpu.memref_slice %arg10[%dma_start3A_454, %dma_start3A_456, %dma_start3A_457] : memref<2x128x128xf32, #tpu.memory_space<vmem>> -> memref<1x64x128xf32, #tpu.memory_space<vmem>>
      %dma_start3A_459 = tpu.memref_squeeze %dma_start3A_458 : memref<1x64x128xf32, #tpu.memory_space<vmem>> -> memref<64x128xf32, #tpu.memory_space<vmem>>
      %dma_start3A_460 = arith.constant 0 : i32
      %dma_start3A_461 = tpu.memref_slice %arg8[%select_n3A_90, %dma_start3A_453, %dma_start3A_460] : memref<2x8x128xi32, #tpu.memory_space<vmem>> -> memref<1x1x64xi32, #tpu.memory_space<vmem>>
      %dma_start3A_462 = tpu.memref_squeeze %dma_start3A_461 : memref<1x1x64xi32, #tpu.memory_space<vmem>> -> memref<64xi32, #tpu.memory_space<vmem>>
      %dma_start3A_463 = arith.constant 0 : i32
      %dma_start3A_464 = arith.constant 0 : i32
      %dma_start3A_465 = tpu.memref_slice %arg2[%dma_start3A_463, %dma_start3A_464] : memref<10240x128xf32, #tpu.memory_space<hbm>> -> memref<10240x128xf32, #tpu.memory_space<hbm>>
      %dma_start3A_466 = tpu.memref_slice %arg11[%dma_start3A_455] : memref<2x!tpu.dma_semaphore, #tpu.memory_space<semaphore_mem>> -> memref<1x!tpu.dma_semaphore, #tpu.memory_space<semaphore_mem>>
      %dma_start3A_467 = tpu.memref_squeeze %dma_start3A_466 : memref<1x!tpu.dma_semaphore, #tpu.memory_space<semaphore_mem>> -> memref<!tpu.dma_semaphore, #tpu.memory_space<semaphore_mem>>
      tpu.enqueue_indirect_dma source(%dma_start3A_465 : memref<10240x128xf32, #tpu.memory_space<hbm>>) target(%dma_start3A_459 : memref<64x128xf32, #tpu.memory_space<vmem>>) offsets(%dma_start3A_462 : memref<64xi32, #tpu.memory_space<vmem>>) semaphore(%dma_start3A_467 : memref<!tpu.dma_semaphore, #tpu.memory_space<semaphore_mem>>)
      %dma_start3A_468 = arith.constant 6 : i32
      %dma_start3A_469 = arith.constant 0 : i32
      %dma_start3A_470 = arith.constant 0 : i32
      %dma_start3A_471 = arith.constant 64 : i32
      %dma_start3A_472 = arith.constant 0 : i32
      %dma_start3A_473 = tpu.memref_slice %arg10[%dma_start3A_469, %dma_start3A_471, %dma_start3A_472] : memref<2x128x128xf32, #tpu.memory_space<vmem>> -> memref<1x64x128xf32, #tpu.memory_space<vmem>>
      %dma_start3A_474 = tpu.memref_squeeze %dma_start3A_473 : memref<1x64x128xf32, #tpu.memory_space<vmem>> -> memref<64x128xf32, #tpu.memory_space<vmem>>
      %dma_start3A_475 = arith.constant 64 : i32
      %dma_start3A_476 = tpu.memref_slice %arg8[%select_n3A_90, %dma_start3A_468, %dma_start3A_475] : memref<2x8x128xi32, #tpu.memory_space<vmem>> -> memref<1x1x64xi32, #tpu.memory_space<vmem>>
      %dma_start3A_477 = tpu.memref_squeeze %dma_start3A_476 : memref<1x1x64xi32, #tpu.memory_space<vmem>> -> memref<64xi32, #tpu.memory_space<vmem>>
      %dma_start3A_478 = arith.constant 0 : i32
      %dma_start3A_479 = arith.constant 0 : i32
      %dma_start3A_480 = tpu.memref_slice %arg2[%dma_start3A_478, %dma_start3A_479] : memref<10240x128xf32, #tpu.memory_space<hbm>> -> memref<10240x128xf32, #tpu.memory_space<hbm>>
      %dma_start3A_481 = tpu.memref_slice %arg11[%dma_start3A_470] : memref<2x!tpu.dma_semaphore, #tpu.memory_space<semaphore_mem>> -> memref<1x!tpu.dma_semaphore, #tpu.memory_space<semaphore_mem>>
      %dma_start3A_482 = tpu.memref_squeeze %dma_start3A_481 : memref<1x!tpu.dma_semaphore, #tpu.memory_space<semaphore_mem>> -> memref<!tpu.dma_semaphore, #tpu.memory_space<semaphore_mem>>
      tpu.enqueue_indirect_dma source(%dma_start3A_480 : memref<10240x128xf32, #tpu.memory_space<hbm>>) target(%dma_start3A_474 : memref<64x128xf32, #tpu.memory_space<vmem>>) offsets(%dma_start3A_477 : memref<64xi32, #tpu.memory_space<vmem>>) semaphore(%dma_start3A_482 : memref<!tpu.dma_semaphore, #tpu.memory_space<semaphore_mem>>)
      %dma_wait3A_483 = arith.constant 5 : i32
      %dma_wait3A_484 = arith.constant 1 : i32
      %dma_wait3A_485 = arith.constant 1 : i32
      %dma_wait3A_486 = arith.constant 0 : i32
      %dma_wait3A_487 = arith.constant 0 : i32
      %dma_wait3A_488 = tpu.memref_slice %arg10[%dma_wait3A_484, %dma_wait3A_486, %dma_wait3A_487] : memref<2x128x128xf32, #tpu.memory_space<vmem>> -> memref<1x128x128xf32, #tpu.memory_space<vmem>>
      %dma_wait3A_489 = tpu.memref_squeeze %dma_wait3A_488 : memref<1x128x128xf32, #tpu.memory_space<vmem>> -> memref<128x128xf32, #tpu.memory_space<vmem>>
      %dma_wait3A_490 = arith.constant 0 : i32
      %dma_wait3A_491 = tpu.memref_slice %arg8[%select_n3A_90, %dma_wait3A_483, %dma_wait3A_490] : memref<2x8x128xi32, #tpu.memory_space<vmem>> -> memref<1x1x128xi32, #tpu.memory_space<vmem>>
      %dma_wait3A_492 = tpu.memref_squeeze %dma_wait3A_491 : memref<1x1x128xi32, #tpu.memory_space<vmem>> -> memref<128xi32, #tpu.memory_space<vmem>>
      %dma_wait3A_493 = arith.constant 0 : i32
      %dma_wait3A_494 = arith.constant 0 : i32
      %dma_wait3A_495 = tpu.memref_slice %arg2[%dma_wait3A_493, %dma_wait3A_494] : memref<10240x128xf32, #tpu.memory_space<hbm>> -> memref<10240x128xf32, #tpu.memory_space<hbm>>
      %dma_wait3A_496 = tpu.memref_slice %arg11[%dma_wait3A_485] : memref<2x!tpu.dma_semaphore, #tpu.memory_space<semaphore_mem>> -> memref<1x!tpu.dma_semaphore, #tpu.memory_space<semaphore_mem>>
      %dma_wait3A_497 = tpu.memref_squeeze %dma_wait3A_496 : memref<1x!tpu.dma_semaphore, #tpu.memory_space<semaphore_mem>> -> memref<!tpu.dma_semaphore, #tpu.memory_space<semaphore_mem>>
      tpu.wait_indirect_dma semaphore(%dma_wait3A_497 : memref<!tpu.dma_semaphore, #tpu.memory_space<semaphore_mem>>) src(%dma_wait3A_495 : memref<10240x128xf32, #tpu.memory_space<hbm>>) dst(%dma_wait3A_489 : memref<128x128xf32, #tpu.memory_space<vmem>>)
      %dma_start3A_498 = arith.constant 1 : i32
      %dma_start3A_499 = arith.constant 5 : i32
      %dma_start3A_500 = arith.constant 1 : i32
      %dma_start3A_501 = arith.constant 0 : i32
      %dma_start3A_502 = arith.constant 0 : i32
      %dma_start3A_503 = tpu.memref_slice %arg10[%dma_start3A_498, %dma_start3A_501, %dma_start3A_502] : memref<2x128x128xf32, #tpu.memory_space<vmem>> -> memref<1x128x128xf32, #tpu.memory_space<vmem>>
      %dma_start3A_504 = tpu.memref_squeeze %dma_start3A_503 : memref<1x128x128xf32, #tpu.memory_space<vmem>> -> memref<128x128xf32, #tpu.memory_space<vmem>>
      %dma_start3A_505 = arith.constant 0 : i32
      %dma_start3A_506 = tpu.memref_slice %arg9[%select_n3A_90, %dma_start3A_499, %dma_start3A_505] : memref<2x8x128xi32, #tpu.memory_space<vmem>> -> memref<1x1x128xi32, #tpu.memory_space<vmem>>
      %dma_start3A_507 = tpu.memref_squeeze %dma_start3A_506 : memref<1x1x128xi32, #tpu.memory_space<vmem>> -> memref<128xi32, #tpu.memory_space<vmem>>
      %dma_start3A_508 = arith.constant 0 : i32
      %dma_start3A_509 = arith.constant 0 : i32
      %dma_start3A_510 = tpu.memref_slice %arg7[%dma_start3A_508, %dma_start3A_509] : memref<10240x128xf32, #tpu.memory_space<vmem_shared>> -> memref<10240x128xf32, #tpu.memory_space<vmem_shared>>
      %dma_start3A_511 = tpu.memref_slice %arg12[%dma_start3A_500] : memref<2x!tpu.dma_semaphore, #tpu.memory_space<semaphore_mem>> -> memref<1x!tpu.dma_semaphore, #tpu.memory_space<semaphore_mem>>
      %dma_start3A_512 = tpu.memref_squeeze %dma_start3A_511 : memref<1x!tpu.dma_semaphore, #tpu.memory_space<semaphore_mem>> -> memref<!tpu.dma_semaphore, #tpu.memory_space<semaphore_mem>>
      tpu.enqueue_indirect_dma source(%dma_start3A_504 : memref<128x128xf32, #tpu.memory_space<vmem>>) target(%dma_start3A_510 : memref<10240x128xf32, #tpu.memory_space<vmem_shared>>) offsets(%dma_start3A_507 : memref<128xi32, #tpu.memory_space<vmem>>) semaphore(%dma_start3A_512 : memref<!tpu.dma_semaphore, #tpu.memory_space<semaphore_mem>>) {add = true}
      %lt3A_513 = arith.constant 9 : i32
      %lt3A_514 = arith.cmpi slt, %scan3A_80, %lt3A_513 : i32
      %convert_element_type3A_515 = arith.extui %lt3A_514 : i1 to i32
      %cond3A_516 = arith.constant 0 : i32
      %cond3A_517 = arith.cmpi ne, %convert_element_type3A_515, %cond3A_516 : i32
      scf.if %cond3A_517 {
        %add3A_663 = arith.constant 1 : i32
        %add3A_664 = arith.addi %scan3A_80, %add3A_663 : i32
        %mul3A_665 = arith.constant 8 : i32
        %mul3A_666 = arith.muli %add3A_664, %mul3A_665 : i32
        "tpu.region"() ({
          %run_scoped3A_671 = tpu.sem_alloc : memref<!tpu.dma_semaphore, #tpu.memory_space<semaphore_mem>>
          %dma_start3A_672 = arith.constant 0 : i32
          %dma_start3A_673 = arith.constant 0 : i32
          %dma_start3A_674 = tpu.memref_slice %arg8[%select_n3A_108, %dma_start3A_672, %dma_start3A_673] : memref<2x8x128xi32, #tpu.memory_space<vmem>> -> memref<1x8x128xi32, #tpu.memory_space<vmem>>
          %dma_start3A_675 = tpu.memref_squeeze %dma_start3A_674 : memref<1x8x128xi32, #tpu.memory_space<vmem>> -> memref<8x128xi32, #tpu.memory_space<vmem>>
          %dma_start3A_676 = arith.constant 0 : i32
          %dma_start3A_677 = tpu.memref_slice %arg3[%add3A, %mul3A_666, %dma_start3A_676] : memref<32x80x128xi32, #tpu.memory_space<hbm>> -> memref<1x8x128xi32, #tpu.memory_space<hbm>>
          %dma_start3A_678 = tpu.memref_squeeze %dma_start3A_677 : memref<1x8x128xi32, #tpu.memory_space<hbm>> -> memref<8x128xi32, #tpu.memory_space<hbm>>
          %dma_start3A_679 = arith.constant 0 : i32
          %dma_start3A_680 = arith.constant 0 : i32
          %dma_start3A_681 = tpu.memref_slice %arg8[%select_n3A_108, %dma_start3A_679, %dma_start3A_680] : memref<2x8x128xi32, #tpu.memory_space<vmem>> -> memref<1x8x128xi32, #tpu.memory_space<vmem>>
          %dma_start3A_682 = tpu.memref_squeeze %dma_start3A_681 : memref<1x8x128xi32, #tpu.memory_space<vmem>> -> memref<8x128xi32, #tpu.memory_space<vmem>>
          %dma_start3A_683 = arith.constant 0 : i32
          %dma_start3A_684 = tpu.memref_slice %arg3[%add3A, %mul3A_666, %dma_start3A_683] : memref<32x80x128xi32, #tpu.memory_space<hbm>> -> memref<1x8x128xi32, #tpu.memory_space<hbm>>
          %dma_start3A_685 = tpu.memref_squeeze %dma_start3A_684 : memref<1x8x128xi32, #tpu.memory_space<hbm>> -> memref<8x128xi32, #tpu.memory_space<hbm>>
          tpu.enqueue_dma source(%dma_start3A_685 : memref<8x128xi32, #tpu.memory_space<hbm>>) target(%dma_start3A_682 : memref<8x128xi32, #tpu.memory_space<vmem>>) target_semaphore(%run_scoped3A_671 : memref<!tpu.dma_semaphore, #tpu.memory_space<semaphore_mem>>)
          %dma_wait3A_686 = arith.constant 0 : i32
          %dma_wait3A_687 = arith.constant 0 : i32
          %dma_wait3A_688 = tpu.memref_slice %arg8[%select_n3A_108, %dma_wait3A_686, %dma_wait3A_687] : memref<2x8x128xi32, #tpu.memory_space<vmem>> -> memref<1x8x128xi32, #tpu.memory_space<vmem>>
          %dma_wait3A_689 = tpu.memref_squeeze %dma_wait3A_688 : memref<1x8x128xi32, #tpu.memory_space<vmem>> -> memref<8x128xi32, #tpu.memory_space<vmem>>
          %dma_wait3A_690 = arith.constant 0 : i32
          %dma_wait3A_691 = tpu.memref_slice %arg3[%add3A, %mul3A_666, %dma_wait3A_690] : memref<32x80x128xi32, #tpu.memory_space<hbm>> -> memref<1x8x128xi32, #tpu.memory_space<hbm>>
          %dma_wait3A_692 = tpu.memref_squeeze %dma_wait3A_691 : memref<1x8x128xi32, #tpu.memory_space<hbm>> -> memref<8x128xi32, #tpu.memory_space<hbm>>
          %dma_wait3A_693 = arith.constant 0 : i32
          %dma_wait3A_694 = arith.constant 0 : i32
          %dma_wait3A_695 = tpu.memref_slice %arg8[%select_n3A_108, %dma_wait3A_693, %dma_wait3A_694] : memref<2x8x128xi32, #tpu.memory_space<vmem>> -> memref<1x8x128xi32, #tpu.memory_space<vmem>>
          %dma_wait3A_696 = tpu.memref_squeeze %dma_wait3A_695 : memref<1x8x128xi32, #tpu.memory_space<vmem>> -> memref<8x128xi32, #tpu.memory_space<vmem>>
          %dma_wait3A_697 = arith.constant 0 : i32
          %dma_wait3A_698 = tpu.memref_slice %arg3[%add3A, %mul3A_666, %dma_wait3A_697] : memref<32x80x128xi32, #tpu.memory_space<hbm>> -> memref<1x8x128xi32, #tpu.memory_space<hbm>>
          %dma_wait3A_699 = tpu.memref_squeeze %dma_wait3A_698 : memref<1x8x128xi32, #tpu.memory_space<hbm>> -> memref<8x128xi32, #tpu.memory_space<hbm>>
          tpu.wait_dma2 semaphore(%run_scoped3A_671 : memref<!tpu.dma_semaphore, #tpu.memory_space<semaphore_mem>>) src(%dma_wait3A_699 : memref<8x128xi32, #tpu.memory_space<hbm>>) dst(%dma_wait3A_696 : memref<8x128xi32, #tpu.memory_space<vmem>>)
          tpu.yield
        }) : () -> ()
        %add3A_667 = arith.constant 1 : i32
        %add3A_668 = arith.addi %scan3A_80, %add3A_667 : i32
        %mul3A_669 = arith.constant 8 : i32
        %mul3A_670 = arith.muli %add3A_668, %mul3A_669 : i32
        "tpu.region"() ({
          %run_scoped3A_671 = tpu.sem_alloc : memref<!tpu.dma_semaphore, #tpu.memory_space<semaphore_mem>>
          %dma_start3A_672 = arith.constant 0 : i32
          %dma_start3A_673 = arith.constant 0 : i32
          %dma_start3A_674 = tpu.memref_slice %arg9[%select_n3A_108, %dma_start3A_672, %dma_start3A_673] : memref<2x8x128xi32, #tpu.memory_space<vmem>> -> memref<1x8x128xi32, #tpu.memory_space<vmem>>
          %dma_start3A_675 = tpu.memref_squeeze %dma_start3A_674 : memref<1x8x128xi32, #tpu.memory_space<vmem>> -> memref<8x128xi32, #tpu.memory_space<vmem>>
          %dma_start3A_676 = arith.constant 0 : i32
          %dma_start3A_677 = tpu.memref_slice %arg4[%add3A, %mul3A_670, %dma_start3A_676] : memref<32x80x128xi32, #tpu.memory_space<hbm>> -> memref<1x8x128xi32, #tpu.memory_space<hbm>>
          %dma_start3A_678 = tpu.memref_squeeze %dma_start3A_677 : memref<1x8x128xi32, #tpu.memory_space<hbm>> -> memref<8x128xi32, #tpu.memory_space<hbm>>
          %dma_start3A_679 = arith.constant 0 : i32
          %dma_start3A_680 = arith.constant 0 : i32
          %dma_start3A_681 = tpu.memref_slice %arg9[%select_n3A_108, %dma_start3A_679, %dma_start3A_680] : memref<2x8x128xi32, #tpu.memory_space<vmem>> -> memref<1x8x128xi32, #tpu.memory_space<vmem>>
          %dma_start3A_682 = tpu.memref_squeeze %dma_start3A_681 : memref<1x8x128xi32, #tpu.memory_space<vmem>> -> memref<8x128xi32, #tpu.memory_space<vmem>>
          %dma_start3A_683 = arith.constant 0 : i32
          %dma_start3A_684 = tpu.memref_slice %arg4[%add3A, %mul3A_670, %dma_start3A_683] : memref<32x80x128xi32, #tpu.memory_space<hbm>> -> memref<1x8x128xi32, #tpu.memory_space<hbm>>
          %dma_start3A_685 = tpu.memref_squeeze %dma_start3A_684 : memref<1x8x128xi32, #tpu.memory_space<hbm>> -> memref<8x128xi32, #tpu.memory_space<hbm>>
          tpu.enqueue_dma source(%dma_start3A_685 : memref<8x128xi32, #tpu.memory_space<hbm>>) target(%dma_start3A_682 : memref<8x128xi32, #tpu.memory_space<vmem>>) target_semaphore(%run_scoped3A_671 : memref<!tpu.dma_semaphore, #tpu.memory_space<semaphore_mem>>)
          %dma_wait3A_686 = arith.constant 0 : i32
          %dma_wait3A_687 = arith.constant 0 : i32
          %dma_wait3A_688 = tpu.memref_slice %arg9[%select_n3A_108, %dma_wait3A_686, %dma_wait3A_687] : memref<2x8x128xi32, #tpu.memory_space<vmem>> -> memref<1x8x128xi32, #tpu.memory_space<vmem>>
          %dma_wait3A_689 = tpu.memref_squeeze %dma_wait3A_688 : memref<1x8x128xi32, #tpu.memory_space<vmem>> -> memref<8x128xi32, #tpu.memory_space<vmem>>
          %dma_wait3A_690 = arith.constant 0 : i32
          %dma_wait3A_691 = tpu.memref_slice %arg4[%add3A, %mul3A_670, %dma_wait3A_690] : memref<32x80x128xi32, #tpu.memory_space<hbm>> -> memref<1x8x128xi32, #tpu.memory_space<hbm>>
          %dma_wait3A_692 = tpu.memref_squeeze %dma_wait3A_691 : memref<1x8x128xi32, #tpu.memory_space<hbm>> -> memref<8x128xi32, #tpu.memory_space<hbm>>
          %dma_wait3A_693 = arith.constant 0 : i32
          %dma_wait3A_694 = arith.constant 0 : i32
          %dma_wait3A_695 = tpu.memref_slice %arg9[%select_n3A_108, %dma_wait3A_693, %dma_wait3A_694] : memref<2x8x128xi32, #tpu.memory_space<vmem>> -> memref<1x8x128xi32, #tpu.memory_space<vmem>>
          %dma_wait3A_696 = tpu.memref_squeeze %dma_wait3A_695 : memref<1x8x128xi32, #tpu.memory_space<vmem>> -> memref<8x128xi32, #tpu.memory_space<vmem>>
          %dma_wait3A_697 = arith.constant 0 : i32
          %dma_wait3A_698 = tpu.memref_slice %arg4[%add3A, %mul3A_670, %dma_wait3A_697] : memref<32x80x128xi32, #tpu.memory_space<hbm>> -> memref<1x8x128xi32, #tpu.memory_space<hbm>>
          %dma_wait3A_699 = tpu.memref_squeeze %dma_wait3A_698 : memref<1x8x128xi32, #tpu.memory_space<hbm>> -> memref<8x128xi32, #tpu.memory_space<hbm>>
          tpu.wait_dma2 semaphore(%run_scoped3A_671 : memref<!tpu.dma_semaphore, #tpu.memory_space<semaphore_mem>>) src(%dma_wait3A_699 : memref<8x128xi32, #tpu.memory_space<hbm>>) dst(%dma_wait3A_696 : memref<8x128xi32, #tpu.memory_space<vmem>>)
          tpu.yield
        }) : () -> ()
      } else {
      }
      %dma_wait3A_518 = arith.constant 1 : i32
      %dma_wait3A_519 = arith.constant 5 : i32
      %dma_wait3A_520 = arith.constant 1 : i32
      %dma_wait3A_521 = arith.constant 0 : i32
      %dma_wait3A_522 = arith.constant 0 : i32
      %dma_wait3A_523 = tpu.memref_slice %arg10[%dma_wait3A_518, %dma_wait3A_521, %dma_wait3A_522] : memref<2x128x128xf32, #tpu.memory_space<vmem>> -> memref<1x128x128xf32, #tpu.memory_space<vmem>>
      %dma_wait3A_524 = tpu.memref_squeeze %dma_wait3A_523 : memref<1x128x128xf32, #tpu.memory_space<vmem>> -> memref<128x128xf32, #tpu.memory_space<vmem>>
      %dma_wait3A_525 = arith.constant 0 : i32
      %dma_wait3A_526 = tpu.memref_slice %arg9[%select_n3A_90, %dma_wait3A_519, %dma_wait3A_525] : memref<2x8x128xi32, #tpu.memory_space<vmem>> -> memref<1x1x128xi32, #tpu.memory_space<vmem>>
      %dma_wait3A_527 = tpu.memref_squeeze %dma_wait3A_526 : memref<1x1x128xi32, #tpu.memory_space<vmem>> -> memref<128xi32, #tpu.memory_space<vmem>>
      %dma_wait3A_528 = arith.constant 0 : i32
      %dma_wait3A_529 = arith.constant 0 : i32
      %dma_wait3A_530 = tpu.memref_slice %arg7[%dma_wait3A_528, %dma_wait3A_529] : memref<10240x128xf32, #tpu.memory_space<vmem_shared>> -> memref<10240x128xf32, #tpu.memory_space<vmem_shared>>
      %dma_wait3A_531 = tpu.memref_slice %arg12[%dma_wait3A_520] : memref<2x!tpu.dma_semaphore, #tpu.memory_space<semaphore_mem>> -> memref<1x!tpu.dma_semaphore, #tpu.memory_space<semaphore_mem>>
      %dma_wait3A_532 = tpu.memref_squeeze %dma_wait3A_531 : memref<1x!tpu.dma_semaphore, #tpu.memory_space<semaphore_mem>> -> memref<!tpu.dma_semaphore, #tpu.memory_space<semaphore_mem>>
      tpu.wait_indirect_dma semaphore(%dma_wait3A_532 : memref<!tpu.dma_semaphore, #tpu.memory_space<semaphore_mem>>) src(%dma_wait3A_524 : memref<128x128xf32, #tpu.memory_space<vmem>>) dst(%dma_wait3A_530 : memref<10240x128xf32, #tpu.memory_space<vmem_shared>>)
      %dma_start3A_533 = arith.constant 7 : i32
      %dma_start3A_534 = arith.constant 1 : i32
      %dma_start3A_535 = arith.constant 1 : i32
      %dma_start3A_536 = arith.constant 0 : i32
      %dma_start3A_537 = arith.constant 0 : i32
      %dma_start3A_538 = tpu.memref_slice %arg10[%dma_start3A_534, %dma_start3A_536, %dma_start3A_537] : memref<2x128x128xf32, #tpu.memory_space<vmem>> -> memref<1x64x128xf32, #tpu.memory_space<vmem>>
      %dma_start3A_539 = tpu.memref_squeeze %dma_start3A_538 : memref<1x64x128xf32, #tpu.memory_space<vmem>> -> memref<64x128xf32, #tpu.memory_space<vmem>>
      %dma_start3A_540 = arith.constant 0 : i32
      %dma_start3A_541 = tpu.memref_slice %arg8[%select_n3A_90, %dma_start3A_533, %dma_start3A_540] : memref<2x8x128xi32, #tpu.memory_space<vmem>> -> memref<1x1x64xi32, #tpu.memory_space<vmem>>
      %dma_start3A_542 = tpu.memref_squeeze %dma_start3A_541 : memref<1x1x64xi32, #tpu.memory_space<vmem>> -> memref<64xi32, #tpu.memory_space<vmem>>
      %dma_start3A_543 = arith.constant 0 : i32
      %dma_start3A_544 = arith.constant 0 : i32
      %dma_start3A_545 = tpu.memref_slice %arg2[%dma_start3A_543, %dma_start3A_544] : memref<10240x128xf32, #tpu.memory_space<hbm>> -> memref<10240x128xf32, #tpu.memory_space<hbm>>
      %dma_start3A_546 = tpu.memref_slice %arg11[%dma_start3A_535] : memref<2x!tpu.dma_semaphore, #tpu.memory_space<semaphore_mem>> -> memref<1x!tpu.dma_semaphore, #tpu.memory_space<semaphore_mem>>
      %dma_start3A_547 = tpu.memref_squeeze %dma_start3A_546 : memref<1x!tpu.dma_semaphore, #tpu.memory_space<semaphore_mem>> -> memref<!tpu.dma_semaphore, #tpu.memory_space<semaphore_mem>>
      tpu.enqueue_indirect_dma source(%dma_start3A_545 : memref<10240x128xf32, #tpu.memory_space<hbm>>) target(%dma_start3A_539 : memref<64x128xf32, #tpu.memory_space<vmem>>) offsets(%dma_start3A_542 : memref<64xi32, #tpu.memory_space<vmem>>) semaphore(%dma_start3A_547 : memref<!tpu.dma_semaphore, #tpu.memory_space<semaphore_mem>>)
      %dma_start3A_548 = arith.constant 7 : i32
      %dma_start3A_549 = arith.constant 1 : i32
      %dma_start3A_550 = arith.constant 1 : i32
      %dma_start3A_551 = arith.constant 64 : i32
      %dma_start3A_552 = arith.constant 0 : i32
      %dma_start3A_553 = tpu.memref_slice %arg10[%dma_start3A_549, %dma_start3A_551, %dma_start3A_552] : memref<2x128x128xf32, #tpu.memory_space<vmem>> -> memref<1x64x128xf32, #tpu.memory_space<vmem>>
      %dma_start3A_554 = tpu.memref_squeeze %dma_start3A_553 : memref<1x64x128xf32, #tpu.memory_space<vmem>> -> memref<64x128xf32, #tpu.memory_space<vmem>>
      %dma_start3A_555 = arith.constant 64 : i32
      %dma_start3A_556 = tpu.memref_slice %arg8[%select_n3A_90, %dma_start3A_548, %dma_start3A_555] : memref<2x8x128xi32, #tpu.memory_space<vmem>> -> memref<1x1x64xi32, #tpu.memory_space<vmem>>
      %dma_start3A_557 = tpu.memref_squeeze %dma_start3A_556 : memref<1x1x64xi32, #tpu.memory_space<vmem>> -> memref<64xi32, #tpu.memory_space<vmem>>
      %dma_start3A_558 = arith.constant 0 : i32
      %dma_start3A_559 = arith.constant 0 : i32
      %dma_start3A_560 = tpu.memref_slice %arg2[%dma_start3A_558, %dma_start3A_559] : memref<10240x128xf32, #tpu.memory_space<hbm>> -> memref<10240x128xf32, #tpu.memory_space<hbm>>
      %dma_start3A_561 = tpu.memref_slice %arg11[%dma_start3A_550] : memref<2x!tpu.dma_semaphore, #tpu.memory_space<semaphore_mem>> -> memref<1x!tpu.dma_semaphore, #tpu.memory_space<semaphore_mem>>
      %dma_start3A_562 = tpu.memref_squeeze %dma_start3A_561 : memref<1x!tpu.dma_semaphore, #tpu.memory_space<semaphore_mem>> -> memref<!tpu.dma_semaphore, #tpu.memory_space<semaphore_mem>>
      tpu.enqueue_indirect_dma source(%dma_start3A_560 : memref<10240x128xf32, #tpu.memory_space<hbm>>) target(%dma_start3A_554 : memref<64x128xf32, #tpu.memory_space<vmem>>) offsets(%dma_start3A_557 : memref<64xi32, #tpu.memory_space<vmem>>) semaphore(%dma_start3A_562 : memref<!tpu.dma_semaphore, #tpu.memory_space<semaphore_mem>>)
      %dma_wait3A_563 = arith.constant 6 : i32
      %dma_wait3A_564 = arith.constant 0 : i32
      %dma_wait3A_565 = arith.constant 0 : i32
      %dma_wait3A_566 = arith.constant 0 : i32
      %dma_wait3A_567 = arith.constant 0 : i32
      %dma_wait3A_568 = tpu.memref_slice %arg10[%dma_wait3A_564, %dma_wait3A_566, %dma_wait3A_567] : memref<2x128x128xf32, #tpu.memory_space<vmem>> -> memref<1x128x128xf32, #tpu.memory_space<vmem>>
      %dma_wait3A_569 = tpu.memref_squeeze %dma_wait3A_568 : memref<1x128x128xf32, #tpu.memory_space<vmem>> -> memref<128x128xf32, #tpu.memory_space<vmem>>
      %dma_wait3A_570 = arith.constant 0 : i32
      %dma_wait3A_571 = tpu.memref_slice %arg8[%select_n3A_90, %dma_wait3A_563, %dma_wait3A_570] : memref<2x8x128xi32, #tpu.memory_space<vmem>> -> memref<1x1x128xi32, #tpu.memory_space<vmem>>
      %dma_wait3A_572 = tpu.memref_squeeze %dma_wait3A_571 : memref<1x1x128xi32, #tpu.memory_space<vmem>> -> memref<128xi32, #tpu.memory_space<vmem>>
      %dma_wait3A_573 = arith.constant 0 : i32
      %dma_wait3A_574 = arith.constant 0 : i32
      %dma_wait3A_575 = tpu.memref_slice %arg2[%dma_wait3A_573, %dma_wait3A_574] : memref<10240x128xf32, #tpu.memory_space<hbm>> -> memref<10240x128xf32, #tpu.memory_space<hbm>>
      %dma_wait3A_576 = tpu.memref_slice %arg11[%dma_wait3A_565] : memref<2x!tpu.dma_semaphore, #tpu.memory_space<semaphore_mem>> -> memref<1x!tpu.dma_semaphore, #tpu.memory_space<semaphore_mem>>
      %dma_wait3A_577 = tpu.memref_squeeze %dma_wait3A_576 : memref<1x!tpu.dma_semaphore, #tpu.memory_space<semaphore_mem>> -> memref<!tpu.dma_semaphore, #tpu.memory_space<semaphore_mem>>
      tpu.wait_indirect_dma semaphore(%dma_wait3A_577 : memref<!tpu.dma_semaphore, #tpu.memory_space<semaphore_mem>>) src(%dma_wait3A_575 : memref<10240x128xf32, #tpu.memory_space<hbm>>) dst(%dma_wait3A_569 : memref<128x128xf32, #tpu.memory_space<vmem>>)
      %dma_start3A_578 = arith.constant 0 : i32
      %dma_start3A_579 = arith.constant 6 : i32
      %dma_start3A_580 = arith.constant 0 : i32
      %dma_start3A_581 = arith.constant 0 : i32
      %dma_start3A_582 = arith.constant 0 : i32
      %dma_start3A_583 = tpu.memref_slice %arg10[%dma_start3A_578, %dma_start3A_581, %dma_start3A_582] : memref<2x128x128xf32, #tpu.memory_space<vmem>> -> memref<1x128x128xf32, #tpu.memory_space<vmem>>
      %dma_start3A_584 = tpu.memref_squeeze %dma_start3A_583 : memref<1x128x128xf32, #tpu.memory_space<vmem>> -> memref<128x128xf32, #tpu.memory_space<vmem>>
      %dma_start3A_585 = arith.constant 0 : i32
      %dma_start3A_586 = tpu.memref_slice %arg9[%select_n3A_90, %dma_start3A_579, %dma_start3A_585] : memref<2x8x128xi32, #tpu.memory_space<vmem>> -> memref<1x1x128xi32, #tpu.memory_space<vmem>>
      %dma_start3A_587 = tpu.memref_squeeze %dma_start3A_586 : memref<1x1x128xi32, #tpu.memory_space<vmem>> -> memref<128xi32, #tpu.memory_space<vmem>>
      %dma_start3A_588 = arith.constant 0 : i32
      %dma_start3A_589 = arith.constant 0 : i32
      %dma_start3A_590 = tpu.memref_slice %arg7[%dma_start3A_588, %dma_start3A_589] : memref<10240x128xf32, #tpu.memory_space<vmem_shared>> -> memref<10240x128xf32, #tpu.memory_space<vmem_shared>>
      %dma_start3A_591 = tpu.memref_slice %arg12[%dma_start3A_580] : memref<2x!tpu.dma_semaphore, #tpu.memory_space<semaphore_mem>> -> memref<1x!tpu.dma_semaphore, #tpu.memory_space<semaphore_mem>>
      %dma_start3A_592 = tpu.memref_squeeze %dma_start3A_591 : memref<1x!tpu.dma_semaphore, #tpu.memory_space<semaphore_mem>> -> memref<!tpu.dma_semaphore, #tpu.memory_space<semaphore_mem>>
      tpu.enqueue_indirect_dma source(%dma_start3A_584 : memref<128x128xf32, #tpu.memory_space<vmem>>) target(%dma_start3A_590 : memref<10240x128xf32, #tpu.memory_space<vmem_shared>>) offsets(%dma_start3A_587 : memref<128xi32, #tpu.memory_space<vmem>>) semaphore(%dma_start3A_592 : memref<!tpu.dma_semaphore, #tpu.memory_space<semaphore_mem>>) {add = true}
      %dma_wait3A_593 = arith.constant 0 : i32
      %dma_wait3A_594 = arith.constant 6 : i32
      %dma_wait3A_595 = arith.constant 0 : i32
      %dma_wait3A_596 = arith.constant 0 : i32
      %dma_wait3A_597 = arith.constant 0 : i32
      %dma_wait3A_598 = tpu.memref_slice %arg10[%dma_wait3A_593, %dma_wait3A_596, %dma_wait3A_597] : memref<2x128x128xf32, #tpu.memory_space<vmem>> -> memref<1x128x128xf32, #tpu.memory_space<vmem>>
      %dma_wait3A_599 = tpu.memref_squeeze %dma_wait3A_598 : memref<1x128x128xf32, #tpu.memory_space<vmem>> -> memref<128x128xf32, #tpu.memory_space<vmem>>
      %dma_wait3A_600 = arith.constant 0 : i32
      %dma_wait3A_601 = tpu.memref_slice %arg9[%select_n3A_90, %dma_wait3A_594, %dma_wait3A_600] : memref<2x8x128xi32, #tpu.memory_space<vmem>> -> memref<1x1x128xi32, #tpu.memory_space<vmem>>
      %dma_wait3A_602 = tpu.memref_squeeze %dma_wait3A_601 : memref<1x1x128xi32, #tpu.memory_space<vmem>> -> memref<128xi32, #tpu.memory_space<vmem>>
      %dma_wait3A_603 = arith.constant 0 : i32
      %dma_wait3A_604 = arith.constant 0 : i32
      %dma_wait3A_605 = tpu.memref_slice %arg7[%dma_wait3A_603, %dma_wait3A_604] : memref<10240x128xf32, #tpu.memory_space<vmem_shared>> -> memref<10240x128xf32, #tpu.memory_space<vmem_shared>>
      %dma_wait3A_606 = tpu.memref_slice %arg12[%dma_wait3A_595] : memref<2x!tpu.dma_semaphore, #tpu.memory_space<semaphore_mem>> -> memref<1x!tpu.dma_semaphore, #tpu.memory_space<semaphore_mem>>
      %dma_wait3A_607 = tpu.memref_squeeze %dma_wait3A_606 : memref<1x!tpu.dma_semaphore, #tpu.memory_space<semaphore_mem>> -> memref<!tpu.dma_semaphore, #tpu.memory_space<semaphore_mem>>
      tpu.wait_indirect_dma semaphore(%dma_wait3A_607 : memref<!tpu.dma_semaphore, #tpu.memory_space<semaphore_mem>>) src(%dma_wait3A_599 : memref<128x128xf32, #tpu.memory_space<vmem>>) dst(%dma_wait3A_605 : memref<10240x128xf32, #tpu.memory_space<vmem_shared>>)
      %lt3A_608 = arith.constant 9 : i32
      %lt3A_609 = arith.cmpi slt, %scan3A_80, %lt3A_608 : i32
      %convert_element_type3A_610 = arith.extui %lt3A_609 : i1 to i32
      %cond3A_611 = arith.constant 0 : i32
      %cond3A_612 = arith.cmpi ne, %convert_element_type3A_610, %cond3A_611 : i32
      scf.if %cond3A_612 {
        %dma_start3A_663 = arith.constant 0 : i32
        %dma_start3A_664 = arith.constant 0 : i32
        %dma_start3A_665 = arith.constant 0 : i32
        %dma_start3A_666 = arith.constant 0 : i32
        %dma_start3A_667 = arith.constant 0 : i32
        %dma_start3A_668 = tpu.memref_slice %arg10[%dma_start3A_664, %dma_start3A_666, %dma_start3A_667] : memref<2x128x128xf32, #tpu.memory_space<vmem>> -> memref<1x64x128xf32, #tpu.memory_space<vmem>>
        %dma_start3A_669 = tpu.memref_squeeze %dma_start3A_668 : memref<1x64x128xf32, #tpu.memory_space<vmem>> -> memref<64x128xf32, #tpu.memory_space<vmem>>
        %dma_start3A_670 = arith.constant 0 : i32
        %dma_start3A_671 = tpu.memref_slice %arg8[%select_n3A_108, %dma_start3A_663, %dma_start3A_670] : memref<2x8x128xi32, #tpu.memory_space<vmem>> -> memref<1x1x64xi32, #tpu.memory_space<vmem>>
        %dma_start3A_672 = tpu.memref_squeeze %dma_start3A_671 : memref<1x1x64xi32, #tpu.memory_space<vmem>> -> memref<64xi32, #tpu.memory_space<vmem>>
        %dma_start3A_673 = arith.constant 0 : i32
        %dma_start3A_674 = arith.constant 0 : i32
        %dma_start3A_675 = tpu.memref_slice %arg2[%dma_start3A_673, %dma_start3A_674] : memref<10240x128xf32, #tpu.memory_space<hbm>> -> memref<10240x128xf32, #tpu.memory_space<hbm>>
        %dma_start3A_676 = tpu.memref_slice %arg11[%dma_start3A_665] : memref<2x!tpu.dma_semaphore, #tpu.memory_space<semaphore_mem>> -> memref<1x!tpu.dma_semaphore, #tpu.memory_space<semaphore_mem>>
        %dma_start3A_677 = tpu.memref_squeeze %dma_start3A_676 : memref<1x!tpu.dma_semaphore, #tpu.memory_space<semaphore_mem>> -> memref<!tpu.dma_semaphore, #tpu.memory_space<semaphore_mem>>
        tpu.enqueue_indirect_dma source(%dma_start3A_675 : memref<10240x128xf32, #tpu.memory_space<hbm>>) target(%dma_start3A_669 : memref<64x128xf32, #tpu.memory_space<vmem>>) offsets(%dma_start3A_672 : memref<64xi32, #tpu.memory_space<vmem>>) semaphore(%dma_start3A_677 : memref<!tpu.dma_semaphore, #tpu.memory_space<semaphore_mem>>)
        %dma_start3A_678 = arith.constant 0 : i32
        %dma_start3A_679 = arith.constant 0 : i32
        %dma_start3A_680 = arith.constant 0 : i32
        %dma_start3A_681 = arith.constant 64 : i32
        %dma_start3A_682 = arith.constant 0 : i32
        %dma_start3A_683 = tpu.memref_slice %arg10[%dma_start3A_679, %dma_start3A_681, %dma_start3A_682] : memref<2x128x128xf32, #tpu.memory_space<vmem>> -> memref<1x64x128xf32, #tpu.memory_space<vmem>>
        %dma_start3A_684 = tpu.memref_squeeze %dma_start3A_683 : memref<1x64x128xf32, #tpu.memory_space<vmem>> -> memref<64x128xf32, #tpu.memory_space<vmem>>
        %dma_start3A_685 = arith.constant 64 : i32
        %dma_start3A_686 = tpu.memref_slice %arg8[%select_n3A_108, %dma_start3A_678, %dma_start3A_685] : memref<2x8x128xi32, #tpu.memory_space<vmem>> -> memref<1x1x64xi32, #tpu.memory_space<vmem>>
        %dma_start3A_687 = tpu.memref_squeeze %dma_start3A_686 : memref<1x1x64xi32, #tpu.memory_space<vmem>> -> memref<64xi32, #tpu.memory_space<vmem>>
        %dma_start3A_688 = arith.constant 0 : i32
        %dma_start3A_689 = arith.constant 0 : i32
        %dma_start3A_690 = tpu.memref_slice %arg2[%dma_start3A_688, %dma_start3A_689] : memref<10240x128xf32, #tpu.memory_space<hbm>> -> memref<10240x128xf32, #tpu.memory_space<hbm>>
        %dma_start3A_691 = tpu.memref_slice %arg11[%dma_start3A_680] : memref<2x!tpu.dma_semaphore, #tpu.memory_space<semaphore_mem>> -> memref<1x!tpu.dma_semaphore, #tpu.memory_space<semaphore_mem>>
        %dma_start3A_692 = tpu.memref_squeeze %dma_start3A_691 : memref<1x!tpu.dma_semaphore, #tpu.memory_space<semaphore_mem>> -> memref<!tpu.dma_semaphore, #tpu.memory_space<semaphore_mem>>
        tpu.enqueue_indirect_dma source(%dma_start3A_690 : memref<10240x128xf32, #tpu.memory_space<hbm>>) target(%dma_start3A_684 : memref<64x128xf32, #tpu.memory_space<vmem>>) offsets(%dma_start3A_687 : memref<64xi32, #tpu.memory_space<vmem>>) semaphore(%dma_start3A_692 : memref<!tpu.dma_semaphore, #tpu.memory_space<semaphore_mem>>)
      } else {
      }
      %dma_wait3A_613 = arith.constant 7 : i32
      %dma_wait3A_614 = arith.constant 1 : i32
      %dma_wait3A_615 = arith.constant 1 : i32
      %dma_wait3A_616 = arith.constant 0 : i32
      %dma_wait3A_617 = arith.constant 0 : i32
      %dma_wait3A_618 = tpu.memref_slice %arg10[%dma_wait3A_614, %dma_wait3A_616, %dma_wait3A_617] : memref<2x128x128xf32, #tpu.memory_space<vmem>> -> memref<1x128x128xf32, #tpu.memory_space<vmem>>
      %dma_wait3A_619 = tpu.memref_squeeze %dma_wait3A_618 : memref<1x128x128xf32, #tpu.memory_space<vmem>> -> memref<128x128xf32, #tpu.memory_space<vmem>>
      %dma_wait3A_620 = arith.constant 0 : i32
      %dma_wait3A_621 = tpu.memref_slice %arg8[%select_n3A_90, %dma_wait3A_613, %dma_wait3A_620] : memref<2x8x128xi32, #tpu.memory_space<vmem>> -> memref<1x1x128xi32, #tpu.memory_space<vmem>>
      %dma_wait3A_622 = tpu.memref_squeeze %dma_wait3A_621 : memref<1x1x128xi32, #tpu.memory_space<vmem>> -> memref<128xi32, #tpu.memory_space<vmem>>
      %dma_wait3A_623 = arith.constant 0 : i32
      %dma_wait3A_624 = arith.constant 0 : i32
      %dma_wait3A_625 = tpu.memref_slice %arg2[%dma_wait3A_623, %dma_wait3A_624] : memref<10240x128xf32, #tpu.memory_space<hbm>> -> memref<10240x128xf32, #tpu.memory_space<hbm>>
      %dma_wait3A_626 = tpu.memref_slice %arg11[%dma_wait3A_615] : memref<2x!tpu.dma_semaphore, #tpu.memory_space<semaphore_mem>> -> memref<1x!tpu.dma_semaphore, #tpu.memory_space<semaphore_mem>>
      %dma_wait3A_627 = tpu.memref_squeeze %dma_wait3A_626 : memref<1x!tpu.dma_semaphore, #tpu.memory_space<semaphore_mem>> -> memref<!tpu.dma_semaphore, #tpu.memory_space<semaphore_mem>>
      tpu.wait_indirect_dma semaphore(%dma_wait3A_627 : memref<!tpu.dma_semaphore, #tpu.memory_space<semaphore_mem>>) src(%dma_wait3A_625 : memref<10240x128xf32, #tpu.memory_space<hbm>>) dst(%dma_wait3A_619 : memref<128x128xf32, #tpu.memory_space<vmem>>)
      %dma_start3A_628 = arith.constant 1 : i32
      %dma_start3A_629 = arith.constant 7 : i32
      %dma_start3A_630 = arith.constant 1 : i32
      %dma_start3A_631 = arith.constant 0 : i32
      %dma_start3A_632 = arith.constant 0 : i32
      %dma_start3A_633 = tpu.memref_slice %arg10[%dma_start3A_628, %dma_start3A_631, %dma_start3A_632] : memref<2x128x128xf32, #tpu.memory_space<vmem>> -> memref<1x128x128xf32, #tpu.memory_space<vmem>>
      %dma_start3A_634 = tpu.memref_squeeze %dma_start3A_633 : memref<1x128x128xf32, #tpu.memory_space<vmem>> -> memref<128x128xf32, #tpu.memory_space<vmem>>
      %dma_start3A_635 = arith.constant 0 : i32
      %dma_start3A_636 = tpu.memref_slice %arg9[%select_n3A_90, %dma_start3A_629, %dma_start3A_635] : memref<2x8x128xi32, #tpu.memory_space<vmem>> -> memref<1x1x128xi32, #tpu.memory_space<vmem>>
      %dma_start3A_637 = tpu.memref_squeeze %dma_start3A_636 : memref<1x1x128xi32, #tpu.memory_space<vmem>> -> memref<128xi32, #tpu.memory_space<vmem>>
      %dma_start3A_638 = arith.constant 0 : i32
      %dma_start3A_639 = arith.constant 0 : i32
      %dma_start3A_640 = tpu.memref_slice %arg7[%dma_start3A_638, %dma_start3A_639] : memref<10240x128xf32, #tpu.memory_space<vmem_shared>> -> memref<10240x128xf32, #tpu.memory_space<vmem_shared>>
      %dma_start3A_641 = tpu.memref_slice %arg12[%dma_start3A_630] : memref<2x!tpu.dma_semaphore, #tpu.memory_space<semaphore_mem>> -> memref<1x!tpu.dma_semaphore, #tpu.memory_space<semaphore_mem>>
      %dma_start3A_642 = tpu.memref_squeeze %dma_start3A_641 : memref<1x!tpu.dma_semaphore, #tpu.memory_space<semaphore_mem>> -> memref<!tpu.dma_semaphore, #tpu.memory_space<semaphore_mem>>
      tpu.enqueue_indirect_dma source(%dma_start3A_634 : memref<128x128xf32, #tpu.memory_space<vmem>>) target(%dma_start3A_640 : memref<10240x128xf32, #tpu.memory_space<vmem_shared>>) offsets(%dma_start3A_637 : memref<128xi32, #tpu.memory_space<vmem>>) semaphore(%dma_start3A_642 : memref<!tpu.dma_semaphore, #tpu.memory_space<semaphore_mem>>) {add = true}
      %dma_wait3A_643 = arith.constant 1 : i32
      %dma_wait3A_644 = arith.constant 7 : i32
      %dma_wait3A_645 = arith.constant 1 : i32
      %dma_wait3A_646 = arith.constant 0 : i32
      %dma_wait3A_647 = arith.constant 0 : i32
      %dma_wait3A_648 = tpu.memref_slice %arg10[%dma_wait3A_643, %dma_wait3A_646, %dma_wait3A_647] : memref<2x128x128xf32, #tpu.memory_space<vmem>> -> memref<1x128x128xf32, #tpu.memory_space<vmem>>
      %dma_wait3A_649 = tpu.memref_squeeze %dma_wait3A_648 : memref<1x128x128xf32, #tpu.memory_space<vmem>> -> memref<128x128xf32, #tpu.memory_space<vmem>>
      %dma_wait3A_650 = arith.constant 0 : i32
      %dma_wait3A_651 = tpu.memref_slice %arg9[%select_n3A_90, %dma_wait3A_644, %dma_wait3A_650] : memref<2x8x128xi32, #tpu.memory_space<vmem>> -> memref<1x1x128xi32, #tpu.memory_space<vmem>>
      %dma_wait3A_652 = tpu.memref_squeeze %dma_wait3A_651 : memref<1x1x128xi32, #tpu.memory_space<vmem>> -> memref<128xi32, #tpu.memory_space<vmem>>
      %dma_wait3A_653 = arith.constant 0 : i32
      %dma_wait3A_654 = arith.constant 0 : i32
      %dma_wait3A_655 = tpu.memref_slice %arg7[%dma_wait3A_653, %dma_wait3A_654] : memref<10240x128xf32, #tpu.memory_space<vmem_shared>> -> memref<10240x128xf32, #tpu.memory_space<vmem_shared>>
      %dma_wait3A_656 = tpu.memref_slice %arg12[%dma_wait3A_645] : memref<2x!tpu.dma_semaphore, #tpu.memory_space<semaphore_mem>> -> memref<1x!tpu.dma_semaphore, #tpu.memory_space<semaphore_mem>>
      %dma_wait3A_657 = tpu.memref_squeeze %dma_wait3A_656 : memref<1x!tpu.dma_semaphore, #tpu.memory_space<semaphore_mem>> -> memref<!tpu.dma_semaphore, #tpu.memory_space<semaphore_mem>>
      tpu.wait_indirect_dma semaphore(%dma_wait3A_657 : memref<!tpu.dma_semaphore, #tpu.memory_space<semaphore_mem>>) src(%dma_wait3A_649 : memref<128x128xf32, #tpu.memory_space<vmem>>) dst(%dma_wait3A_655 : memref<10240x128xf32, #tpu.memory_space<vmem_shared>>)
      %lt3A_658 = arith.constant 9 : i32
      %lt3A_659 = arith.cmpi slt, %scan3A_80, %lt3A_658 : i32
      %convert_element_type3A_660 = arith.extui %lt3A_659 : i1 to i32
      %cond3A_661 = arith.constant 0 : i32
      %cond3A_662 = arith.cmpi ne, %convert_element_type3A_660, %cond3A_661 : i32
      scf.if %cond3A_662 {
        %dma_start3A_663 = arith.constant 1 : i32
        %dma_start3A_664 = arith.constant 1 : i32
        %dma_start3A_665 = arith.constant 1 : i32
        %dma_start3A_666 = arith.constant 0 : i32
        %dma_start3A_667 = arith.constant 0 : i32
        %dma_start3A_668 = tpu.memref_slice %arg10[%dma_start3A_664, %dma_start3A_666, %dma_start3A_667] : memref<2x128x128xf32, #tpu.memory_space<vmem>> -> memref<1x64x128xf32, #tpu.memory_space<vmem>>
        %dma_start3A_669 = tpu.memref_squeeze %dma_start3A_668 : memref<1x64x128xf32, #tpu.memory_space<vmem>> -> memref<64x128xf32, #tpu.memory_space<vmem>>
        %dma_start3A_670 = arith.constant 0 : i32
        %dma_start3A_671 = tpu.memref_slice %arg8[%select_n3A_108, %dma_start3A_663, %dma_start3A_670] : memref<2x8x128xi32, #tpu.memory_space<vmem>> -> memref<1x1x64xi32, #tpu.memory_space<vmem>>
        %dma_start3A_672 = tpu.memref_squeeze %dma_start3A_671 : memref<1x1x64xi32, #tpu.memory_space<vmem>> -> memref<64xi32, #tpu.memory_space<vmem>>
        %dma_start3A_673 = arith.constant 0 : i32
        %dma_start3A_674 = arith.constant 0 : i32
        %dma_start3A_675 = tpu.memref_slice %arg2[%dma_start3A_673, %dma_start3A_674] : memref<10240x128xf32, #tpu.memory_space<hbm>> -> memref<10240x128xf32, #tpu.memory_space<hbm>>
        %dma_start3A_676 = tpu.memref_slice %arg11[%dma_start3A_665] : memref<2x!tpu.dma_semaphore, #tpu.memory_space<semaphore_mem>> -> memref<1x!tpu.dma_semaphore, #tpu.memory_space<semaphore_mem>>
        %dma_start3A_677 = tpu.memref_squeeze %dma_start3A_676 : memref<1x!tpu.dma_semaphore, #tpu.memory_space<semaphore_mem>> -> memref<!tpu.dma_semaphore, #tpu.memory_space<semaphore_mem>>
        tpu.enqueue_indirect_dma source(%dma_start3A_675 : memref<10240x128xf32, #tpu.memory_space<hbm>>) target(%dma_start3A_669 : memref<64x128xf32, #tpu.memory_space<vmem>>) offsets(%dma_start3A_672 : memref<64xi32, #tpu.memory_space<vmem>>) semaphore(%dma_start3A_677 : memref<!tpu.dma_semaphore, #tpu.memory_space<semaphore_mem>>)
        %dma_start3A_678 = arith.constant 1 : i32
        %dma_start3A_679 = arith.constant 1 : i32
        %dma_start3A_680 = arith.constant 1 : i32
        %dma_start3A_681 = arith.constant 64 : i32
        %dma_start3A_682 = arith.constant 0 : i32
        %dma_start3A_683 = tpu.memref_slice %arg10[%dma_start3A_679, %dma_start3A_681, %dma_start3A_682] : memref<2x128x128xf32, #tpu.memory_space<vmem>> -> memref<1x64x128xf32, #tpu.memory_space<vmem>>
        %dma_start3A_684 = tpu.memref_squeeze %dma_start3A_683 : memref<1x64x128xf32, #tpu.memory_space<vmem>> -> memref<64x128xf32, #tpu.memory_space<vmem>>
        %dma_start3A_685 = arith.constant 64 : i32
        %dma_start3A_686 = tpu.memref_slice %arg8[%select_n3A_108, %dma_start3A_678, %dma_start3A_685] : memref<2x8x128xi32, #tpu.memory_space<vmem>> -> memref<1x1x64xi32, #tpu.memory_space<vmem>>
        %dma_start3A_687 = tpu.memref_squeeze %dma_start3A_686 : memref<1x1x64xi32, #tpu.memory_space<vmem>> -> memref<64xi32, #tpu.memory_space<vmem>>
        %dma_start3A_688 = arith.constant 0 : i32
        %dma_start3A_689 = arith.constant 0 : i32
        %dma_start3A_690 = tpu.memref_slice %arg2[%dma_start3A_688, %dma_start3A_689] : memref<10240x128xf32, #tpu.memory_space<hbm>> -> memref<10240x128xf32, #tpu.memory_space<hbm>>
        %dma_start3A_691 = tpu.memref_slice %arg11[%dma_start3A_680] : memref<2x!tpu.dma_semaphore, #tpu.memory_space<semaphore_mem>> -> memref<1x!tpu.dma_semaphore, #tpu.memory_space<semaphore_mem>>
        %dma_start3A_692 = tpu.memref_squeeze %dma_start3A_691 : memref<1x!tpu.dma_semaphore, #tpu.memory_space<semaphore_mem>> -> memref<!tpu.dma_semaphore, #tpu.memory_space<semaphore_mem>>
        tpu.enqueue_indirect_dma source(%dma_start3A_690 : memref<10240x128xf32, #tpu.memory_space<hbm>>) target(%dma_start3A_684 : memref<64x128xf32, #tpu.memory_space<vmem>>) offsets(%dma_start3A_687 : memref<64xi32, #tpu.memory_space<vmem>>) semaphore(%dma_start3A_692 : memref<!tpu.dma_semaphore, #tpu.memory_space<semaphore_mem>>)
      } else {
      }
    }
    %scan3A_78 = arith.constant 10 : i32
    %barrier3A_79 = arith.constant 0 : index
    tpu.barrier barrier_id(%barrier3A_79)
    "tpu.region"() ({
      %run_scoped3A_80 = tpu.sem_alloc : memref<!tpu.dma_semaphore, #tpu.memory_space<semaphore_mem>>
      %dma_start3A_81 = arith.constant 0 : i32
      %dma_start3A_82 = tpu.memref_slice %arg6[%arg0, %mul3A_2, %dma_start3A_81] : memref<2x10240x128xf32, #tpu.memory_space<hbm>> -> memref<1x640x128xf32, #tpu.memory_space<hbm>>
      %dma_start3A_83 = tpu.memref_squeeze %dma_start3A_82 : memref<1x640x128xf32, #tpu.memory_space<hbm>> -> memref<640x128xf32, #tpu.memory_space<hbm>>
      %dma_start3A_84 = arith.constant 0 : i32
      %dma_start3A_85 = tpu.memref_slice %arg7[%mul3A_2, %dma_start3A_84] : memref<10240x128xf32, #tpu.memory_space<vmem_shared>> -> memref<640x128xf32, #tpu.memory_space<vmem_shared>>
      tpu.enqueue_dma source(%dma_start3A_85 : memref<640x128xf32, #tpu.memory_space<vmem_shared>>) target(%dma_start3A_83 : memref<640x128xf32, #tpu.memory_space<hbm>>) target_semaphore(%run_scoped3A_80 : memref<!tpu.dma_semaphore, #tpu.memory_space<semaphore_mem>>)
      %dma_wait3A = arith.constant 0 : i32
      %dma_wait3A_86 = tpu.memref_slice %arg6[%arg0, %mul3A_2, %dma_wait3A] : memref<2x10240x128xf32, #tpu.memory_space<hbm>> -> memref<1x640x128xf32, #tpu.memory_space<hbm>>
      %dma_wait3A_87 = tpu.memref_squeeze %dma_wait3A_86 : memref<1x640x128xf32, #tpu.memory_space<hbm>> -> memref<640x128xf32, #tpu.memory_space<hbm>>
      %dma_wait3A_88 = arith.constant 0 : i32
      %dma_wait3A_89 = tpu.memref_slice %arg7[%mul3A_2, %dma_wait3A_88] : memref<10240x128xf32, #tpu.memory_space<vmem_shared>> -> memref<640x128xf32, #tpu.memory_space<vmem_shared>>
      tpu.wait_dma2 semaphore(%run_scoped3A_80 : memref<!tpu.dma_semaphore, #tpu.memory_space<semaphore_mem>>) src(%dma_wait3A_89 : memref<640x128xf32, #tpu.memory_space<vmem_shared>>) dst(%dma_wait3A_87 : memref<640x128xf32, #tpu.memory_space<hbm>>)
      tpu.yield
    }) : () -> ()
    return
  }
}

#map = affine_map<(d0, d1) -> (0, 0)>
#map1 = affine_map<(d0, d1) -> (0, 0, 0)>
module attributes {stable_mosaic.version = 14 : i64} {
  func.func @_edge_body(%arg0: i32, %arg1: i32, %arg2: memref<10240x128xf32, #tpu.memory_space<hbm>>, %arg3: memref<32x80x128xi32, #tpu.memory_space<hbm>>, %arg4: memref<32x80x128xi32, #tpu.memory_space<hbm>>, %arg5: memref<10240x128xf32, #tpu.memory_space<hbm>>, %arg6: memref<2x10240x128xf32, #tpu.memory_space<hbm>>, %arg7: memref<10240x128xf32, #tpu.memory_space<vmem_shared>>, %arg8: memref<2x8x128xi32, #tpu.memory_space<vmem>>, %arg9: memref<2x8x128xi32, #tpu.memory_space<vmem>>, %arg10: memref<2x128x128xf32, #tpu.memory_space<vmem>>, %arg11: memref<2x!tpu.dma_semaphore, #tpu.memory_space<semaphore_mem>>, %arg12: memref<2x!tpu.dma_semaphore, #tpu.memory_space<semaphore_mem>>) attributes {dimension_semantics = [#tpu.dimension_semantics<core_parallel>, #tpu.dimension_semantics<subcore_parallel>], iteration_bounds = array<i64: 2, 16>, scalar_prefetch = 0 : i64, scratch_operands = 6 : i64, tpu.core_type = #tpu.core_type<sc_vector_subcore>, window_params = [{transform_indices = #map}, {transform_indices = #map1}, {transform_indices = #map1}, {transform_indices = #map}, {transform_indices = #map1}]} {
    %mul3A = arith.constant 16 : i32
    %mul3A_0 = arith.muli %arg0, %mul3A : i32
    %add3A = arith.addi %mul3A_0, %arg1 : i32
    %mul3A_1 = arith.constant 640 : i32
    %mul3A_2 = arith.muli %arg1, %mul3A_1 : i32
    %eq3A = arith.constant 0 : i32
    %eq3A_3 = arith.cmpi eq, %arg0, %eq3A : i32
    %convert_element_type3A = arith.extui %eq3A_3 : i1 to i32
    %cond3A = arith.constant 0 : i32
    %cond3A_4 = arith.cmpi ne, %convert_element_type3A, %cond3A : i32
    scf.if %cond3A_4 {
      "tpu.region"() ({
        %run_scoped3A_80 = tpu.sem_alloc : memref<!tpu.dma_semaphore, #tpu.memory_space<semaphore_mem>>
        %dma_start3A_81 = arith.constant 0 : i32
        %dma_start3A_82 = tpu.memref_slice %arg7[%mul3A_2, %dma_start3A_81] : memref<10240x128xf32, #tpu.memory_space<vmem_shared>> -> memref<640x128xf32, #tpu.memory_space<vmem_shared>>
        %dma_start3A_83 = arith.constant 0 : i32
        %dma_start3A_84 = tpu.memref_slice %arg2[%mul3A_2, %dma_start3A_83] : memref<10240x128xf32, #tpu.memory_space<hbm>> -> memref<640x128xf32, #tpu.memory_space<hbm>>
        tpu.enqueue_dma source(%dma_start3A_84 : memref<640x128xf32, #tpu.memory_space<hbm>>) target(%dma_start3A_82 : memref<640x128xf32, #tpu.memory_space<vmem_shared>>) target_semaphore(%run_scoped3A_80 : memref<!tpu.dma_semaphore, #tpu.memory_space<semaphore_mem>>)
        %dma_wait3A = arith.constant 0 : i32
        %dma_wait3A_85 = tpu.memref_slice %arg7[%mul3A_2, %dma_wait3A] : memref<10240x128xf32, #tpu.memory_space<vmem_shared>> -> memref<640x128xf32, #tpu.memory_space<vmem_shared>>
        %dma_wait3A_86 = arith.constant 0 : i32
        %dma_wait3A_87 = tpu.memref_slice %arg2[%mul3A_2, %dma_wait3A_86] : memref<10240x128xf32, #tpu.memory_space<hbm>> -> memref<640x128xf32, #tpu.memory_space<hbm>>
        tpu.wait_dma2 semaphore(%run_scoped3A_80 : memref<!tpu.dma_semaphore, #tpu.memory_space<semaphore_mem>>) src(%dma_wait3A_87 : memref<640x128xf32, #tpu.memory_space<hbm>>) dst(%dma_wait3A_85 : memref<640x128xf32, #tpu.memory_space<vmem_shared>>)
        tpu.yield
      }) : () -> ()
    } else {
    }
    %eq3A_5 = arith.constant 1 : i32
    %eq3A_6 = arith.cmpi eq, %arg0, %eq3A_5 : i32
    %convert_element_type3A_7 = arith.extui %eq3A_6 : i1 to i32
    %cond3A_8 = arith.constant 0 : i32
    %cond3A_9 = arith.cmpi ne, %convert_element_type3A_7, %cond3A_8 : i32
    scf.if %cond3A_9 {
      "tpu.region"() ({
        %run_scoped3A_80 = tpu.sem_alloc : memref<!tpu.dma_semaphore, #tpu.memory_space<semaphore_mem>>
        %dma_start3A_81 = arith.constant 0 : i32
        %dma_start3A_82 = tpu.memref_slice %arg7[%mul3A_2, %dma_start3A_81] : memref<10240x128xf32, #tpu.memory_space<vmem_shared>> -> memref<640x128xf32, #tpu.memory_space<vmem_shared>>
        %dma_start3A_83 = arith.constant 0 : i32
        %dma_start3A_84 = tpu.memref_slice %arg5[%mul3A_2, %dma_start3A_83] : memref<10240x128xf32, #tpu.memory_space<hbm>> -> memref<640x128xf32, #tpu.memory_space<hbm>>
        tpu.enqueue_dma source(%dma_start3A_84 : memref<640x128xf32, #tpu.memory_space<hbm>>) target(%dma_start3A_82 : memref<640x128xf32, #tpu.memory_space<vmem_shared>>) target_semaphore(%run_scoped3A_80 : memref<!tpu.dma_semaphore, #tpu.memory_space<semaphore_mem>>)
        %dma_wait3A = arith.constant 0 : i32
        %dma_wait3A_85 = tpu.memref_slice %arg7[%mul3A_2, %dma_wait3A] : memref<10240x128xf32, #tpu.memory_space<vmem_shared>> -> memref<640x128xf32, #tpu.memory_space<vmem_shared>>
        %dma_wait3A_86 = arith.constant 0 : i32
        %dma_wait3A_87 = tpu.memref_slice %arg5[%mul3A_2, %dma_wait3A_86] : memref<10240x128xf32, #tpu.memory_space<hbm>> -> memref<640x128xf32, #tpu.memory_space<hbm>>
        tpu.wait_dma2 semaphore(%run_scoped3A_80 : memref<!tpu.dma_semaphore, #tpu.memory_space<semaphore_mem>>) src(%dma_wait3A_87 : memref<640x128xf32, #tpu.memory_space<hbm>>) dst(%dma_wait3A_85 : memref<640x128xf32, #tpu.memory_space<vmem_shared>>)
        tpu.yield
      }) : () -> ()
    } else {
    }
    %barrier3A = arith.constant 0 : index
    tpu.barrier barrier_id(%barrier3A)
    %run_scoped3A = arith.constant 0 : i32
    "tpu.region"() ({
      %run_scoped3A_80 = tpu.sem_alloc : memref<!tpu.dma_semaphore, #tpu.memory_space<semaphore_mem>>
      %dma_start3A_81 = arith.constant 0 : i32
      %dma_start3A_82 = arith.constant 0 : i32
      %dma_start3A_83 = tpu.memref_slice %arg8[%run_scoped3A, %dma_start3A_81, %dma_start3A_82] : memref<2x8x128xi32, #tpu.memory_space<vmem>> -> memref<1x8x128xi32, #tpu.memory_space<vmem>>
      %dma_start3A_84 = tpu.memref_squeeze %dma_start3A_83 : memref<1x8x128xi32, #tpu.memory_space<vmem>> -> memref<8x128xi32, #tpu.memory_space<vmem>>
      %dma_start3A_85 = arith.constant 0 : i32
      %dma_start3A_86 = arith.constant 0 : i32
      %dma_start3A_87 = tpu.memref_slice %arg3[%add3A, %dma_start3A_85, %dma_start3A_86] : memref<32x80x128xi32, #tpu.memory_space<hbm>> -> memref<1x8x128xi32, #tpu.memory_space<hbm>>
      %dma_start3A_88 = tpu.memref_squeeze %dma_start3A_87 : memref<1x8x128xi32, #tpu.memory_space<hbm>> -> memref<8x128xi32, #tpu.memory_space<hbm>>
      %dma_start3A_89 = arith.constant 0 : i32
      %dma_start3A_90 = arith.constant 0 : i32
      %dma_start3A_91 = tpu.memref_slice %arg8[%run_scoped3A, %dma_start3A_89, %dma_start3A_90] : memref<2x8x128xi32, #tpu.memory_space<vmem>> -> memref<1x8x128xi32, #tpu.memory_space<vmem>>
      %dma_start3A_92 = tpu.memref_squeeze %dma_start3A_91 : memref<1x8x128xi32, #tpu.memory_space<vmem>> -> memref<8x128xi32, #tpu.memory_space<vmem>>
      %dma_start3A_93 = arith.constant 0 : i32
      %dma_start3A_94 = arith.constant 0 : i32
      %dma_start3A_95 = tpu.memref_slice %arg3[%add3A, %dma_start3A_93, %dma_start3A_94] : memref<32x80x128xi32, #tpu.memory_space<hbm>> -> memref<1x8x128xi32, #tpu.memory_space<hbm>>
      %dma_start3A_96 = tpu.memref_squeeze %dma_start3A_95 : memref<1x8x128xi32, #tpu.memory_space<hbm>> -> memref<8x128xi32, #tpu.memory_space<hbm>>
      tpu.enqueue_dma source(%dma_start3A_96 : memref<8x128xi32, #tpu.memory_space<hbm>>) target(%dma_start3A_92 : memref<8x128xi32, #tpu.memory_space<vmem>>) target_semaphore(%run_scoped3A_80 : memref<!tpu.dma_semaphore, #tpu.memory_space<semaphore_mem>>)
      %dma_wait3A = arith.constant 0 : i32
      %dma_wait3A_97 = arith.constant 0 : i32
      %dma_wait3A_98 = tpu.memref_slice %arg8[%run_scoped3A, %dma_wait3A, %dma_wait3A_97] : memref<2x8x128xi32, #tpu.memory_space<vmem>> -> memref<1x8x128xi32, #tpu.memory_space<vmem>>
      %dma_wait3A_99 = tpu.memref_squeeze %dma_wait3A_98 : memref<1x8x128xi32, #tpu.memory_space<vmem>> -> memref<8x128xi32, #tpu.memory_space<vmem>>
      %dma_wait3A_100 = arith.constant 0 : i32
      %dma_wait3A_101 = arith.constant 0 : i32
      %dma_wait3A_102 = tpu.memref_slice %arg3[%add3A, %dma_wait3A_100, %dma_wait3A_101] : memref<32x80x128xi32, #tpu.memory_space<hbm>> -> memref<1x8x128xi32, #tpu.memory_space<hbm>>
      %dma_wait3A_103 = tpu.memref_squeeze %dma_wait3A_102 : memref<1x8x128xi32, #tpu.memory_space<hbm>> -> memref<8x128xi32, #tpu.memory_space<hbm>>
      %dma_wait3A_104 = arith.constant 0 : i32
      %dma_wait3A_105 = arith.constant 0 : i32
      %dma_wait3A_106 = tpu.memref_slice %arg8[%run_scoped3A, %dma_wait3A_104, %dma_wait3A_105] : memref<2x8x128xi32, #tpu.memory_space<vmem>> -> memref<1x8x128xi32, #tpu.memory_space<vmem>>
      %dma_wait3A_107 = tpu.memref_squeeze %dma_wait3A_106 : memref<1x8x128xi32, #tpu.memory_space<vmem>> -> memref<8x128xi32, #tpu.memory_space<vmem>>
      %dma_wait3A_108 = arith.constant 0 : i32
      %dma_wait3A_109 = arith.constant 0 : i32
      %dma_wait3A_110 = tpu.memref_slice %arg3[%add3A, %dma_wait3A_108, %dma_wait3A_109] : memref<32x80x128xi32, #tpu.memory_space<hbm>> -> memref<1x8x128xi32, #tpu.memory_space<hbm>>
      %dma_wait3A_111 = tpu.memref_squeeze %dma_wait3A_110 : memref<1x8x128xi32, #tpu.memory_space<hbm>> -> memref<8x128xi32, #tpu.memory_space<hbm>>
      tpu.wait_dma2 semaphore(%run_scoped3A_80 : memref<!tpu.dma_semaphore, #tpu.memory_space<semaphore_mem>>) src(%dma_wait3A_111 : memref<8x128xi32, #tpu.memory_space<hbm>>) dst(%dma_wait3A_107 : memref<8x128xi32, #tpu.memory_space<vmem>>)
      tpu.yield
    }) : () -> ()
    %run_scoped3A_10 = arith.constant 0 : i32
    "tpu.region"() ({
      %run_scoped3A_80 = tpu.sem_alloc : memref<!tpu.dma_semaphore, #tpu.memory_space<semaphore_mem>>
      %dma_start3A_81 = arith.constant 0 : i32
      %dma_start3A_82 = arith.constant 0 : i32
      %dma_start3A_83 = tpu.memref_slice %arg9[%run_scoped3A_10, %dma_start3A_81, %dma_start3A_82] : memref<2x8x128xi32, #tpu.memory_space<vmem>> -> memref<1x8x128xi32, #tpu.memory_space<vmem>>
      %dma_start3A_84 = tpu.memref_squeeze %dma_start3A_83 : memref<1x8x128xi32, #tpu.memory_space<vmem>> -> memref<8x128xi32, #tpu.memory_space<vmem>>
      %dma_start3A_85 = arith.constant 0 : i32
      %dma_start3A_86 = arith.constant 0 : i32
      %dma_start3A_87 = tpu.memref_slice %arg4[%add3A, %dma_start3A_85, %dma_start3A_86] : memref<32x80x128xi32, #tpu.memory_space<hbm>> -> memref<1x8x128xi32, #tpu.memory_space<hbm>>
      %dma_start3A_88 = tpu.memref_squeeze %dma_start3A_87 : memref<1x8x128xi32, #tpu.memory_space<hbm>> -> memref<8x128xi32, #tpu.memory_space<hbm>>
      %dma_start3A_89 = arith.constant 0 : i32
      %dma_start3A_90 = arith.constant 0 : i32
      %dma_start3A_91 = tpu.memref_slice %arg9[%run_scoped3A_10, %dma_start3A_89, %dma_start3A_90] : memref<2x8x128xi32, #tpu.memory_space<vmem>> -> memref<1x8x128xi32, #tpu.memory_space<vmem>>
      %dma_start3A_92 = tpu.memref_squeeze %dma_start3A_91 : memref<1x8x128xi32, #tpu.memory_space<vmem>> -> memref<8x128xi32, #tpu.memory_space<vmem>>
      %dma_start3A_93 = arith.constant 0 : i32
      %dma_start3A_94 = arith.constant 0 : i32
      %dma_start3A_95 = tpu.memref_slice %arg4[%add3A, %dma_start3A_93, %dma_start3A_94] : memref<32x80x128xi32, #tpu.memory_space<hbm>> -> memref<1x8x128xi32, #tpu.memory_space<hbm>>
      %dma_start3A_96 = tpu.memref_squeeze %dma_start3A_95 : memref<1x8x128xi32, #tpu.memory_space<hbm>> -> memref<8x128xi32, #tpu.memory_space<hbm>>
      tpu.enqueue_dma source(%dma_start3A_96 : memref<8x128xi32, #tpu.memory_space<hbm>>) target(%dma_start3A_92 : memref<8x128xi32, #tpu.memory_space<vmem>>) target_semaphore(%run_scoped3A_80 : memref<!tpu.dma_semaphore, #tpu.memory_space<semaphore_mem>>)
      %dma_wait3A = arith.constant 0 : i32
      %dma_wait3A_97 = arith.constant 0 : i32
      %dma_wait3A_98 = tpu.memref_slice %arg9[%run_scoped3A_10, %dma_wait3A, %dma_wait3A_97] : memref<2x8x128xi32, #tpu.memory_space<vmem>> -> memref<1x8x128xi32, #tpu.memory_space<vmem>>
      %dma_wait3A_99 = tpu.memref_squeeze %dma_wait3A_98 : memref<1x8x128xi32, #tpu.memory_space<vmem>> -> memref<8x128xi32, #tpu.memory_space<vmem>>
      %dma_wait3A_100 = arith.constant 0 : i32
      %dma_wait3A_101 = arith.constant 0 : i32
      %dma_wait3A_102 = tpu.memref_slice %arg4[%add3A, %dma_wait3A_100, %dma_wait3A_101] : memref<32x80x128xi32, #tpu.memory_space<hbm>> -> memref<1x8x128xi32, #tpu.memory_space<hbm>>
      %dma_wait3A_103 = tpu.memref_squeeze %dma_wait3A_102 : memref<1x8x128xi32, #tpu.memory_space<hbm>> -> memref<8x128xi32, #tpu.memory_space<hbm>>
      %dma_wait3A_104 = arith.constant 0 : i32
      %dma_wait3A_105 = arith.constant 0 : i32
      %dma_wait3A_106 = tpu.memref_slice %arg9[%run_scoped3A_10, %dma_wait3A_104, %dma_wait3A_105] : memref<2x8x128xi32, #tpu.memory_space<vmem>> -> memref<1x8x128xi32, #tpu.memory_space<vmem>>
      %dma_wait3A_107 = tpu.memref_squeeze %dma_wait3A_106 : memref<1x8x128xi32, #tpu.memory_space<vmem>> -> memref<8x128xi32, #tpu.memory_space<vmem>>
      %dma_wait3A_108 = arith.constant 0 : i32
      %dma_wait3A_109 = arith.constant 0 : i32
      %dma_wait3A_110 = tpu.memref_slice %arg4[%add3A, %dma_wait3A_108, %dma_wait3A_109] : memref<32x80x128xi32, #tpu.memory_space<hbm>> -> memref<1x8x128xi32, #tpu.memory_space<hbm>>
      %dma_wait3A_111 = tpu.memref_squeeze %dma_wait3A_110 : memref<1x8x128xi32, #tpu.memory_space<hbm>> -> memref<8x128xi32, #tpu.memory_space<hbm>>
      tpu.wait_dma2 semaphore(%run_scoped3A_80 : memref<!tpu.dma_semaphore, #tpu.memory_space<semaphore_mem>>) src(%dma_wait3A_111 : memref<8x128xi32, #tpu.memory_space<hbm>>) dst(%dma_wait3A_107 : memref<8x128xi32, #tpu.memory_space<vmem>>)
      tpu.yield
    }) : () -> ()
    %dma_start3A = arith.constant 0 : i32
    %dma_start3A_11 = arith.constant 0 : i32
    %dma_start3A_12 = arith.constant 0 : i32
    %dma_start3A_13 = arith.constant 0 : i32
    %dma_start3A_14 = arith.constant 0 : i32
    %dma_start3A_15 = arith.constant 0 : i32
    %dma_start3A_16 = tpu.memref_slice %arg10[%dma_start3A_12, %dma_start3A_14, %dma_start3A_15] : memref<2x128x128xf32, #tpu.memory_space<vmem>> -> memref<1x64x128xf32, #tpu.memory_space<vmem>>
    %dma_start3A_17 = tpu.memref_squeeze %dma_start3A_16 : memref<1x64x128xf32, #tpu.memory_space<vmem>> -> memref<64x128xf32, #tpu.memory_space<vmem>>
    %dma_start3A_18 = arith.constant 0 : i32
    %dma_start3A_19 = tpu.memref_slice %arg8[%dma_start3A, %dma_start3A_11, %dma_start3A_18] : memref<2x8x128xi32, #tpu.memory_space<vmem>> -> memref<1x1x64xi32, #tpu.memory_space<vmem>>
    %dma_start3A_20 = tpu.memref_squeeze %dma_start3A_19 : memref<1x1x64xi32, #tpu.memory_space<vmem>> -> memref<64xi32, #tpu.memory_space<vmem>>
    %dma_start3A_21 = arith.constant 0 : i32
    %dma_start3A_22 = arith.constant 0 : i32
    %dma_start3A_23 = tpu.memref_slice %arg2[%dma_start3A_21, %dma_start3A_22] : memref<10240x128xf32, #tpu.memory_space<hbm>> -> memref<10240x128xf32, #tpu.memory_space<hbm>>
    %dma_start3A_24 = tpu.memref_slice %arg11[%dma_start3A_13] : memref<2x!tpu.dma_semaphore, #tpu.memory_space<semaphore_mem>> -> memref<1x!tpu.dma_semaphore, #tpu.memory_space<semaphore_mem>>
    %dma_start3A_25 = tpu.memref_squeeze %dma_start3A_24 : memref<1x!tpu.dma_semaphore, #tpu.memory_space<semaphore_mem>> -> memref<!tpu.dma_semaphore, #tpu.memory_space<semaphore_mem>>
    tpu.enqueue_indirect_dma source(%dma_start3A_23 : memref<10240x128xf32, #tpu.memory_space<hbm>>) target(%dma_start3A_17 : memref<64x128xf32, #tpu.memory_space<vmem>>) offsets(%dma_start3A_20 : memref<64xi32, #tpu.memory_space<vmem>>) semaphore(%dma_start3A_25 : memref<!tpu.dma_semaphore, #tpu.memory_space<semaphore_mem>>)
    %dma_start3A_26 = arith.constant 0 : i32
    %dma_start3A_27 = arith.constant 0 : i32
    %dma_start3A_28 = arith.constant 0 : i32
    %dma_start3A_29 = arith.constant 0 : i32
    %dma_start3A_30 = arith.constant 64 : i32
    %dma_start3A_31 = arith.constant 0 : i32
    %dma_start3A_32 = tpu.memref_slice %arg10[%dma_start3A_28, %dma_start3A_30, %dma_start3A_31] : memref<2x128x128xf32, #tpu.memory_space<vmem>> -> memref<1x64x128xf32, #tpu.memory_space<vmem>>
    %dma_start3A_33 = tpu.memref_squeeze %dma_start3A_32 : memref<1x64x128xf32, #tpu.memory_space<vmem>> -> memref<64x128xf32, #tpu.memory_space<vmem>>
    %dma_start3A_34 = arith.constant 64 : i32
    %dma_start3A_35 = tpu.memref_slice %arg8[%dma_start3A_26, %dma_start3A_27, %dma_start3A_34] : memref<2x8x128xi32, #tpu.memory_space<vmem>> -> memref<1x1x64xi32, #tpu.memory_space<vmem>>
    %dma_start3A_36 = tpu.memref_squeeze %dma_start3A_35 : memref<1x1x64xi32, #tpu.memory_space<vmem>> -> memref<64xi32, #tpu.memory_space<vmem>>
    %dma_start3A_37 = arith.constant 0 : i32
    %dma_start3A_38 = arith.constant 0 : i32
    %dma_start3A_39 = tpu.memref_slice %arg2[%dma_start3A_37, %dma_start3A_38] : memref<10240x128xf32, #tpu.memory_space<hbm>> -> memref<10240x128xf32, #tpu.memory_space<hbm>>
    %dma_start3A_40 = tpu.memref_slice %arg11[%dma_start3A_29] : memref<2x!tpu.dma_semaphore, #tpu.memory_space<semaphore_mem>> -> memref<1x!tpu.dma_semaphore, #tpu.memory_space<semaphore_mem>>
    %dma_start3A_41 = tpu.memref_squeeze %dma_start3A_40 : memref<1x!tpu.dma_semaphore, #tpu.memory_space<semaphore_mem>> -> memref<!tpu.dma_semaphore, #tpu.memory_space<semaphore_mem>>
    tpu.enqueue_indirect_dma source(%dma_start3A_39 : memref<10240x128xf32, #tpu.memory_space<hbm>>) target(%dma_start3A_33 : memref<64x128xf32, #tpu.memory_space<vmem>>) offsets(%dma_start3A_36 : memref<64xi32, #tpu.memory_space<vmem>>) semaphore(%dma_start3A_41 : memref<!tpu.dma_semaphore, #tpu.memory_space<semaphore_mem>>)
    %dma_start3A_42 = arith.constant 0 : i32
    %dma_start3A_43 = arith.constant 1 : i32
    %dma_start3A_44 = arith.constant 1 : i32
    %dma_start3A_45 = arith.constant 1 : i32
    %dma_start3A_46 = arith.constant 0 : i32
    %dma_start3A_47 = arith.constant 0 : i32
    %dma_start3A_48 = tpu.memref_slice %arg10[%dma_start3A_44, %dma_start3A_46, %dma_start3A_47] : memref<2x128x128xf32, #tpu.memory_space<vmem>> -> memref<1x64x128xf32, #tpu.memory_space<vmem>>
    %dma_start3A_49 = tpu.memref_squeeze %dma_start3A_48 : memref<1x64x128xf32, #tpu.memory_space<vmem>> -> memref<64x128xf32, #tpu.memory_space<vmem>>
    %dma_start3A_50 = arith.constant 0 : i32
    %dma_start3A_51 = tpu.memref_slice %arg8[%dma_start3A_42, %dma_start3A_43, %dma_start3A_50] : memref<2x8x128xi32, #tpu.memory_space<vmem>> -> memref<1x1x64xi32, #tpu.memory_space<vmem>>
    %dma_start3A_52 = tpu.memref_squeeze %dma_start3A_51 : memref<1x1x64xi32, #tpu.memory_space<vmem>> -> memref<64xi32, #tpu.memory_space<vmem>>
    %dma_start3A_53 = arith.constant 0 : i32
    %dma_start3A_54 = arith.constant 0 : i32
    %dma_start3A_55 = tpu.memref_slice %arg2[%dma_start3A_53, %dma_start3A_54] : memref<10240x128xf32, #tpu.memory_space<hbm>> -> memref<10240x128xf32, #tpu.memory_space<hbm>>
    %dma_start3A_56 = tpu.memref_slice %arg11[%dma_start3A_45] : memref<2x!tpu.dma_semaphore, #tpu.memory_space<semaphore_mem>> -> memref<1x!tpu.dma_semaphore, #tpu.memory_space<semaphore_mem>>
    %dma_start3A_57 = tpu.memref_squeeze %dma_start3A_56 : memref<1x!tpu.dma_semaphore, #tpu.memory_space<semaphore_mem>> -> memref<!tpu.dma_semaphore, #tpu.memory_space<semaphore_mem>>
    tpu.enqueue_indirect_dma source(%dma_start3A_55 : memref<10240x128xf32, #tpu.memory_space<hbm>>) target(%dma_start3A_49 : memref<64x128xf32, #tpu.memory_space<vmem>>) offsets(%dma_start3A_52 : memref<64xi32, #tpu.memory_space<vmem>>) semaphore(%dma_start3A_57 : memref<!tpu.dma_semaphore, #tpu.memory_space<semaphore_mem>>)
    %dma_start3A_58 = arith.constant 0 : i32
    %dma_start3A_59 = arith.constant 1 : i32
    %dma_start3A_60 = arith.constant 1 : i32
    %dma_start3A_61 = arith.constant 1 : i32
    %dma_start3A_62 = arith.constant 64 : i32
    %dma_start3A_63 = arith.constant 0 : i32
    %dma_start3A_64 = tpu.memref_slice %arg10[%dma_start3A_60, %dma_start3A_62, %dma_start3A_63] : memref<2x128x128xf32, #tpu.memory_space<vmem>> -> memref<1x64x128xf32, #tpu.memory_space<vmem>>
    %dma_start3A_65 = tpu.memref_squeeze %dma_start3A_64 : memref<1x64x128xf32, #tpu.memory_space<vmem>> -> memref<64x128xf32, #tpu.memory_space<vmem>>
    %dma_start3A_66 = arith.constant 64 : i32
    %dma_start3A_67 = tpu.memref_slice %arg8[%dma_start3A_58, %dma_start3A_59, %dma_start3A_66] : memref<2x8x128xi32, #tpu.memory_space<vmem>> -> memref<1x1x64xi32, #tpu.memory_space<vmem>>
    %dma_start3A_68 = tpu.memref_squeeze %dma_start3A_67 : memref<1x1x64xi32, #tpu.memory_space<vmem>> -> memref<64xi32, #tpu.memory_space<vmem>>
    %dma_start3A_69 = arith.constant 0 : i32
    %dma_start3A_70 = arith.constant 0 : i32
    %dma_start3A_71 = tpu.memref_slice %arg2[%dma_start3A_69, %dma_start3A_70] : memref<10240x128xf32, #tpu.memory_space<hbm>> -> memref<10240x128xf32, #tpu.memory_space<hbm>>
    %dma_start3A_72 = tpu.memref_slice %arg11[%dma_start3A_61] : memref<2x!tpu.dma_semaphore, #tpu.memory_space<semaphore_mem>> -> memref<1x!tpu.dma_semaphore, #tpu.memory_space<semaphore_mem>>
    %dma_start3A_73 = tpu.memref_squeeze %dma_start3A_72 : memref<1x!tpu.dma_semaphore, #tpu.memory_space<semaphore_mem>> -> memref<!tpu.dma_semaphore, #tpu.memory_space<semaphore_mem>>
    tpu.enqueue_indirect_dma source(%dma_start3A_71 : memref<10240x128xf32, #tpu.memory_space<hbm>>) target(%dma_start3A_65 : memref<64x128xf32, #tpu.memory_space<vmem>>) offsets(%dma_start3A_68 : memref<64xi32, #tpu.memory_space<vmem>>) semaphore(%dma_start3A_73 : memref<!tpu.dma_semaphore, #tpu.memory_space<semaphore_mem>>)
    %scan3A = arith.constant 0 : i32
    %scan3A_74 = arith.constant 0 : i32
    %scan3A_75 = arith.constant 10 : i32
    %scan3A_76 = arith.addi %scan3A_74, %scan3A_75 : i32
    %scan3A_77 = arith.constant 1 : i32
    scf.for %scan3A_80 = %scan3A_74 to %scan3A_76 step %scan3A_77  : i32 {
      %jit3A = arith.constant 2 : i32
      %eq3A_81 = arith.constant 0 : i32
      %eq3A_82 = arith.cmpi eq, %jit3A, %eq3A_81 : i32
      %jit3A_83 = arith.constant 1 : i32
      %select_n3A = arith.select %eq3A_82, %jit3A_83, %jit3A : i32
      %rem3A = arith.remsi %scan3A_80, %select_n3A : i32
      %ne3A = arith.constant 0 : i32
      %ne3A_84 = arith.cmpi ne, %rem3A, %ne3A : i32
      %lt3A = arith.constant 0 : i32
      %lt3A_85 = arith.cmpi slt, %rem3A, %lt3A : i32
      %lt3A_86 = arith.constant 0 : i32
      %lt3A_87 = arith.cmpi slt, %select_n3A, %lt3A_86 : i32
      %ne3A_88 = arith.xori %lt3A_85, %lt3A_87 : i1
      %and3A = arith.andi %ne3A_88, %ne3A_84 : i1
      %add3A_89 = arith.addi %rem3A, %select_n3A : i32
      %select_n3A_90 = arith.select %and3A, %add3A_89, %rem3A : i32
      %add3A_91 = arith.constant 1 : i32
      %add3A_92 = arith.addi %scan3A_80, %add3A_91 : i32
      %jit3A_93 = arith.constant 2 : i32
      %eq3A_94 = arith.constant 0 : i32
      %eq3A_95 = arith.cmpi eq, %jit3A_93, %eq3A_94 : i32
      %jit3A_96 = arith.constant 1 : i32
      %select_n3A_97 = arith.select %eq3A_95, %jit3A_96, %jit3A_93 : i32
      %rem3A_98 = arith.remsi %add3A_92, %select_n3A_97 : i32
      %ne3A_99 = arith.constant 0 : i32
      %ne3A_100 = arith.cmpi ne, %rem3A_98, %ne3A_99 : i32
      %lt3A_101 = arith.constant 0 : i32
      %lt3A_102 = arith.cmpi slt, %rem3A_98, %lt3A_101 : i32
      %lt3A_103 = arith.constant 0 : i32
      %lt3A_104 = arith.cmpi slt, %select_n3A_97, %lt3A_103 : i32
      %ne3A_105 = arith.xori %lt3A_102, %lt3A_104 : i1
      %and3A_106 = arith.andi %ne3A_105, %ne3A_100 : i1
      %add3A_107 = arith.addi %rem3A_98, %select_n3A_97 : i32
      %select_n3A_108 = arith.select %and3A_106, %add3A_107, %rem3A_98 : i32
      %dma_wait3A = arith.constant 0 : i32
      %dma_wait3A_109 = arith.constant 0 : i32
      %dma_wait3A_110 = arith.constant 0 : i32
      %dma_wait3A_111 = arith.constant 0 : i32
      %dma_wait3A_112 = arith.constant 0 : i32
      %dma_wait3A_113 = tpu.memref_slice %arg10[%dma_wait3A_109, %dma_wait3A_111, %dma_wait3A_112] : memref<2x128x128xf32, #tpu.memory_space<vmem>> -> memref<1x128x128xf32, #tpu.memory_space<vmem>>
      %dma_wait3A_114 = tpu.memref_squeeze %dma_wait3A_113 : memref<1x128x128xf32, #tpu.memory_space<vmem>> -> memref<128x128xf32, #tpu.memory_space<vmem>>
      %dma_wait3A_115 = arith.constant 0 : i32
      %dma_wait3A_116 = tpu.memref_slice %arg8[%select_n3A_90, %dma_wait3A, %dma_wait3A_115] : memref<2x8x128xi32, #tpu.memory_space<vmem>> -> memref<1x1x128xi32, #tpu.memory_space<vmem>>
      %dma_wait3A_117 = tpu.memref_squeeze %dma_wait3A_116 : memref<1x1x128xi32, #tpu.memory_space<vmem>> -> memref<128xi32, #tpu.memory_space<vmem>>
      %dma_wait3A_118 = arith.constant 0 : i32
      %dma_wait3A_119 = arith.constant 0 : i32
      %dma_wait3A_120 = tpu.memref_slice %arg2[%dma_wait3A_118, %dma_wait3A_119] : memref<10240x128xf32, #tpu.memory_space<hbm>> -> memref<10240x128xf32, #tpu.memory_space<hbm>>
      %dma_wait3A_121 = tpu.memref_slice %arg11[%dma_wait3A_110] : memref<2x!tpu.dma_semaphore, #tpu.memory_space<semaphore_mem>> -> memref<1x!tpu.dma_semaphore, #tpu.memory_space<semaphore_mem>>
      %dma_wait3A_122 = tpu.memref_squeeze %dma_wait3A_121 : memref<1x!tpu.dma_semaphore, #tpu.memory_space<semaphore_mem>> -> memref<!tpu.dma_semaphore, #tpu.memory_space<semaphore_mem>>
      tpu.wait_indirect_dma semaphore(%dma_wait3A_122 : memref<!tpu.dma_semaphore, #tpu.memory_space<semaphore_mem>>) src(%dma_wait3A_120 : memref<10240x128xf32, #tpu.memory_space<hbm>>) dst(%dma_wait3A_114 : memref<128x128xf32, #tpu.memory_space<vmem>>)
      %dma_start3A_123 = arith.constant 0 : i32
      %dma_start3A_124 = arith.constant 0 : i32
      %dma_start3A_125 = arith.constant 0 : i32
      %dma_start3A_126 = arith.constant 0 : i32
      %dma_start3A_127 = arith.constant 0 : i32
      %dma_start3A_128 = tpu.memref_slice %arg10[%dma_start3A_123, %dma_start3A_126, %dma_start3A_127] : memref<2x128x128xf32, #tpu.memory_space<vmem>> -> memref<1x128x128xf32, #tpu.memory_space<vmem>>
      %dma_start3A_129 = tpu.memref_squeeze %dma_start3A_128 : memref<1x128x128xf32, #tpu.memory_space<vmem>> -> memref<128x128xf32, #tpu.memory_space<vmem>>
      %dma_start3A_130 = arith.constant 0 : i32
      %dma_start3A_131 = tpu.memref_slice %arg9[%select_n3A_90, %dma_start3A_124, %dma_start3A_130] : memref<2x8x128xi32, #tpu.memory_space<vmem>> -> memref<1x1x128xi32, #tpu.memory_space<vmem>>
      %dma_start3A_132 = tpu.memref_squeeze %dma_start3A_131 : memref<1x1x128xi32, #tpu.memory_space<vmem>> -> memref<128xi32, #tpu.memory_space<vmem>>
      %dma_start3A_133 = arith.constant 0 : i32
      %dma_start3A_134 = arith.constant 0 : i32
      %dma_start3A_135 = tpu.memref_slice %arg7[%dma_start3A_133, %dma_start3A_134] : memref<10240x128xf32, #tpu.memory_space<vmem_shared>> -> memref<10240x128xf32, #tpu.memory_space<vmem_shared>>
      %dma_start3A_136 = tpu.memref_slice %arg12[%dma_start3A_125] : memref<2x!tpu.dma_semaphore, #tpu.memory_space<semaphore_mem>> -> memref<1x!tpu.dma_semaphore, #tpu.memory_space<semaphore_mem>>
      %dma_start3A_137 = tpu.memref_squeeze %dma_start3A_136 : memref<1x!tpu.dma_semaphore, #tpu.memory_space<semaphore_mem>> -> memref<!tpu.dma_semaphore, #tpu.memory_space<semaphore_mem>>
      tpu.enqueue_indirect_dma source(%dma_start3A_129 : memref<128x128xf32, #tpu.memory_space<vmem>>) target(%dma_start3A_135 : memref<10240x128xf32, #tpu.memory_space<vmem_shared>>) offsets(%dma_start3A_132 : memref<128xi32, #tpu.memory_space<vmem>>) semaphore(%dma_start3A_137 : memref<!tpu.dma_semaphore, #tpu.memory_space<semaphore_mem>>) {add = true}
      %dma_wait3A_138 = arith.constant 0 : i32
      %dma_wait3A_139 = arith.constant 0 : i32
      %dma_wait3A_140 = arith.constant 0 : i32
      %dma_wait3A_141 = arith.constant 0 : i32
      %dma_wait3A_142 = arith.constant 0 : i32
      %dma_wait3A_143 = tpu.memref_slice %arg10[%dma_wait3A_138, %dma_wait3A_141, %dma_wait3A_142] : memref<2x128x128xf32, #tpu.memory_space<vmem>> -> memref<1x128x128xf32, #tpu.memory_space<vmem>>
      %dma_wait3A_144 = tpu.memref_squeeze %dma_wait3A_143 : memref<1x128x128xf32, #tpu.memory_space<vmem>> -> memref<128x128xf32, #tpu.memory_space<vmem>>
      %dma_wait3A_145 = arith.constant 0 : i32
      %dma_wait3A_146 = tpu.memref_slice %arg9[%select_n3A_90, %dma_wait3A_139, %dma_wait3A_145] : memref<2x8x128xi32, #tpu.memory_space<vmem>> -> memref<1x1x128xi32, #tpu.memory_space<vmem>>
      %dma_wait3A_147 = tpu.memref_squeeze %dma_wait3A_146 : memref<1x1x128xi32, #tpu.memory_space<vmem>> -> memref<128xi32, #tpu.memory_space<vmem>>
      %dma_wait3A_148 = arith.constant 0 : i32
      %dma_wait3A_149 = arith.constant 0 : i32
      %dma_wait3A_150 = tpu.memref_slice %arg7[%dma_wait3A_148, %dma_wait3A_149] : memref<10240x128xf32, #tpu.memory_space<vmem_shared>> -> memref<10240x128xf32, #tpu.memory_space<vmem_shared>>
      %dma_wait3A_151 = tpu.memref_slice %arg12[%dma_wait3A_140] : memref<2x!tpu.dma_semaphore, #tpu.memory_space<semaphore_mem>> -> memref<1x!tpu.dma_semaphore, #tpu.memory_space<semaphore_mem>>
      %dma_wait3A_152 = tpu.memref_squeeze %dma_wait3A_151 : memref<1x!tpu.dma_semaphore, #tpu.memory_space<semaphore_mem>> -> memref<!tpu.dma_semaphore, #tpu.memory_space<semaphore_mem>>
      tpu.wait_indirect_dma semaphore(%dma_wait3A_152 : memref<!tpu.dma_semaphore, #tpu.memory_space<semaphore_mem>>) src(%dma_wait3A_144 : memref<128x128xf32, #tpu.memory_space<vmem>>) dst(%dma_wait3A_150 : memref<10240x128xf32, #tpu.memory_space<vmem_shared>>)
      %dma_start3A_153 = arith.constant 2 : i32
      %dma_start3A_154 = arith.constant 0 : i32
      %dma_start3A_155 = arith.constant 0 : i32
      %dma_start3A_156 = arith.constant 0 : i32
      %dma_start3A_157 = arith.constant 0 : i32
      %dma_start3A_158 = tpu.memref_slice %arg10[%dma_start3A_154, %dma_start3A_156, %dma_start3A_157] : memref<2x128x128xf32, #tpu.memory_space<vmem>> -> memref<1x64x128xf32, #tpu.memory_space<vmem>>
      %dma_start3A_159 = tpu.memref_squeeze %dma_start3A_158 : memref<1x64x128xf32, #tpu.memory_space<vmem>> -> memref<64x128xf32, #tpu.memory_space<vmem>>
      %dma_start3A_160 = arith.constant 0 : i32
      %dma_start3A_161 = tpu.memref_slice %arg8[%select_n3A_90, %dma_start3A_153, %dma_start3A_160] : memref<2x8x128xi32, #tpu.memory_space<vmem>> -> memref<1x1x64xi32, #tpu.memory_space<vmem>>
      %dma_start3A_162 = tpu.memref_squeeze %dma_start3A_161 : memref<1x1x64xi32, #tpu.memory_space<vmem>> -> memref<64xi32, #tpu.memory_space<vmem>>
      %dma_start3A_163 = arith.constant 0 : i32
      %dma_start3A_164 = arith.constant 0 : i32
      %dma_start3A_165 = tpu.memref_slice %arg2[%dma_start3A_163, %dma_start3A_164] : memref<10240x128xf32, #tpu.memory_space<hbm>> -> memref<10240x128xf32, #tpu.memory_space<hbm>>
      %dma_start3A_166 = tpu.memref_slice %arg11[%dma_start3A_155] : memref<2x!tpu.dma_semaphore, #tpu.memory_space<semaphore_mem>> -> memref<1x!tpu.dma_semaphore, #tpu.memory_space<semaphore_mem>>
      %dma_start3A_167 = tpu.memref_squeeze %dma_start3A_166 : memref<1x!tpu.dma_semaphore, #tpu.memory_space<semaphore_mem>> -> memref<!tpu.dma_semaphore, #tpu.memory_space<semaphore_mem>>
      tpu.enqueue_indirect_dma source(%dma_start3A_165 : memref<10240x128xf32, #tpu.memory_space<hbm>>) target(%dma_start3A_159 : memref<64x128xf32, #tpu.memory_space<vmem>>) offsets(%dma_start3A_162 : memref<64xi32, #tpu.memory_space<vmem>>) semaphore(%dma_start3A_167 : memref<!tpu.dma_semaphore, #tpu.memory_space<semaphore_mem>>)
      %dma_start3A_168 = arith.constant 2 : i32
      %dma_start3A_169 = arith.constant 0 : i32
      %dma_start3A_170 = arith.constant 0 : i32
      %dma_start3A_171 = arith.constant 64 : i32
      %dma_start3A_172 = arith.constant 0 : i32
      %dma_start3A_173 = tpu.memref_slice %arg10[%dma_start3A_169, %dma_start3A_171, %dma_start3A_172] : memref<2x128x128xf32, #tpu.memory_space<vmem>> -> memref<1x64x128xf32, #tpu.memory_space<vmem>>
      %dma_start3A_174 = tpu.memref_squeeze %dma_start3A_173 : memref<1x64x128xf32, #tpu.memory_space<vmem>> -> memref<64x128xf32, #tpu.memory_space<vmem>>
      %dma_start3A_175 = arith.constant 64 : i32
      %dma_start3A_176 = tpu.memref_slice %arg8[%select_n3A_90, %dma_start3A_168, %dma_start3A_175] : memref<2x8x128xi32, #tpu.memory_space<vmem>> -> memref<1x1x64xi32, #tpu.memory_space<vmem>>
      %dma_start3A_177 = tpu.memref_squeeze %dma_start3A_176 : memref<1x1x64xi32, #tpu.memory_space<vmem>> -> memref<64xi32, #tpu.memory_space<vmem>>
      %dma_start3A_178 = arith.constant 0 : i32
      %dma_start3A_179 = arith.constant 0 : i32
      %dma_start3A_180 = tpu.memref_slice %arg2[%dma_start3A_178, %dma_start3A_179] : memref<10240x128xf32, #tpu.memory_space<hbm>> -> memref<10240x128xf32, #tpu.memory_space<hbm>>
      %dma_start3A_181 = tpu.memref_slice %arg11[%dma_start3A_170] : memref<2x!tpu.dma_semaphore, #tpu.memory_space<semaphore_mem>> -> memref<1x!tpu.dma_semaphore, #tpu.memory_space<semaphore_mem>>
      %dma_start3A_182 = tpu.memref_squeeze %dma_start3A_181 : memref<1x!tpu.dma_semaphore, #tpu.memory_space<semaphore_mem>> -> memref<!tpu.dma_semaphore, #tpu.memory_space<semaphore_mem>>
      tpu.enqueue_indirect_dma source(%dma_start3A_180 : memref<10240x128xf32, #tpu.memory_space<hbm>>) target(%dma_start3A_174 : memref<64x128xf32, #tpu.memory_space<vmem>>) offsets(%dma_start3A_177 : memref<64xi32, #tpu.memory_space<vmem>>) semaphore(%dma_start3A_182 : memref<!tpu.dma_semaphore, #tpu.memory_space<semaphore_mem>>)
      %dma_wait3A_183 = arith.constant 1 : i32
      %dma_wait3A_184 = arith.constant 1 : i32
      %dma_wait3A_185 = arith.constant 1 : i32
      %dma_wait3A_186 = arith.constant 0 : i32
      %dma_wait3A_187 = arith.constant 0 : i32
      %dma_wait3A_188 = tpu.memref_slice %arg10[%dma_wait3A_184, %dma_wait3A_186, %dma_wait3A_187] : memref<2x128x128xf32, #tpu.memory_space<vmem>> -> memref<1x128x128xf32, #tpu.memory_space<vmem>>
      %dma_wait3A_189 = tpu.memref_squeeze %dma_wait3A_188 : memref<1x128x128xf32, #tpu.memory_space<vmem>> -> memref<128x128xf32, #tpu.memory_space<vmem>>
      %dma_wait3A_190 = arith.constant 0 : i32
      %dma_wait3A_191 = tpu.memref_slice %arg8[%select_n3A_90, %dma_wait3A_183, %dma_wait3A_190] : memref<2x8x128xi32, #tpu.memory_space<vmem>> -> memref<1x1x128xi32, #tpu.memory_space<vmem>>
      %dma_wait3A_192 = tpu.memref_squeeze %dma_wait3A_191 : memref<1x1x128xi32, #tpu.memory_space<vmem>> -> memref<128xi32, #tpu.memory_space<vmem>>
      %dma_wait3A_193 = arith.constant 0 : i32
      %dma_wait3A_194 = arith.constant 0 : i32
      %dma_wait3A_195 = tpu.memref_slice %arg2[%dma_wait3A_193, %dma_wait3A_194] : memref<10240x128xf32, #tpu.memory_space<hbm>> -> memref<10240x128xf32, #tpu.memory_space<hbm>>
      %dma_wait3A_196 = tpu.memref_slice %arg11[%dma_wait3A_185] : memref<2x!tpu.dma_semaphore, #tpu.memory_space<semaphore_mem>> -> memref<1x!tpu.dma_semaphore, #tpu.memory_space<semaphore_mem>>
      %dma_wait3A_197 = tpu.memref_squeeze %dma_wait3A_196 : memref<1x!tpu.dma_semaphore, #tpu.memory_space<semaphore_mem>> -> memref<!tpu.dma_semaphore, #tpu.memory_space<semaphore_mem>>
      tpu.wait_indirect_dma semaphore(%dma_wait3A_197 : memref<!tpu.dma_semaphore, #tpu.memory_space<semaphore_mem>>) src(%dma_wait3A_195 : memref<10240x128xf32, #tpu.memory_space<hbm>>) dst(%dma_wait3A_189 : memref<128x128xf32, #tpu.memory_space<vmem>>)
      %dma_start3A_198 = arith.constant 1 : i32
      %dma_start3A_199 = arith.constant 1 : i32
      %dma_start3A_200 = arith.constant 1 : i32
      %dma_start3A_201 = arith.constant 0 : i32
      %dma_start3A_202 = arith.constant 0 : i32
      %dma_start3A_203 = tpu.memref_slice %arg10[%dma_start3A_198, %dma_start3A_201, %dma_start3A_202] : memref<2x128x128xf32, #tpu.memory_space<vmem>> -> memref<1x128x128xf32, #tpu.memory_space<vmem>>
      %dma_start3A_204 = tpu.memref_squeeze %dma_start3A_203 : memref<1x128x128xf32, #tpu.memory_space<vmem>> -> memref<128x128xf32, #tpu.memory_space<vmem>>
      %dma_start3A_205 = arith.constant 0 : i32
      %dma_start3A_206 = tpu.memref_slice %arg9[%select_n3A_90, %dma_start3A_199, %dma_start3A_205] : memref<2x8x128xi32, #tpu.memory_space<vmem>> -> memref<1x1x128xi32, #tpu.memory_space<vmem>>
      %dma_start3A_207 = tpu.memref_squeeze %dma_start3A_206 : memref<1x1x128xi32, #tpu.memory_space<vmem>> -> memref<128xi32, #tpu.memory_space<vmem>>
      %dma_start3A_208 = arith.constant 0 : i32
      %dma_start3A_209 = arith.constant 0 : i32
      %dma_start3A_210 = tpu.memref_slice %arg7[%dma_start3A_208, %dma_start3A_209] : memref<10240x128xf32, #tpu.memory_space<vmem_shared>> -> memref<10240x128xf32, #tpu.memory_space<vmem_shared>>
      %dma_start3A_211 = tpu.memref_slice %arg12[%dma_start3A_200] : memref<2x!tpu.dma_semaphore, #tpu.memory_space<semaphore_mem>> -> memref<1x!tpu.dma_semaphore, #tpu.memory_space<semaphore_mem>>
      %dma_start3A_212 = tpu.memref_squeeze %dma_start3A_211 : memref<1x!tpu.dma_semaphore, #tpu.memory_space<semaphore_mem>> -> memref<!tpu.dma_semaphore, #tpu.memory_space<semaphore_mem>>
      tpu.enqueue_indirect_dma source(%dma_start3A_204 : memref<128x128xf32, #tpu.memory_space<vmem>>) target(%dma_start3A_210 : memref<10240x128xf32, #tpu.memory_space<vmem_shared>>) offsets(%dma_start3A_207 : memref<128xi32, #tpu.memory_space<vmem>>) semaphore(%dma_start3A_212 : memref<!tpu.dma_semaphore, #tpu.memory_space<semaphore_mem>>) {add = true}
      %dma_wait3A_213 = arith.constant 1 : i32
      %dma_wait3A_214 = arith.constant 1 : i32
      %dma_wait3A_215 = arith.constant 1 : i32
      %dma_wait3A_216 = arith.constant 0 : i32
      %dma_wait3A_217 = arith.constant 0 : i32
      %dma_wait3A_218 = tpu.memref_slice %arg10[%dma_wait3A_213, %dma_wait3A_216, %dma_wait3A_217] : memref<2x128x128xf32, #tpu.memory_space<vmem>> -> memref<1x128x128xf32, #tpu.memory_space<vmem>>
      %dma_wait3A_219 = tpu.memref_squeeze %dma_wait3A_218 : memref<1x128x128xf32, #tpu.memory_space<vmem>> -> memref<128x128xf32, #tpu.memory_space<vmem>>
      %dma_wait3A_220 = arith.constant 0 : i32
      %dma_wait3A_221 = tpu.memref_slice %arg9[%select_n3A_90, %dma_wait3A_214, %dma_wait3A_220] : memref<2x8x128xi32, #tpu.memory_space<vmem>> -> memref<1x1x128xi32, #tpu.memory_space<vmem>>
      %dma_wait3A_222 = tpu.memref_squeeze %dma_wait3A_221 : memref<1x1x128xi32, #tpu.memory_space<vmem>> -> memref<128xi32, #tpu.memory_space<vmem>>
      %dma_wait3A_223 = arith.constant 0 : i32
      %dma_wait3A_224 = arith.constant 0 : i32
      %dma_wait3A_225 = tpu.memref_slice %arg7[%dma_wait3A_223, %dma_wait3A_224] : memref<10240x128xf32, #tpu.memory_space<vmem_shared>> -> memref<10240x128xf32, #tpu.memory_space<vmem_shared>>
      %dma_wait3A_226 = tpu.memref_slice %arg12[%dma_wait3A_215] : memref<2x!tpu.dma_semaphore, #tpu.memory_space<semaphore_mem>> -> memref<1x!tpu.dma_semaphore, #tpu.memory_space<semaphore_mem>>
      %dma_wait3A_227 = tpu.memref_squeeze %dma_wait3A_226 : memref<1x!tpu.dma_semaphore, #tpu.memory_space<semaphore_mem>> -> memref<!tpu.dma_semaphore, #tpu.memory_space<semaphore_mem>>
      tpu.wait_indirect_dma semaphore(%dma_wait3A_227 : memref<!tpu.dma_semaphore, #tpu.memory_space<semaphore_mem>>) src(%dma_wait3A_219 : memref<128x128xf32, #tpu.memory_space<vmem>>) dst(%dma_wait3A_225 : memref<10240x128xf32, #tpu.memory_space<vmem_shared>>)
      %dma_start3A_228 = arith.constant 3 : i32
      %dma_start3A_229 = arith.constant 1 : i32
      %dma_start3A_230 = arith.constant 1 : i32
      %dma_start3A_231 = arith.constant 0 : i32
      %dma_start3A_232 = arith.constant 0 : i32
      %dma_start3A_233 = tpu.memref_slice %arg10[%dma_start3A_229, %dma_start3A_231, %dma_start3A_232] : memref<2x128x128xf32, #tpu.memory_space<vmem>> -> memref<1x64x128xf32, #tpu.memory_space<vmem>>
      %dma_start3A_234 = tpu.memref_squeeze %dma_start3A_233 : memref<1x64x128xf32, #tpu.memory_space<vmem>> -> memref<64x128xf32, #tpu.memory_space<vmem>>
      %dma_start3A_235 = arith.constant 0 : i32
      %dma_start3A_236 = tpu.memref_slice %arg8[%select_n3A_90, %dma_start3A_228, %dma_start3A_235] : memref<2x8x128xi32, #tpu.memory_space<vmem>> -> memref<1x1x64xi32, #tpu.memory_space<vmem>>
      %dma_start3A_237 = tpu.memref_squeeze %dma_start3A_236 : memref<1x1x64xi32, #tpu.memory_space<vmem>> -> memref<64xi32, #tpu.memory_space<vmem>>
      %dma_start3A_238 = arith.constant 0 : i32
      %dma_start3A_239 = arith.constant 0 : i32
      %dma_start3A_240 = tpu.memref_slice %arg2[%dma_start3A_238, %dma_start3A_239] : memref<10240x128xf32, #tpu.memory_space<hbm>> -> memref<10240x128xf32, #tpu.memory_space<hbm>>
      %dma_start3A_241 = tpu.memref_slice %arg11[%dma_start3A_230] : memref<2x!tpu.dma_semaphore, #tpu.memory_space<semaphore_mem>> -> memref<1x!tpu.dma_semaphore, #tpu.memory_space<semaphore_mem>>
      %dma_start3A_242 = tpu.memref_squeeze %dma_start3A_241 : memref<1x!tpu.dma_semaphore, #tpu.memory_space<semaphore_mem>> -> memref<!tpu.dma_semaphore, #tpu.memory_space<semaphore_mem>>
      tpu.enqueue_indirect_dma source(%dma_start3A_240 : memref<10240x128xf32, #tpu.memory_space<hbm>>) target(%dma_start3A_234 : memref<64x128xf32, #tpu.memory_space<vmem>>) offsets(%dma_start3A_237 : memref<64xi32, #tpu.memory_space<vmem>>) semaphore(%dma_start3A_242 : memref<!tpu.dma_semaphore, #tpu.memory_space<semaphore_mem>>)
      %dma_start3A_243 = arith.constant 3 : i32
      %dma_start3A_244 = arith.constant 1 : i32
      %dma_start3A_245 = arith.constant 1 : i32
      %dma_start3A_246 = arith.constant 64 : i32
      %dma_start3A_247 = arith.constant 0 : i32
      %dma_start3A_248 = tpu.memref_slice %arg10[%dma_start3A_244, %dma_start3A_246, %dma_start3A_247] : memref<2x128x128xf32, #tpu.memory_space<vmem>> -> memref<1x64x128xf32, #tpu.memory_space<vmem>>
      %dma_start3A_249 = tpu.memref_squeeze %dma_start3A_248 : memref<1x64x128xf32, #tpu.memory_space<vmem>> -> memref<64x128xf32, #tpu.memory_space<vmem>>
      %dma_start3A_250 = arith.constant 64 : i32
      %dma_start3A_251 = tpu.memref_slice %arg8[%select_n3A_90, %dma_start3A_243, %dma_start3A_250] : memref<2x8x128xi32, #tpu.memory_space<vmem>> -> memref<1x1x64xi32, #tpu.memory_space<vmem>>
      %dma_start3A_252 = tpu.memref_squeeze %dma_start3A_251 : memref<1x1x64xi32, #tpu.memory_space<vmem>> -> memref<64xi32, #tpu.memory_space<vmem>>
      %dma_start3A_253 = arith.constant 0 : i32
      %dma_start3A_254 = arith.constant 0 : i32
      %dma_start3A_255 = tpu.memref_slice %arg2[%dma_start3A_253, %dma_start3A_254] : memref<10240x128xf32, #tpu.memory_space<hbm>> -> memref<10240x128xf32, #tpu.memory_space<hbm>>
      %dma_start3A_256 = tpu.memref_slice %arg11[%dma_start3A_245] : memref<2x!tpu.dma_semaphore, #tpu.memory_space<semaphore_mem>> -> memref<1x!tpu.dma_semaphore, #tpu.memory_space<semaphore_mem>>
      %dma_start3A_257 = tpu.memref_squeeze %dma_start3A_256 : memref<1x!tpu.dma_semaphore, #tpu.memory_space<semaphore_mem>> -> memref<!tpu.dma_semaphore, #tpu.memory_space<semaphore_mem>>
      tpu.enqueue_indirect_dma source(%dma_start3A_255 : memref<10240x128xf32, #tpu.memory_space<hbm>>) target(%dma_start3A_249 : memref<64x128xf32, #tpu.memory_space<vmem>>) offsets(%dma_start3A_252 : memref<64xi32, #tpu.memory_space<vmem>>) semaphore(%dma_start3A_257 : memref<!tpu.dma_semaphore, #tpu.memory_space<semaphore_mem>>)
      %dma_wait3A_258 = arith.constant 2 : i32
      %dma_wait3A_259 = arith.constant 0 : i32
      %dma_wait3A_260 = arith.constant 0 : i32
      %dma_wait3A_261 = arith.constant 0 : i32
      %dma_wait3A_262 = arith.constant 0 : i32
      %dma_wait3A_263 = tpu.memref_slice %arg10[%dma_wait3A_259, %dma_wait3A_261, %dma_wait3A_262] : memref<2x128x128xf32, #tpu.memory_space<vmem>> -> memref<1x128x128xf32, #tpu.memory_space<vmem>>
      %dma_wait3A_264 = tpu.memref_squeeze %dma_wait3A_263 : memref<1x128x128xf32, #tpu.memory_space<vmem>> -> memref<128x128xf32, #tpu.memory_space<vmem>>
      %dma_wait3A_265 = arith.constant 0 : i32
      %dma_wait3A_266 = tpu.memref_slice %arg8[%select_n3A_90, %dma_wait3A_258, %dma_wait3A_265] : memref<2x8x128xi32, #tpu.memory_space<vmem>> -> memref<1x1x128xi32, #tpu.memory_space<vmem>>
      %dma_wait3A_267 = tpu.memref_squeeze %dma_wait3A_266 : memref<1x1x128xi32, #tpu.memory_space<vmem>> -> memref<128xi32, #tpu.memory_space<vmem>>
      %dma_wait3A_268 = arith.constant 0 : i32
      %dma_wait3A_269 = arith.constant 0 : i32
      %dma_wait3A_270 = tpu.memref_slice %arg2[%dma_wait3A_268, %dma_wait3A_269] : memref<10240x128xf32, #tpu.memory_space<hbm>> -> memref<10240x128xf32, #tpu.memory_space<hbm>>
      %dma_wait3A_271 = tpu.memref_slice %arg11[%dma_wait3A_260] : memref<2x!tpu.dma_semaphore, #tpu.memory_space<semaphore_mem>> -> memref<1x!tpu.dma_semaphore, #tpu.memory_space<semaphore_mem>>
      %dma_wait3A_272 = tpu.memref_squeeze %dma_wait3A_271 : memref<1x!tpu.dma_semaphore, #tpu.memory_space<semaphore_mem>> -> memref<!tpu.dma_semaphore, #tpu.memory_space<semaphore_mem>>
      tpu.wait_indirect_dma semaphore(%dma_wait3A_272 : memref<!tpu.dma_semaphore, #tpu.memory_space<semaphore_mem>>) src(%dma_wait3A_270 : memref<10240x128xf32, #tpu.memory_space<hbm>>) dst(%dma_wait3A_264 : memref<128x128xf32, #tpu.memory_space<vmem>>)
      %dma_start3A_273 = arith.constant 0 : i32
      %dma_start3A_274 = arith.constant 2 : i32
      %dma_start3A_275 = arith.constant 0 : i32
      %dma_start3A_276 = arith.constant 0 : i32
      %dma_start3A_277 = arith.constant 0 : i32
      %dma_start3A_278 = tpu.memref_slice %arg10[%dma_start3A_273, %dma_start3A_276, %dma_start3A_277] : memref<2x128x128xf32, #tpu.memory_space<vmem>> -> memref<1x128x128xf32, #tpu.memory_space<vmem>>
      %dma_start3A_279 = tpu.memref_squeeze %dma_start3A_278 : memref<1x128x128xf32, #tpu.memory_space<vmem>> -> memref<128x128xf32, #tpu.memory_space<vmem>>
      %dma_start3A_280 = arith.constant 0 : i32
      %dma_start3A_281 = tpu.memref_slice %arg9[%select_n3A_90, %dma_start3A_274, %dma_start3A_280] : memref<2x8x128xi32, #tpu.memory_space<vmem>> -> memref<1x1x128xi32, #tpu.memory_space<vmem>>
      %dma_start3A_282 = tpu.memref_squeeze %dma_start3A_281 : memref<1x1x128xi32, #tpu.memory_space<vmem>> -> memref<128xi32, #tpu.memory_space<vmem>>
      %dma_start3A_283 = arith.constant 0 : i32
      %dma_start3A_284 = arith.constant 0 : i32
      %dma_start3A_285 = tpu.memref_slice %arg7[%dma_start3A_283, %dma_start3A_284] : memref<10240x128xf32, #tpu.memory_space<vmem_shared>> -> memref<10240x128xf32, #tpu.memory_space<vmem_shared>>
      %dma_start3A_286 = tpu.memref_slice %arg12[%dma_start3A_275] : memref<2x!tpu.dma_semaphore, #tpu.memory_space<semaphore_mem>> -> memref<1x!tpu.dma_semaphore, #tpu.memory_space<semaphore_mem>>
      %dma_start3A_287 = tpu.memref_squeeze %dma_start3A_286 : memref<1x!tpu.dma_semaphore, #tpu.memory_space<semaphore_mem>> -> memref<!tpu.dma_semaphore, #tpu.memory_space<semaphore_mem>>
      tpu.enqueue_indirect_dma source(%dma_start3A_279 : memref<128x128xf32, #tpu.memory_space<vmem>>) target(%dma_start3A_285 : memref<10240x128xf32, #tpu.memory_space<vmem_shared>>) offsets(%dma_start3A_282 : memref<128xi32, #tpu.memory_space<vmem>>) semaphore(%dma_start3A_287 : memref<!tpu.dma_semaphore, #tpu.memory_space<semaphore_mem>>) {add = true}
      %dma_wait3A_288 = arith.constant 0 : i32
      %dma_wait3A_289 = arith.constant 2 : i32
      %dma_wait3A_290 = arith.constant 0 : i32
      %dma_wait3A_291 = arith.constant 0 : i32
      %dma_wait3A_292 = arith.constant 0 : i32
      %dma_wait3A_293 = tpu.memref_slice %arg10[%dma_wait3A_288, %dma_wait3A_291, %dma_wait3A_292] : memref<2x128x128xf32, #tpu.memory_space<vmem>> -> memref<1x128x128xf32, #tpu.memory_space<vmem>>
      %dma_wait3A_294 = tpu.memref_squeeze %dma_wait3A_293 : memref<1x128x128xf32, #tpu.memory_space<vmem>> -> memref<128x128xf32, #tpu.memory_space<vmem>>
      %dma_wait3A_295 = arith.constant 0 : i32
      %dma_wait3A_296 = tpu.memref_slice %arg9[%select_n3A_90, %dma_wait3A_289, %dma_wait3A_295] : memref<2x8x128xi32, #tpu.memory_space<vmem>> -> memref<1x1x128xi32, #tpu.memory_space<vmem>>
      %dma_wait3A_297 = tpu.memref_squeeze %dma_wait3A_296 : memref<1x1x128xi32, #tpu.memory_space<vmem>> -> memref<128xi32, #tpu.memory_space<vmem>>
      %dma_wait3A_298 = arith.constant 0 : i32
      %dma_wait3A_299 = arith.constant 0 : i32
      %dma_wait3A_300 = tpu.memref_slice %arg7[%dma_wait3A_298, %dma_wait3A_299] : memref<10240x128xf32, #tpu.memory_space<vmem_shared>> -> memref<10240x128xf32, #tpu.memory_space<vmem_shared>>
      %dma_wait3A_301 = tpu.memref_slice %arg12[%dma_wait3A_290] : memref<2x!tpu.dma_semaphore, #tpu.memory_space<semaphore_mem>> -> memref<1x!tpu.dma_semaphore, #tpu.memory_space<semaphore_mem>>
      %dma_wait3A_302 = tpu.memref_squeeze %dma_wait3A_301 : memref<1x!tpu.dma_semaphore, #tpu.memory_space<semaphore_mem>> -> memref<!tpu.dma_semaphore, #tpu.memory_space<semaphore_mem>>
      tpu.wait_indirect_dma semaphore(%dma_wait3A_302 : memref<!tpu.dma_semaphore, #tpu.memory_space<semaphore_mem>>) src(%dma_wait3A_294 : memref<128x128xf32, #tpu.memory_space<vmem>>) dst(%dma_wait3A_300 : memref<10240x128xf32, #tpu.memory_space<vmem_shared>>)
      %dma_start3A_303 = arith.constant 4 : i32
      %dma_start3A_304 = arith.constant 0 : i32
      %dma_start3A_305 = arith.constant 0 : i32
      %dma_start3A_306 = arith.constant 0 : i32
      %dma_start3A_307 = arith.constant 0 : i32
      %dma_start3A_308 = tpu.memref_slice %arg10[%dma_start3A_304, %dma_start3A_306, %dma_start3A_307] : memref<2x128x128xf32, #tpu.memory_space<vmem>> -> memref<1x64x128xf32, #tpu.memory_space<vmem>>
      %dma_start3A_309 = tpu.memref_squeeze %dma_start3A_308 : memref<1x64x128xf32, #tpu.memory_space<vmem>> -> memref<64x128xf32, #tpu.memory_space<vmem>>
      %dma_start3A_310 = arith.constant 0 : i32
      %dma_start3A_311 = tpu.memref_slice %arg8[%select_n3A_90, %dma_start3A_303, %dma_start3A_310] : memref<2x8x128xi32, #tpu.memory_space<vmem>> -> memref<1x1x64xi32, #tpu.memory_space<vmem>>
      %dma_start3A_312 = tpu.memref_squeeze %dma_start3A_311 : memref<1x1x64xi32, #tpu.memory_space<vmem>> -> memref<64xi32, #tpu.memory_space<vmem>>
      %dma_start3A_313 = arith.constant 0 : i32
      %dma_start3A_314 = arith.constant 0 : i32
      %dma_start3A_315 = tpu.memref_slice %arg2[%dma_start3A_313, %dma_start3A_314] : memref<10240x128xf32, #tpu.memory_space<hbm>> -> memref<10240x128xf32, #tpu.memory_space<hbm>>
      %dma_start3A_316 = tpu.memref_slice %arg11[%dma_start3A_305] : memref<2x!tpu.dma_semaphore, #tpu.memory_space<semaphore_mem>> -> memref<1x!tpu.dma_semaphore, #tpu.memory_space<semaphore_mem>>
      %dma_start3A_317 = tpu.memref_squeeze %dma_start3A_316 : memref<1x!tpu.dma_semaphore, #tpu.memory_space<semaphore_mem>> -> memref<!tpu.dma_semaphore, #tpu.memory_space<semaphore_mem>>
      tpu.enqueue_indirect_dma source(%dma_start3A_315 : memref<10240x128xf32, #tpu.memory_space<hbm>>) target(%dma_start3A_309 : memref<64x128xf32, #tpu.memory_space<vmem>>) offsets(%dma_start3A_312 : memref<64xi32, #tpu.memory_space<vmem>>) semaphore(%dma_start3A_317 : memref<!tpu.dma_semaphore, #tpu.memory_space<semaphore_mem>>)
      %dma_start3A_318 = arith.constant 4 : i32
      %dma_start3A_319 = arith.constant 0 : i32
      %dma_start3A_320 = arith.constant 0 : i32
      %dma_start3A_321 = arith.constant 64 : i32
      %dma_start3A_322 = arith.constant 0 : i32
      %dma_start3A_323 = tpu.memref_slice %arg10[%dma_start3A_319, %dma_start3A_321, %dma_start3A_322] : memref<2x128x128xf32, #tpu.memory_space<vmem>> -> memref<1x64x128xf32, #tpu.memory_space<vmem>>
      %dma_start3A_324 = tpu.memref_squeeze %dma_start3A_323 : memref<1x64x128xf32, #tpu.memory_space<vmem>> -> memref<64x128xf32, #tpu.memory_space<vmem>>
      %dma_start3A_325 = arith.constant 64 : i32
      %dma_start3A_326 = tpu.memref_slice %arg8[%select_n3A_90, %dma_start3A_318, %dma_start3A_325] : memref<2x8x128xi32, #tpu.memory_space<vmem>> -> memref<1x1x64xi32, #tpu.memory_space<vmem>>
      %dma_start3A_327 = tpu.memref_squeeze %dma_start3A_326 : memref<1x1x64xi32, #tpu.memory_space<vmem>> -> memref<64xi32, #tpu.memory_space<vmem>>
      %dma_start3A_328 = arith.constant 0 : i32
      %dma_start3A_329 = arith.constant 0 : i32
      %dma_start3A_330 = tpu.memref_slice %arg2[%dma_start3A_328, %dma_start3A_329] : memref<10240x128xf32, #tpu.memory_space<hbm>> -> memref<10240x128xf32, #tpu.memory_space<hbm>>
      %dma_start3A_331 = tpu.memref_slice %arg11[%dma_start3A_320] : memref<2x!tpu.dma_semaphore, #tpu.memory_space<semaphore_mem>> -> memref<1x!tpu.dma_semaphore, #tpu.memory_space<semaphore_mem>>
      %dma_start3A_332 = tpu.memref_squeeze %dma_start3A_331 : memref<1x!tpu.dma_semaphore, #tpu.memory_space<semaphore_mem>> -> memref<!tpu.dma_semaphore, #tpu.memory_space<semaphore_mem>>
      tpu.enqueue_indirect_dma source(%dma_start3A_330 : memref<10240x128xf32, #tpu.memory_space<hbm>>) target(%dma_start3A_324 : memref<64x128xf32, #tpu.memory_space<vmem>>) offsets(%dma_start3A_327 : memref<64xi32, #tpu.memory_space<vmem>>) semaphore(%dma_start3A_332 : memref<!tpu.dma_semaphore, #tpu.memory_space<semaphore_mem>>)
      %dma_wait3A_333 = arith.constant 3 : i32
      %dma_wait3A_334 = arith.constant 1 : i32
      %dma_wait3A_335 = arith.constant 1 : i32
      %dma_wait3A_336 = arith.constant 0 : i32
      %dma_wait3A_337 = arith.constant 0 : i32
      %dma_wait3A_338 = tpu.memref_slice %arg10[%dma_wait3A_334, %dma_wait3A_336, %dma_wait3A_337] : memref<2x128x128xf32, #tpu.memory_space<vmem>> -> memref<1x128x128xf32, #tpu.memory_space<vmem>>
      %dma_wait3A_339 = tpu.memref_squeeze %dma_wait3A_338 : memref<1x128x128xf32, #tpu.memory_space<vmem>> -> memref<128x128xf32, #tpu.memory_space<vmem>>
      %dma_wait3A_340 = arith.constant 0 : i32
      %dma_wait3A_341 = tpu.memref_slice %arg8[%select_n3A_90, %dma_wait3A_333, %dma_wait3A_340] : memref<2x8x128xi32, #tpu.memory_space<vmem>> -> memref<1x1x128xi32, #tpu.memory_space<vmem>>
      %dma_wait3A_342 = tpu.memref_squeeze %dma_wait3A_341 : memref<1x1x128xi32, #tpu.memory_space<vmem>> -> memref<128xi32, #tpu.memory_space<vmem>>
      %dma_wait3A_343 = arith.constant 0 : i32
      %dma_wait3A_344 = arith.constant 0 : i32
      %dma_wait3A_345 = tpu.memref_slice %arg2[%dma_wait3A_343, %dma_wait3A_344] : memref<10240x128xf32, #tpu.memory_space<hbm>> -> memref<10240x128xf32, #tpu.memory_space<hbm>>
      %dma_wait3A_346 = tpu.memref_slice %arg11[%dma_wait3A_335] : memref<2x!tpu.dma_semaphore, #tpu.memory_space<semaphore_mem>> -> memref<1x!tpu.dma_semaphore, #tpu.memory_space<semaphore_mem>>
      %dma_wait3A_347 = tpu.memref_squeeze %dma_wait3A_346 : memref<1x!tpu.dma_semaphore, #tpu.memory_space<semaphore_mem>> -> memref<!tpu.dma_semaphore, #tpu.memory_space<semaphore_mem>>
      tpu.wait_indirect_dma semaphore(%dma_wait3A_347 : memref<!tpu.dma_semaphore, #tpu.memory_space<semaphore_mem>>) src(%dma_wait3A_345 : memref<10240x128xf32, #tpu.memory_space<hbm>>) dst(%dma_wait3A_339 : memref<128x128xf32, #tpu.memory_space<vmem>>)
      %dma_start3A_348 = arith.constant 1 : i32
      %dma_start3A_349 = arith.constant 3 : i32
      %dma_start3A_350 = arith.constant 1 : i32
      %dma_start3A_351 = arith.constant 0 : i32
      %dma_start3A_352 = arith.constant 0 : i32
      %dma_start3A_353 = tpu.memref_slice %arg10[%dma_start3A_348, %dma_start3A_351, %dma_start3A_352] : memref<2x128x128xf32, #tpu.memory_space<vmem>> -> memref<1x128x128xf32, #tpu.memory_space<vmem>>
      %dma_start3A_354 = tpu.memref_squeeze %dma_start3A_353 : memref<1x128x128xf32, #tpu.memory_space<vmem>> -> memref<128x128xf32, #tpu.memory_space<vmem>>
      %dma_start3A_355 = arith.constant 0 : i32
      %dma_start3A_356 = tpu.memref_slice %arg9[%select_n3A_90, %dma_start3A_349, %dma_start3A_355] : memref<2x8x128xi32, #tpu.memory_space<vmem>> -> memref<1x1x128xi32, #tpu.memory_space<vmem>>
      %dma_start3A_357 = tpu.memref_squeeze %dma_start3A_356 : memref<1x1x128xi32, #tpu.memory_space<vmem>> -> memref<128xi32, #tpu.memory_space<vmem>>
      %dma_start3A_358 = arith.constant 0 : i32
      %dma_start3A_359 = arith.constant 0 : i32
      %dma_start3A_360 = tpu.memref_slice %arg7[%dma_start3A_358, %dma_start3A_359] : memref<10240x128xf32, #tpu.memory_space<vmem_shared>> -> memref<10240x128xf32, #tpu.memory_space<vmem_shared>>
      %dma_start3A_361 = tpu.memref_slice %arg12[%dma_start3A_350] : memref<2x!tpu.dma_semaphore, #tpu.memory_space<semaphore_mem>> -> memref<1x!tpu.dma_semaphore, #tpu.memory_space<semaphore_mem>>
      %dma_start3A_362 = tpu.memref_squeeze %dma_start3A_361 : memref<1x!tpu.dma_semaphore, #tpu.memory_space<semaphore_mem>> -> memref<!tpu.dma_semaphore, #tpu.memory_space<semaphore_mem>>
      tpu.enqueue_indirect_dma source(%dma_start3A_354 : memref<128x128xf32, #tpu.memory_space<vmem>>) target(%dma_start3A_360 : memref<10240x128xf32, #tpu.memory_space<vmem_shared>>) offsets(%dma_start3A_357 : memref<128xi32, #tpu.memory_space<vmem>>) semaphore(%dma_start3A_362 : memref<!tpu.dma_semaphore, #tpu.memory_space<semaphore_mem>>) {add = true}
      %dma_wait3A_363 = arith.constant 1 : i32
      %dma_wait3A_364 = arith.constant 3 : i32
      %dma_wait3A_365 = arith.constant 1 : i32
      %dma_wait3A_366 = arith.constant 0 : i32
      %dma_wait3A_367 = arith.constant 0 : i32
      %dma_wait3A_368 = tpu.memref_slice %arg10[%dma_wait3A_363, %dma_wait3A_366, %dma_wait3A_367] : memref<2x128x128xf32, #tpu.memory_space<vmem>> -> memref<1x128x128xf32, #tpu.memory_space<vmem>>
      %dma_wait3A_369 = tpu.memref_squeeze %dma_wait3A_368 : memref<1x128x128xf32, #tpu.memory_space<vmem>> -> memref<128x128xf32, #tpu.memory_space<vmem>>
      %dma_wait3A_370 = arith.constant 0 : i32
      %dma_wait3A_371 = tpu.memref_slice %arg9[%select_n3A_90, %dma_wait3A_364, %dma_wait3A_370] : memref<2x8x128xi32, #tpu.memory_space<vmem>> -> memref<1x1x128xi32, #tpu.memory_space<vmem>>
      %dma_wait3A_372 = tpu.memref_squeeze %dma_wait3A_371 : memref<1x1x128xi32, #tpu.memory_space<vmem>> -> memref<128xi32, #tpu.memory_space<vmem>>
      %dma_wait3A_373 = arith.constant 0 : i32
      %dma_wait3A_374 = arith.constant 0 : i32
      %dma_wait3A_375 = tpu.memref_slice %arg7[%dma_wait3A_373, %dma_wait3A_374] : memref<10240x128xf32, #tpu.memory_space<vmem_shared>> -> memref<10240x128xf32, #tpu.memory_space<vmem_shared>>
      %dma_wait3A_376 = tpu.memref_slice %arg12[%dma_wait3A_365] : memref<2x!tpu.dma_semaphore, #tpu.memory_space<semaphore_mem>> -> memref<1x!tpu.dma_semaphore, #tpu.memory_space<semaphore_mem>>
      %dma_wait3A_377 = tpu.memref_squeeze %dma_wait3A_376 : memref<1x!tpu.dma_semaphore, #tpu.memory_space<semaphore_mem>> -> memref<!tpu.dma_semaphore, #tpu.memory_space<semaphore_mem>>
      tpu.wait_indirect_dma semaphore(%dma_wait3A_377 : memref<!tpu.dma_semaphore, #tpu.memory_space<semaphore_mem>>) src(%dma_wait3A_369 : memref<128x128xf32, #tpu.memory_space<vmem>>) dst(%dma_wait3A_375 : memref<10240x128xf32, #tpu.memory_space<vmem_shared>>)
      %dma_start3A_378 = arith.constant 5 : i32
      %dma_start3A_379 = arith.constant 1 : i32
      %dma_start3A_380 = arith.constant 1 : i32
      %dma_start3A_381 = arith.constant 0 : i32
      %dma_start3A_382 = arith.constant 0 : i32
      %dma_start3A_383 = tpu.memref_slice %arg10[%dma_start3A_379, %dma_start3A_381, %dma_start3A_382] : memref<2x128x128xf32, #tpu.memory_space<vmem>> -> memref<1x64x128xf32, #tpu.memory_space<vmem>>
      %dma_start3A_384 = tpu.memref_squeeze %dma_start3A_383 : memref<1x64x128xf32, #tpu.memory_space<vmem>> -> memref<64x128xf32, #tpu.memory_space<vmem>>
      %dma_start3A_385 = arith.constant 0 : i32
      %dma_start3A_386 = tpu.memref_slice %arg8[%select_n3A_90, %dma_start3A_378, %dma_start3A_385] : memref<2x8x128xi32, #tpu.memory_space<vmem>> -> memref<1x1x64xi32, #tpu.memory_space<vmem>>
      %dma_start3A_387 = tpu.memref_squeeze %dma_start3A_386 : memref<1x1x64xi32, #tpu.memory_space<vmem>> -> memref<64xi32, #tpu.memory_space<vmem>>
      %dma_start3A_388 = arith.constant 0 : i32
      %dma_start3A_389 = arith.constant 0 : i32
      %dma_start3A_390 = tpu.memref_slice %arg2[%dma_start3A_388, %dma_start3A_389] : memref<10240x128xf32, #tpu.memory_space<hbm>> -> memref<10240x128xf32, #tpu.memory_space<hbm>>
      %dma_start3A_391 = tpu.memref_slice %arg11[%dma_start3A_380] : memref<2x!tpu.dma_semaphore, #tpu.memory_space<semaphore_mem>> -> memref<1x!tpu.dma_semaphore, #tpu.memory_space<semaphore_mem>>
      %dma_start3A_392 = tpu.memref_squeeze %dma_start3A_391 : memref<1x!tpu.dma_semaphore, #tpu.memory_space<semaphore_mem>> -> memref<!tpu.dma_semaphore, #tpu.memory_space<semaphore_mem>>
      tpu.enqueue_indirect_dma source(%dma_start3A_390 : memref<10240x128xf32, #tpu.memory_space<hbm>>) target(%dma_start3A_384 : memref<64x128xf32, #tpu.memory_space<vmem>>) offsets(%dma_start3A_387 : memref<64xi32, #tpu.memory_space<vmem>>) semaphore(%dma_start3A_392 : memref<!tpu.dma_semaphore, #tpu.memory_space<semaphore_mem>>)
      %dma_start3A_393 = arith.constant 5 : i32
      %dma_start3A_394 = arith.constant 1 : i32
      %dma_start3A_395 = arith.constant 1 : i32
      %dma_start3A_396 = arith.constant 64 : i32
      %dma_start3A_397 = arith.constant 0 : i32
      %dma_start3A_398 = tpu.memref_slice %arg10[%dma_start3A_394, %dma_start3A_396, %dma_start3A_397] : memref<2x128x128xf32, #tpu.memory_space<vmem>> -> memref<1x64x128xf32, #tpu.memory_space<vmem>>
      %dma_start3A_399 = tpu.memref_squeeze %dma_start3A_398 : memref<1x64x128xf32, #tpu.memory_space<vmem>> -> memref<64x128xf32, #tpu.memory_space<vmem>>
      %dma_start3A_400 = arith.constant 64 : i32
      %dma_start3A_401 = tpu.memref_slice %arg8[%select_n3A_90, %dma_start3A_393, %dma_start3A_400] : memref<2x8x128xi32, #tpu.memory_space<vmem>> -> memref<1x1x64xi32, #tpu.memory_space<vmem>>
      %dma_start3A_402 = tpu.memref_squeeze %dma_start3A_401 : memref<1x1x64xi32, #tpu.memory_space<vmem>> -> memref<64xi32, #tpu.memory_space<vmem>>
      %dma_start3A_403 = arith.constant 0 : i32
      %dma_start3A_404 = arith.constant 0 : i32
      %dma_start3A_405 = tpu.memref_slice %arg2[%dma_start3A_403, %dma_start3A_404] : memref<10240x128xf32, #tpu.memory_space<hbm>> -> memref<10240x128xf32, #tpu.memory_space<hbm>>
      %dma_start3A_406 = tpu.memref_slice %arg11[%dma_start3A_395] : memref<2x!tpu.dma_semaphore, #tpu.memory_space<semaphore_mem>> -> memref<1x!tpu.dma_semaphore, #tpu.memory_space<semaphore_mem>>
      %dma_start3A_407 = tpu.memref_squeeze %dma_start3A_406 : memref<1x!tpu.dma_semaphore, #tpu.memory_space<semaphore_mem>> -> memref<!tpu.dma_semaphore, #tpu.memory_space<semaphore_mem>>
      tpu.enqueue_indirect_dma source(%dma_start3A_405 : memref<10240x128xf32, #tpu.memory_space<hbm>>) target(%dma_start3A_399 : memref<64x128xf32, #tpu.memory_space<vmem>>) offsets(%dma_start3A_402 : memref<64xi32, #tpu.memory_space<vmem>>) semaphore(%dma_start3A_407 : memref<!tpu.dma_semaphore, #tpu.memory_space<semaphore_mem>>)
      %dma_wait3A_408 = arith.constant 4 : i32
      %dma_wait3A_409 = arith.constant 0 : i32
      %dma_wait3A_410 = arith.constant 0 : i32
      %dma_wait3A_411 = arith.constant 0 : i32
      %dma_wait3A_412 = arith.constant 0 : i32
      %dma_wait3A_413 = tpu.memref_slice %arg10[%dma_wait3A_409, %dma_wait3A_411, %dma_wait3A_412] : memref<2x128x128xf32, #tpu.memory_space<vmem>> -> memref<1x128x128xf32, #tpu.memory_space<vmem>>
      %dma_wait3A_414 = tpu.memref_squeeze %dma_wait3A_413 : memref<1x128x128xf32, #tpu.memory_space<vmem>> -> memref<128x128xf32, #tpu.memory_space<vmem>>
      %dma_wait3A_415 = arith.constant 0 : i32
      %dma_wait3A_416 = tpu.memref_slice %arg8[%select_n3A_90, %dma_wait3A_408, %dma_wait3A_415] : memref<2x8x128xi32, #tpu.memory_space<vmem>> -> memref<1x1x128xi32, #tpu.memory_space<vmem>>
      %dma_wait3A_417 = tpu.memref_squeeze %dma_wait3A_416 : memref<1x1x128xi32, #tpu.memory_space<vmem>> -> memref<128xi32, #tpu.memory_space<vmem>>
      %dma_wait3A_418 = arith.constant 0 : i32
      %dma_wait3A_419 = arith.constant 0 : i32
      %dma_wait3A_420 = tpu.memref_slice %arg2[%dma_wait3A_418, %dma_wait3A_419] : memref<10240x128xf32, #tpu.memory_space<hbm>> -> memref<10240x128xf32, #tpu.memory_space<hbm>>
      %dma_wait3A_421 = tpu.memref_slice %arg11[%dma_wait3A_410] : memref<2x!tpu.dma_semaphore, #tpu.memory_space<semaphore_mem>> -> memref<1x!tpu.dma_semaphore, #tpu.memory_space<semaphore_mem>>
      %dma_wait3A_422 = tpu.memref_squeeze %dma_wait3A_421 : memref<1x!tpu.dma_semaphore, #tpu.memory_space<semaphore_mem>> -> memref<!tpu.dma_semaphore, #tpu.memory_space<semaphore_mem>>
      tpu.wait_indirect_dma semaphore(%dma_wait3A_422 : memref<!tpu.dma_semaphore, #tpu.memory_space<semaphore_mem>>) src(%dma_wait3A_420 : memref<10240x128xf32, #tpu.memory_space<hbm>>) dst(%dma_wait3A_414 : memref<128x128xf32, #tpu.memory_space<vmem>>)
      %dma_start3A_423 = arith.constant 0 : i32
      %dma_start3A_424 = arith.constant 4 : i32
      %dma_start3A_425 = arith.constant 0 : i32
      %dma_start3A_426 = arith.constant 0 : i32
      %dma_start3A_427 = arith.constant 0 : i32
      %dma_start3A_428 = tpu.memref_slice %arg10[%dma_start3A_423, %dma_start3A_426, %dma_start3A_427] : memref<2x128x128xf32, #tpu.memory_space<vmem>> -> memref<1x128x128xf32, #tpu.memory_space<vmem>>
      %dma_start3A_429 = tpu.memref_squeeze %dma_start3A_428 : memref<1x128x128xf32, #tpu.memory_space<vmem>> -> memref<128x128xf32, #tpu.memory_space<vmem>>
      %dma_start3A_430 = arith.constant 0 : i32
      %dma_start3A_431 = tpu.memref_slice %arg9[%select_n3A_90, %dma_start3A_424, %dma_start3A_430] : memref<2x8x128xi32, #tpu.memory_space<vmem>> -> memref<1x1x128xi32, #tpu.memory_space<vmem>>
      %dma_start3A_432 = tpu.memref_squeeze %dma_start3A_431 : memref<1x1x128xi32, #tpu.memory_space<vmem>> -> memref<128xi32, #tpu.memory_space<vmem>>
      %dma_start3A_433 = arith.constant 0 : i32
      %dma_start3A_434 = arith.constant 0 : i32
      %dma_start3A_435 = tpu.memref_slice %arg7[%dma_start3A_433, %dma_start3A_434] : memref<10240x128xf32, #tpu.memory_space<vmem_shared>> -> memref<10240x128xf32, #tpu.memory_space<vmem_shared>>
      %dma_start3A_436 = tpu.memref_slice %arg12[%dma_start3A_425] : memref<2x!tpu.dma_semaphore, #tpu.memory_space<semaphore_mem>> -> memref<1x!tpu.dma_semaphore, #tpu.memory_space<semaphore_mem>>
      %dma_start3A_437 = tpu.memref_squeeze %dma_start3A_436 : memref<1x!tpu.dma_semaphore, #tpu.memory_space<semaphore_mem>> -> memref<!tpu.dma_semaphore, #tpu.memory_space<semaphore_mem>>
      tpu.enqueue_indirect_dma source(%dma_start3A_429 : memref<128x128xf32, #tpu.memory_space<vmem>>) target(%dma_start3A_435 : memref<10240x128xf32, #tpu.memory_space<vmem_shared>>) offsets(%dma_start3A_432 : memref<128xi32, #tpu.memory_space<vmem>>) semaphore(%dma_start3A_437 : memref<!tpu.dma_semaphore, #tpu.memory_space<semaphore_mem>>) {add = true}
      %dma_wait3A_438 = arith.constant 0 : i32
      %dma_wait3A_439 = arith.constant 4 : i32
      %dma_wait3A_440 = arith.constant 0 : i32
      %dma_wait3A_441 = arith.constant 0 : i32
      %dma_wait3A_442 = arith.constant 0 : i32
      %dma_wait3A_443 = tpu.memref_slice %arg10[%dma_wait3A_438, %dma_wait3A_441, %dma_wait3A_442] : memref<2x128x128xf32, #tpu.memory_space<vmem>> -> memref<1x128x128xf32, #tpu.memory_space<vmem>>
      %dma_wait3A_444 = tpu.memref_squeeze %dma_wait3A_443 : memref<1x128x128xf32, #tpu.memory_space<vmem>> -> memref<128x128xf32, #tpu.memory_space<vmem>>
      %dma_wait3A_445 = arith.constant 0 : i32
      %dma_wait3A_446 = tpu.memref_slice %arg9[%select_n3A_90, %dma_wait3A_439, %dma_wait3A_445] : memref<2x8x128xi32, #tpu.memory_space<vmem>> -> memref<1x1x128xi32, #tpu.memory_space<vmem>>
      %dma_wait3A_447 = tpu.memref_squeeze %dma_wait3A_446 : memref<1x1x128xi32, #tpu.memory_space<vmem>> -> memref<128xi32, #tpu.memory_space<vmem>>
      %dma_wait3A_448 = arith.constant 0 : i32
      %dma_wait3A_449 = arith.constant 0 : i32
      %dma_wait3A_450 = tpu.memref_slice %arg7[%dma_wait3A_448, %dma_wait3A_449] : memref<10240x128xf32, #tpu.memory_space<vmem_shared>> -> memref<10240x128xf32, #tpu.memory_space<vmem_shared>>
      %dma_wait3A_451 = tpu.memref_slice %arg12[%dma_wait3A_440] : memref<2x!tpu.dma_semaphore, #tpu.memory_space<semaphore_mem>> -> memref<1x!tpu.dma_semaphore, #tpu.memory_space<semaphore_mem>>
      %dma_wait3A_452 = tpu.memref_squeeze %dma_wait3A_451 : memref<1x!tpu.dma_semaphore, #tpu.memory_space<semaphore_mem>> -> memref<!tpu.dma_semaphore, #tpu.memory_space<semaphore_mem>>
      tpu.wait_indirect_dma semaphore(%dma_wait3A_452 : memref<!tpu.dma_semaphore, #tpu.memory_space<semaphore_mem>>) src(%dma_wait3A_444 : memref<128x128xf32, #tpu.memory_space<vmem>>) dst(%dma_wait3A_450 : memref<10240x128xf32, #tpu.memory_space<vmem_shared>>)
      %dma_start3A_453 = arith.constant 6 : i32
      %dma_start3A_454 = arith.constant 0 : i32
      %dma_start3A_455 = arith.constant 0 : i32
      %dma_start3A_456 = arith.constant 0 : i32
      %dma_start3A_457 = arith.constant 0 : i32
      %dma_start3A_458 = tpu.memref_slice %arg10[%dma_start3A_454, %dma_start3A_456, %dma_start3A_457] : memref<2x128x128xf32, #tpu.memory_space<vmem>> -> memref<1x64x128xf32, #tpu.memory_space<vmem>>
      %dma_start3A_459 = tpu.memref_squeeze %dma_start3A_458 : memref<1x64x128xf32, #tpu.memory_space<vmem>> -> memref<64x128xf32, #tpu.memory_space<vmem>>
      %dma_start3A_460 = arith.constant 0 : i32
      %dma_start3A_461 = tpu.memref_slice %arg8[%select_n3A_90, %dma_start3A_453, %dma_start3A_460] : memref<2x8x128xi32, #tpu.memory_space<vmem>> -> memref<1x1x64xi32, #tpu.memory_space<vmem>>
      %dma_start3A_462 = tpu.memref_squeeze %dma_start3A_461 : memref<1x1x64xi32, #tpu.memory_space<vmem>> -> memref<64xi32, #tpu.memory_space<vmem>>
      %dma_start3A_463 = arith.constant 0 : i32
      %dma_start3A_464 = arith.constant 0 : i32
      %dma_start3A_465 = tpu.memref_slice %arg2[%dma_start3A_463, %dma_start3A_464] : memref<10240x128xf32, #tpu.memory_space<hbm>> -> memref<10240x128xf32, #tpu.memory_space<hbm>>
      %dma_start3A_466 = tpu.memref_slice %arg11[%dma_start3A_455] : memref<2x!tpu.dma_semaphore, #tpu.memory_space<semaphore_mem>> -> memref<1x!tpu.dma_semaphore, #tpu.memory_space<semaphore_mem>>
      %dma_start3A_467 = tpu.memref_squeeze %dma_start3A_466 : memref<1x!tpu.dma_semaphore, #tpu.memory_space<semaphore_mem>> -> memref<!tpu.dma_semaphore, #tpu.memory_space<semaphore_mem>>
      tpu.enqueue_indirect_dma source(%dma_start3A_465 : memref<10240x128xf32, #tpu.memory_space<hbm>>) target(%dma_start3A_459 : memref<64x128xf32, #tpu.memory_space<vmem>>) offsets(%dma_start3A_462 : memref<64xi32, #tpu.memory_space<vmem>>) semaphore(%dma_start3A_467 : memref<!tpu.dma_semaphore, #tpu.memory_space<semaphore_mem>>)
      %dma_start3A_468 = arith.constant 6 : i32
      %dma_start3A_469 = arith.constant 0 : i32
      %dma_start3A_470 = arith.constant 0 : i32
      %dma_start3A_471 = arith.constant 64 : i32
      %dma_start3A_472 = arith.constant 0 : i32
      %dma_start3A_473 = tpu.memref_slice %arg10[%dma_start3A_469, %dma_start3A_471, %dma_start3A_472] : memref<2x128x128xf32, #tpu.memory_space<vmem>> -> memref<1x64x128xf32, #tpu.memory_space<vmem>>
      %dma_start3A_474 = tpu.memref_squeeze %dma_start3A_473 : memref<1x64x128xf32, #tpu.memory_space<vmem>> -> memref<64x128xf32, #tpu.memory_space<vmem>>
      %dma_start3A_475 = arith.constant 64 : i32
      %dma_start3A_476 = tpu.memref_slice %arg8[%select_n3A_90, %dma_start3A_468, %dma_start3A_475] : memref<2x8x128xi32, #tpu.memory_space<vmem>> -> memref<1x1x64xi32, #tpu.memory_space<vmem>>
      %dma_start3A_477 = tpu.memref_squeeze %dma_start3A_476 : memref<1x1x64xi32, #tpu.memory_space<vmem>> -> memref<64xi32, #tpu.memory_space<vmem>>
      %dma_start3A_478 = arith.constant 0 : i32
      %dma_start3A_479 = arith.constant 0 : i32
      %dma_start3A_480 = tpu.memref_slice %arg2[%dma_start3A_478, %dma_start3A_479] : memref<10240x128xf32, #tpu.memory_space<hbm>> -> memref<10240x128xf32, #tpu.memory_space<hbm>>
      %dma_start3A_481 = tpu.memref_slice %arg11[%dma_start3A_470] : memref<2x!tpu.dma_semaphore, #tpu.memory_space<semaphore_mem>> -> memref<1x!tpu.dma_semaphore, #tpu.memory_space<semaphore_mem>>
      %dma_start3A_482 = tpu.memref_squeeze %dma_start3A_481 : memref<1x!tpu.dma_semaphore, #tpu.memory_space<semaphore_mem>> -> memref<!tpu.dma_semaphore, #tpu.memory_space<semaphore_mem>>
      tpu.enqueue_indirect_dma source(%dma_start3A_480 : memref<10240x128xf32, #tpu.memory_space<hbm>>) target(%dma_start3A_474 : memref<64x128xf32, #tpu.memory_space<vmem>>) offsets(%dma_start3A_477 : memref<64xi32, #tpu.memory_space<vmem>>) semaphore(%dma_start3A_482 : memref<!tpu.dma_semaphore, #tpu.memory_space<semaphore_mem>>)
      %dma_wait3A_483 = arith.constant 5 : i32
      %dma_wait3A_484 = arith.constant 1 : i32
      %dma_wait3A_485 = arith.constant 1 : i32
      %dma_wait3A_486 = arith.constant 0 : i32
      %dma_wait3A_487 = arith.constant 0 : i32
      %dma_wait3A_488 = tpu.memref_slice %arg10[%dma_wait3A_484, %dma_wait3A_486, %dma_wait3A_487] : memref<2x128x128xf32, #tpu.memory_space<vmem>> -> memref<1x128x128xf32, #tpu.memory_space<vmem>>
      %dma_wait3A_489 = tpu.memref_squeeze %dma_wait3A_488 : memref<1x128x128xf32, #tpu.memory_space<vmem>> -> memref<128x128xf32, #tpu.memory_space<vmem>>
      %dma_wait3A_490 = arith.constant 0 : i32
      %dma_wait3A_491 = tpu.memref_slice %arg8[%select_n3A_90, %dma_wait3A_483, %dma_wait3A_490] : memref<2x8x128xi32, #tpu.memory_space<vmem>> -> memref<1x1x128xi32, #tpu.memory_space<vmem>>
      %dma_wait3A_492 = tpu.memref_squeeze %dma_wait3A_491 : memref<1x1x128xi32, #tpu.memory_space<vmem>> -> memref<128xi32, #tpu.memory_space<vmem>>
      %dma_wait3A_493 = arith.constant 0 : i32
      %dma_wait3A_494 = arith.constant 0 : i32
      %dma_wait3A_495 = tpu.memref_slice %arg2[%dma_wait3A_493, %dma_wait3A_494] : memref<10240x128xf32, #tpu.memory_space<hbm>> -> memref<10240x128xf32, #tpu.memory_space<hbm>>
      %dma_wait3A_496 = tpu.memref_slice %arg11[%dma_wait3A_485] : memref<2x!tpu.dma_semaphore, #tpu.memory_space<semaphore_mem>> -> memref<1x!tpu.dma_semaphore, #tpu.memory_space<semaphore_mem>>
      %dma_wait3A_497 = tpu.memref_squeeze %dma_wait3A_496 : memref<1x!tpu.dma_semaphore, #tpu.memory_space<semaphore_mem>> -> memref<!tpu.dma_semaphore, #tpu.memory_space<semaphore_mem>>
      tpu.wait_indirect_dma semaphore(%dma_wait3A_497 : memref<!tpu.dma_semaphore, #tpu.memory_space<semaphore_mem>>) src(%dma_wait3A_495 : memref<10240x128xf32, #tpu.memory_space<hbm>>) dst(%dma_wait3A_489 : memref<128x128xf32, #tpu.memory_space<vmem>>)
      %dma_start3A_498 = arith.constant 1 : i32
      %dma_start3A_499 = arith.constant 5 : i32
      %dma_start3A_500 = arith.constant 1 : i32
      %dma_start3A_501 = arith.constant 0 : i32
      %dma_start3A_502 = arith.constant 0 : i32
      %dma_start3A_503 = tpu.memref_slice %arg10[%dma_start3A_498, %dma_start3A_501, %dma_start3A_502] : memref<2x128x128xf32, #tpu.memory_space<vmem>> -> memref<1x128x128xf32, #tpu.memory_space<vmem>>
      %dma_start3A_504 = tpu.memref_squeeze %dma_start3A_503 : memref<1x128x128xf32, #tpu.memory_space<vmem>> -> memref<128x128xf32, #tpu.memory_space<vmem>>
      %dma_start3A_505 = arith.constant 0 : i32
      %dma_start3A_506 = tpu.memref_slice %arg9[%select_n3A_90, %dma_start3A_499, %dma_start3A_505] : memref<2x8x128xi32, #tpu.memory_space<vmem>> -> memref<1x1x128xi32, #tpu.memory_space<vmem>>
      %dma_start3A_507 = tpu.memref_squeeze %dma_start3A_506 : memref<1x1x128xi32, #tpu.memory_space<vmem>> -> memref<128xi32, #tpu.memory_space<vmem>>
      %dma_start3A_508 = arith.constant 0 : i32
      %dma_start3A_509 = arith.constant 0 : i32
      %dma_start3A_510 = tpu.memref_slice %arg7[%dma_start3A_508, %dma_start3A_509] : memref<10240x128xf32, #tpu.memory_space<vmem_shared>> -> memref<10240x128xf32, #tpu.memory_space<vmem_shared>>
      %dma_start3A_511 = tpu.memref_slice %arg12[%dma_start3A_500] : memref<2x!tpu.dma_semaphore, #tpu.memory_space<semaphore_mem>> -> memref<1x!tpu.dma_semaphore, #tpu.memory_space<semaphore_mem>>
      %dma_start3A_512 = tpu.memref_squeeze %dma_start3A_511 : memref<1x!tpu.dma_semaphore, #tpu.memory_space<semaphore_mem>> -> memref<!tpu.dma_semaphore, #tpu.memory_space<semaphore_mem>>
      tpu.enqueue_indirect_dma source(%dma_start3A_504 : memref<128x128xf32, #tpu.memory_space<vmem>>) target(%dma_start3A_510 : memref<10240x128xf32, #tpu.memory_space<vmem_shared>>) offsets(%dma_start3A_507 : memref<128xi32, #tpu.memory_space<vmem>>) semaphore(%dma_start3A_512 : memref<!tpu.dma_semaphore, #tpu.memory_space<semaphore_mem>>) {add = true}
      %lt3A_513 = arith.constant 9 : i32
      %lt3A_514 = arith.cmpi slt, %scan3A_80, %lt3A_513 : i32
      %convert_element_type3A_515 = arith.extui %lt3A_514 : i1 to i32
      %cond3A_516 = arith.constant 0 : i32
      %cond3A_517 = arith.cmpi ne, %convert_element_type3A_515, %cond3A_516 : i32
      scf.if %cond3A_517 {
        %add3A_663 = arith.constant 1 : i32
        %add3A_664 = arith.addi %scan3A_80, %add3A_663 : i32
        %mul3A_665 = arith.constant 8 : i32
        %mul3A_666 = arith.muli %add3A_664, %mul3A_665 : i32
        "tpu.region"() ({
          %run_scoped3A_671 = tpu.sem_alloc : memref<!tpu.dma_semaphore, #tpu.memory_space<semaphore_mem>>
          %dma_start3A_672 = arith.constant 0 : i32
          %dma_start3A_673 = arith.constant 0 : i32
          %dma_start3A_674 = tpu.memref_slice %arg8[%select_n3A_108, %dma_start3A_672, %dma_start3A_673] : memref<2x8x128xi32, #tpu.memory_space<vmem>> -> memref<1x8x128xi32, #tpu.memory_space<vmem>>
          %dma_start3A_675 = tpu.memref_squeeze %dma_start3A_674 : memref<1x8x128xi32, #tpu.memory_space<vmem>> -> memref<8x128xi32, #tpu.memory_space<vmem>>
          %dma_start3A_676 = arith.constant 0 : i32
          %dma_start3A_677 = tpu.memref_slice %arg3[%add3A, %mul3A_666, %dma_start3A_676] : memref<32x80x128xi32, #tpu.memory_space<hbm>> -> memref<1x8x128xi32, #tpu.memory_space<hbm>>
          %dma_start3A_678 = tpu.memref_squeeze %dma_start3A_677 : memref<1x8x128xi32, #tpu.memory_space<hbm>> -> memref<8x128xi32, #tpu.memory_space<hbm>>
          %dma_start3A_679 = arith.constant 0 : i32
          %dma_start3A_680 = arith.constant 0 : i32
          %dma_start3A_681 = tpu.memref_slice %arg8[%select_n3A_108, %dma_start3A_679, %dma_start3A_680] : memref<2x8x128xi32, #tpu.memory_space<vmem>> -> memref<1x8x128xi32, #tpu.memory_space<vmem>>
          %dma_start3A_682 = tpu.memref_squeeze %dma_start3A_681 : memref<1x8x128xi32, #tpu.memory_space<vmem>> -> memref<8x128xi32, #tpu.memory_space<vmem>>
          %dma_start3A_683 = arith.constant 0 : i32
          %dma_start3A_684 = tpu.memref_slice %arg3[%add3A, %mul3A_666, %dma_start3A_683] : memref<32x80x128xi32, #tpu.memory_space<hbm>> -> memref<1x8x128xi32, #tpu.memory_space<hbm>>
          %dma_start3A_685 = tpu.memref_squeeze %dma_start3A_684 : memref<1x8x128xi32, #tpu.memory_space<hbm>> -> memref<8x128xi32, #tpu.memory_space<hbm>>
          tpu.enqueue_dma source(%dma_start3A_685 : memref<8x128xi32, #tpu.memory_space<hbm>>) target(%dma_start3A_682 : memref<8x128xi32, #tpu.memory_space<vmem>>) target_semaphore(%run_scoped3A_671 : memref<!tpu.dma_semaphore, #tpu.memory_space<semaphore_mem>>)
          %dma_wait3A_686 = arith.constant 0 : i32
          %dma_wait3A_687 = arith.constant 0 : i32
          %dma_wait3A_688 = tpu.memref_slice %arg8[%select_n3A_108, %dma_wait3A_686, %dma_wait3A_687] : memref<2x8x128xi32, #tpu.memory_space<vmem>> -> memref<1x8x128xi32, #tpu.memory_space<vmem>>
          %dma_wait3A_689 = tpu.memref_squeeze %dma_wait3A_688 : memref<1x8x128xi32, #tpu.memory_space<vmem>> -> memref<8x128xi32, #tpu.memory_space<vmem>>
          %dma_wait3A_690 = arith.constant 0 : i32
          %dma_wait3A_691 = tpu.memref_slice %arg3[%add3A, %mul3A_666, %dma_wait3A_690] : memref<32x80x128xi32, #tpu.memory_space<hbm>> -> memref<1x8x128xi32, #tpu.memory_space<hbm>>
          %dma_wait3A_692 = tpu.memref_squeeze %dma_wait3A_691 : memref<1x8x128xi32, #tpu.memory_space<hbm>> -> memref<8x128xi32, #tpu.memory_space<hbm>>
          %dma_wait3A_693 = arith.constant 0 : i32
          %dma_wait3A_694 = arith.constant 0 : i32
          %dma_wait3A_695 = tpu.memref_slice %arg8[%select_n3A_108, %dma_wait3A_693, %dma_wait3A_694] : memref<2x8x128xi32, #tpu.memory_space<vmem>> -> memref<1x8x128xi32, #tpu.memory_space<vmem>>
          %dma_wait3A_696 = tpu.memref_squeeze %dma_wait3A_695 : memref<1x8x128xi32, #tpu.memory_space<vmem>> -> memref<8x128xi32, #tpu.memory_space<vmem>>
          %dma_wait3A_697 = arith.constant 0 : i32
          %dma_wait3A_698 = tpu.memref_slice %arg3[%add3A, %mul3A_666, %dma_wait3A_697] : memref<32x80x128xi32, #tpu.memory_space<hbm>> -> memref<1x8x128xi32, #tpu.memory_space<hbm>>
          %dma_wait3A_699 = tpu.memref_squeeze %dma_wait3A_698 : memref<1x8x128xi32, #tpu.memory_space<hbm>> -> memref<8x128xi32, #tpu.memory_space<hbm>>
          tpu.wait_dma2 semaphore(%run_scoped3A_671 : memref<!tpu.dma_semaphore, #tpu.memory_space<semaphore_mem>>) src(%dma_wait3A_699 : memref<8x128xi32, #tpu.memory_space<hbm>>) dst(%dma_wait3A_696 : memref<8x128xi32, #tpu.memory_space<vmem>>)
          tpu.yield
        }) : () -> ()
        %add3A_667 = arith.constant 1 : i32
        %add3A_668 = arith.addi %scan3A_80, %add3A_667 : i32
        %mul3A_669 = arith.constant 8 : i32
        %mul3A_670 = arith.muli %add3A_668, %mul3A_669 : i32
        "tpu.region"() ({
          %run_scoped3A_671 = tpu.sem_alloc : memref<!tpu.dma_semaphore, #tpu.memory_space<semaphore_mem>>
          %dma_start3A_672 = arith.constant 0 : i32
          %dma_start3A_673 = arith.constant 0 : i32
          %dma_start3A_674 = tpu.memref_slice %arg9[%select_n3A_108, %dma_start3A_672, %dma_start3A_673] : memref<2x8x128xi32, #tpu.memory_space<vmem>> -> memref<1x8x128xi32, #tpu.memory_space<vmem>>
          %dma_start3A_675 = tpu.memref_squeeze %dma_start3A_674 : memref<1x8x128xi32, #tpu.memory_space<vmem>> -> memref<8x128xi32, #tpu.memory_space<vmem>>
          %dma_start3A_676 = arith.constant 0 : i32
          %dma_start3A_677 = tpu.memref_slice %arg4[%add3A, %mul3A_670, %dma_start3A_676] : memref<32x80x128xi32, #tpu.memory_space<hbm>> -> memref<1x8x128xi32, #tpu.memory_space<hbm>>
          %dma_start3A_678 = tpu.memref_squeeze %dma_start3A_677 : memref<1x8x128xi32, #tpu.memory_space<hbm>> -> memref<8x128xi32, #tpu.memory_space<hbm>>
          %dma_start3A_679 = arith.constant 0 : i32
          %dma_start3A_680 = arith.constant 0 : i32
          %dma_start3A_681 = tpu.memref_slice %arg9[%select_n3A_108, %dma_start3A_679, %dma_start3A_680] : memref<2x8x128xi32, #tpu.memory_space<vmem>> -> memref<1x8x128xi32, #tpu.memory_space<vmem>>
          %dma_start3A_682 = tpu.memref_squeeze %dma_start3A_681 : memref<1x8x128xi32, #tpu.memory_space<vmem>> -> memref<8x128xi32, #tpu.memory_space<vmem>>
          %dma_start3A_683 = arith.constant 0 : i32
          %dma_start3A_684 = tpu.memref_slice %arg4[%add3A, %mul3A_670, %dma_start3A_683] : memref<32x80x128xi32, #tpu.memory_space<hbm>> -> memref<1x8x128xi32, #tpu.memory_space<hbm>>
          %dma_start3A_685 = tpu.memref_squeeze %dma_start3A_684 : memref<1x8x128xi32, #tpu.memory_space<hbm>> -> memref<8x128xi32, #tpu.memory_space<hbm>>
          tpu.enqueue_dma source(%dma_start3A_685 : memref<8x128xi32, #tpu.memory_space<hbm>>) target(%dma_start3A_682 : memref<8x128xi32, #tpu.memory_space<vmem>>) target_semaphore(%run_scoped3A_671 : memref<!tpu.dma_semaphore, #tpu.memory_space<semaphore_mem>>)
          %dma_wait3A_686 = arith.constant 0 : i32
          %dma_wait3A_687 = arith.constant 0 : i32
          %dma_wait3A_688 = tpu.memref_slice %arg9[%select_n3A_108, %dma_wait3A_686, %dma_wait3A_687] : memref<2x8x128xi32, #tpu.memory_space<vmem>> -> memref<1x8x128xi32, #tpu.memory_space<vmem>>
          %dma_wait3A_689 = tpu.memref_squeeze %dma_wait3A_688 : memref<1x8x128xi32, #tpu.memory_space<vmem>> -> memref<8x128xi32, #tpu.memory_space<vmem>>
          %dma_wait3A_690 = arith.constant 0 : i32
          %dma_wait3A_691 = tpu.memref_slice %arg4[%add3A, %mul3A_670, %dma_wait3A_690] : memref<32x80x128xi32, #tpu.memory_space<hbm>> -> memref<1x8x128xi32, #tpu.memory_space<hbm>>
          %dma_wait3A_692 = tpu.memref_squeeze %dma_wait3A_691 : memref<1x8x128xi32, #tpu.memory_space<hbm>> -> memref<8x128xi32, #tpu.memory_space<hbm>>
          %dma_wait3A_693 = arith.constant 0 : i32
          %dma_wait3A_694 = arith.constant 0 : i32
          %dma_wait3A_695 = tpu.memref_slice %arg9[%select_n3A_108, %dma_wait3A_693, %dma_wait3A_694] : memref<2x8x128xi32, #tpu.memory_space<vmem>> -> memref<1x8x128xi32, #tpu.memory_space<vmem>>
          %dma_wait3A_696 = tpu.memref_squeeze %dma_wait3A_695 : memref<1x8x128xi32, #tpu.memory_space<vmem>> -> memref<8x128xi32, #tpu.memory_space<vmem>>
          %dma_wait3A_697 = arith.constant 0 : i32
          %dma_wait3A_698 = tpu.memref_slice %arg4[%add3A, %mul3A_670, %dma_wait3A_697] : memref<32x80x128xi32, #tpu.memory_space<hbm>> -> memref<1x8x128xi32, #tpu.memory_space<hbm>>
          %dma_wait3A_699 = tpu.memref_squeeze %dma_wait3A_698 : memref<1x8x128xi32, #tpu.memory_space<hbm>> -> memref<8x128xi32, #tpu.memory_space<hbm>>
          tpu.wait_dma2 semaphore(%run_scoped3A_671 : memref<!tpu.dma_semaphore, #tpu.memory_space<semaphore_mem>>) src(%dma_wait3A_699 : memref<8x128xi32, #tpu.memory_space<hbm>>) dst(%dma_wait3A_696 : memref<8x128xi32, #tpu.memory_space<vmem>>)
          tpu.yield
        }) : () -> ()
      } else {
      }
      %dma_wait3A_518 = arith.constant 1 : i32
      %dma_wait3A_519 = arith.constant 5 : i32
      %dma_wait3A_520 = arith.constant 1 : i32
      %dma_wait3A_521 = arith.constant 0 : i32
      %dma_wait3A_522 = arith.constant 0 : i32
      %dma_wait3A_523 = tpu.memref_slice %arg10[%dma_wait3A_518, %dma_wait3A_521, %dma_wait3A_522] : memref<2x128x128xf32, #tpu.memory_space<vmem>> -> memref<1x128x128xf32, #tpu.memory_space<vmem>>
      %dma_wait3A_524 = tpu.memref_squeeze %dma_wait3A_523 : memref<1x128x128xf32, #tpu.memory_space<vmem>> -> memref<128x128xf32, #tpu.memory_space<vmem>>
      %dma_wait3A_525 = arith.constant 0 : i32
      %dma_wait3A_526 = tpu.memref_slice %arg9[%select_n3A_90, %dma_wait3A_519, %dma_wait3A_525] : memref<2x8x128xi32, #tpu.memory_space<vmem>> -> memref<1x1x128xi32, #tpu.memory_space<vmem>>
      %dma_wait3A_527 = tpu.memref_squeeze %dma_wait3A_526 : memref<1x1x128xi32, #tpu.memory_space<vmem>> -> memref<128xi32, #tpu.memory_space<vmem>>
      %dma_wait3A_528 = arith.constant 0 : i32
      %dma_wait3A_529 = arith.constant 0 : i32
      %dma_wait3A_530 = tpu.memref_slice %arg7[%dma_wait3A_528, %dma_wait3A_529] : memref<10240x128xf32, #tpu.memory_space<vmem_shared>> -> memref<10240x128xf32, #tpu.memory_space<vmem_shared>>
      %dma_wait3A_531 = tpu.memref_slice %arg12[%dma_wait3A_520] : memref<2x!tpu.dma_semaphore, #tpu.memory_space<semaphore_mem>> -> memref<1x!tpu.dma_semaphore, #tpu.memory_space<semaphore_mem>>
      %dma_wait3A_532 = tpu.memref_squeeze %dma_wait3A_531 : memref<1x!tpu.dma_semaphore, #tpu.memory_space<semaphore_mem>> -> memref<!tpu.dma_semaphore, #tpu.memory_space<semaphore_mem>>
      tpu.wait_indirect_dma semaphore(%dma_wait3A_532 : memref<!tpu.dma_semaphore, #tpu.memory_space<semaphore_mem>>) src(%dma_wait3A_524 : memref<128x128xf32, #tpu.memory_space<vmem>>) dst(%dma_wait3A_530 : memref<10240x128xf32, #tpu.memory_space<vmem_shared>>)
      %dma_start3A_533 = arith.constant 7 : i32
      %dma_start3A_534 = arith.constant 1 : i32
      %dma_start3A_535 = arith.constant 1 : i32
      %dma_start3A_536 = arith.constant 0 : i32
      %dma_start3A_537 = arith.constant 0 : i32
      %dma_start3A_538 = tpu.memref_slice %arg10[%dma_start3A_534, %dma_start3A_536, %dma_start3A_537] : memref<2x128x128xf32, #tpu.memory_space<vmem>> -> memref<1x64x128xf32, #tpu.memory_space<vmem>>
      %dma_start3A_539 = tpu.memref_squeeze %dma_start3A_538 : memref<1x64x128xf32, #tpu.memory_space<vmem>> -> memref<64x128xf32, #tpu.memory_space<vmem>>
      %dma_start3A_540 = arith.constant 0 : i32
      %dma_start3A_541 = tpu.memref_slice %arg8[%select_n3A_90, %dma_start3A_533, %dma_start3A_540] : memref<2x8x128xi32, #tpu.memory_space<vmem>> -> memref<1x1x64xi32, #tpu.memory_space<vmem>>
      %dma_start3A_542 = tpu.memref_squeeze %dma_start3A_541 : memref<1x1x64xi32, #tpu.memory_space<vmem>> -> memref<64xi32, #tpu.memory_space<vmem>>
      %dma_start3A_543 = arith.constant 0 : i32
      %dma_start3A_544 = arith.constant 0 : i32
      %dma_start3A_545 = tpu.memref_slice %arg2[%dma_start3A_543, %dma_start3A_544] : memref<10240x128xf32, #tpu.memory_space<hbm>> -> memref<10240x128xf32, #tpu.memory_space<hbm>>
      %dma_start3A_546 = tpu.memref_slice %arg11[%dma_start3A_535] : memref<2x!tpu.dma_semaphore, #tpu.memory_space<semaphore_mem>> -> memref<1x!tpu.dma_semaphore, #tpu.memory_space<semaphore_mem>>
      %dma_start3A_547 = tpu.memref_squeeze %dma_start3A_546 : memref<1x!tpu.dma_semaphore, #tpu.memory_space<semaphore_mem>> -> memref<!tpu.dma_semaphore, #tpu.memory_space<semaphore_mem>>
      tpu.enqueue_indirect_dma source(%dma_start3A_545 : memref<10240x128xf32, #tpu.memory_space<hbm>>) target(%dma_start3A_539 : memref<64x128xf32, #tpu.memory_space<vmem>>) offsets(%dma_start3A_542 : memref<64xi32, #tpu.memory_space<vmem>>) semaphore(%dma_start3A_547 : memref<!tpu.dma_semaphore, #tpu.memory_space<semaphore_mem>>)
      %dma_start3A_548 = arith.constant 7 : i32
      %dma_start3A_549 = arith.constant 1 : i32
      %dma_start3A_550 = arith.constant 1 : i32
      %dma_start3A_551 = arith.constant 64 : i32
      %dma_start3A_552 = arith.constant 0 : i32
      %dma_start3A_553 = tpu.memref_slice %arg10[%dma_start3A_549, %dma_start3A_551, %dma_start3A_552] : memref<2x128x128xf32, #tpu.memory_space<vmem>> -> memref<1x64x128xf32, #tpu.memory_space<vmem>>
      %dma_start3A_554 = tpu.memref_squeeze %dma_start3A_553 : memref<1x64x128xf32, #tpu.memory_space<vmem>> -> memref<64x128xf32, #tpu.memory_space<vmem>>
      %dma_start3A_555 = arith.constant 64 : i32
      %dma_start3A_556 = tpu.memref_slice %arg8[%select_n3A_90, %dma_start3A_548, %dma_start3A_555] : memref<2x8x128xi32, #tpu.memory_space<vmem>> -> memref<1x1x64xi32, #tpu.memory_space<vmem>>
      %dma_start3A_557 = tpu.memref_squeeze %dma_start3A_556 : memref<1x1x64xi32, #tpu.memory_space<vmem>> -> memref<64xi32, #tpu.memory_space<vmem>>
      %dma_start3A_558 = arith.constant 0 : i32
      %dma_start3A_559 = arith.constant 0 : i32
      %dma_start3A_560 = tpu.memref_slice %arg2[%dma_start3A_558, %dma_start3A_559] : memref<10240x128xf32, #tpu.memory_space<hbm>> -> memref<10240x128xf32, #tpu.memory_space<hbm>>
      %dma_start3A_561 = tpu.memref_slice %arg11[%dma_start3A_550] : memref<2x!tpu.dma_semaphore, #tpu.memory_space<semaphore_mem>> -> memref<1x!tpu.dma_semaphore, #tpu.memory_space<semaphore_mem>>
      %dma_start3A_562 = tpu.memref_squeeze %dma_start3A_561 : memref<1x!tpu.dma_semaphore, #tpu.memory_space<semaphore_mem>> -> memref<!tpu.dma_semaphore, #tpu.memory_space<semaphore_mem>>
      tpu.enqueue_indirect_dma source(%dma_start3A_560 : memref<10240x128xf32, #tpu.memory_space<hbm>>) target(%dma_start3A_554 : memref<64x128xf32, #tpu.memory_space<vmem>>) offsets(%dma_start3A_557 : memref<64xi32, #tpu.memory_space<vmem>>) semaphore(%dma_start3A_562 : memref<!tpu.dma_semaphore, #tpu.memory_space<semaphore_mem>>)
      %dma_wait3A_563 = arith.constant 6 : i32
      %dma_wait3A_564 = arith.constant 0 : i32
      %dma_wait3A_565 = arith.constant 0 : i32
      %dma_wait3A_566 = arith.constant 0 : i32
      %dma_wait3A_567 = arith.constant 0 : i32
      %dma_wait3A_568 = tpu.memref_slice %arg10[%dma_wait3A_564, %dma_wait3A_566, %dma_wait3A_567] : memref<2x128x128xf32, #tpu.memory_space<vmem>> -> memref<1x128x128xf32, #tpu.memory_space<vmem>>
      %dma_wait3A_569 = tpu.memref_squeeze %dma_wait3A_568 : memref<1x128x128xf32, #tpu.memory_space<vmem>> -> memref<128x128xf32, #tpu.memory_space<vmem>>
      %dma_wait3A_570 = arith.constant 0 : i32
      %dma_wait3A_571 = tpu.memref_slice %arg8[%select_n3A_90, %dma_wait3A_563, %dma_wait3A_570] : memref<2x8x128xi32, #tpu.memory_space<vmem>> -> memref<1x1x128xi32, #tpu.memory_space<vmem>>
      %dma_wait3A_572 = tpu.memref_squeeze %dma_wait3A_571 : memref<1x1x128xi32, #tpu.memory_space<vmem>> -> memref<128xi32, #tpu.memory_space<vmem>>
      %dma_wait3A_573 = arith.constant 0 : i32
      %dma_wait3A_574 = arith.constant 0 : i32
      %dma_wait3A_575 = tpu.memref_slice %arg2[%dma_wait3A_573, %dma_wait3A_574] : memref<10240x128xf32, #tpu.memory_space<hbm>> -> memref<10240x128xf32, #tpu.memory_space<hbm>>
      %dma_wait3A_576 = tpu.memref_slice %arg11[%dma_wait3A_565] : memref<2x!tpu.dma_semaphore, #tpu.memory_space<semaphore_mem>> -> memref<1x!tpu.dma_semaphore, #tpu.memory_space<semaphore_mem>>
      %dma_wait3A_577 = tpu.memref_squeeze %dma_wait3A_576 : memref<1x!tpu.dma_semaphore, #tpu.memory_space<semaphore_mem>> -> memref<!tpu.dma_semaphore, #tpu.memory_space<semaphore_mem>>
      tpu.wait_indirect_dma semaphore(%dma_wait3A_577 : memref<!tpu.dma_semaphore, #tpu.memory_space<semaphore_mem>>) src(%dma_wait3A_575 : memref<10240x128xf32, #tpu.memory_space<hbm>>) dst(%dma_wait3A_569 : memref<128x128xf32, #tpu.memory_space<vmem>>)
      %dma_start3A_578 = arith.constant 0 : i32
      %dma_start3A_579 = arith.constant 6 : i32
      %dma_start3A_580 = arith.constant 0 : i32
      %dma_start3A_581 = arith.constant 0 : i32
      %dma_start3A_582 = arith.constant 0 : i32
      %dma_start3A_583 = tpu.memref_slice %arg10[%dma_start3A_578, %dma_start3A_581, %dma_start3A_582] : memref<2x128x128xf32, #tpu.memory_space<vmem>> -> memref<1x128x128xf32, #tpu.memory_space<vmem>>
      %dma_start3A_584 = tpu.memref_squeeze %dma_start3A_583 : memref<1x128x128xf32, #tpu.memory_space<vmem>> -> memref<128x128xf32, #tpu.memory_space<vmem>>
      %dma_start3A_585 = arith.constant 0 : i32
      %dma_start3A_586 = tpu.memref_slice %arg9[%select_n3A_90, %dma_start3A_579, %dma_start3A_585] : memref<2x8x128xi32, #tpu.memory_space<vmem>> -> memref<1x1x128xi32, #tpu.memory_space<vmem>>
      %dma_start3A_587 = tpu.memref_squeeze %dma_start3A_586 : memref<1x1x128xi32, #tpu.memory_space<vmem>> -> memref<128xi32, #tpu.memory_space<vmem>>
      %dma_start3A_588 = arith.constant 0 : i32
      %dma_start3A_589 = arith.constant 0 : i32
      %dma_start3A_590 = tpu.memref_slice %arg7[%dma_start3A_588, %dma_start3A_589] : memref<10240x128xf32, #tpu.memory_space<vmem_shared>> -> memref<10240x128xf32, #tpu.memory_space<vmem_shared>>
      %dma_start3A_591 = tpu.memref_slice %arg12[%dma_start3A_580] : memref<2x!tpu.dma_semaphore, #tpu.memory_space<semaphore_mem>> -> memref<1x!tpu.dma_semaphore, #tpu.memory_space<semaphore_mem>>
      %dma_start3A_592 = tpu.memref_squeeze %dma_start3A_591 : memref<1x!tpu.dma_semaphore, #tpu.memory_space<semaphore_mem>> -> memref<!tpu.dma_semaphore, #tpu.memory_space<semaphore_mem>>
      tpu.enqueue_indirect_dma source(%dma_start3A_584 : memref<128x128xf32, #tpu.memory_space<vmem>>) target(%dma_start3A_590 : memref<10240x128xf32, #tpu.memory_space<vmem_shared>>) offsets(%dma_start3A_587 : memref<128xi32, #tpu.memory_space<vmem>>) semaphore(%dma_start3A_592 : memref<!tpu.dma_semaphore, #tpu.memory_space<semaphore_mem>>) {add = true}
      %dma_wait3A_593 = arith.constant 0 : i32
      %dma_wait3A_594 = arith.constant 6 : i32
      %dma_wait3A_595 = arith.constant 0 : i32
      %dma_wait3A_596 = arith.constant 0 : i32
      %dma_wait3A_597 = arith.constant 0 : i32
      %dma_wait3A_598 = tpu.memref_slice %arg10[%dma_wait3A_593, %dma_wait3A_596, %dma_wait3A_597] : memref<2x128x128xf32, #tpu.memory_space<vmem>> -> memref<1x128x128xf32, #tpu.memory_space<vmem>>
      %dma_wait3A_599 = tpu.memref_squeeze %dma_wait3A_598 : memref<1x128x128xf32, #tpu.memory_space<vmem>> -> memref<128x128xf32, #tpu.memory_space<vmem>>
      %dma_wait3A_600 = arith.constant 0 : i32
      %dma_wait3A_601 = tpu.memref_slice %arg9[%select_n3A_90, %dma_wait3A_594, %dma_wait3A_600] : memref<2x8x128xi32, #tpu.memory_space<vmem>> -> memref<1x1x128xi32, #tpu.memory_space<vmem>>
      %dma_wait3A_602 = tpu.memref_squeeze %dma_wait3A_601 : memref<1x1x128xi32, #tpu.memory_space<vmem>> -> memref<128xi32, #tpu.memory_space<vmem>>
      %dma_wait3A_603 = arith.constant 0 : i32
      %dma_wait3A_604 = arith.constant 0 : i32
      %dma_wait3A_605 = tpu.memref_slice %arg7[%dma_wait3A_603, %dma_wait3A_604] : memref<10240x128xf32, #tpu.memory_space<vmem_shared>> -> memref<10240x128xf32, #tpu.memory_space<vmem_shared>>
      %dma_wait3A_606 = tpu.memref_slice %arg12[%dma_wait3A_595] : memref<2x!tpu.dma_semaphore, #tpu.memory_space<semaphore_mem>> -> memref<1x!tpu.dma_semaphore, #tpu.memory_space<semaphore_mem>>
      %dma_wait3A_607 = tpu.memref_squeeze %dma_wait3A_606 : memref<1x!tpu.dma_semaphore, #tpu.memory_space<semaphore_mem>> -> memref<!tpu.dma_semaphore, #tpu.memory_space<semaphore_mem>>
      tpu.wait_indirect_dma semaphore(%dma_wait3A_607 : memref<!tpu.dma_semaphore, #tpu.memory_space<semaphore_mem>>) src(%dma_wait3A_599 : memref<128x128xf32, #tpu.memory_space<vmem>>) dst(%dma_wait3A_605 : memref<10240x128xf32, #tpu.memory_space<vmem_shared>>)
      %lt3A_608 = arith.constant 9 : i32
      %lt3A_609 = arith.cmpi slt, %scan3A_80, %lt3A_608 : i32
      %convert_element_type3A_610 = arith.extui %lt3A_609 : i1 to i32
      %cond3A_611 = arith.constant 0 : i32
      %cond3A_612 = arith.cmpi ne, %convert_element_type3A_610, %cond3A_611 : i32
      scf.if %cond3A_612 {
        %dma_start3A_663 = arith.constant 0 : i32
        %dma_start3A_664 = arith.constant 0 : i32
        %dma_start3A_665 = arith.constant 0 : i32
        %dma_start3A_666 = arith.constant 0 : i32
        %dma_start3A_667 = arith.constant 0 : i32
        %dma_start3A_668 = tpu.memref_slice %arg10[%dma_start3A_664, %dma_start3A_666, %dma_start3A_667] : memref<2x128x128xf32, #tpu.memory_space<vmem>> -> memref<1x64x128xf32, #tpu.memory_space<vmem>>
        %dma_start3A_669 = tpu.memref_squeeze %dma_start3A_668 : memref<1x64x128xf32, #tpu.memory_space<vmem>> -> memref<64x128xf32, #tpu.memory_space<vmem>>
        %dma_start3A_670 = arith.constant 0 : i32
        %dma_start3A_671 = tpu.memref_slice %arg8[%select_n3A_108, %dma_start3A_663, %dma_start3A_670] : memref<2x8x128xi32, #tpu.memory_space<vmem>> -> memref<1x1x64xi32, #tpu.memory_space<vmem>>
        %dma_start3A_672 = tpu.memref_squeeze %dma_start3A_671 : memref<1x1x64xi32, #tpu.memory_space<vmem>> -> memref<64xi32, #tpu.memory_space<vmem>>
        %dma_start3A_673 = arith.constant 0 : i32
        %dma_start3A_674 = arith.constant 0 : i32
        %dma_start3A_675 = tpu.memref_slice %arg2[%dma_start3A_673, %dma_start3A_674] : memref<10240x128xf32, #tpu.memory_space<hbm>> -> memref<10240x128xf32, #tpu.memory_space<hbm>>
        %dma_start3A_676 = tpu.memref_slice %arg11[%dma_start3A_665] : memref<2x!tpu.dma_semaphore, #tpu.memory_space<semaphore_mem>> -> memref<1x!tpu.dma_semaphore, #tpu.memory_space<semaphore_mem>>
        %dma_start3A_677 = tpu.memref_squeeze %dma_start3A_676 : memref<1x!tpu.dma_semaphore, #tpu.memory_space<semaphore_mem>> -> memref<!tpu.dma_semaphore, #tpu.memory_space<semaphore_mem>>
        tpu.enqueue_indirect_dma source(%dma_start3A_675 : memref<10240x128xf32, #tpu.memory_space<hbm>>) target(%dma_start3A_669 : memref<64x128xf32, #tpu.memory_space<vmem>>) offsets(%dma_start3A_672 : memref<64xi32, #tpu.memory_space<vmem>>) semaphore(%dma_start3A_677 : memref<!tpu.dma_semaphore, #tpu.memory_space<semaphore_mem>>)
        %dma_start3A_678 = arith.constant 0 : i32
        %dma_start3A_679 = arith.constant 0 : i32
        %dma_start3A_680 = arith.constant 0 : i32
        %dma_start3A_681 = arith.constant 64 : i32
        %dma_start3A_682 = arith.constant 0 : i32
        %dma_start3A_683 = tpu.memref_slice %arg10[%dma_start3A_679, %dma_start3A_681, %dma_start3A_682] : memref<2x128x128xf32, #tpu.memory_space<vmem>> -> memref<1x64x128xf32, #tpu.memory_space<vmem>>
        %dma_start3A_684 = tpu.memref_squeeze %dma_start3A_683 : memref<1x64x128xf32, #tpu.memory_space<vmem>> -> memref<64x128xf32, #tpu.memory_space<vmem>>
        %dma_start3A_685 = arith.constant 64 : i32
        %dma_start3A_686 = tpu.memref_slice %arg8[%select_n3A_108, %dma_start3A_678, %dma_start3A_685] : memref<2x8x128xi32, #tpu.memory_space<vmem>> -> memref<1x1x64xi32, #tpu.memory_space<vmem>>
        %dma_start3A_687 = tpu.memref_squeeze %dma_start3A_686 : memref<1x1x64xi32, #tpu.memory_space<vmem>> -> memref<64xi32, #tpu.memory_space<vmem>>
        %dma_start3A_688 = arith.constant 0 : i32
        %dma_start3A_689 = arith.constant 0 : i32
        %dma_start3A_690 = tpu.memref_slice %arg2[%dma_start3A_688, %dma_start3A_689] : memref<10240x128xf32, #tpu.memory_space<hbm>> -> memref<10240x128xf32, #tpu.memory_space<hbm>>
        %dma_start3A_691 = tpu.memref_slice %arg11[%dma_start3A_680] : memref<2x!tpu.dma_semaphore, #tpu.memory_space<semaphore_mem>> -> memref<1x!tpu.dma_semaphore, #tpu.memory_space<semaphore_mem>>
        %dma_start3A_692 = tpu.memref_squeeze %dma_start3A_691 : memref<1x!tpu.dma_semaphore, #tpu.memory_space<semaphore_mem>> -> memref<!tpu.dma_semaphore, #tpu.memory_space<semaphore_mem>>
        tpu.enqueue_indirect_dma source(%dma_start3A_690 : memref<10240x128xf32, #tpu.memory_space<hbm>>) target(%dma_start3A_684 : memref<64x128xf32, #tpu.memory_space<vmem>>) offsets(%dma_start3A_687 : memref<64xi32, #tpu.memory_space<vmem>>) semaphore(%dma_start3A_692 : memref<!tpu.dma_semaphore, #tpu.memory_space<semaphore_mem>>)
      } else {
      }
      %dma_wait3A_613 = arith.constant 7 : i32
      %dma_wait3A_614 = arith.constant 1 : i32
      %dma_wait3A_615 = arith.constant 1 : i32
      %dma_wait3A_616 = arith.constant 0 : i32
      %dma_wait3A_617 = arith.constant 0 : i32
      %dma_wait3A_618 = tpu.memref_slice %arg10[%dma_wait3A_614, %dma_wait3A_616, %dma_wait3A_617] : memref<2x128x128xf32, #tpu.memory_space<vmem>> -> memref<1x128x128xf32, #tpu.memory_space<vmem>>
      %dma_wait3A_619 = tpu.memref_squeeze %dma_wait3A_618 : memref<1x128x128xf32, #tpu.memory_space<vmem>> -> memref<128x128xf32, #tpu.memory_space<vmem>>
      %dma_wait3A_620 = arith.constant 0 : i32
      %dma_wait3A_621 = tpu.memref_slice %arg8[%select_n3A_90, %dma_wait3A_613, %dma_wait3A_620] : memref<2x8x128xi32, #tpu.memory_space<vmem>> -> memref<1x1x128xi32, #tpu.memory_space<vmem>>
      %dma_wait3A_622 = tpu.memref_squeeze %dma_wait3A_621 : memref<1x1x128xi32, #tpu.memory_space<vmem>> -> memref<128xi32, #tpu.memory_space<vmem>>
      %dma_wait3A_623 = arith.constant 0 : i32
      %dma_wait3A_624 = arith.constant 0 : i32
      %dma_wait3A_625 = tpu.memref_slice %arg2[%dma_wait3A_623, %dma_wait3A_624] : memref<10240x128xf32, #tpu.memory_space<hbm>> -> memref<10240x128xf32, #tpu.memory_space<hbm>>
      %dma_wait3A_626 = tpu.memref_slice %arg11[%dma_wait3A_615] : memref<2x!tpu.dma_semaphore, #tpu.memory_space<semaphore_mem>> -> memref<1x!tpu.dma_semaphore, #tpu.memory_space<semaphore_mem>>
      %dma_wait3A_627 = tpu.memref_squeeze %dma_wait3A_626 : memref<1x!tpu.dma_semaphore, #tpu.memory_space<semaphore_mem>> -> memref<!tpu.dma_semaphore, #tpu.memory_space<semaphore_mem>>
      tpu.wait_indirect_dma semaphore(%dma_wait3A_627 : memref<!tpu.dma_semaphore, #tpu.memory_space<semaphore_mem>>) src(%dma_wait3A_625 : memref<10240x128xf32, #tpu.memory_space<hbm>>) dst(%dma_wait3A_619 : memref<128x128xf32, #tpu.memory_space<vmem>>)
      %dma_start3A_628 = arith.constant 1 : i32
      %dma_start3A_629 = arith.constant 7 : i32
      %dma_start3A_630 = arith.constant 1 : i32
      %dma_start3A_631 = arith.constant 0 : i32
      %dma_start3A_632 = arith.constant 0 : i32
      %dma_start3A_633 = tpu.memref_slice %arg10[%dma_start3A_628, %dma_start3A_631, %dma_start3A_632] : memref<2x128x128xf32, #tpu.memory_space<vmem>> -> memref<1x128x128xf32, #tpu.memory_space<vmem>>
      %dma_start3A_634 = tpu.memref_squeeze %dma_start3A_633 : memref<1x128x128xf32, #tpu.memory_space<vmem>> -> memref<128x128xf32, #tpu.memory_space<vmem>>
      %dma_start3A_635 = arith.constant 0 : i32
      %dma_start3A_636 = tpu.memref_slice %arg9[%select_n3A_90, %dma_start3A_629, %dma_start3A_635] : memref<2x8x128xi32, #tpu.memory_space<vmem>> -> memref<1x1x128xi32, #tpu.memory_space<vmem>>
      %dma_start3A_637 = tpu.memref_squeeze %dma_start3A_636 : memref<1x1x128xi32, #tpu.memory_space<vmem>> -> memref<128xi32, #tpu.memory_space<vmem>>
      %dma_start3A_638 = arith.constant 0 : i32
      %dma_start3A_639 = arith.constant 0 : i32
      %dma_start3A_640 = tpu.memref_slice %arg7[%dma_start3A_638, %dma_start3A_639] : memref<10240x128xf32, #tpu.memory_space<vmem_shared>> -> memref<10240x128xf32, #tpu.memory_space<vmem_shared>>
      %dma_start3A_641 = tpu.memref_slice %arg12[%dma_start3A_630] : memref<2x!tpu.dma_semaphore, #tpu.memory_space<semaphore_mem>> -> memref<1x!tpu.dma_semaphore, #tpu.memory_space<semaphore_mem>>
      %dma_start3A_642 = tpu.memref_squeeze %dma_start3A_641 : memref<1x!tpu.dma_semaphore, #tpu.memory_space<semaphore_mem>> -> memref<!tpu.dma_semaphore, #tpu.memory_space<semaphore_mem>>
      tpu.enqueue_indirect_dma source(%dma_start3A_634 : memref<128x128xf32, #tpu.memory_space<vmem>>) target(%dma_start3A_640 : memref<10240x128xf32, #tpu.memory_space<vmem_shared>>) offsets(%dma_start3A_637 : memref<128xi32, #tpu.memory_space<vmem>>) semaphore(%dma_start3A_642 : memref<!tpu.dma_semaphore, #tpu.memory_space<semaphore_mem>>) {add = true}
      %dma_wait3A_643 = arith.constant 1 : i32
      %dma_wait3A_644 = arith.constant 7 : i32
      %dma_wait3A_645 = arith.constant 1 : i32
      %dma_wait3A_646 = arith.constant 0 : i32
      %dma_wait3A_647 = arith.constant 0 : i32
      %dma_wait3A_648 = tpu.memref_slice %arg10[%dma_wait3A_643, %dma_wait3A_646, %dma_wait3A_647] : memref<2x128x128xf32, #tpu.memory_space<vmem>> -> memref<1x128x128xf32, #tpu.memory_space<vmem>>
      %dma_wait3A_649 = tpu.memref_squeeze %dma_wait3A_648 : memref<1x128x128xf32, #tpu.memory_space<vmem>> -> memref<128x128xf32, #tpu.memory_space<vmem>>
      %dma_wait3A_650 = arith.constant 0 : i32
      %dma_wait3A_651 = tpu.memref_slice %arg9[%select_n3A_90, %dma_wait3A_644, %dma_wait3A_650] : memref<2x8x128xi32, #tpu.memory_space<vmem>> -> memref<1x1x128xi32, #tpu.memory_space<vmem>>
      %dma_wait3A_652 = tpu.memref_squeeze %dma_wait3A_651 : memref<1x1x128xi32, #tpu.memory_space<vmem>> -> memref<128xi32, #tpu.memory_space<vmem>>
      %dma_wait3A_653 = arith.constant 0 : i32
      %dma_wait3A_654 = arith.constant 0 : i32
      %dma_wait3A_655 = tpu.memref_slice %arg7[%dma_wait3A_653, %dma_wait3A_654] : memref<10240x128xf32, #tpu.memory_space<vmem_shared>> -> memref<10240x128xf32, #tpu.memory_space<vmem_shared>>
      %dma_wait3A_656 = tpu.memref_slice %arg12[%dma_wait3A_645] : memref<2x!tpu.dma_semaphore, #tpu.memory_space<semaphore_mem>> -> memref<1x!tpu.dma_semaphore, #tpu.memory_space<semaphore_mem>>
      %dma_wait3A_657 = tpu.memref_squeeze %dma_wait3A_656 : memref<1x!tpu.dma_semaphore, #tpu.memory_space<semaphore_mem>> -> memref<!tpu.dma_semaphore, #tpu.memory_space<semaphore_mem>>
      tpu.wait_indirect_dma semaphore(%dma_wait3A_657 : memref<!tpu.dma_semaphore, #tpu.memory_space<semaphore_mem>>) src(%dma_wait3A_649 : memref<128x128xf32, #tpu.memory_space<vmem>>) dst(%dma_wait3A_655 : memref<10240x128xf32, #tpu.memory_space<vmem_shared>>)
      %lt3A_658 = arith.constant 9 : i32
      %lt3A_659 = arith.cmpi slt, %scan3A_80, %lt3A_658 : i32
      %convert_element_type3A_660 = arith.extui %lt3A_659 : i1 to i32
      %cond3A_661 = arith.constant 0 : i32
      %cond3A_662 = arith.cmpi ne, %convert_element_type3A_660, %cond3A_661 : i32
      scf.if %cond3A_662 {
        %dma_start3A_663 = arith.constant 1 : i32
        %dma_start3A_664 = arith.constant 1 : i32
        %dma_start3A_665 = arith.constant 1 : i32
        %dma_start3A_666 = arith.constant 0 : i32
        %dma_start3A_667 = arith.constant 0 : i32
        %dma_start3A_668 = tpu.memref_slice %arg10[%dma_start3A_664, %dma_start3A_666, %dma_start3A_667] : memref<2x128x128xf32, #tpu.memory_space<vmem>> -> memref<1x64x128xf32, #tpu.memory_space<vmem>>
        %dma_start3A_669 = tpu.memref_squeeze %dma_start3A_668 : memref<1x64x128xf32, #tpu.memory_space<vmem>> -> memref<64x128xf32, #tpu.memory_space<vmem>>
        %dma_start3A_670 = arith.constant 0 : i32
        %dma_start3A_671 = tpu.memref_slice %arg8[%select_n3A_108, %dma_start3A_663, %dma_start3A_670] : memref<2x8x128xi32, #tpu.memory_space<vmem>> -> memref<1x1x64xi32, #tpu.memory_space<vmem>>
        %dma_start3A_672 = tpu.memref_squeeze %dma_start3A_671 : memref<1x1x64xi32, #tpu.memory_space<vmem>> -> memref<64xi32, #tpu.memory_space<vmem>>
        %dma_start3A_673 = arith.constant 0 : i32
        %dma_start3A_674 = arith.constant 0 : i32
        %dma_start3A_675 = tpu.memref_slice %arg2[%dma_start3A_673, %dma_start3A_674] : memref<10240x128xf32, #tpu.memory_space<hbm>> -> memref<10240x128xf32, #tpu.memory_space<hbm>>
        %dma_start3A_676 = tpu.memref_slice %arg11[%dma_start3A_665] : memref<2x!tpu.dma_semaphore, #tpu.memory_space<semaphore_mem>> -> memref<1x!tpu.dma_semaphore, #tpu.memory_space<semaphore_mem>>
        %dma_start3A_677 = tpu.memref_squeeze %dma_start3A_676 : memref<1x!tpu.dma_semaphore, #tpu.memory_space<semaphore_mem>> -> memref<!tpu.dma_semaphore, #tpu.memory_space<semaphore_mem>>
        tpu.enqueue_indirect_dma source(%dma_start3A_675 : memref<10240x128xf32, #tpu.memory_space<hbm>>) target(%dma_start3A_669 : memref<64x128xf32, #tpu.memory_space<vmem>>) offsets(%dma_start3A_672 : memref<64xi32, #tpu.memory_space<vmem>>) semaphore(%dma_start3A_677 : memref<!tpu.dma_semaphore, #tpu.memory_space<semaphore_mem>>)
        %dma_start3A_678 = arith.constant 1 : i32
        %dma_start3A_679 = arith.constant 1 : i32
        %dma_start3A_680 = arith.constant 1 : i32
        %dma_start3A_681 = arith.constant 64 : i32
        %dma_start3A_682 = arith.constant 0 : i32
        %dma_start3A_683 = tpu.memref_slice %arg10[%dma_start3A_679, %dma_start3A_681, %dma_start3A_682] : memref<2x128x128xf32, #tpu.memory_space<vmem>> -> memref<1x64x128xf32, #tpu.memory_space<vmem>>
        %dma_start3A_684 = tpu.memref_squeeze %dma_start3A_683 : memref<1x64x128xf32, #tpu.memory_space<vmem>> -> memref<64x128xf32, #tpu.memory_space<vmem>>
        %dma_start3A_685 = arith.constant 64 : i32
        %dma_start3A_686 = tpu.memref_slice %arg8[%select_n3A_108, %dma_start3A_678, %dma_start3A_685] : memref<2x8x128xi32, #tpu.memory_space<vmem>> -> memref<1x1x64xi32, #tpu.memory_space<vmem>>
        %dma_start3A_687 = tpu.memref_squeeze %dma_start3A_686 : memref<1x1x64xi32, #tpu.memory_space<vmem>> -> memref<64xi32, #tpu.memory_space<vmem>>
        %dma_start3A_688 = arith.constant 0 : i32
        %dma_start3A_689 = arith.constant 0 : i32
        %dma_start3A_690 = tpu.memref_slice %arg2[%dma_start3A_688, %dma_start3A_689] : memref<10240x128xf32, #tpu.memory_space<hbm>> -> memref<10240x128xf32, #tpu.memory_space<hbm>>
        %dma_start3A_691 = tpu.memref_slice %arg11[%dma_start3A_680] : memref<2x!tpu.dma_semaphore, #tpu.memory_space<semaphore_mem>> -> memref<1x!tpu.dma_semaphore, #tpu.memory_space<semaphore_mem>>
        %dma_start3A_692 = tpu.memref_squeeze %dma_start3A_691 : memref<1x!tpu.dma_semaphore, #tpu.memory_space<semaphore_mem>> -> memref<!tpu.dma_semaphore, #tpu.memory_space<semaphore_mem>>
        tpu.enqueue_indirect_dma source(%dma_start3A_690 : memref<10240x128xf32, #tpu.memory_space<hbm>>) target(%dma_start3A_684 : memref<64x128xf32, #tpu.memory_space<vmem>>) offsets(%dma_start3A_687 : memref<64xi32, #tpu.memory_space<vmem>>) semaphore(%dma_start3A_692 : memref<!tpu.dma_semaphore, #tpu.memory_space<semaphore_mem>>)
      } else {
      }
    }
    %scan3A_78 = arith.constant 10 : i32
    %barrier3A_79 = arith.constant 0 : index
    tpu.barrier barrier_id(%barrier3A_79)
    "tpu.region"() ({
      %run_scoped3A_80 = tpu.sem_alloc : memref<!tpu.dma_semaphore, #tpu.memory_space<semaphore_mem>>
      %dma_start3A_81 = arith.constant 0 : i32
      %dma_start3A_82 = tpu.memref_slice %arg6[%arg0, %mul3A_2, %dma_start3A_81] : memref<2x10240x128xf32, #tpu.memory_space<hbm>> -> memref<1x640x128xf32, #tpu.memory_space<hbm>>
      %dma_start3A_83 = tpu.memref_squeeze %dma_start3A_82 : memref<1x640x128xf32, #tpu.memory_space<hbm>> -> memref<640x128xf32, #tpu.memory_space<hbm>>
      %dma_start3A_84 = arith.constant 0 : i32
      %dma_start3A_85 = tpu.memref_slice %arg7[%mul3A_2, %dma_start3A_84] : memref<10240x128xf32, #tpu.memory_space<vmem_shared>> -> memref<640x128xf32, #tpu.memory_space<vmem_shared>>
      tpu.enqueue_dma source(%dma_start3A_85 : memref<640x128xf32, #tpu.memory_space<vmem_shared>>) target(%dma_start3A_83 : memref<640x128xf32, #tpu.memory_space<hbm>>) target_semaphore(%run_scoped3A_80 : memref<!tpu.dma_semaphore, #tpu.memory_space<semaphore_mem>>)
      %dma_wait3A = arith.constant 0 : i32
      %dma_wait3A_86 = tpu.memref_slice %arg6[%arg0, %mul3A_2, %dma_wait3A] : memref<2x10240x128xf32, #tpu.memory_space<hbm>> -> memref<1x640x128xf32, #tpu.memory_space<hbm>>
      %dma_wait3A_87 = tpu.memref_squeeze %dma_wait3A_86 : memref<1x640x128xf32, #tpu.memory_space<hbm>> -> memref<640x128xf32, #tpu.memory_space<hbm>>
      %dma_wait3A_88 = arith.constant 0 : i32
      %dma_wait3A_89 = tpu.memref_slice %arg7[%mul3A_2, %dma_wait3A_88] : memref<10240x128xf32, #tpu.memory_space<vmem_shared>> -> memref<640x128xf32, #tpu.memory_space<vmem_shared>>
      tpu.wait_dma2 semaphore(%run_scoped3A_80 : memref<!tpu.dma_semaphore, #tpu.memory_space<semaphore_mem>>) src(%dma_wait3A_89 : memref<640x128xf32, #tpu.memory_space<vmem_shared>>) dst(%dma_wait3A_87 : memref<640x128xf32, #tpu.memory_space<hbm>>)
      tpu.yield
    }) : () -> ()
    return
  }
}

#map = affine_map<(d0, d1) -> (0, 0)>
#map1 = affine_map<(d0, d1) -> (0, 0, 0)>
module attributes {stable_mosaic.version = 14 : i64} {
  func.func @_edge_body(%arg0: i32, %arg1: i32, %arg2: memref<10240x128xf32, #tpu.memory_space<hbm>>, %arg3: memref<32x80x128xi32, #tpu.memory_space<hbm>>, %arg4: memref<32x80x128xi32, #tpu.memory_space<hbm>>, %arg5: memref<10240x128xf32, #tpu.memory_space<hbm>>, %arg6: memref<2x10240x128xf32, #tpu.memory_space<hbm>>, %arg7: memref<10240x128xf32, #tpu.memory_space<vmem_shared>>, %arg8: memref<2x8x128xi32, #tpu.memory_space<vmem>>, %arg9: memref<2x8x128xi32, #tpu.memory_space<vmem>>, %arg10: memref<2x128x128xf32, #tpu.memory_space<vmem>>, %arg11: memref<2x!tpu.dma_semaphore, #tpu.memory_space<semaphore_mem>>, %arg12: memref<2x!tpu.dma_semaphore, #tpu.memory_space<semaphore_mem>>) attributes {dimension_semantics = [#tpu.dimension_semantics<core_parallel>, #tpu.dimension_semantics<subcore_parallel>], iteration_bounds = array<i64: 2, 16>, scalar_prefetch = 0 : i64, scratch_operands = 6 : i64, tpu.core_type = #tpu.core_type<sc_vector_subcore>, window_params = [{transform_indices = #map}, {transform_indices = #map1}, {transform_indices = #map1}, {transform_indices = #map}, {transform_indices = #map1}]} {
    %mul3A = arith.constant 16 : i32
    %mul3A_0 = arith.muli %arg0, %mul3A : i32
    %add3A = arith.addi %mul3A_0, %arg1 : i32
    %mul3A_1 = arith.constant 640 : i32
    %mul3A_2 = arith.muli %arg1, %mul3A_1 : i32
    %eq3A = arith.constant 0 : i32
    %eq3A_3 = arith.cmpi eq, %arg0, %eq3A : i32
    %convert_element_type3A = arith.extui %eq3A_3 : i1 to i32
    %cond3A = arith.constant 0 : i32
    %cond3A_4 = arith.cmpi ne, %convert_element_type3A, %cond3A : i32
    scf.if %cond3A_4 {
      "tpu.region"() ({
        %run_scoped3A_80 = tpu.sem_alloc : memref<!tpu.dma_semaphore, #tpu.memory_space<semaphore_mem>>
        %dma_start3A_81 = arith.constant 0 : i32
        %dma_start3A_82 = tpu.memref_slice %arg7[%mul3A_2, %dma_start3A_81] : memref<10240x128xf32, #tpu.memory_space<vmem_shared>> -> memref<640x128xf32, #tpu.memory_space<vmem_shared>>
        %dma_start3A_83 = arith.constant 0 : i32
        %dma_start3A_84 = tpu.memref_slice %arg2[%mul3A_2, %dma_start3A_83] : memref<10240x128xf32, #tpu.memory_space<hbm>> -> memref<640x128xf32, #tpu.memory_space<hbm>>
        tpu.enqueue_dma source(%dma_start3A_84 : memref<640x128xf32, #tpu.memory_space<hbm>>) target(%dma_start3A_82 : memref<640x128xf32, #tpu.memory_space<vmem_shared>>) target_semaphore(%run_scoped3A_80 : memref<!tpu.dma_semaphore, #tpu.memory_space<semaphore_mem>>)
        %dma_wait3A = arith.constant 0 : i32
        %dma_wait3A_85 = tpu.memref_slice %arg7[%mul3A_2, %dma_wait3A] : memref<10240x128xf32, #tpu.memory_space<vmem_shared>> -> memref<640x128xf32, #tpu.memory_space<vmem_shared>>
        %dma_wait3A_86 = arith.constant 0 : i32
        %dma_wait3A_87 = tpu.memref_slice %arg2[%mul3A_2, %dma_wait3A_86] : memref<10240x128xf32, #tpu.memory_space<hbm>> -> memref<640x128xf32, #tpu.memory_space<hbm>>
        tpu.wait_dma2 semaphore(%run_scoped3A_80 : memref<!tpu.dma_semaphore, #tpu.memory_space<semaphore_mem>>) src(%dma_wait3A_87 : memref<640x128xf32, #tpu.memory_space<hbm>>) dst(%dma_wait3A_85 : memref<640x128xf32, #tpu.memory_space<vmem_shared>>)
        tpu.yield
      }) : () -> ()
    } else {
    }
    %eq3A_5 = arith.constant 1 : i32
    %eq3A_6 = arith.cmpi eq, %arg0, %eq3A_5 : i32
    %convert_element_type3A_7 = arith.extui %eq3A_6 : i1 to i32
    %cond3A_8 = arith.constant 0 : i32
    %cond3A_9 = arith.cmpi ne, %convert_element_type3A_7, %cond3A_8 : i32
    scf.if %cond3A_9 {
      "tpu.region"() ({
        %run_scoped3A_80 = tpu.sem_alloc : memref<!tpu.dma_semaphore, #tpu.memory_space<semaphore_mem>>
        %dma_start3A_81 = arith.constant 0 : i32
        %dma_start3A_82 = tpu.memref_slice %arg7[%mul3A_2, %dma_start3A_81] : memref<10240x128xf32, #tpu.memory_space<vmem_shared>> -> memref<640x128xf32, #tpu.memory_space<vmem_shared>>
        %dma_start3A_83 = arith.constant 0 : i32
        %dma_start3A_84 = tpu.memref_slice %arg5[%mul3A_2, %dma_start3A_83] : memref<10240x128xf32, #tpu.memory_space<hbm>> -> memref<640x128xf32, #tpu.memory_space<hbm>>
        tpu.enqueue_dma source(%dma_start3A_84 : memref<640x128xf32, #tpu.memory_space<hbm>>) target(%dma_start3A_82 : memref<640x128xf32, #tpu.memory_space<vmem_shared>>) target_semaphore(%run_scoped3A_80 : memref<!tpu.dma_semaphore, #tpu.memory_space<semaphore_mem>>)
        %dma_wait3A = arith.constant 0 : i32
        %dma_wait3A_85 = tpu.memref_slice %arg7[%mul3A_2, %dma_wait3A] : memref<10240x128xf32, #tpu.memory_space<vmem_shared>> -> memref<640x128xf32, #tpu.memory_space<vmem_shared>>
        %dma_wait3A_86 = arith.constant 0 : i32
        %dma_wait3A_87 = tpu.memref_slice %arg5[%mul3A_2, %dma_wait3A_86] : memref<10240x128xf32, #tpu.memory_space<hbm>> -> memref<640x128xf32, #tpu.memory_space<hbm>>
        tpu.wait_dma2 semaphore(%run_scoped3A_80 : memref<!tpu.dma_semaphore, #tpu.memory_space<semaphore_mem>>) src(%dma_wait3A_87 : memref<640x128xf32, #tpu.memory_space<hbm>>) dst(%dma_wait3A_85 : memref<640x128xf32, #tpu.memory_space<vmem_shared>>)
        tpu.yield
      }) : () -> ()
    } else {
    }
    %barrier3A = arith.constant 0 : index
    tpu.barrier barrier_id(%barrier3A)
    %run_scoped3A = arith.constant 0 : i32
    "tpu.region"() ({
      %run_scoped3A_80 = tpu.sem_alloc : memref<!tpu.dma_semaphore, #tpu.memory_space<semaphore_mem>>
      %dma_start3A_81 = arith.constant 0 : i32
      %dma_start3A_82 = arith.constant 0 : i32
      %dma_start3A_83 = tpu.memref_slice %arg8[%run_scoped3A, %dma_start3A_81, %dma_start3A_82] : memref<2x8x128xi32, #tpu.memory_space<vmem>> -> memref<1x8x128xi32, #tpu.memory_space<vmem>>
      %dma_start3A_84 = tpu.memref_squeeze %dma_start3A_83 : memref<1x8x128xi32, #tpu.memory_space<vmem>> -> memref<8x128xi32, #tpu.memory_space<vmem>>
      %dma_start3A_85 = arith.constant 0 : i32
      %dma_start3A_86 = arith.constant 0 : i32
      %dma_start3A_87 = tpu.memref_slice %arg3[%add3A, %dma_start3A_85, %dma_start3A_86] : memref<32x80x128xi32, #tpu.memory_space<hbm>> -> memref<1x8x128xi32, #tpu.memory_space<hbm>>
      %dma_start3A_88 = tpu.memref_squeeze %dma_start3A_87 : memref<1x8x128xi32, #tpu.memory_space<hbm>> -> memref<8x128xi32, #tpu.memory_space<hbm>>
      %dma_start3A_89 = arith.constant 0 : i32
      %dma_start3A_90 = arith.constant 0 : i32
      %dma_start3A_91 = tpu.memref_slice %arg8[%run_scoped3A, %dma_start3A_89, %dma_start3A_90] : memref<2x8x128xi32, #tpu.memory_space<vmem>> -> memref<1x8x128xi32, #tpu.memory_space<vmem>>
      %dma_start3A_92 = tpu.memref_squeeze %dma_start3A_91 : memref<1x8x128xi32, #tpu.memory_space<vmem>> -> memref<8x128xi32, #tpu.memory_space<vmem>>
      %dma_start3A_93 = arith.constant 0 : i32
      %dma_start3A_94 = arith.constant 0 : i32
      %dma_start3A_95 = tpu.memref_slice %arg3[%add3A, %dma_start3A_93, %dma_start3A_94] : memref<32x80x128xi32, #tpu.memory_space<hbm>> -> memref<1x8x128xi32, #tpu.memory_space<hbm>>
      %dma_start3A_96 = tpu.memref_squeeze %dma_start3A_95 : memref<1x8x128xi32, #tpu.memory_space<hbm>> -> memref<8x128xi32, #tpu.memory_space<hbm>>
      tpu.enqueue_dma source(%dma_start3A_96 : memref<8x128xi32, #tpu.memory_space<hbm>>) target(%dma_start3A_92 : memref<8x128xi32, #tpu.memory_space<vmem>>) target_semaphore(%run_scoped3A_80 : memref<!tpu.dma_semaphore, #tpu.memory_space<semaphore_mem>>)
      %dma_wait3A = arith.constant 0 : i32
      %dma_wait3A_97 = arith.constant 0 : i32
      %dma_wait3A_98 = tpu.memref_slice %arg8[%run_scoped3A, %dma_wait3A, %dma_wait3A_97] : memref<2x8x128xi32, #tpu.memory_space<vmem>> -> memref<1x8x128xi32, #tpu.memory_space<vmem>>
      %dma_wait3A_99 = tpu.memref_squeeze %dma_wait3A_98 : memref<1x8x128xi32, #tpu.memory_space<vmem>> -> memref<8x128xi32, #tpu.memory_space<vmem>>
      %dma_wait3A_100 = arith.constant 0 : i32
      %dma_wait3A_101 = arith.constant 0 : i32
      %dma_wait3A_102 = tpu.memref_slice %arg3[%add3A, %dma_wait3A_100, %dma_wait3A_101] : memref<32x80x128xi32, #tpu.memory_space<hbm>> -> memref<1x8x128xi32, #tpu.memory_space<hbm>>
      %dma_wait3A_103 = tpu.memref_squeeze %dma_wait3A_102 : memref<1x8x128xi32, #tpu.memory_space<hbm>> -> memref<8x128xi32, #tpu.memory_space<hbm>>
      %dma_wait3A_104 = arith.constant 0 : i32
      %dma_wait3A_105 = arith.constant 0 : i32
      %dma_wait3A_106 = tpu.memref_slice %arg8[%run_scoped3A, %dma_wait3A_104, %dma_wait3A_105] : memref<2x8x128xi32, #tpu.memory_space<vmem>> -> memref<1x8x128xi32, #tpu.memory_space<vmem>>
      %dma_wait3A_107 = tpu.memref_squeeze %dma_wait3A_106 : memref<1x8x128xi32, #tpu.memory_space<vmem>> -> memref<8x128xi32, #tpu.memory_space<vmem>>
      %dma_wait3A_108 = arith.constant 0 : i32
      %dma_wait3A_109 = arith.constant 0 : i32
      %dma_wait3A_110 = tpu.memref_slice %arg3[%add3A, %dma_wait3A_108, %dma_wait3A_109] : memref<32x80x128xi32, #tpu.memory_space<hbm>> -> memref<1x8x128xi32, #tpu.memory_space<hbm>>
      %dma_wait3A_111 = tpu.memref_squeeze %dma_wait3A_110 : memref<1x8x128xi32, #tpu.memory_space<hbm>> -> memref<8x128xi32, #tpu.memory_space<hbm>>
      tpu.wait_dma2 semaphore(%run_scoped3A_80 : memref<!tpu.dma_semaphore, #tpu.memory_space<semaphore_mem>>) src(%dma_wait3A_111 : memref<8x128xi32, #tpu.memory_space<hbm>>) dst(%dma_wait3A_107 : memref<8x128xi32, #tpu.memory_space<vmem>>)
      tpu.yield
    }) : () -> ()
    %run_scoped3A_10 = arith.constant 0 : i32
    "tpu.region"() ({
      %run_scoped3A_80 = tpu.sem_alloc : memref<!tpu.dma_semaphore, #tpu.memory_space<semaphore_mem>>
      %dma_start3A_81 = arith.constant 0 : i32
      %dma_start3A_82 = arith.constant 0 : i32
      %dma_start3A_83 = tpu.memref_slice %arg9[%run_scoped3A_10, %dma_start3A_81, %dma_start3A_82] : memref<2x8x128xi32, #tpu.memory_space<vmem>> -> memref<1x8x128xi32, #tpu.memory_space<vmem>>
      %dma_start3A_84 = tpu.memref_squeeze %dma_start3A_83 : memref<1x8x128xi32, #tpu.memory_space<vmem>> -> memref<8x128xi32, #tpu.memory_space<vmem>>
      %dma_start3A_85 = arith.constant 0 : i32
      %dma_start3A_86 = arith.constant 0 : i32
      %dma_start3A_87 = tpu.memref_slice %arg4[%add3A, %dma_start3A_85, %dma_start3A_86] : memref<32x80x128xi32, #tpu.memory_space<hbm>> -> memref<1x8x128xi32, #tpu.memory_space<hbm>>
      %dma_start3A_88 = tpu.memref_squeeze %dma_start3A_87 : memref<1x8x128xi32, #tpu.memory_space<hbm>> -> memref<8x128xi32, #tpu.memory_space<hbm>>
      %dma_start3A_89 = arith.constant 0 : i32
      %dma_start3A_90 = arith.constant 0 : i32
      %dma_start3A_91 = tpu.memref_slice %arg9[%run_scoped3A_10, %dma_start3A_89, %dma_start3A_90] : memref<2x8x128xi32, #tpu.memory_space<vmem>> -> memref<1x8x128xi32, #tpu.memory_space<vmem>>
      %dma_start3A_92 = tpu.memref_squeeze %dma_start3A_91 : memref<1x8x128xi32, #tpu.memory_space<vmem>> -> memref<8x128xi32, #tpu.memory_space<vmem>>
      %dma_start3A_93 = arith.constant 0 : i32
      %dma_start3A_94 = arith.constant 0 : i32
      %dma_start3A_95 = tpu.memref_slice %arg4[%add3A, %dma_start3A_93, %dma_start3A_94] : memref<32x80x128xi32, #tpu.memory_space<hbm>> -> memref<1x8x128xi32, #tpu.memory_space<hbm>>
      %dma_start3A_96 = tpu.memref_squeeze %dma_start3A_95 : memref<1x8x128xi32, #tpu.memory_space<hbm>> -> memref<8x128xi32, #tpu.memory_space<hbm>>
      tpu.enqueue_dma source(%dma_start3A_96 : memref<8x128xi32, #tpu.memory_space<hbm>>) target(%dma_start3A_92 : memref<8x128xi32, #tpu.memory_space<vmem>>) target_semaphore(%run_scoped3A_80 : memref<!tpu.dma_semaphore, #tpu.memory_space<semaphore_mem>>)
      %dma_wait3A = arith.constant 0 : i32
      %dma_wait3A_97 = arith.constant 0 : i32
      %dma_wait3A_98 = tpu.memref_slice %arg9[%run_scoped3A_10, %dma_wait3A, %dma_wait3A_97] : memref<2x8x128xi32, #tpu.memory_space<vmem>> -> memref<1x8x128xi32, #tpu.memory_space<vmem>>
      %dma_wait3A_99 = tpu.memref_squeeze %dma_wait3A_98 : memref<1x8x128xi32, #tpu.memory_space<vmem>> -> memref<8x128xi32, #tpu.memory_space<vmem>>
      %dma_wait3A_100 = arith.constant 0 : i32
      %dma_wait3A_101 = arith.constant 0 : i32
      %dma_wait3A_102 = tpu.memref_slice %arg4[%add3A, %dma_wait3A_100, %dma_wait3A_101] : memref<32x80x128xi32, #tpu.memory_space<hbm>> -> memref<1x8x128xi32, #tpu.memory_space<hbm>>
      %dma_wait3A_103 = tpu.memref_squeeze %dma_wait3A_102 : memref<1x8x128xi32, #tpu.memory_space<hbm>> -> memref<8x128xi32, #tpu.memory_space<hbm>>
      %dma_wait3A_104 = arith.constant 0 : i32
      %dma_wait3A_105 = arith.constant 0 : i32
      %dma_wait3A_106 = tpu.memref_slice %arg9[%run_scoped3A_10, %dma_wait3A_104, %dma_wait3A_105] : memref<2x8x128xi32, #tpu.memory_space<vmem>> -> memref<1x8x128xi32, #tpu.memory_space<vmem>>
      %dma_wait3A_107 = tpu.memref_squeeze %dma_wait3A_106 : memref<1x8x128xi32, #tpu.memory_space<vmem>> -> memref<8x128xi32, #tpu.memory_space<vmem>>
      %dma_wait3A_108 = arith.constant 0 : i32
      %dma_wait3A_109 = arith.constant 0 : i32
      %dma_wait3A_110 = tpu.memref_slice %arg4[%add3A, %dma_wait3A_108, %dma_wait3A_109] : memref<32x80x128xi32, #tpu.memory_space<hbm>> -> memref<1x8x128xi32, #tpu.memory_space<hbm>>
      %dma_wait3A_111 = tpu.memref_squeeze %dma_wait3A_110 : memref<1x8x128xi32, #tpu.memory_space<hbm>> -> memref<8x128xi32, #tpu.memory_space<hbm>>
      tpu.wait_dma2 semaphore(%run_scoped3A_80 : memref<!tpu.dma_semaphore, #tpu.memory_space<semaphore_mem>>) src(%dma_wait3A_111 : memref<8x128xi32, #tpu.memory_space<hbm>>) dst(%dma_wait3A_107 : memref<8x128xi32, #tpu.memory_space<vmem>>)
      tpu.yield
    }) : () -> ()
    %dma_start3A = arith.constant 0 : i32
    %dma_start3A_11 = arith.constant 0 : i32
    %dma_start3A_12 = arith.constant 0 : i32
    %dma_start3A_13 = arith.constant 0 : i32
    %dma_start3A_14 = arith.constant 0 : i32
    %dma_start3A_15 = arith.constant 0 : i32
    %dma_start3A_16 = tpu.memref_slice %arg10[%dma_start3A_12, %dma_start3A_14, %dma_start3A_15] : memref<2x128x128xf32, #tpu.memory_space<vmem>> -> memref<1x64x128xf32, #tpu.memory_space<vmem>>
    %dma_start3A_17 = tpu.memref_squeeze %dma_start3A_16 : memref<1x64x128xf32, #tpu.memory_space<vmem>> -> memref<64x128xf32, #tpu.memory_space<vmem>>
    %dma_start3A_18 = arith.constant 0 : i32
    %dma_start3A_19 = tpu.memref_slice %arg8[%dma_start3A, %dma_start3A_11, %dma_start3A_18] : memref<2x8x128xi32, #tpu.memory_space<vmem>> -> memref<1x1x64xi32, #tpu.memory_space<vmem>>
    %dma_start3A_20 = tpu.memref_squeeze %dma_start3A_19 : memref<1x1x64xi32, #tpu.memory_space<vmem>> -> memref<64xi32, #tpu.memory_space<vmem>>
    %dma_start3A_21 = arith.constant 0 : i32
    %dma_start3A_22 = arith.constant 0 : i32
    %dma_start3A_23 = tpu.memref_slice %arg2[%dma_start3A_21, %dma_start3A_22] : memref<10240x128xf32, #tpu.memory_space<hbm>> -> memref<10240x128xf32, #tpu.memory_space<hbm>>
    %dma_start3A_24 = tpu.memref_slice %arg11[%dma_start3A_13] : memref<2x!tpu.dma_semaphore, #tpu.memory_space<semaphore_mem>> -> memref<1x!tpu.dma_semaphore, #tpu.memory_space<semaphore_mem>>
    %dma_start3A_25 = tpu.memref_squeeze %dma_start3A_24 : memref<1x!tpu.dma_semaphore, #tpu.memory_space<semaphore_mem>> -> memref<!tpu.dma_semaphore, #tpu.memory_space<semaphore_mem>>
    tpu.enqueue_indirect_dma source(%dma_start3A_23 : memref<10240x128xf32, #tpu.memory_space<hbm>>) target(%dma_start3A_17 : memref<64x128xf32, #tpu.memory_space<vmem>>) offsets(%dma_start3A_20 : memref<64xi32, #tpu.memory_space<vmem>>) semaphore(%dma_start3A_25 : memref<!tpu.dma_semaphore, #tpu.memory_space<semaphore_mem>>)
    %dma_start3A_26 = arith.constant 0 : i32
    %dma_start3A_27 = arith.constant 0 : i32
    %dma_start3A_28 = arith.constant 0 : i32
    %dma_start3A_29 = arith.constant 0 : i32
    %dma_start3A_30 = arith.constant 64 : i32
    %dma_start3A_31 = arith.constant 0 : i32
    %dma_start3A_32 = tpu.memref_slice %arg10[%dma_start3A_28, %dma_start3A_30, %dma_start3A_31] : memref<2x128x128xf32, #tpu.memory_space<vmem>> -> memref<1x64x128xf32, #tpu.memory_space<vmem>>
    %dma_start3A_33 = tpu.memref_squeeze %dma_start3A_32 : memref<1x64x128xf32, #tpu.memory_space<vmem>> -> memref<64x128xf32, #tpu.memory_space<vmem>>
    %dma_start3A_34 = arith.constant 64 : i32
    %dma_start3A_35 = tpu.memref_slice %arg8[%dma_start3A_26, %dma_start3A_27, %dma_start3A_34] : memref<2x8x128xi32, #tpu.memory_space<vmem>> -> memref<1x1x64xi32, #tpu.memory_space<vmem>>
    %dma_start3A_36 = tpu.memref_squeeze %dma_start3A_35 : memref<1x1x64xi32, #tpu.memory_space<vmem>> -> memref<64xi32, #tpu.memory_space<vmem>>
    %dma_start3A_37 = arith.constant 0 : i32
    %dma_start3A_38 = arith.constant 0 : i32
    %dma_start3A_39 = tpu.memref_slice %arg2[%dma_start3A_37, %dma_start3A_38] : memref<10240x128xf32, #tpu.memory_space<hbm>> -> memref<10240x128xf32, #tpu.memory_space<hbm>>
    %dma_start3A_40 = tpu.memref_slice %arg11[%dma_start3A_29] : memref<2x!tpu.dma_semaphore, #tpu.memory_space<semaphore_mem>> -> memref<1x!tpu.dma_semaphore, #tpu.memory_space<semaphore_mem>>
    %dma_start3A_41 = tpu.memref_squeeze %dma_start3A_40 : memref<1x!tpu.dma_semaphore, #tpu.memory_space<semaphore_mem>> -> memref<!tpu.dma_semaphore, #tpu.memory_space<semaphore_mem>>
    tpu.enqueue_indirect_dma source(%dma_start3A_39 : memref<10240x128xf32, #tpu.memory_space<hbm>>) target(%dma_start3A_33 : memref<64x128xf32, #tpu.memory_space<vmem>>) offsets(%dma_start3A_36 : memref<64xi32, #tpu.memory_space<vmem>>) semaphore(%dma_start3A_41 : memref<!tpu.dma_semaphore, #tpu.memory_space<semaphore_mem>>)
    %dma_start3A_42 = arith.constant 0 : i32
    %dma_start3A_43 = arith.constant 1 : i32
    %dma_start3A_44 = arith.constant 1 : i32
    %dma_start3A_45 = arith.constant 1 : i32
    %dma_start3A_46 = arith.constant 0 : i32
    %dma_start3A_47 = arith.constant 0 : i32
    %dma_start3A_48 = tpu.memref_slice %arg10[%dma_start3A_44, %dma_start3A_46, %dma_start3A_47] : memref<2x128x128xf32, #tpu.memory_space<vmem>> -> memref<1x64x128xf32, #tpu.memory_space<vmem>>
    %dma_start3A_49 = tpu.memref_squeeze %dma_start3A_48 : memref<1x64x128xf32, #tpu.memory_space<vmem>> -> memref<64x128xf32, #tpu.memory_space<vmem>>
    %dma_start3A_50 = arith.constant 0 : i32
    %dma_start3A_51 = tpu.memref_slice %arg8[%dma_start3A_42, %dma_start3A_43, %dma_start3A_50] : memref<2x8x128xi32, #tpu.memory_space<vmem>> -> memref<1x1x64xi32, #tpu.memory_space<vmem>>
    %dma_start3A_52 = tpu.memref_squeeze %dma_start3A_51 : memref<1x1x64xi32, #tpu.memory_space<vmem>> -> memref<64xi32, #tpu.memory_space<vmem>>
    %dma_start3A_53 = arith.constant 0 : i32
    %dma_start3A_54 = arith.constant 0 : i32
    %dma_start3A_55 = tpu.memref_slice %arg2[%dma_start3A_53, %dma_start3A_54] : memref<10240x128xf32, #tpu.memory_space<hbm>> -> memref<10240x128xf32, #tpu.memory_space<hbm>>
    %dma_start3A_56 = tpu.memref_slice %arg11[%dma_start3A_45] : memref<2x!tpu.dma_semaphore, #tpu.memory_space<semaphore_mem>> -> memref<1x!tpu.dma_semaphore, #tpu.memory_space<semaphore_mem>>
    %dma_start3A_57 = tpu.memref_squeeze %dma_start3A_56 : memref<1x!tpu.dma_semaphore, #tpu.memory_space<semaphore_mem>> -> memref<!tpu.dma_semaphore, #tpu.memory_space<semaphore_mem>>
    tpu.enqueue_indirect_dma source(%dma_start3A_55 : memref<10240x128xf32, #tpu.memory_space<hbm>>) target(%dma_start3A_49 : memref<64x128xf32, #tpu.memory_space<vmem>>) offsets(%dma_start3A_52 : memref<64xi32, #tpu.memory_space<vmem>>) semaphore(%dma_start3A_57 : memref<!tpu.dma_semaphore, #tpu.memory_space<semaphore_mem>>)
    %dma_start3A_58 = arith.constant 0 : i32
    %dma_start3A_59 = arith.constant 1 : i32
    %dma_start3A_60 = arith.constant 1 : i32
    %dma_start3A_61 = arith.constant 1 : i32
    %dma_start3A_62 = arith.constant 64 : i32
    %dma_start3A_63 = arith.constant 0 : i32
    %dma_start3A_64 = tpu.memref_slice %arg10[%dma_start3A_60, %dma_start3A_62, %dma_start3A_63] : memref<2x128x128xf32, #tpu.memory_space<vmem>> -> memref<1x64x128xf32, #tpu.memory_space<vmem>>
    %dma_start3A_65 = tpu.memref_squeeze %dma_start3A_64 : memref<1x64x128xf32, #tpu.memory_space<vmem>> -> memref<64x128xf32, #tpu.memory_space<vmem>>
    %dma_start3A_66 = arith.constant 64 : i32
    %dma_start3A_67 = tpu.memref_slice %arg8[%dma_start3A_58, %dma_start3A_59, %dma_start3A_66] : memref<2x8x128xi32, #tpu.memory_space<vmem>> -> memref<1x1x64xi32, #tpu.memory_space<vmem>>
    %dma_start3A_68 = tpu.memref_squeeze %dma_start3A_67 : memref<1x1x64xi32, #tpu.memory_space<vmem>> -> memref<64xi32, #tpu.memory_space<vmem>>
    %dma_start3A_69 = arith.constant 0 : i32
    %dma_start3A_70 = arith.constant 0 : i32
    %dma_start3A_71 = tpu.memref_slice %arg2[%dma_start3A_69, %dma_start3A_70] : memref<10240x128xf32, #tpu.memory_space<hbm>> -> memref<10240x128xf32, #tpu.memory_space<hbm>>
    %dma_start3A_72 = tpu.memref_slice %arg11[%dma_start3A_61] : memref<2x!tpu.dma_semaphore, #tpu.memory_space<semaphore_mem>> -> memref<1x!tpu.dma_semaphore, #tpu.memory_space<semaphore_mem>>
    %dma_start3A_73 = tpu.memref_squeeze %dma_start3A_72 : memref<1x!tpu.dma_semaphore, #tpu.memory_space<semaphore_mem>> -> memref<!tpu.dma_semaphore, #tpu.memory_space<semaphore_mem>>
    tpu.enqueue_indirect_dma source(%dma_start3A_71 : memref<10240x128xf32, #tpu.memory_space<hbm>>) target(%dma_start3A_65 : memref<64x128xf32, #tpu.memory_space<vmem>>) offsets(%dma_start3A_68 : memref<64xi32, #tpu.memory_space<vmem>>) semaphore(%dma_start3A_73 : memref<!tpu.dma_semaphore, #tpu.memory_space<semaphore_mem>>)
    %scan3A = arith.constant 0 : i32
    %scan3A_74 = arith.constant 0 : i32
    %scan3A_75 = arith.constant 10 : i32
    %scan3A_76 = arith.addi %scan3A_74, %scan3A_75 : i32
    %scan3A_77 = arith.constant 1 : i32
    scf.for %scan3A_80 = %scan3A_74 to %scan3A_76 step %scan3A_77  : i32 {
      %jit3A = arith.constant 2 : i32
      %eq3A_81 = arith.constant 0 : i32
      %eq3A_82 = arith.cmpi eq, %jit3A, %eq3A_81 : i32
      %jit3A_83 = arith.constant 1 : i32
      %select_n3A = arith.select %eq3A_82, %jit3A_83, %jit3A : i32
      %rem3A = arith.remsi %scan3A_80, %select_n3A : i32
      %ne3A = arith.constant 0 : i32
      %ne3A_84 = arith.cmpi ne, %rem3A, %ne3A : i32
      %lt3A = arith.constant 0 : i32
      %lt3A_85 = arith.cmpi slt, %rem3A, %lt3A : i32
      %lt3A_86 = arith.constant 0 : i32
      %lt3A_87 = arith.cmpi slt, %select_n3A, %lt3A_86 : i32
      %ne3A_88 = arith.xori %lt3A_85, %lt3A_87 : i1
      %and3A = arith.andi %ne3A_88, %ne3A_84 : i1
      %add3A_89 = arith.addi %rem3A, %select_n3A : i32
      %select_n3A_90 = arith.select %and3A, %add3A_89, %rem3A : i32
      %add3A_91 = arith.constant 1 : i32
      %add3A_92 = arith.addi %scan3A_80, %add3A_91 : i32
      %jit3A_93 = arith.constant 2 : i32
      %eq3A_94 = arith.constant 0 : i32
      %eq3A_95 = arith.cmpi eq, %jit3A_93, %eq3A_94 : i32
      %jit3A_96 = arith.constant 1 : i32
      %select_n3A_97 = arith.select %eq3A_95, %jit3A_96, %jit3A_93 : i32
      %rem3A_98 = arith.remsi %add3A_92, %select_n3A_97 : i32
      %ne3A_99 = arith.constant 0 : i32
      %ne3A_100 = arith.cmpi ne, %rem3A_98, %ne3A_99 : i32
      %lt3A_101 = arith.constant 0 : i32
      %lt3A_102 = arith.cmpi slt, %rem3A_98, %lt3A_101 : i32
      %lt3A_103 = arith.constant 0 : i32
      %lt3A_104 = arith.cmpi slt, %select_n3A_97, %lt3A_103 : i32
      %ne3A_105 = arith.xori %lt3A_102, %lt3A_104 : i1
      %and3A_106 = arith.andi %ne3A_105, %ne3A_100 : i1
      %add3A_107 = arith.addi %rem3A_98, %select_n3A_97 : i32
      %select_n3A_108 = arith.select %and3A_106, %add3A_107, %rem3A_98 : i32
      %dma_wait3A = arith.constant 0 : i32
      %dma_wait3A_109 = arith.constant 0 : i32
      %dma_wait3A_110 = arith.constant 0 : i32
      %dma_wait3A_111 = arith.constant 0 : i32
      %dma_wait3A_112 = arith.constant 0 : i32
      %dma_wait3A_113 = tpu.memref_slice %arg10[%dma_wait3A_109, %dma_wait3A_111, %dma_wait3A_112] : memref<2x128x128xf32, #tpu.memory_space<vmem>> -> memref<1x128x128xf32, #tpu.memory_space<vmem>>
      %dma_wait3A_114 = tpu.memref_squeeze %dma_wait3A_113 : memref<1x128x128xf32, #tpu.memory_space<vmem>> -> memref<128x128xf32, #tpu.memory_space<vmem>>
      %dma_wait3A_115 = arith.constant 0 : i32
      %dma_wait3A_116 = tpu.memref_slice %arg8[%select_n3A_90, %dma_wait3A, %dma_wait3A_115] : memref<2x8x128xi32, #tpu.memory_space<vmem>> -> memref<1x1x128xi32, #tpu.memory_space<vmem>>
      %dma_wait3A_117 = tpu.memref_squeeze %dma_wait3A_116 : memref<1x1x128xi32, #tpu.memory_space<vmem>> -> memref<128xi32, #tpu.memory_space<vmem>>
      %dma_wait3A_118 = arith.constant 0 : i32
      %dma_wait3A_119 = arith.constant 0 : i32
      %dma_wait3A_120 = tpu.memref_slice %arg2[%dma_wait3A_118, %dma_wait3A_119] : memref<10240x128xf32, #tpu.memory_space<hbm>> -> memref<10240x128xf32, #tpu.memory_space<hbm>>
      %dma_wait3A_121 = tpu.memref_slice %arg11[%dma_wait3A_110] : memref<2x!tpu.dma_semaphore, #tpu.memory_space<semaphore_mem>> -> memref<1x!tpu.dma_semaphore, #tpu.memory_space<semaphore_mem>>
      %dma_wait3A_122 = tpu.memref_squeeze %dma_wait3A_121 : memref<1x!tpu.dma_semaphore, #tpu.memory_space<semaphore_mem>> -> memref<!tpu.dma_semaphore, #tpu.memory_space<semaphore_mem>>
      tpu.wait_indirect_dma semaphore(%dma_wait3A_122 : memref<!tpu.dma_semaphore, #tpu.memory_space<semaphore_mem>>) src(%dma_wait3A_120 : memref<10240x128xf32, #tpu.memory_space<hbm>>) dst(%dma_wait3A_114 : memref<128x128xf32, #tpu.memory_space<vmem>>)
      %dma_start3A_123 = arith.constant 0 : i32
      %dma_start3A_124 = arith.constant 0 : i32
      %dma_start3A_125 = arith.constant 0 : i32
      %dma_start3A_126 = arith.constant 0 : i32
      %dma_start3A_127 = arith.constant 0 : i32
      %dma_start3A_128 = tpu.memref_slice %arg10[%dma_start3A_123, %dma_start3A_126, %dma_start3A_127] : memref<2x128x128xf32, #tpu.memory_space<vmem>> -> memref<1x128x128xf32, #tpu.memory_space<vmem>>
      %dma_start3A_129 = tpu.memref_squeeze %dma_start3A_128 : memref<1x128x128xf32, #tpu.memory_space<vmem>> -> memref<128x128xf32, #tpu.memory_space<vmem>>
      %dma_start3A_130 = arith.constant 0 : i32
      %dma_start3A_131 = tpu.memref_slice %arg9[%select_n3A_90, %dma_start3A_124, %dma_start3A_130] : memref<2x8x128xi32, #tpu.memory_space<vmem>> -> memref<1x1x128xi32, #tpu.memory_space<vmem>>
      %dma_start3A_132 = tpu.memref_squeeze %dma_start3A_131 : memref<1x1x128xi32, #tpu.memory_space<vmem>> -> memref<128xi32, #tpu.memory_space<vmem>>
      %dma_start3A_133 = arith.constant 0 : i32
      %dma_start3A_134 = arith.constant 0 : i32
      %dma_start3A_135 = tpu.memref_slice %arg7[%dma_start3A_133, %dma_start3A_134] : memref<10240x128xf32, #tpu.memory_space<vmem_shared>> -> memref<10240x128xf32, #tpu.memory_space<vmem_shared>>
      %dma_start3A_136 = tpu.memref_slice %arg12[%dma_start3A_125] : memref<2x!tpu.dma_semaphore, #tpu.memory_space<semaphore_mem>> -> memref<1x!tpu.dma_semaphore, #tpu.memory_space<semaphore_mem>>
      %dma_start3A_137 = tpu.memref_squeeze %dma_start3A_136 : memref<1x!tpu.dma_semaphore, #tpu.memory_space<semaphore_mem>> -> memref<!tpu.dma_semaphore, #tpu.memory_space<semaphore_mem>>
      tpu.enqueue_indirect_dma source(%dma_start3A_129 : memref<128x128xf32, #tpu.memory_space<vmem>>) target(%dma_start3A_135 : memref<10240x128xf32, #tpu.memory_space<vmem_shared>>) offsets(%dma_start3A_132 : memref<128xi32, #tpu.memory_space<vmem>>) semaphore(%dma_start3A_137 : memref<!tpu.dma_semaphore, #tpu.memory_space<semaphore_mem>>) {add = true}
      %dma_wait3A_138 = arith.constant 0 : i32
      %dma_wait3A_139 = arith.constant 0 : i32
      %dma_wait3A_140 = arith.constant 0 : i32
      %dma_wait3A_141 = arith.constant 0 : i32
      %dma_wait3A_142 = arith.constant 0 : i32
      %dma_wait3A_143 = tpu.memref_slice %arg10[%dma_wait3A_138, %dma_wait3A_141, %dma_wait3A_142] : memref<2x128x128xf32, #tpu.memory_space<vmem>> -> memref<1x128x128xf32, #tpu.memory_space<vmem>>
      %dma_wait3A_144 = tpu.memref_squeeze %dma_wait3A_143 : memref<1x128x128xf32, #tpu.memory_space<vmem>> -> memref<128x128xf32, #tpu.memory_space<vmem>>
      %dma_wait3A_145 = arith.constant 0 : i32
      %dma_wait3A_146 = tpu.memref_slice %arg9[%select_n3A_90, %dma_wait3A_139, %dma_wait3A_145] : memref<2x8x128xi32, #tpu.memory_space<vmem>> -> memref<1x1x128xi32, #tpu.memory_space<vmem>>
      %dma_wait3A_147 = tpu.memref_squeeze %dma_wait3A_146 : memref<1x1x128xi32, #tpu.memory_space<vmem>> -> memref<128xi32, #tpu.memory_space<vmem>>
      %dma_wait3A_148 = arith.constant 0 : i32
      %dma_wait3A_149 = arith.constant 0 : i32
      %dma_wait3A_150 = tpu.memref_slice %arg7[%dma_wait3A_148, %dma_wait3A_149] : memref<10240x128xf32, #tpu.memory_space<vmem_shared>> -> memref<10240x128xf32, #tpu.memory_space<vmem_shared>>
      %dma_wait3A_151 = tpu.memref_slice %arg12[%dma_wait3A_140] : memref<2x!tpu.dma_semaphore, #tpu.memory_space<semaphore_mem>> -> memref<1x!tpu.dma_semaphore, #tpu.memory_space<semaphore_mem>>
      %dma_wait3A_152 = tpu.memref_squeeze %dma_wait3A_151 : memref<1x!tpu.dma_semaphore, #tpu.memory_space<semaphore_mem>> -> memref<!tpu.dma_semaphore, #tpu.memory_space<semaphore_mem>>
      tpu.wait_indirect_dma semaphore(%dma_wait3A_152 : memref<!tpu.dma_semaphore, #tpu.memory_space<semaphore_mem>>) src(%dma_wait3A_144 : memref<128x128xf32, #tpu.memory_space<vmem>>) dst(%dma_wait3A_150 : memref<10240x128xf32, #tpu.memory_space<vmem_shared>>)
      %dma_start3A_153 = arith.constant 2 : i32
      %dma_start3A_154 = arith.constant 0 : i32
      %dma_start3A_155 = arith.constant 0 : i32
      %dma_start3A_156 = arith.constant 0 : i32
      %dma_start3A_157 = arith.constant 0 : i32
      %dma_start3A_158 = tpu.memref_slice %arg10[%dma_start3A_154, %dma_start3A_156, %dma_start3A_157] : memref<2x128x128xf32, #tpu.memory_space<vmem>> -> memref<1x64x128xf32, #tpu.memory_space<vmem>>
      %dma_start3A_159 = tpu.memref_squeeze %dma_start3A_158 : memref<1x64x128xf32, #tpu.memory_space<vmem>> -> memref<64x128xf32, #tpu.memory_space<vmem>>
      %dma_start3A_160 = arith.constant 0 : i32
      %dma_start3A_161 = tpu.memref_slice %arg8[%select_n3A_90, %dma_start3A_153, %dma_start3A_160] : memref<2x8x128xi32, #tpu.memory_space<vmem>> -> memref<1x1x64xi32, #tpu.memory_space<vmem>>
      %dma_start3A_162 = tpu.memref_squeeze %dma_start3A_161 : memref<1x1x64xi32, #tpu.memory_space<vmem>> -> memref<64xi32, #tpu.memory_space<vmem>>
      %dma_start3A_163 = arith.constant 0 : i32
      %dma_start3A_164 = arith.constant 0 : i32
      %dma_start3A_165 = tpu.memref_slice %arg2[%dma_start3A_163, %dma_start3A_164] : memref<10240x128xf32, #tpu.memory_space<hbm>> -> memref<10240x128xf32, #tpu.memory_space<hbm>>
      %dma_start3A_166 = tpu.memref_slice %arg11[%dma_start3A_155] : memref<2x!tpu.dma_semaphore, #tpu.memory_space<semaphore_mem>> -> memref<1x!tpu.dma_semaphore, #tpu.memory_space<semaphore_mem>>
      %dma_start3A_167 = tpu.memref_squeeze %dma_start3A_166 : memref<1x!tpu.dma_semaphore, #tpu.memory_space<semaphore_mem>> -> memref<!tpu.dma_semaphore, #tpu.memory_space<semaphore_mem>>
      tpu.enqueue_indirect_dma source(%dma_start3A_165 : memref<10240x128xf32, #tpu.memory_space<hbm>>) target(%dma_start3A_159 : memref<64x128xf32, #tpu.memory_space<vmem>>) offsets(%dma_start3A_162 : memref<64xi32, #tpu.memory_space<vmem>>) semaphore(%dma_start3A_167 : memref<!tpu.dma_semaphore, #tpu.memory_space<semaphore_mem>>)
      %dma_start3A_168 = arith.constant 2 : i32
      %dma_start3A_169 = arith.constant 0 : i32
      %dma_start3A_170 = arith.constant 0 : i32
      %dma_start3A_171 = arith.constant 64 : i32
      %dma_start3A_172 = arith.constant 0 : i32
      %dma_start3A_173 = tpu.memref_slice %arg10[%dma_start3A_169, %dma_start3A_171, %dma_start3A_172] : memref<2x128x128xf32, #tpu.memory_space<vmem>> -> memref<1x64x128xf32, #tpu.memory_space<vmem>>
      %dma_start3A_174 = tpu.memref_squeeze %dma_start3A_173 : memref<1x64x128xf32, #tpu.memory_space<vmem>> -> memref<64x128xf32, #tpu.memory_space<vmem>>
      %dma_start3A_175 = arith.constant 64 : i32
      %dma_start3A_176 = tpu.memref_slice %arg8[%select_n3A_90, %dma_start3A_168, %dma_start3A_175] : memref<2x8x128xi32, #tpu.memory_space<vmem>> -> memref<1x1x64xi32, #tpu.memory_space<vmem>>
      %dma_start3A_177 = tpu.memref_squeeze %dma_start3A_176 : memref<1x1x64xi32, #tpu.memory_space<vmem>> -> memref<64xi32, #tpu.memory_space<vmem>>
      %dma_start3A_178 = arith.constant 0 : i32
      %dma_start3A_179 = arith.constant 0 : i32
      %dma_start3A_180 = tpu.memref_slice %arg2[%dma_start3A_178, %dma_start3A_179] : memref<10240x128xf32, #tpu.memory_space<hbm>> -> memref<10240x128xf32, #tpu.memory_space<hbm>>
      %dma_start3A_181 = tpu.memref_slice %arg11[%dma_start3A_170] : memref<2x!tpu.dma_semaphore, #tpu.memory_space<semaphore_mem>> -> memref<1x!tpu.dma_semaphore, #tpu.memory_space<semaphore_mem>>
      %dma_start3A_182 = tpu.memref_squeeze %dma_start3A_181 : memref<1x!tpu.dma_semaphore, #tpu.memory_space<semaphore_mem>> -> memref<!tpu.dma_semaphore, #tpu.memory_space<semaphore_mem>>
      tpu.enqueue_indirect_dma source(%dma_start3A_180 : memref<10240x128xf32, #tpu.memory_space<hbm>>) target(%dma_start3A_174 : memref<64x128xf32, #tpu.memory_space<vmem>>) offsets(%dma_start3A_177 : memref<64xi32, #tpu.memory_space<vmem>>) semaphore(%dma_start3A_182 : memref<!tpu.dma_semaphore, #tpu.memory_space<semaphore_mem>>)
      %dma_wait3A_183 = arith.constant 1 : i32
      %dma_wait3A_184 = arith.constant 1 : i32
      %dma_wait3A_185 = arith.constant 1 : i32
      %dma_wait3A_186 = arith.constant 0 : i32
      %dma_wait3A_187 = arith.constant 0 : i32
      %dma_wait3A_188 = tpu.memref_slice %arg10[%dma_wait3A_184, %dma_wait3A_186, %dma_wait3A_187] : memref<2x128x128xf32, #tpu.memory_space<vmem>> -> memref<1x128x128xf32, #tpu.memory_space<vmem>>
      %dma_wait3A_189 = tpu.memref_squeeze %dma_wait3A_188 : memref<1x128x128xf32, #tpu.memory_space<vmem>> -> memref<128x128xf32, #tpu.memory_space<vmem>>
      %dma_wait3A_190 = arith.constant 0 : i32
      %dma_wait3A_191 = tpu.memref_slice %arg8[%select_n3A_90, %dma_wait3A_183, %dma_wait3A_190] : memref<2x8x128xi32, #tpu.memory_space<vmem>> -> memref<1x1x128xi32, #tpu.memory_space<vmem>>
      %dma_wait3A_192 = tpu.memref_squeeze %dma_wait3A_191 : memref<1x1x128xi32, #tpu.memory_space<vmem>> -> memref<128xi32, #tpu.memory_space<vmem>>
      %dma_wait3A_193 = arith.constant 0 : i32
      %dma_wait3A_194 = arith.constant 0 : i32
      %dma_wait3A_195 = tpu.memref_slice %arg2[%dma_wait3A_193, %dma_wait3A_194] : memref<10240x128xf32, #tpu.memory_space<hbm>> -> memref<10240x128xf32, #tpu.memory_space<hbm>>
      %dma_wait3A_196 = tpu.memref_slice %arg11[%dma_wait3A_185] : memref<2x!tpu.dma_semaphore, #tpu.memory_space<semaphore_mem>> -> memref<1x!tpu.dma_semaphore, #tpu.memory_space<semaphore_mem>>
      %dma_wait3A_197 = tpu.memref_squeeze %dma_wait3A_196 : memref<1x!tpu.dma_semaphore, #tpu.memory_space<semaphore_mem>> -> memref<!tpu.dma_semaphore, #tpu.memory_space<semaphore_mem>>
      tpu.wait_indirect_dma semaphore(%dma_wait3A_197 : memref<!tpu.dma_semaphore, #tpu.memory_space<semaphore_mem>>) src(%dma_wait3A_195 : memref<10240x128xf32, #tpu.memory_space<hbm>>) dst(%dma_wait3A_189 : memref<128x128xf32, #tpu.memory_space<vmem>>)
      %dma_start3A_198 = arith.constant 1 : i32
      %dma_start3A_199 = arith.constant 1 : i32
      %dma_start3A_200 = arith.constant 1 : i32
      %dma_start3A_201 = arith.constant 0 : i32
      %dma_start3A_202 = arith.constant 0 : i32
      %dma_start3A_203 = tpu.memref_slice %arg10[%dma_start3A_198, %dma_start3A_201, %dma_start3A_202] : memref<2x128x128xf32, #tpu.memory_space<vmem>> -> memref<1x128x128xf32, #tpu.memory_space<vmem>>
      %dma_start3A_204 = tpu.memref_squeeze %dma_start3A_203 : memref<1x128x128xf32, #tpu.memory_space<vmem>> -> memref<128x128xf32, #tpu.memory_space<vmem>>
      %dma_start3A_205 = arith.constant 0 : i32
      %dma_start3A_206 = tpu.memref_slice %arg9[%select_n3A_90, %dma_start3A_199, %dma_start3A_205] : memref<2x8x128xi32, #tpu.memory_space<vmem>> -> memref<1x1x128xi32, #tpu.memory_space<vmem>>
      %dma_start3A_207 = tpu.memref_squeeze %dma_start3A_206 : memref<1x1x128xi32, #tpu.memory_space<vmem>> -> memref<128xi32, #tpu.memory_space<vmem>>
      %dma_start3A_208 = arith.constant 0 : i32
      %dma_start3A_209 = arith.constant 0 : i32
      %dma_start3A_210 = tpu.memref_slice %arg7[%dma_start3A_208, %dma_start3A_209] : memref<10240x128xf32, #tpu.memory_space<vmem_shared>> -> memref<10240x128xf32, #tpu.memory_space<vmem_shared>>
      %dma_start3A_211 = tpu.memref_slice %arg12[%dma_start3A_200] : memref<2x!tpu.dma_semaphore, #tpu.memory_space<semaphore_mem>> -> memref<1x!tpu.dma_semaphore, #tpu.memory_space<semaphore_mem>>
      %dma_start3A_212 = tpu.memref_squeeze %dma_start3A_211 : memref<1x!tpu.dma_semaphore, #tpu.memory_space<semaphore_mem>> -> memref<!tpu.dma_semaphore, #tpu.memory_space<semaphore_mem>>
      tpu.enqueue_indirect_dma source(%dma_start3A_204 : memref<128x128xf32, #tpu.memory_space<vmem>>) target(%dma_start3A_210 : memref<10240x128xf32, #tpu.memory_space<vmem_shared>>) offsets(%dma_start3A_207 : memref<128xi32, #tpu.memory_space<vmem>>) semaphore(%dma_start3A_212 : memref<!tpu.dma_semaphore, #tpu.memory_space<semaphore_mem>>) {add = true}
      %dma_wait3A_213 = arith.constant 1 : i32
      %dma_wait3A_214 = arith.constant 1 : i32
      %dma_wait3A_215 = arith.constant 1 : i32
      %dma_wait3A_216 = arith.constant 0 : i32
      %dma_wait3A_217 = arith.constant 0 : i32
      %dma_wait3A_218 = tpu.memref_slice %arg10[%dma_wait3A_213, %dma_wait3A_216, %dma_wait3A_217] : memref<2x128x128xf32, #tpu.memory_space<vmem>> -> memref<1x128x128xf32, #tpu.memory_space<vmem>>
      %dma_wait3A_219 = tpu.memref_squeeze %dma_wait3A_218 : memref<1x128x128xf32, #tpu.memory_space<vmem>> -> memref<128x128xf32, #tpu.memory_space<vmem>>
      %dma_wait3A_220 = arith.constant 0 : i32
      %dma_wait3A_221 = tpu.memref_slice %arg9[%select_n3A_90, %dma_wait3A_214, %dma_wait3A_220] : memref<2x8x128xi32, #tpu.memory_space<vmem>> -> memref<1x1x128xi32, #tpu.memory_space<vmem>>
      %dma_wait3A_222 = tpu.memref_squeeze %dma_wait3A_221 : memref<1x1x128xi32, #tpu.memory_space<vmem>> -> memref<128xi32, #tpu.memory_space<vmem>>
      %dma_wait3A_223 = arith.constant 0 : i32
      %dma_wait3A_224 = arith.constant 0 : i32
      %dma_wait3A_225 = tpu.memref_slice %arg7[%dma_wait3A_223, %dma_wait3A_224] : memref<10240x128xf32, #tpu.memory_space<vmem_shared>> -> memref<10240x128xf32, #tpu.memory_space<vmem_shared>>
      %dma_wait3A_226 = tpu.memref_slice %arg12[%dma_wait3A_215] : memref<2x!tpu.dma_semaphore, #tpu.memory_space<semaphore_mem>> -> memref<1x!tpu.dma_semaphore, #tpu.memory_space<semaphore_mem>>
      %dma_wait3A_227 = tpu.memref_squeeze %dma_wait3A_226 : memref<1x!tpu.dma_semaphore, #tpu.memory_space<semaphore_mem>> -> memref<!tpu.dma_semaphore, #tpu.memory_space<semaphore_mem>>
      tpu.wait_indirect_dma semaphore(%dma_wait3A_227 : memref<!tpu.dma_semaphore, #tpu.memory_space<semaphore_mem>>) src(%dma_wait3A_219 : memref<128x128xf32, #tpu.memory_space<vmem>>) dst(%dma_wait3A_225 : memref<10240x128xf32, #tpu.memory_space<vmem_shared>>)
      %dma_start3A_228 = arith.constant 3 : i32
      %dma_start3A_229 = arith.constant 1 : i32
      %dma_start3A_230 = arith.constant 1 : i32
      %dma_start3A_231 = arith.constant 0 : i32
      %dma_start3A_232 = arith.constant 0 : i32
      %dma_start3A_233 = tpu.memref_slice %arg10[%dma_start3A_229, %dma_start3A_231, %dma_start3A_232] : memref<2x128x128xf32, #tpu.memory_space<vmem>> -> memref<1x64x128xf32, #tpu.memory_space<vmem>>
      %dma_start3A_234 = tpu.memref_squeeze %dma_start3A_233 : memref<1x64x128xf32, #tpu.memory_space<vmem>> -> memref<64x128xf32, #tpu.memory_space<vmem>>
      %dma_start3A_235 = arith.constant 0 : i32
      %dma_start3A_236 = tpu.memref_slice %arg8[%select_n3A_90, %dma_start3A_228, %dma_start3A_235] : memref<2x8x128xi32, #tpu.memory_space<vmem>> -> memref<1x1x64xi32, #tpu.memory_space<vmem>>
      %dma_start3A_237 = tpu.memref_squeeze %dma_start3A_236 : memref<1x1x64xi32, #tpu.memory_space<vmem>> -> memref<64xi32, #tpu.memory_space<vmem>>
      %dma_start3A_238 = arith.constant 0 : i32
      %dma_start3A_239 = arith.constant 0 : i32
      %dma_start3A_240 = tpu.memref_slice %arg2[%dma_start3A_238, %dma_start3A_239] : memref<10240x128xf32, #tpu.memory_space<hbm>> -> memref<10240x128xf32, #tpu.memory_space<hbm>>
      %dma_start3A_241 = tpu.memref_slice %arg11[%dma_start3A_230] : memref<2x!tpu.dma_semaphore, #tpu.memory_space<semaphore_mem>> -> memref<1x!tpu.dma_semaphore, #tpu.memory_space<semaphore_mem>>
      %dma_start3A_242 = tpu.memref_squeeze %dma_start3A_241 : memref<1x!tpu.dma_semaphore, #tpu.memory_space<semaphore_mem>> -> memref<!tpu.dma_semaphore, #tpu.memory_space<semaphore_mem>>
      tpu.enqueue_indirect_dma source(%dma_start3A_240 : memref<10240x128xf32, #tpu.memory_space<hbm>>) target(%dma_start3A_234 : memref<64x128xf32, #tpu.memory_space<vmem>>) offsets(%dma_start3A_237 : memref<64xi32, #tpu.memory_space<vmem>>) semaphore(%dma_start3A_242 : memref<!tpu.dma_semaphore, #tpu.memory_space<semaphore_mem>>)
      %dma_start3A_243 = arith.constant 3 : i32
      %dma_start3A_244 = arith.constant 1 : i32
      %dma_start3A_245 = arith.constant 1 : i32
      %dma_start3A_246 = arith.constant 64 : i32
      %dma_start3A_247 = arith.constant 0 : i32
      %dma_start3A_248 = tpu.memref_slice %arg10[%dma_start3A_244, %dma_start3A_246, %dma_start3A_247] : memref<2x128x128xf32, #tpu.memory_space<vmem>> -> memref<1x64x128xf32, #tpu.memory_space<vmem>>
      %dma_start3A_249 = tpu.memref_squeeze %dma_start3A_248 : memref<1x64x128xf32, #tpu.memory_space<vmem>> -> memref<64x128xf32, #tpu.memory_space<vmem>>
      %dma_start3A_250 = arith.constant 64 : i32
      %dma_start3A_251 = tpu.memref_slice %arg8[%select_n3A_90, %dma_start3A_243, %dma_start3A_250] : memref<2x8x128xi32, #tpu.memory_space<vmem>> -> memref<1x1x64xi32, #tpu.memory_space<vmem>>
      %dma_start3A_252 = tpu.memref_squeeze %dma_start3A_251 : memref<1x1x64xi32, #tpu.memory_space<vmem>> -> memref<64xi32, #tpu.memory_space<vmem>>
      %dma_start3A_253 = arith.constant 0 : i32
      %dma_start3A_254 = arith.constant 0 : i32
      %dma_start3A_255 = tpu.memref_slice %arg2[%dma_start3A_253, %dma_start3A_254] : memref<10240x128xf32, #tpu.memory_space<hbm>> -> memref<10240x128xf32, #tpu.memory_space<hbm>>
      %dma_start3A_256 = tpu.memref_slice %arg11[%dma_start3A_245] : memref<2x!tpu.dma_semaphore, #tpu.memory_space<semaphore_mem>> -> memref<1x!tpu.dma_semaphore, #tpu.memory_space<semaphore_mem>>
      %dma_start3A_257 = tpu.memref_squeeze %dma_start3A_256 : memref<1x!tpu.dma_semaphore, #tpu.memory_space<semaphore_mem>> -> memref<!tpu.dma_semaphore, #tpu.memory_space<semaphore_mem>>
      tpu.enqueue_indirect_dma source(%dma_start3A_255 : memref<10240x128xf32, #tpu.memory_space<hbm>>) target(%dma_start3A_249 : memref<64x128xf32, #tpu.memory_space<vmem>>) offsets(%dma_start3A_252 : memref<64xi32, #tpu.memory_space<vmem>>) semaphore(%dma_start3A_257 : memref<!tpu.dma_semaphore, #tpu.memory_space<semaphore_mem>>)
      %dma_wait3A_258 = arith.constant 2 : i32
      %dma_wait3A_259 = arith.constant 0 : i32
      %dma_wait3A_260 = arith.constant 0 : i32
      %dma_wait3A_261 = arith.constant 0 : i32
      %dma_wait3A_262 = arith.constant 0 : i32
      %dma_wait3A_263 = tpu.memref_slice %arg10[%dma_wait3A_259, %dma_wait3A_261, %dma_wait3A_262] : memref<2x128x128xf32, #tpu.memory_space<vmem>> -> memref<1x128x128xf32, #tpu.memory_space<vmem>>
      %dma_wait3A_264 = tpu.memref_squeeze %dma_wait3A_263 : memref<1x128x128xf32, #tpu.memory_space<vmem>> -> memref<128x128xf32, #tpu.memory_space<vmem>>
      %dma_wait3A_265 = arith.constant 0 : i32
      %dma_wait3A_266 = tpu.memref_slice %arg8[%select_n3A_90, %dma_wait3A_258, %dma_wait3A_265] : memref<2x8x128xi32, #tpu.memory_space<vmem>> -> memref<1x1x128xi32, #tpu.memory_space<vmem>>
      %dma_wait3A_267 = tpu.memref_squeeze %dma_wait3A_266 : memref<1x1x128xi32, #tpu.memory_space<vmem>> -> memref<128xi32, #tpu.memory_space<vmem>>
      %dma_wait3A_268 = arith.constant 0 : i32
      %dma_wait3A_269 = arith.constant 0 : i32
      %dma_wait3A_270 = tpu.memref_slice %arg2[%dma_wait3A_268, %dma_wait3A_269] : memref<10240x128xf32, #tpu.memory_space<hbm>> -> memref<10240x128xf32, #tpu.memory_space<hbm>>
      %dma_wait3A_271 = tpu.memref_slice %arg11[%dma_wait3A_260] : memref<2x!tpu.dma_semaphore, #tpu.memory_space<semaphore_mem>> -> memref<1x!tpu.dma_semaphore, #tpu.memory_space<semaphore_mem>>
      %dma_wait3A_272 = tpu.memref_squeeze %dma_wait3A_271 : memref<1x!tpu.dma_semaphore, #tpu.memory_space<semaphore_mem>> -> memref<!tpu.dma_semaphore, #tpu.memory_space<semaphore_mem>>
      tpu.wait_indirect_dma semaphore(%dma_wait3A_272 : memref<!tpu.dma_semaphore, #tpu.memory_space<semaphore_mem>>) src(%dma_wait3A_270 : memref<10240x128xf32, #tpu.memory_space<hbm>>) dst(%dma_wait3A_264 : memref<128x128xf32, #tpu.memory_space<vmem>>)
      %dma_start3A_273 = arith.constant 0 : i32
      %dma_start3A_274 = arith.constant 2 : i32
      %dma_start3A_275 = arith.constant 0 : i32
      %dma_start3A_276 = arith.constant 0 : i32
      %dma_start3A_277 = arith.constant 0 : i32
      %dma_start3A_278 = tpu.memref_slice %arg10[%dma_start3A_273, %dma_start3A_276, %dma_start3A_277] : memref<2x128x128xf32, #tpu.memory_space<vmem>> -> memref<1x128x128xf32, #tpu.memory_space<vmem>>
      %dma_start3A_279 = tpu.memref_squeeze %dma_start3A_278 : memref<1x128x128xf32, #tpu.memory_space<vmem>> -> memref<128x128xf32, #tpu.memory_space<vmem>>
      %dma_start3A_280 = arith.constant 0 : i32
      %dma_start3A_281 = tpu.memref_slice %arg9[%select_n3A_90, %dma_start3A_274, %dma_start3A_280] : memref<2x8x128xi32, #tpu.memory_space<vmem>> -> memref<1x1x128xi32, #tpu.memory_space<vmem>>
      %dma_start3A_282 = tpu.memref_squeeze %dma_start3A_281 : memref<1x1x128xi32, #tpu.memory_space<vmem>> -> memref<128xi32, #tpu.memory_space<vmem>>
      %dma_start3A_283 = arith.constant 0 : i32
      %dma_start3A_284 = arith.constant 0 : i32
      %dma_start3A_285 = tpu.memref_slice %arg7[%dma_start3A_283, %dma_start3A_284] : memref<10240x128xf32, #tpu.memory_space<vmem_shared>> -> memref<10240x128xf32, #tpu.memory_space<vmem_shared>>
      %dma_start3A_286 = tpu.memref_slice %arg12[%dma_start3A_275] : memref<2x!tpu.dma_semaphore, #tpu.memory_space<semaphore_mem>> -> memref<1x!tpu.dma_semaphore, #tpu.memory_space<semaphore_mem>>
      %dma_start3A_287 = tpu.memref_squeeze %dma_start3A_286 : memref<1x!tpu.dma_semaphore, #tpu.memory_space<semaphore_mem>> -> memref<!tpu.dma_semaphore, #tpu.memory_space<semaphore_mem>>
      tpu.enqueue_indirect_dma source(%dma_start3A_279 : memref<128x128xf32, #tpu.memory_space<vmem>>) target(%dma_start3A_285 : memref<10240x128xf32, #tpu.memory_space<vmem_shared>>) offsets(%dma_start3A_282 : memref<128xi32, #tpu.memory_space<vmem>>) semaphore(%dma_start3A_287 : memref<!tpu.dma_semaphore, #tpu.memory_space<semaphore_mem>>) {add = true}
      %dma_wait3A_288 = arith.constant 0 : i32
      %dma_wait3A_289 = arith.constant 2 : i32
      %dma_wait3A_290 = arith.constant 0 : i32
      %dma_wait3A_291 = arith.constant 0 : i32
      %dma_wait3A_292 = arith.constant 0 : i32
      %dma_wait3A_293 = tpu.memref_slice %arg10[%dma_wait3A_288, %dma_wait3A_291, %dma_wait3A_292] : memref<2x128x128xf32, #tpu.memory_space<vmem>> -> memref<1x128x128xf32, #tpu.memory_space<vmem>>
      %dma_wait3A_294 = tpu.memref_squeeze %dma_wait3A_293 : memref<1x128x128xf32, #tpu.memory_space<vmem>> -> memref<128x128xf32, #tpu.memory_space<vmem>>
      %dma_wait3A_295 = arith.constant 0 : i32
      %dma_wait3A_296 = tpu.memref_slice %arg9[%select_n3A_90, %dma_wait3A_289, %dma_wait3A_295] : memref<2x8x128xi32, #tpu.memory_space<vmem>> -> memref<1x1x128xi32, #tpu.memory_space<vmem>>
      %dma_wait3A_297 = tpu.memref_squeeze %dma_wait3A_296 : memref<1x1x128xi32, #tpu.memory_space<vmem>> -> memref<128xi32, #tpu.memory_space<vmem>>
      %dma_wait3A_298 = arith.constant 0 : i32
      %dma_wait3A_299 = arith.constant 0 : i32
      %dma_wait3A_300 = tpu.memref_slice %arg7[%dma_wait3A_298, %dma_wait3A_299] : memref<10240x128xf32, #tpu.memory_space<vmem_shared>> -> memref<10240x128xf32, #tpu.memory_space<vmem_shared>>
      %dma_wait3A_301 = tpu.memref_slice %arg12[%dma_wait3A_290] : memref<2x!tpu.dma_semaphore, #tpu.memory_space<semaphore_mem>> -> memref<1x!tpu.dma_semaphore, #tpu.memory_space<semaphore_mem>>
      %dma_wait3A_302 = tpu.memref_squeeze %dma_wait3A_301 : memref<1x!tpu.dma_semaphore, #tpu.memory_space<semaphore_mem>> -> memref<!tpu.dma_semaphore, #tpu.memory_space<semaphore_mem>>
      tpu.wait_indirect_dma semaphore(%dma_wait3A_302 : memref<!tpu.dma_semaphore, #tpu.memory_space<semaphore_mem>>) src(%dma_wait3A_294 : memref<128x128xf32, #tpu.memory_space<vmem>>) dst(%dma_wait3A_300 : memref<10240x128xf32, #tpu.memory_space<vmem_shared>>)
      %dma_start3A_303 = arith.constant 4 : i32
      %dma_start3A_304 = arith.constant 0 : i32
      %dma_start3A_305 = arith.constant 0 : i32
      %dma_start3A_306 = arith.constant 0 : i32
      %dma_start3A_307 = arith.constant 0 : i32
      %dma_start3A_308 = tpu.memref_slice %arg10[%dma_start3A_304, %dma_start3A_306, %dma_start3A_307] : memref<2x128x128xf32, #tpu.memory_space<vmem>> -> memref<1x64x128xf32, #tpu.memory_space<vmem>>
      %dma_start3A_309 = tpu.memref_squeeze %dma_start3A_308 : memref<1x64x128xf32, #tpu.memory_space<vmem>> -> memref<64x128xf32, #tpu.memory_space<vmem>>
      %dma_start3A_310 = arith.constant 0 : i32
      %dma_start3A_311 = tpu.memref_slice %arg8[%select_n3A_90, %dma_start3A_303, %dma_start3A_310] : memref<2x8x128xi32, #tpu.memory_space<vmem>> -> memref<1x1x64xi32, #tpu.memory_space<vmem>>
      %dma_start3A_312 = tpu.memref_squeeze %dma_start3A_311 : memref<1x1x64xi32, #tpu.memory_space<vmem>> -> memref<64xi32, #tpu.memory_space<vmem>>
      %dma_start3A_313 = arith.constant 0 : i32
      %dma_start3A_314 = arith.constant 0 : i32
      %dma_start3A_315 = tpu.memref_slice %arg2[%dma_start3A_313, %dma_start3A_314] : memref<10240x128xf32, #tpu.memory_space<hbm>> -> memref<10240x128xf32, #tpu.memory_space<hbm>>
      %dma_start3A_316 = tpu.memref_slice %arg11[%dma_start3A_305] : memref<2x!tpu.dma_semaphore, #tpu.memory_space<semaphore_mem>> -> memref<1x!tpu.dma_semaphore, #tpu.memory_space<semaphore_mem>>
      %dma_start3A_317 = tpu.memref_squeeze %dma_start3A_316 : memref<1x!tpu.dma_semaphore, #tpu.memory_space<semaphore_mem>> -> memref<!tpu.dma_semaphore, #tpu.memory_space<semaphore_mem>>
      tpu.enqueue_indirect_dma source(%dma_start3A_315 : memref<10240x128xf32, #tpu.memory_space<hbm>>) target(%dma_start3A_309 : memref<64x128xf32, #tpu.memory_space<vmem>>) offsets(%dma_start3A_312 : memref<64xi32, #tpu.memory_space<vmem>>) semaphore(%dma_start3A_317 : memref<!tpu.dma_semaphore, #tpu.memory_space<semaphore_mem>>)
      %dma_start3A_318 = arith.constant 4 : i32
      %dma_start3A_319 = arith.constant 0 : i32
      %dma_start3A_320 = arith.constant 0 : i32
      %dma_start3A_321 = arith.constant 64 : i32
      %dma_start3A_322 = arith.constant 0 : i32
      %dma_start3A_323 = tpu.memref_slice %arg10[%dma_start3A_319, %dma_start3A_321, %dma_start3A_322] : memref<2x128x128xf32, #tpu.memory_space<vmem>> -> memref<1x64x128xf32, #tpu.memory_space<vmem>>
      %dma_start3A_324 = tpu.memref_squeeze %dma_start3A_323 : memref<1x64x128xf32, #tpu.memory_space<vmem>> -> memref<64x128xf32, #tpu.memory_space<vmem>>
      %dma_start3A_325 = arith.constant 64 : i32
      %dma_start3A_326 = tpu.memref_slice %arg8[%select_n3A_90, %dma_start3A_318, %dma_start3A_325] : memref<2x8x128xi32, #tpu.memory_space<vmem>> -> memref<1x1x64xi32, #tpu.memory_space<vmem>>
      %dma_start3A_327 = tpu.memref_squeeze %dma_start3A_326 : memref<1x1x64xi32, #tpu.memory_space<vmem>> -> memref<64xi32, #tpu.memory_space<vmem>>
      %dma_start3A_328 = arith.constant 0 : i32
      %dma_start3A_329 = arith.constant 0 : i32
      %dma_start3A_330 = tpu.memref_slice %arg2[%dma_start3A_328, %dma_start3A_329] : memref<10240x128xf32, #tpu.memory_space<hbm>> -> memref<10240x128xf32, #tpu.memory_space<hbm>>
      %dma_start3A_331 = tpu.memref_slice %arg11[%dma_start3A_320] : memref<2x!tpu.dma_semaphore, #tpu.memory_space<semaphore_mem>> -> memref<1x!tpu.dma_semaphore, #tpu.memory_space<semaphore_mem>>
      %dma_start3A_332 = tpu.memref_squeeze %dma_start3A_331 : memref<1x!tpu.dma_semaphore, #tpu.memory_space<semaphore_mem>> -> memref<!tpu.dma_semaphore, #tpu.memory_space<semaphore_mem>>
      tpu.enqueue_indirect_dma source(%dma_start3A_330 : memref<10240x128xf32, #tpu.memory_space<hbm>>) target(%dma_start3A_324 : memref<64x128xf32, #tpu.memory_space<vmem>>) offsets(%dma_start3A_327 : memref<64xi32, #tpu.memory_space<vmem>>) semaphore(%dma_start3A_332 : memref<!tpu.dma_semaphore, #tpu.memory_space<semaphore_mem>>)
      %dma_wait3A_333 = arith.constant 3 : i32
      %dma_wait3A_334 = arith.constant 1 : i32
      %dma_wait3A_335 = arith.constant 1 : i32
      %dma_wait3A_336 = arith.constant 0 : i32
      %dma_wait3A_337 = arith.constant 0 : i32
      %dma_wait3A_338 = tpu.memref_slice %arg10[%dma_wait3A_334, %dma_wait3A_336, %dma_wait3A_337] : memref<2x128x128xf32, #tpu.memory_space<vmem>> -> memref<1x128x128xf32, #tpu.memory_space<vmem>>
      %dma_wait3A_339 = tpu.memref_squeeze %dma_wait3A_338 : memref<1x128x128xf32, #tpu.memory_space<vmem>> -> memref<128x128xf32, #tpu.memory_space<vmem>>
      %dma_wait3A_340 = arith.constant 0 : i32
      %dma_wait3A_341 = tpu.memref_slice %arg8[%select_n3A_90, %dma_wait3A_333, %dma_wait3A_340] : memref<2x8x128xi32, #tpu.memory_space<vmem>> -> memref<1x1x128xi32, #tpu.memory_space<vmem>>
      %dma_wait3A_342 = tpu.memref_squeeze %dma_wait3A_341 : memref<1x1x128xi32, #tpu.memory_space<vmem>> -> memref<128xi32, #tpu.memory_space<vmem>>
      %dma_wait3A_343 = arith.constant 0 : i32
      %dma_wait3A_344 = arith.constant 0 : i32
      %dma_wait3A_345 = tpu.memref_slice %arg2[%dma_wait3A_343, %dma_wait3A_344] : memref<10240x128xf32, #tpu.memory_space<hbm>> -> memref<10240x128xf32, #tpu.memory_space<hbm>>
      %dma_wait3A_346 = tpu.memref_slice %arg11[%dma_wait3A_335] : memref<2x!tpu.dma_semaphore, #tpu.memory_space<semaphore_mem>> -> memref<1x!tpu.dma_semaphore, #tpu.memory_space<semaphore_mem>>
      %dma_wait3A_347 = tpu.memref_squeeze %dma_wait3A_346 : memref<1x!tpu.dma_semaphore, #tpu.memory_space<semaphore_mem>> -> memref<!tpu.dma_semaphore, #tpu.memory_space<semaphore_mem>>
      tpu.wait_indirect_dma semaphore(%dma_wait3A_347 : memref<!tpu.dma_semaphore, #tpu.memory_space<semaphore_mem>>) src(%dma_wait3A_345 : memref<10240x128xf32, #tpu.memory_space<hbm>>) dst(%dma_wait3A_339 : memref<128x128xf32, #tpu.memory_space<vmem>>)
      %dma_start3A_348 = arith.constant 1 : i32
      %dma_start3A_349 = arith.constant 3 : i32
      %dma_start3A_350 = arith.constant 1 : i32
      %dma_start3A_351 = arith.constant 0 : i32
      %dma_start3A_352 = arith.constant 0 : i32
      %dma_start3A_353 = tpu.memref_slice %arg10[%dma_start3A_348, %dma_start3A_351, %dma_start3A_352] : memref<2x128x128xf32, #tpu.memory_space<vmem>> -> memref<1x128x128xf32, #tpu.memory_space<vmem>>
      %dma_start3A_354 = tpu.memref_squeeze %dma_start3A_353 : memref<1x128x128xf32, #tpu.memory_space<vmem>> -> memref<128x128xf32, #tpu.memory_space<vmem>>
      %dma_start3A_355 = arith.constant 0 : i32
      %dma_start3A_356 = tpu.memref_slice %arg9[%select_n3A_90, %dma_start3A_349, %dma_start3A_355] : memref<2x8x128xi32, #tpu.memory_space<vmem>> -> memref<1x1x128xi32, #tpu.memory_space<vmem>>
      %dma_start3A_357 = tpu.memref_squeeze %dma_start3A_356 : memref<1x1x128xi32, #tpu.memory_space<vmem>> -> memref<128xi32, #tpu.memory_space<vmem>>
      %dma_start3A_358 = arith.constant 0 : i32
      %dma_start3A_359 = arith.constant 0 : i32
      %dma_start3A_360 = tpu.memref_slice %arg7[%dma_start3A_358, %dma_start3A_359] : memref<10240x128xf32, #tpu.memory_space<vmem_shared>> -> memref<10240x128xf32, #tpu.memory_space<vmem_shared>>
      %dma_start3A_361 = tpu.memref_slice %arg12[%dma_start3A_350] : memref<2x!tpu.dma_semaphore, #tpu.memory_space<semaphore_mem>> -> memref<1x!tpu.dma_semaphore, #tpu.memory_space<semaphore_mem>>
      %dma_start3A_362 = tpu.memref_squeeze %dma_start3A_361 : memref<1x!tpu.dma_semaphore, #tpu.memory_space<semaphore_mem>> -> memref<!tpu.dma_semaphore, #tpu.memory_space<semaphore_mem>>
      tpu.enqueue_indirect_dma source(%dma_start3A_354 : memref<128x128xf32, #tpu.memory_space<vmem>>) target(%dma_start3A_360 : memref<10240x128xf32, #tpu.memory_space<vmem_shared>>) offsets(%dma_start3A_357 : memref<128xi32, #tpu.memory_space<vmem>>) semaphore(%dma_start3A_362 : memref<!tpu.dma_semaphore, #tpu.memory_space<semaphore_mem>>) {add = true}
      %dma_wait3A_363 = arith.constant 1 : i32
      %dma_wait3A_364 = arith.constant 3 : i32
      %dma_wait3A_365 = arith.constant 1 : i32
      %dma_wait3A_366 = arith.constant 0 : i32
      %dma_wait3A_367 = arith.constant 0 : i32
      %dma_wait3A_368 = tpu.memref_slice %arg10[%dma_wait3A_363, %dma_wait3A_366, %dma_wait3A_367] : memref<2x128x128xf32, #tpu.memory_space<vmem>> -> memref<1x128x128xf32, #tpu.memory_space<vmem>>
      %dma_wait3A_369 = tpu.memref_squeeze %dma_wait3A_368 : memref<1x128x128xf32, #tpu.memory_space<vmem>> -> memref<128x128xf32, #tpu.memory_space<vmem>>
      %dma_wait3A_370 = arith.constant 0 : i32
      %dma_wait3A_371 = tpu.memref_slice %arg9[%select_n3A_90, %dma_wait3A_364, %dma_wait3A_370] : memref<2x8x128xi32, #tpu.memory_space<vmem>> -> memref<1x1x128xi32, #tpu.memory_space<vmem>>
      %dma_wait3A_372 = tpu.memref_squeeze %dma_wait3A_371 : memref<1x1x128xi32, #tpu.memory_space<vmem>> -> memref<128xi32, #tpu.memory_space<vmem>>
      %dma_wait3A_373 = arith.constant 0 : i32
      %dma_wait3A_374 = arith.constant 0 : i32
      %dma_wait3A_375 = tpu.memref_slice %arg7[%dma_wait3A_373, %dma_wait3A_374] : memref<10240x128xf32, #tpu.memory_space<vmem_shared>> -> memref<10240x128xf32, #tpu.memory_space<vmem_shared>>
      %dma_wait3A_376 = tpu.memref_slice %arg12[%dma_wait3A_365] : memref<2x!tpu.dma_semaphore, #tpu.memory_space<semaphore_mem>> -> memref<1x!tpu.dma_semaphore, #tpu.memory_space<semaphore_mem>>
      %dma_wait3A_377 = tpu.memref_squeeze %dma_wait3A_376 : memref<1x!tpu.dma_semaphore, #tpu.memory_space<semaphore_mem>> -> memref<!tpu.dma_semaphore, #tpu.memory_space<semaphore_mem>>
      tpu.wait_indirect_dma semaphore(%dma_wait3A_377 : memref<!tpu.dma_semaphore, #tpu.memory_space<semaphore_mem>>) src(%dma_wait3A_369 : memref<128x128xf32, #tpu.memory_space<vmem>>) dst(%dma_wait3A_375 : memref<10240x128xf32, #tpu.memory_space<vmem_shared>>)
      %dma_start3A_378 = arith.constant 5 : i32
      %dma_start3A_379 = arith.constant 1 : i32
      %dma_start3A_380 = arith.constant 1 : i32
      %dma_start3A_381 = arith.constant 0 : i32
      %dma_start3A_382 = arith.constant 0 : i32
      %dma_start3A_383 = tpu.memref_slice %arg10[%dma_start3A_379, %dma_start3A_381, %dma_start3A_382] : memref<2x128x128xf32, #tpu.memory_space<vmem>> -> memref<1x64x128xf32, #tpu.memory_space<vmem>>
      %dma_start3A_384 = tpu.memref_squeeze %dma_start3A_383 : memref<1x64x128xf32, #tpu.memory_space<vmem>> -> memref<64x128xf32, #tpu.memory_space<vmem>>
      %dma_start3A_385 = arith.constant 0 : i32
      %dma_start3A_386 = tpu.memref_slice %arg8[%select_n3A_90, %dma_start3A_378, %dma_start3A_385] : memref<2x8x128xi32, #tpu.memory_space<vmem>> -> memref<1x1x64xi32, #tpu.memory_space<vmem>>
      %dma_start3A_387 = tpu.memref_squeeze %dma_start3A_386 : memref<1x1x64xi32, #tpu.memory_space<vmem>> -> memref<64xi32, #tpu.memory_space<vmem>>
      %dma_start3A_388 = arith.constant 0 : i32
      %dma_start3A_389 = arith.constant 0 : i32
      %dma_start3A_390 = tpu.memref_slice %arg2[%dma_start3A_388, %dma_start3A_389] : memref<10240x128xf32, #tpu.memory_space<hbm>> -> memref<10240x128xf32, #tpu.memory_space<hbm>>
      %dma_start3A_391 = tpu.memref_slice %arg11[%dma_start3A_380] : memref<2x!tpu.dma_semaphore, #tpu.memory_space<semaphore_mem>> -> memref<1x!tpu.dma_semaphore, #tpu.memory_space<semaphore_mem>>
      %dma_start3A_392 = tpu.memref_squeeze %dma_start3A_391 : memref<1x!tpu.dma_semaphore, #tpu.memory_space<semaphore_mem>> -> memref<!tpu.dma_semaphore, #tpu.memory_space<semaphore_mem>>
      tpu.enqueue_indirect_dma source(%dma_start3A_390 : memref<10240x128xf32, #tpu.memory_space<hbm>>) target(%dma_start3A_384 : memref<64x128xf32, #tpu.memory_space<vmem>>) offsets(%dma_start3A_387 : memref<64xi32, #tpu.memory_space<vmem>>) semaphore(%dma_start3A_392 : memref<!tpu.dma_semaphore, #tpu.memory_space<semaphore_mem>>)
      %dma_start3A_393 = arith.constant 5 : i32
      %dma_start3A_394 = arith.constant 1 : i32
      %dma_start3A_395 = arith.constant 1 : i32
      %dma_start3A_396 = arith.constant 64 : i32
      %dma_start3A_397 = arith.constant 0 : i32
      %dma_start3A_398 = tpu.memref_slice %arg10[%dma_start3A_394, %dma_start3A_396, %dma_start3A_397] : memref<2x128x128xf32, #tpu.memory_space<vmem>> -> memref<1x64x128xf32, #tpu.memory_space<vmem>>
      %dma_start3A_399 = tpu.memref_squeeze %dma_start3A_398 : memref<1x64x128xf32, #tpu.memory_space<vmem>> -> memref<64x128xf32, #tpu.memory_space<vmem>>
      %dma_start3A_400 = arith.constant 64 : i32
      %dma_start3A_401 = tpu.memref_slice %arg8[%select_n3A_90, %dma_start3A_393, %dma_start3A_400] : memref<2x8x128xi32, #tpu.memory_space<vmem>> -> memref<1x1x64xi32, #tpu.memory_space<vmem>>
      %dma_start3A_402 = tpu.memref_squeeze %dma_start3A_401 : memref<1x1x64xi32, #tpu.memory_space<vmem>> -> memref<64xi32, #tpu.memory_space<vmem>>
      %dma_start3A_403 = arith.constant 0 : i32
      %dma_start3A_404 = arith.constant 0 : i32
      %dma_start3A_405 = tpu.memref_slice %arg2[%dma_start3A_403, %dma_start3A_404] : memref<10240x128xf32, #tpu.memory_space<hbm>> -> memref<10240x128xf32, #tpu.memory_space<hbm>>
      %dma_start3A_406 = tpu.memref_slice %arg11[%dma_start3A_395] : memref<2x!tpu.dma_semaphore, #tpu.memory_space<semaphore_mem>> -> memref<1x!tpu.dma_semaphore, #tpu.memory_space<semaphore_mem>>
      %dma_start3A_407 = tpu.memref_squeeze %dma_start3A_406 : memref<1x!tpu.dma_semaphore, #tpu.memory_space<semaphore_mem>> -> memref<!tpu.dma_semaphore, #tpu.memory_space<semaphore_mem>>
      tpu.enqueue_indirect_dma source(%dma_start3A_405 : memref<10240x128xf32, #tpu.memory_space<hbm>>) target(%dma_start3A_399 : memref<64x128xf32, #tpu.memory_space<vmem>>) offsets(%dma_start3A_402 : memref<64xi32, #tpu.memory_space<vmem>>) semaphore(%dma_start3A_407 : memref<!tpu.dma_semaphore, #tpu.memory_space<semaphore_mem>>)
      %dma_wait3A_408 = arith.constant 4 : i32
      %dma_wait3A_409 = arith.constant 0 : i32
      %dma_wait3A_410 = arith.constant 0 : i32
      %dma_wait3A_411 = arith.constant 0 : i32
      %dma_wait3A_412 = arith.constant 0 : i32
      %dma_wait3A_413 = tpu.memref_slice %arg10[%dma_wait3A_409, %dma_wait3A_411, %dma_wait3A_412] : memref<2x128x128xf32, #tpu.memory_space<vmem>> -> memref<1x128x128xf32, #tpu.memory_space<vmem>>
      %dma_wait3A_414 = tpu.memref_squeeze %dma_wait3A_413 : memref<1x128x128xf32, #tpu.memory_space<vmem>> -> memref<128x128xf32, #tpu.memory_space<vmem>>
      %dma_wait3A_415 = arith.constant 0 : i32
      %dma_wait3A_416 = tpu.memref_slice %arg8[%select_n3A_90, %dma_wait3A_408, %dma_wait3A_415] : memref<2x8x128xi32, #tpu.memory_space<vmem>> -> memref<1x1x128xi32, #tpu.memory_space<vmem>>
      %dma_wait3A_417 = tpu.memref_squeeze %dma_wait3A_416 : memref<1x1x128xi32, #tpu.memory_space<vmem>> -> memref<128xi32, #tpu.memory_space<vmem>>
      %dma_wait3A_418 = arith.constant 0 : i32
      %dma_wait3A_419 = arith.constant 0 : i32
      %dma_wait3A_420 = tpu.memref_slice %arg2[%dma_wait3A_418, %dma_wait3A_419] : memref<10240x128xf32, #tpu.memory_space<hbm>> -> memref<10240x128xf32, #tpu.memory_space<hbm>>
      %dma_wait3A_421 = tpu.memref_slice %arg11[%dma_wait3A_410] : memref<2x!tpu.dma_semaphore, #tpu.memory_space<semaphore_mem>> -> memref<1x!tpu.dma_semaphore, #tpu.memory_space<semaphore_mem>>
      %dma_wait3A_422 = tpu.memref_squeeze %dma_wait3A_421 : memref<1x!tpu.dma_semaphore, #tpu.memory_space<semaphore_mem>> -> memref<!tpu.dma_semaphore, #tpu.memory_space<semaphore_mem>>
      tpu.wait_indirect_dma semaphore(%dma_wait3A_422 : memref<!tpu.dma_semaphore, #tpu.memory_space<semaphore_mem>>) src(%dma_wait3A_420 : memref<10240x128xf32, #tpu.memory_space<hbm>>) dst(%dma_wait3A_414 : memref<128x128xf32, #tpu.memory_space<vmem>>)
      %dma_start3A_423 = arith.constant 0 : i32
      %dma_start3A_424 = arith.constant 4 : i32
      %dma_start3A_425 = arith.constant 0 : i32
      %dma_start3A_426 = arith.constant 0 : i32
      %dma_start3A_427 = arith.constant 0 : i32
      %dma_start3A_428 = tpu.memref_slice %arg10[%dma_start3A_423, %dma_start3A_426, %dma_start3A_427] : memref<2x128x128xf32, #tpu.memory_space<vmem>> -> memref<1x128x128xf32, #tpu.memory_space<vmem>>
      %dma_start3A_429 = tpu.memref_squeeze %dma_start3A_428 : memref<1x128x128xf32, #tpu.memory_space<vmem>> -> memref<128x128xf32, #tpu.memory_space<vmem>>
      %dma_start3A_430 = arith.constant 0 : i32
      %dma_start3A_431 = tpu.memref_slice %arg9[%select_n3A_90, %dma_start3A_424, %dma_start3A_430] : memref<2x8x128xi32, #tpu.memory_space<vmem>> -> memref<1x1x128xi32, #tpu.memory_space<vmem>>
      %dma_start3A_432 = tpu.memref_squeeze %dma_start3A_431 : memref<1x1x128xi32, #tpu.memory_space<vmem>> -> memref<128xi32, #tpu.memory_space<vmem>>
      %dma_start3A_433 = arith.constant 0 : i32
      %dma_start3A_434 = arith.constant 0 : i32
      %dma_start3A_435 = tpu.memref_slice %arg7[%dma_start3A_433, %dma_start3A_434] : memref<10240x128xf32, #tpu.memory_space<vmem_shared>> -> memref<10240x128xf32, #tpu.memory_space<vmem_shared>>
      %dma_start3A_436 = tpu.memref_slice %arg12[%dma_start3A_425] : memref<2x!tpu.dma_semaphore, #tpu.memory_space<semaphore_mem>> -> memref<1x!tpu.dma_semaphore, #tpu.memory_space<semaphore_mem>>
      %dma_start3A_437 = tpu.memref_squeeze %dma_start3A_436 : memref<1x!tpu.dma_semaphore, #tpu.memory_space<semaphore_mem>> -> memref<!tpu.dma_semaphore, #tpu.memory_space<semaphore_mem>>
      tpu.enqueue_indirect_dma source(%dma_start3A_429 : memref<128x128xf32, #tpu.memory_space<vmem>>) target(%dma_start3A_435 : memref<10240x128xf32, #tpu.memory_space<vmem_shared>>) offsets(%dma_start3A_432 : memref<128xi32, #tpu.memory_space<vmem>>) semaphore(%dma_start3A_437 : memref<!tpu.dma_semaphore, #tpu.memory_space<semaphore_mem>>) {add = true}
      %dma_wait3A_438 = arith.constant 0 : i32
      %dma_wait3A_439 = arith.constant 4 : i32
      %dma_wait3A_440 = arith.constant 0 : i32
      %dma_wait3A_441 = arith.constant 0 : i32
      %dma_wait3A_442 = arith.constant 0 : i32
      %dma_wait3A_443 = tpu.memref_slice %arg10[%dma_wait3A_438, %dma_wait3A_441, %dma_wait3A_442] : memref<2x128x128xf32, #tpu.memory_space<vmem>> -> memref<1x128x128xf32, #tpu.memory_space<vmem>>
      %dma_wait3A_444 = tpu.memref_squeeze %dma_wait3A_443 : memref<1x128x128xf32, #tpu.memory_space<vmem>> -> memref<128x128xf32, #tpu.memory_space<vmem>>
      %dma_wait3A_445 = arith.constant 0 : i32
      %dma_wait3A_446 = tpu.memref_slice %arg9[%select_n3A_90, %dma_wait3A_439, %dma_wait3A_445] : memref<2x8x128xi32, #tpu.memory_space<vmem>> -> memref<1x1x128xi32, #tpu.memory_space<vmem>>
      %dma_wait3A_447 = tpu.memref_squeeze %dma_wait3A_446 : memref<1x1x128xi32, #tpu.memory_space<vmem>> -> memref<128xi32, #tpu.memory_space<vmem>>
      %dma_wait3A_448 = arith.constant 0 : i32
      %dma_wait3A_449 = arith.constant 0 : i32
      %dma_wait3A_450 = tpu.memref_slice %arg7[%dma_wait3A_448, %dma_wait3A_449] : memref<10240x128xf32, #tpu.memory_space<vmem_shared>> -> memref<10240x128xf32, #tpu.memory_space<vmem_shared>>
      %dma_wait3A_451 = tpu.memref_slice %arg12[%dma_wait3A_440] : memref<2x!tpu.dma_semaphore, #tpu.memory_space<semaphore_mem>> -> memref<1x!tpu.dma_semaphore, #tpu.memory_space<semaphore_mem>>
      %dma_wait3A_452 = tpu.memref_squeeze %dma_wait3A_451 : memref<1x!tpu.dma_semaphore, #tpu.memory_space<semaphore_mem>> -> memref<!tpu.dma_semaphore, #tpu.memory_space<semaphore_mem>>
      tpu.wait_indirect_dma semaphore(%dma_wait3A_452 : memref<!tpu.dma_semaphore, #tpu.memory_space<semaphore_mem>>) src(%dma_wait3A_444 : memref<128x128xf32, #tpu.memory_space<vmem>>) dst(%dma_wait3A_450 : memref<10240x128xf32, #tpu.memory_space<vmem_shared>>)
      %dma_start3A_453 = arith.constant 6 : i32
      %dma_start3A_454 = arith.constant 0 : i32
      %dma_start3A_455 = arith.constant 0 : i32
      %dma_start3A_456 = arith.constant 0 : i32
      %dma_start3A_457 = arith.constant 0 : i32
      %dma_start3A_458 = tpu.memref_slice %arg10[%dma_start3A_454, %dma_start3A_456, %dma_start3A_457] : memref<2x128x128xf32, #tpu.memory_space<vmem>> -> memref<1x64x128xf32, #tpu.memory_space<vmem>>
      %dma_start3A_459 = tpu.memref_squeeze %dma_start3A_458 : memref<1x64x128xf32, #tpu.memory_space<vmem>> -> memref<64x128xf32, #tpu.memory_space<vmem>>
      %dma_start3A_460 = arith.constant 0 : i32
      %dma_start3A_461 = tpu.memref_slice %arg8[%select_n3A_90, %dma_start3A_453, %dma_start3A_460] : memref<2x8x128xi32, #tpu.memory_space<vmem>> -> memref<1x1x64xi32, #tpu.memory_space<vmem>>
      %dma_start3A_462 = tpu.memref_squeeze %dma_start3A_461 : memref<1x1x64xi32, #tpu.memory_space<vmem>> -> memref<64xi32, #tpu.memory_space<vmem>>
      %dma_start3A_463 = arith.constant 0 : i32
      %dma_start3A_464 = arith.constant 0 : i32
      %dma_start3A_465 = tpu.memref_slice %arg2[%dma_start3A_463, %dma_start3A_464] : memref<10240x128xf32, #tpu.memory_space<hbm>> -> memref<10240x128xf32, #tpu.memory_space<hbm>>
      %dma_start3A_466 = tpu.memref_slice %arg11[%dma_start3A_455] : memref<2x!tpu.dma_semaphore, #tpu.memory_space<semaphore_mem>> -> memref<1x!tpu.dma_semaphore, #tpu.memory_space<semaphore_mem>>
      %dma_start3A_467 = tpu.memref_squeeze %dma_start3A_466 : memref<1x!tpu.dma_semaphore, #tpu.memory_space<semaphore_mem>> -> memref<!tpu.dma_semaphore, #tpu.memory_space<semaphore_mem>>
      tpu.enqueue_indirect_dma source(%dma_start3A_465 : memref<10240x128xf32, #tpu.memory_space<hbm>>) target(%dma_start3A_459 : memref<64x128xf32, #tpu.memory_space<vmem>>) offsets(%dma_start3A_462 : memref<64xi32, #tpu.memory_space<vmem>>) semaphore(%dma_start3A_467 : memref<!tpu.dma_semaphore, #tpu.memory_space<semaphore_mem>>)
      %dma_start3A_468 = arith.constant 6 : i32
      %dma_start3A_469 = arith.constant 0 : i32
      %dma_start3A_470 = arith.constant 0 : i32
      %dma_start3A_471 = arith.constant 64 : i32
      %dma_start3A_472 = arith.constant 0 : i32
      %dma_start3A_473 = tpu.memref_slice %arg10[%dma_start3A_469, %dma_start3A_471, %dma_start3A_472] : memref<2x128x128xf32, #tpu.memory_space<vmem>> -> memref<1x64x128xf32, #tpu.memory_space<vmem>>
      %dma_start3A_474 = tpu.memref_squeeze %dma_start3A_473 : memref<1x64x128xf32, #tpu.memory_space<vmem>> -> memref<64x128xf32, #tpu.memory_space<vmem>>
      %dma_start3A_475 = arith.constant 64 : i32
      %dma_start3A_476 = tpu.memref_slice %arg8[%select_n3A_90, %dma_start3A_468, %dma_start3A_475] : memref<2x8x128xi32, #tpu.memory_space<vmem>> -> memref<1x1x64xi32, #tpu.memory_space<vmem>>
      %dma_start3A_477 = tpu.memref_squeeze %dma_start3A_476 : memref<1x1x64xi32, #tpu.memory_space<vmem>> -> memref<64xi32, #tpu.memory_space<vmem>>
      %dma_start3A_478 = arith.constant 0 : i32
      %dma_start3A_479 = arith.constant 0 : i32
      %dma_start3A_480 = tpu.memref_slice %arg2[%dma_start3A_478, %dma_start3A_479] : memref<10240x128xf32, #tpu.memory_space<hbm>> -> memref<10240x128xf32, #tpu.memory_space<hbm>>
      %dma_start3A_481 = tpu.memref_slice %arg11[%dma_start3A_470] : memref<2x!tpu.dma_semaphore, #tpu.memory_space<semaphore_mem>> -> memref<1x!tpu.dma_semaphore, #tpu.memory_space<semaphore_mem>>
      %dma_start3A_482 = tpu.memref_squeeze %dma_start3A_481 : memref<1x!tpu.dma_semaphore, #tpu.memory_space<semaphore_mem>> -> memref<!tpu.dma_semaphore, #tpu.memory_space<semaphore_mem>>
      tpu.enqueue_indirect_dma source(%dma_start3A_480 : memref<10240x128xf32, #tpu.memory_space<hbm>>) target(%dma_start3A_474 : memref<64x128xf32, #tpu.memory_space<vmem>>) offsets(%dma_start3A_477 : memref<64xi32, #tpu.memory_space<vmem>>) semaphore(%dma_start3A_482 : memref<!tpu.dma_semaphore, #tpu.memory_space<semaphore_mem>>)
      %dma_wait3A_483 = arith.constant 5 : i32
      %dma_wait3A_484 = arith.constant 1 : i32
      %dma_wait3A_485 = arith.constant 1 : i32
      %dma_wait3A_486 = arith.constant 0 : i32
      %dma_wait3A_487 = arith.constant 0 : i32
      %dma_wait3A_488 = tpu.memref_slice %arg10[%dma_wait3A_484, %dma_wait3A_486, %dma_wait3A_487] : memref<2x128x128xf32, #tpu.memory_space<vmem>> -> memref<1x128x128xf32, #tpu.memory_space<vmem>>
      %dma_wait3A_489 = tpu.memref_squeeze %dma_wait3A_488 : memref<1x128x128xf32, #tpu.memory_space<vmem>> -> memref<128x128xf32, #tpu.memory_space<vmem>>
      %dma_wait3A_490 = arith.constant 0 : i32
      %dma_wait3A_491 = tpu.memref_slice %arg8[%select_n3A_90, %dma_wait3A_483, %dma_wait3A_490] : memref<2x8x128xi32, #tpu.memory_space<vmem>> -> memref<1x1x128xi32, #tpu.memory_space<vmem>>
      %dma_wait3A_492 = tpu.memref_squeeze %dma_wait3A_491 : memref<1x1x128xi32, #tpu.memory_space<vmem>> -> memref<128xi32, #tpu.memory_space<vmem>>
      %dma_wait3A_493 = arith.constant 0 : i32
      %dma_wait3A_494 = arith.constant 0 : i32
      %dma_wait3A_495 = tpu.memref_slice %arg2[%dma_wait3A_493, %dma_wait3A_494] : memref<10240x128xf32, #tpu.memory_space<hbm>> -> memref<10240x128xf32, #tpu.memory_space<hbm>>
      %dma_wait3A_496 = tpu.memref_slice %arg11[%dma_wait3A_485] : memref<2x!tpu.dma_semaphore, #tpu.memory_space<semaphore_mem>> -> memref<1x!tpu.dma_semaphore, #tpu.memory_space<semaphore_mem>>
      %dma_wait3A_497 = tpu.memref_squeeze %dma_wait3A_496 : memref<1x!tpu.dma_semaphore, #tpu.memory_space<semaphore_mem>> -> memref<!tpu.dma_semaphore, #tpu.memory_space<semaphore_mem>>
      tpu.wait_indirect_dma semaphore(%dma_wait3A_497 : memref<!tpu.dma_semaphore, #tpu.memory_space<semaphore_mem>>) src(%dma_wait3A_495 : memref<10240x128xf32, #tpu.memory_space<hbm>>) dst(%dma_wait3A_489 : memref<128x128xf32, #tpu.memory_space<vmem>>)
      %dma_start3A_498 = arith.constant 1 : i32
      %dma_start3A_499 = arith.constant 5 : i32
      %dma_start3A_500 = arith.constant 1 : i32
      %dma_start3A_501 = arith.constant 0 : i32
      %dma_start3A_502 = arith.constant 0 : i32
      %dma_start3A_503 = tpu.memref_slice %arg10[%dma_start3A_498, %dma_start3A_501, %dma_start3A_502] : memref<2x128x128xf32, #tpu.memory_space<vmem>> -> memref<1x128x128xf32, #tpu.memory_space<vmem>>
      %dma_start3A_504 = tpu.memref_squeeze %dma_start3A_503 : memref<1x128x128xf32, #tpu.memory_space<vmem>> -> memref<128x128xf32, #tpu.memory_space<vmem>>
      %dma_start3A_505 = arith.constant 0 : i32
      %dma_start3A_506 = tpu.memref_slice %arg9[%select_n3A_90, %dma_start3A_499, %dma_start3A_505] : memref<2x8x128xi32, #tpu.memory_space<vmem>> -> memref<1x1x128xi32, #tpu.memory_space<vmem>>
      %dma_start3A_507 = tpu.memref_squeeze %dma_start3A_506 : memref<1x1x128xi32, #tpu.memory_space<vmem>> -> memref<128xi32, #tpu.memory_space<vmem>>
      %dma_start3A_508 = arith.constant 0 : i32
      %dma_start3A_509 = arith.constant 0 : i32
      %dma_start3A_510 = tpu.memref_slice %arg7[%dma_start3A_508, %dma_start3A_509] : memref<10240x128xf32, #tpu.memory_space<vmem_shared>> -> memref<10240x128xf32, #tpu.memory_space<vmem_shared>>
      %dma_start3A_511 = tpu.memref_slice %arg12[%dma_start3A_500] : memref<2x!tpu.dma_semaphore, #tpu.memory_space<semaphore_mem>> -> memref<1x!tpu.dma_semaphore, #tpu.memory_space<semaphore_mem>>
      %dma_start3A_512 = tpu.memref_squeeze %dma_start3A_511 : memref<1x!tpu.dma_semaphore, #tpu.memory_space<semaphore_mem>> -> memref<!tpu.dma_semaphore, #tpu.memory_space<semaphore_mem>>
      tpu.enqueue_indirect_dma source(%dma_start3A_504 : memref<128x128xf32, #tpu.memory_space<vmem>>) target(%dma_start3A_510 : memref<10240x128xf32, #tpu.memory_space<vmem_shared>>) offsets(%dma_start3A_507 : memref<128xi32, #tpu.memory_space<vmem>>) semaphore(%dma_start3A_512 : memref<!tpu.dma_semaphore, #tpu.memory_space<semaphore_mem>>) {add = true}
      %lt3A_513 = arith.constant 9 : i32
      %lt3A_514 = arith.cmpi slt, %scan3A_80, %lt3A_513 : i32
      %convert_element_type3A_515 = arith.extui %lt3A_514 : i1 to i32
      %cond3A_516 = arith.constant 0 : i32
      %cond3A_517 = arith.cmpi ne, %convert_element_type3A_515, %cond3A_516 : i32
      scf.if %cond3A_517 {
        %add3A_663 = arith.constant 1 : i32
        %add3A_664 = arith.addi %scan3A_80, %add3A_663 : i32
        %mul3A_665 = arith.constant 8 : i32
        %mul3A_666 = arith.muli %add3A_664, %mul3A_665 : i32
        "tpu.region"() ({
          %run_scoped3A_671 = tpu.sem_alloc : memref<!tpu.dma_semaphore, #tpu.memory_space<semaphore_mem>>
          %dma_start3A_672 = arith.constant 0 : i32
          %dma_start3A_673 = arith.constant 0 : i32
          %dma_start3A_674 = tpu.memref_slice %arg8[%select_n3A_108, %dma_start3A_672, %dma_start3A_673] : memref<2x8x128xi32, #tpu.memory_space<vmem>> -> memref<1x8x128xi32, #tpu.memory_space<vmem>>
          %dma_start3A_675 = tpu.memref_squeeze %dma_start3A_674 : memref<1x8x128xi32, #tpu.memory_space<vmem>> -> memref<8x128xi32, #tpu.memory_space<vmem>>
          %dma_start3A_676 = arith.constant 0 : i32
          %dma_start3A_677 = tpu.memref_slice %arg3[%add3A, %mul3A_666, %dma_start3A_676] : memref<32x80x128xi32, #tpu.memory_space<hbm>> -> memref<1x8x128xi32, #tpu.memory_space<hbm>>
          %dma_start3A_678 = tpu.memref_squeeze %dma_start3A_677 : memref<1x8x128xi32, #tpu.memory_space<hbm>> -> memref<8x128xi32, #tpu.memory_space<hbm>>
          %dma_start3A_679 = arith.constant 0 : i32
          %dma_start3A_680 = arith.constant 0 : i32
          %dma_start3A_681 = tpu.memref_slice %arg8[%select_n3A_108, %dma_start3A_679, %dma_start3A_680] : memref<2x8x128xi32, #tpu.memory_space<vmem>> -> memref<1x8x128xi32, #tpu.memory_space<vmem>>
          %dma_start3A_682 = tpu.memref_squeeze %dma_start3A_681 : memref<1x8x128xi32, #tpu.memory_space<vmem>> -> memref<8x128xi32, #tpu.memory_space<vmem>>
          %dma_start3A_683 = arith.constant 0 : i32
          %dma_start3A_684 = tpu.memref_slice %arg3[%add3A, %mul3A_666, %dma_start3A_683] : memref<32x80x128xi32, #tpu.memory_space<hbm>> -> memref<1x8x128xi32, #tpu.memory_space<hbm>>
          %dma_start3A_685 = tpu.memref_squeeze %dma_start3A_684 : memref<1x8x128xi32, #tpu.memory_space<hbm>> -> memref<8x128xi32, #tpu.memory_space<hbm>>
          tpu.enqueue_dma source(%dma_start3A_685 : memref<8x128xi32, #tpu.memory_space<hbm>>) target(%dma_start3A_682 : memref<8x128xi32, #tpu.memory_space<vmem>>) target_semaphore(%run_scoped3A_671 : memref<!tpu.dma_semaphore, #tpu.memory_space<semaphore_mem>>)
          %dma_wait3A_686 = arith.constant 0 : i32
          %dma_wait3A_687 = arith.constant 0 : i32
          %dma_wait3A_688 = tpu.memref_slice %arg8[%select_n3A_108, %dma_wait3A_686, %dma_wait3A_687] : memref<2x8x128xi32, #tpu.memory_space<vmem>> -> memref<1x8x128xi32, #tpu.memory_space<vmem>>
          %dma_wait3A_689 = tpu.memref_squeeze %dma_wait3A_688 : memref<1x8x128xi32, #tpu.memory_space<vmem>> -> memref<8x128xi32, #tpu.memory_space<vmem>>
          %dma_wait3A_690 = arith.constant 0 : i32
          %dma_wait3A_691 = tpu.memref_slice %arg3[%add3A, %mul3A_666, %dma_wait3A_690] : memref<32x80x128xi32, #tpu.memory_space<hbm>> -> memref<1x8x128xi32, #tpu.memory_space<hbm>>
          %dma_wait3A_692 = tpu.memref_squeeze %dma_wait3A_691 : memref<1x8x128xi32, #tpu.memory_space<hbm>> -> memref<8x128xi32, #tpu.memory_space<hbm>>
          %dma_wait3A_693 = arith.constant 0 : i32
          %dma_wait3A_694 = arith.constant 0 : i32
          %dma_wait3A_695 = tpu.memref_slice %arg8[%select_n3A_108, %dma_wait3A_693, %dma_wait3A_694] : memref<2x8x128xi32, #tpu.memory_space<vmem>> -> memref<1x8x128xi32, #tpu.memory_space<vmem>>
          %dma_wait3A_696 = tpu.memref_squeeze %dma_wait3A_695 : memref<1x8x128xi32, #tpu.memory_space<vmem>> -> memref<8x128xi32, #tpu.memory_space<vmem>>
          %dma_wait3A_697 = arith.constant 0 : i32
          %dma_wait3A_698 = tpu.memref_slice %arg3[%add3A, %mul3A_666, %dma_wait3A_697] : memref<32x80x128xi32, #tpu.memory_space<hbm>> -> memref<1x8x128xi32, #tpu.memory_space<hbm>>
          %dma_wait3A_699 = tpu.memref_squeeze %dma_wait3A_698 : memref<1x8x128xi32, #tpu.memory_space<hbm>> -> memref<8x128xi32, #tpu.memory_space<hbm>>
          tpu.wait_dma2 semaphore(%run_scoped3A_671 : memref<!tpu.dma_semaphore, #tpu.memory_space<semaphore_mem>>) src(%dma_wait3A_699 : memref<8x128xi32, #tpu.memory_space<hbm>>) dst(%dma_wait3A_696 : memref<8x128xi32, #tpu.memory_space<vmem>>)
          tpu.yield
        }) : () -> ()
        %add3A_667 = arith.constant 1 : i32
        %add3A_668 = arith.addi %scan3A_80, %add3A_667 : i32
        %mul3A_669 = arith.constant 8 : i32
        %mul3A_670 = arith.muli %add3A_668, %mul3A_669 : i32
        "tpu.region"() ({
          %run_scoped3A_671 = tpu.sem_alloc : memref<!tpu.dma_semaphore, #tpu.memory_space<semaphore_mem>>
          %dma_start3A_672 = arith.constant 0 : i32
          %dma_start3A_673 = arith.constant 0 : i32
          %dma_start3A_674 = tpu.memref_slice %arg9[%select_n3A_108, %dma_start3A_672, %dma_start3A_673] : memref<2x8x128xi32, #tpu.memory_space<vmem>> -> memref<1x8x128xi32, #tpu.memory_space<vmem>>
          %dma_start3A_675 = tpu.memref_squeeze %dma_start3A_674 : memref<1x8x128xi32, #tpu.memory_space<vmem>> -> memref<8x128xi32, #tpu.memory_space<vmem>>
          %dma_start3A_676 = arith.constant 0 : i32
          %dma_start3A_677 = tpu.memref_slice %arg4[%add3A, %mul3A_670, %dma_start3A_676] : memref<32x80x128xi32, #tpu.memory_space<hbm>> -> memref<1x8x128xi32, #tpu.memory_space<hbm>>
          %dma_start3A_678 = tpu.memref_squeeze %dma_start3A_677 : memref<1x8x128xi32, #tpu.memory_space<hbm>> -> memref<8x128xi32, #tpu.memory_space<hbm>>
          %dma_start3A_679 = arith.constant 0 : i32
          %dma_start3A_680 = arith.constant 0 : i32
          %dma_start3A_681 = tpu.memref_slice %arg9[%select_n3A_108, %dma_start3A_679, %dma_start3A_680] : memref<2x8x128xi32, #tpu.memory_space<vmem>> -> memref<1x8x128xi32, #tpu.memory_space<vmem>>
          %dma_start3A_682 = tpu.memref_squeeze %dma_start3A_681 : memref<1x8x128xi32, #tpu.memory_space<vmem>> -> memref<8x128xi32, #tpu.memory_space<vmem>>
          %dma_start3A_683 = arith.constant 0 : i32
          %dma_start3A_684 = tpu.memref_slice %arg4[%add3A, %mul3A_670, %dma_start3A_683] : memref<32x80x128xi32, #tpu.memory_space<hbm>> -> memref<1x8x128xi32, #tpu.memory_space<hbm>>
          %dma_start3A_685 = tpu.memref_squeeze %dma_start3A_684 : memref<1x8x128xi32, #tpu.memory_space<hbm>> -> memref<8x128xi32, #tpu.memory_space<hbm>>
          tpu.enqueue_dma source(%dma_start3A_685 : memref<8x128xi32, #tpu.memory_space<hbm>>) target(%dma_start3A_682 : memref<8x128xi32, #tpu.memory_space<vmem>>) target_semaphore(%run_scoped3A_671 : memref<!tpu.dma_semaphore, #tpu.memory_space<semaphore_mem>>)
          %dma_wait3A_686 = arith.constant 0 : i32
          %dma_wait3A_687 = arith.constant 0 : i32
          %dma_wait3A_688 = tpu.memref_slice %arg9[%select_n3A_108, %dma_wait3A_686, %dma_wait3A_687] : memref<2x8x128xi32, #tpu.memory_space<vmem>> -> memref<1x8x128xi32, #tpu.memory_space<vmem>>
          %dma_wait3A_689 = tpu.memref_squeeze %dma_wait3A_688 : memref<1x8x128xi32, #tpu.memory_space<vmem>> -> memref<8x128xi32, #tpu.memory_space<vmem>>
          %dma_wait3A_690 = arith.constant 0 : i32
          %dma_wait3A_691 = tpu.memref_slice %arg4[%add3A, %mul3A_670, %dma_wait3A_690] : memref<32x80x128xi32, #tpu.memory_space<hbm>> -> memref<1x8x128xi32, #tpu.memory_space<hbm>>
          %dma_wait3A_692 = tpu.memref_squeeze %dma_wait3A_691 : memref<1x8x128xi32, #tpu.memory_space<hbm>> -> memref<8x128xi32, #tpu.memory_space<hbm>>
          %dma_wait3A_693 = arith.constant 0 : i32
          %dma_wait3A_694 = arith.constant 0 : i32
          %dma_wait3A_695 = tpu.memref_slice %arg9[%select_n3A_108, %dma_wait3A_693, %dma_wait3A_694] : memref<2x8x128xi32, #tpu.memory_space<vmem>> -> memref<1x8x128xi32, #tpu.memory_space<vmem>>
          %dma_wait3A_696 = tpu.memref_squeeze %dma_wait3A_695 : memref<1x8x128xi32, #tpu.memory_space<vmem>> -> memref<8x128xi32, #tpu.memory_space<vmem>>
          %dma_wait3A_697 = arith.constant 0 : i32
          %dma_wait3A_698 = tpu.memref_slice %arg4[%add3A, %mul3A_670, %dma_wait3A_697] : memref<32x80x128xi32, #tpu.memory_space<hbm>> -> memref<1x8x128xi32, #tpu.memory_space<hbm>>
          %dma_wait3A_699 = tpu.memref_squeeze %dma_wait3A_698 : memref<1x8x128xi32, #tpu.memory_space<hbm>> -> memref<8x128xi32, #tpu.memory_space<hbm>>
          tpu.wait_dma2 semaphore(%run_scoped3A_671 : memref<!tpu.dma_semaphore, #tpu.memory_space<semaphore_mem>>) src(%dma_wait3A_699 : memref<8x128xi32, #tpu.memory_space<hbm>>) dst(%dma_wait3A_696 : memref<8x128xi32, #tpu.memory_space<vmem>>)
          tpu.yield
        }) : () -> ()
      } else {
      }
      %dma_wait3A_518 = arith.constant 1 : i32
      %dma_wait3A_519 = arith.constant 5 : i32
      %dma_wait3A_520 = arith.constant 1 : i32
      %dma_wait3A_521 = arith.constant 0 : i32
      %dma_wait3A_522 = arith.constant 0 : i32
      %dma_wait3A_523 = tpu.memref_slice %arg10[%dma_wait3A_518, %dma_wait3A_521, %dma_wait3A_522] : memref<2x128x128xf32, #tpu.memory_space<vmem>> -> memref<1x128x128xf32, #tpu.memory_space<vmem>>
      %dma_wait3A_524 = tpu.memref_squeeze %dma_wait3A_523 : memref<1x128x128xf32, #tpu.memory_space<vmem>> -> memref<128x128xf32, #tpu.memory_space<vmem>>
      %dma_wait3A_525 = arith.constant 0 : i32
      %dma_wait3A_526 = tpu.memref_slice %arg9[%select_n3A_90, %dma_wait3A_519, %dma_wait3A_525] : memref<2x8x128xi32, #tpu.memory_space<vmem>> -> memref<1x1x128xi32, #tpu.memory_space<vmem>>
      %dma_wait3A_527 = tpu.memref_squeeze %dma_wait3A_526 : memref<1x1x128xi32, #tpu.memory_space<vmem>> -> memref<128xi32, #tpu.memory_space<vmem>>
      %dma_wait3A_528 = arith.constant 0 : i32
      %dma_wait3A_529 = arith.constant 0 : i32
      %dma_wait3A_530 = tpu.memref_slice %arg7[%dma_wait3A_528, %dma_wait3A_529] : memref<10240x128xf32, #tpu.memory_space<vmem_shared>> -> memref<10240x128xf32, #tpu.memory_space<vmem_shared>>
      %dma_wait3A_531 = tpu.memref_slice %arg12[%dma_wait3A_520] : memref<2x!tpu.dma_semaphore, #tpu.memory_space<semaphore_mem>> -> memref<1x!tpu.dma_semaphore, #tpu.memory_space<semaphore_mem>>
      %dma_wait3A_532 = tpu.memref_squeeze %dma_wait3A_531 : memref<1x!tpu.dma_semaphore, #tpu.memory_space<semaphore_mem>> -> memref<!tpu.dma_semaphore, #tpu.memory_space<semaphore_mem>>
      tpu.wait_indirect_dma semaphore(%dma_wait3A_532 : memref<!tpu.dma_semaphore, #tpu.memory_space<semaphore_mem>>) src(%dma_wait3A_524 : memref<128x128xf32, #tpu.memory_space<vmem>>) dst(%dma_wait3A_530 : memref<10240x128xf32, #tpu.memory_space<vmem_shared>>)
      %dma_start3A_533 = arith.constant 7 : i32
      %dma_start3A_534 = arith.constant 1 : i32
      %dma_start3A_535 = arith.constant 1 : i32
      %dma_start3A_536 = arith.constant 0 : i32
      %dma_start3A_537 = arith.constant 0 : i32
      %dma_start3A_538 = tpu.memref_slice %arg10[%dma_start3A_534, %dma_start3A_536, %dma_start3A_537] : memref<2x128x128xf32, #tpu.memory_space<vmem>> -> memref<1x64x128xf32, #tpu.memory_space<vmem>>
      %dma_start3A_539 = tpu.memref_squeeze %dma_start3A_538 : memref<1x64x128xf32, #tpu.memory_space<vmem>> -> memref<64x128xf32, #tpu.memory_space<vmem>>
      %dma_start3A_540 = arith.constant 0 : i32
      %dma_start3A_541 = tpu.memref_slice %arg8[%select_n3A_90, %dma_start3A_533, %dma_start3A_540] : memref<2x8x128xi32, #tpu.memory_space<vmem>> -> memref<1x1x64xi32, #tpu.memory_space<vmem>>
      %dma_start3A_542 = tpu.memref_squeeze %dma_start3A_541 : memref<1x1x64xi32, #tpu.memory_space<vmem>> -> memref<64xi32, #tpu.memory_space<vmem>>
      %dma_start3A_543 = arith.constant 0 : i32
      %dma_start3A_544 = arith.constant 0 : i32
      %dma_start3A_545 = tpu.memref_slice %arg2[%dma_start3A_543, %dma_start3A_544] : memref<10240x128xf32, #tpu.memory_space<hbm>> -> memref<10240x128xf32, #tpu.memory_space<hbm>>
      %dma_start3A_546 = tpu.memref_slice %arg11[%dma_start3A_535] : memref<2x!tpu.dma_semaphore, #tpu.memory_space<semaphore_mem>> -> memref<1x!tpu.dma_semaphore, #tpu.memory_space<semaphore_mem>>
      %dma_start3A_547 = tpu.memref_squeeze %dma_start3A_546 : memref<1x!tpu.dma_semaphore, #tpu.memory_space<semaphore_mem>> -> memref<!tpu.dma_semaphore, #tpu.memory_space<semaphore_mem>>
      tpu.enqueue_indirect_dma source(%dma_start3A_545 : memref<10240x128xf32, #tpu.memory_space<hbm>>) target(%dma_start3A_539 : memref<64x128xf32, #tpu.memory_space<vmem>>) offsets(%dma_start3A_542 : memref<64xi32, #tpu.memory_space<vmem>>) semaphore(%dma_start3A_547 : memref<!tpu.dma_semaphore, #tpu.memory_space<semaphore_mem>>)
      %dma_start3A_548 = arith.constant 7 : i32
      %dma_start3A_549 = arith.constant 1 : i32
      %dma_start3A_550 = arith.constant 1 : i32
      %dma_start3A_551 = arith.constant 64 : i32
      %dma_start3A_552 = arith.constant 0 : i32
      %dma_start3A_553 = tpu.memref_slice %arg10[%dma_start3A_549, %dma_start3A_551, %dma_start3A_552] : memref<2x128x128xf32, #tpu.memory_space<vmem>> -> memref<1x64x128xf32, #tpu.memory_space<vmem>>
      %dma_start3A_554 = tpu.memref_squeeze %dma_start3A_553 : memref<1x64x128xf32, #tpu.memory_space<vmem>> -> memref<64x128xf32, #tpu.memory_space<vmem>>
      %dma_start3A_555 = arith.constant 64 : i32
      %dma_start3A_556 = tpu.memref_slice %arg8[%select_n3A_90, %dma_start3A_548, %dma_start3A_555] : memref<2x8x128xi32, #tpu.memory_space<vmem>> -> memref<1x1x64xi32, #tpu.memory_space<vmem>>
      %dma_start3A_557 = tpu.memref_squeeze %dma_start3A_556 : memref<1x1x64xi32, #tpu.memory_space<vmem>> -> memref<64xi32, #tpu.memory_space<vmem>>
      %dma_start3A_558 = arith.constant 0 : i32
      %dma_start3A_559 = arith.constant 0 : i32
      %dma_start3A_560 = tpu.memref_slice %arg2[%dma_start3A_558, %dma_start3A_559] : memref<10240x128xf32, #tpu.memory_space<hbm>> -> memref<10240x128xf32, #tpu.memory_space<hbm>>
      %dma_start3A_561 = tpu.memref_slice %arg11[%dma_start3A_550] : memref<2x!tpu.dma_semaphore, #tpu.memory_space<semaphore_mem>> -> memref<1x!tpu.dma_semaphore, #tpu.memory_space<semaphore_mem>>
      %dma_start3A_562 = tpu.memref_squeeze %dma_start3A_561 : memref<1x!tpu.dma_semaphore, #tpu.memory_space<semaphore_mem>> -> memref<!tpu.dma_semaphore, #tpu.memory_space<semaphore_mem>>
      tpu.enqueue_indirect_dma source(%dma_start3A_560 : memref<10240x128xf32, #tpu.memory_space<hbm>>) target(%dma_start3A_554 : memref<64x128xf32, #tpu.memory_space<vmem>>) offsets(%dma_start3A_557 : memref<64xi32, #tpu.memory_space<vmem>>) semaphore(%dma_start3A_562 : memref<!tpu.dma_semaphore, #tpu.memory_space<semaphore_mem>>)
      %dma_wait3A_563 = arith.constant 6 : i32
      %dma_wait3A_564 = arith.constant 0 : i32
      %dma_wait3A_565 = arith.constant 0 : i32
      %dma_wait3A_566 = arith.constant 0 : i32
      %dma_wait3A_567 = arith.constant 0 : i32
      %dma_wait3A_568 = tpu.memref_slice %arg10[%dma_wait3A_564, %dma_wait3A_566, %dma_wait3A_567] : memref<2x128x128xf32, #tpu.memory_space<vmem>> -> memref<1x128x128xf32, #tpu.memory_space<vmem>>
      %dma_wait3A_569 = tpu.memref_squeeze %dma_wait3A_568 : memref<1x128x128xf32, #tpu.memory_space<vmem>> -> memref<128x128xf32, #tpu.memory_space<vmem>>
      %dma_wait3A_570 = arith.constant 0 : i32
      %dma_wait3A_571 = tpu.memref_slice %arg8[%select_n3A_90, %dma_wait3A_563, %dma_wait3A_570] : memref<2x8x128xi32, #tpu.memory_space<vmem>> -> memref<1x1x128xi32, #tpu.memory_space<vmem>>
      %dma_wait3A_572 = tpu.memref_squeeze %dma_wait3A_571 : memref<1x1x128xi32, #tpu.memory_space<vmem>> -> memref<128xi32, #tpu.memory_space<vmem>>
      %dma_wait3A_573 = arith.constant 0 : i32
      %dma_wait3A_574 = arith.constant 0 : i32
      %dma_wait3A_575 = tpu.memref_slice %arg2[%dma_wait3A_573, %dma_wait3A_574] : memref<10240x128xf32, #tpu.memory_space<hbm>> -> memref<10240x128xf32, #tpu.memory_space<hbm>>
      %dma_wait3A_576 = tpu.memref_slice %arg11[%dma_wait3A_565] : memref<2x!tpu.dma_semaphore, #tpu.memory_space<semaphore_mem>> -> memref<1x!tpu.dma_semaphore, #tpu.memory_space<semaphore_mem>>
      %dma_wait3A_577 = tpu.memref_squeeze %dma_wait3A_576 : memref<1x!tpu.dma_semaphore, #tpu.memory_space<semaphore_mem>> -> memref<!tpu.dma_semaphore, #tpu.memory_space<semaphore_mem>>
      tpu.wait_indirect_dma semaphore(%dma_wait3A_577 : memref<!tpu.dma_semaphore, #tpu.memory_space<semaphore_mem>>) src(%dma_wait3A_575 : memref<10240x128xf32, #tpu.memory_space<hbm>>) dst(%dma_wait3A_569 : memref<128x128xf32, #tpu.memory_space<vmem>>)
      %dma_start3A_578 = arith.constant 0 : i32
      %dma_start3A_579 = arith.constant 6 : i32
      %dma_start3A_580 = arith.constant 0 : i32
      %dma_start3A_581 = arith.constant 0 : i32
      %dma_start3A_582 = arith.constant 0 : i32
      %dma_start3A_583 = tpu.memref_slice %arg10[%dma_start3A_578, %dma_start3A_581, %dma_start3A_582] : memref<2x128x128xf32, #tpu.memory_space<vmem>> -> memref<1x128x128xf32, #tpu.memory_space<vmem>>
      %dma_start3A_584 = tpu.memref_squeeze %dma_start3A_583 : memref<1x128x128xf32, #tpu.memory_space<vmem>> -> memref<128x128xf32, #tpu.memory_space<vmem>>
      %dma_start3A_585 = arith.constant 0 : i32
      %dma_start3A_586 = tpu.memref_slice %arg9[%select_n3A_90, %dma_start3A_579, %dma_start3A_585] : memref<2x8x128xi32, #tpu.memory_space<vmem>> -> memref<1x1x128xi32, #tpu.memory_space<vmem>>
      %dma_start3A_587 = tpu.memref_squeeze %dma_start3A_586 : memref<1x1x128xi32, #tpu.memory_space<vmem>> -> memref<128xi32, #tpu.memory_space<vmem>>
      %dma_start3A_588 = arith.constant 0 : i32
      %dma_start3A_589 = arith.constant 0 : i32
      %dma_start3A_590 = tpu.memref_slice %arg7[%dma_start3A_588, %dma_start3A_589] : memref<10240x128xf32, #tpu.memory_space<vmem_shared>> -> memref<10240x128xf32, #tpu.memory_space<vmem_shared>>
      %dma_start3A_591 = tpu.memref_slice %arg12[%dma_start3A_580] : memref<2x!tpu.dma_semaphore, #tpu.memory_space<semaphore_mem>> -> memref<1x!tpu.dma_semaphore, #tpu.memory_space<semaphore_mem>>
      %dma_start3A_592 = tpu.memref_squeeze %dma_start3A_591 : memref<1x!tpu.dma_semaphore, #tpu.memory_space<semaphore_mem>> -> memref<!tpu.dma_semaphore, #tpu.memory_space<semaphore_mem>>
      tpu.enqueue_indirect_dma source(%dma_start3A_584 : memref<128x128xf32, #tpu.memory_space<vmem>>) target(%dma_start3A_590 : memref<10240x128xf32, #tpu.memory_space<vmem_shared>>) offsets(%dma_start3A_587 : memref<128xi32, #tpu.memory_space<vmem>>) semaphore(%dma_start3A_592 : memref<!tpu.dma_semaphore, #tpu.memory_space<semaphore_mem>>) {add = true}
      %dma_wait3A_593 = arith.constant 0 : i32
      %dma_wait3A_594 = arith.constant 6 : i32
      %dma_wait3A_595 = arith.constant 0 : i32
      %dma_wait3A_596 = arith.constant 0 : i32
      %dma_wait3A_597 = arith.constant 0 : i32
      %dma_wait3A_598 = tpu.memref_slice %arg10[%dma_wait3A_593, %dma_wait3A_596, %dma_wait3A_597] : memref<2x128x128xf32, #tpu.memory_space<vmem>> -> memref<1x128x128xf32, #tpu.memory_space<vmem>>
      %dma_wait3A_599 = tpu.memref_squeeze %dma_wait3A_598 : memref<1x128x128xf32, #tpu.memory_space<vmem>> -> memref<128x128xf32, #tpu.memory_space<vmem>>
      %dma_wait3A_600 = arith.constant 0 : i32
      %dma_wait3A_601 = tpu.memref_slice %arg9[%select_n3A_90, %dma_wait3A_594, %dma_wait3A_600] : memref<2x8x128xi32, #tpu.memory_space<vmem>> -> memref<1x1x128xi32, #tpu.memory_space<vmem>>
      %dma_wait3A_602 = tpu.memref_squeeze %dma_wait3A_601 : memref<1x1x128xi32, #tpu.memory_space<vmem>> -> memref<128xi32, #tpu.memory_space<vmem>>
      %dma_wait3A_603 = arith.constant 0 : i32
      %dma_wait3A_604 = arith.constant 0 : i32
      %dma_wait3A_605 = tpu.memref_slice %arg7[%dma_wait3A_603, %dma_wait3A_604] : memref<10240x128xf32, #tpu.memory_space<vmem_shared>> -> memref<10240x128xf32, #tpu.memory_space<vmem_shared>>
      %dma_wait3A_606 = tpu.memref_slice %arg12[%dma_wait3A_595] : memref<2x!tpu.dma_semaphore, #tpu.memory_space<semaphore_mem>> -> memref<1x!tpu.dma_semaphore, #tpu.memory_space<semaphore_mem>>
      %dma_wait3A_607 = tpu.memref_squeeze %dma_wait3A_606 : memref<1x!tpu.dma_semaphore, #tpu.memory_space<semaphore_mem>> -> memref<!tpu.dma_semaphore, #tpu.memory_space<semaphore_mem>>
      tpu.wait_indirect_dma semaphore(%dma_wait3A_607 : memref<!tpu.dma_semaphore, #tpu.memory_space<semaphore_mem>>) src(%dma_wait3A_599 : memref<128x128xf32, #tpu.memory_space<vmem>>) dst(%dma_wait3A_605 : memref<10240x128xf32, #tpu.memory_space<vmem_shared>>)
      %lt3A_608 = arith.constant 9 : i32
      %lt3A_609 = arith.cmpi slt, %scan3A_80, %lt3A_608 : i32
      %convert_element_type3A_610 = arith.extui %lt3A_609 : i1 to i32
      %cond3A_611 = arith.constant 0 : i32
      %cond3A_612 = arith.cmpi ne, %convert_element_type3A_610, %cond3A_611 : i32
      scf.if %cond3A_612 {
        %dma_start3A_663 = arith.constant 0 : i32
        %dma_start3A_664 = arith.constant 0 : i32
        %dma_start3A_665 = arith.constant 0 : i32
        %dma_start3A_666 = arith.constant 0 : i32
        %dma_start3A_667 = arith.constant 0 : i32
        %dma_start3A_668 = tpu.memref_slice %arg10[%dma_start3A_664, %dma_start3A_666, %dma_start3A_667] : memref<2x128x128xf32, #tpu.memory_space<vmem>> -> memref<1x64x128xf32, #tpu.memory_space<vmem>>
        %dma_start3A_669 = tpu.memref_squeeze %dma_start3A_668 : memref<1x64x128xf32, #tpu.memory_space<vmem>> -> memref<64x128xf32, #tpu.memory_space<vmem>>
        %dma_start3A_670 = arith.constant 0 : i32
        %dma_start3A_671 = tpu.memref_slice %arg8[%select_n3A_108, %dma_start3A_663, %dma_start3A_670] : memref<2x8x128xi32, #tpu.memory_space<vmem>> -> memref<1x1x64xi32, #tpu.memory_space<vmem>>
        %dma_start3A_672 = tpu.memref_squeeze %dma_start3A_671 : memref<1x1x64xi32, #tpu.memory_space<vmem>> -> memref<64xi32, #tpu.memory_space<vmem>>
        %dma_start3A_673 = arith.constant 0 : i32
        %dma_start3A_674 = arith.constant 0 : i32
        %dma_start3A_675 = tpu.memref_slice %arg2[%dma_start3A_673, %dma_start3A_674] : memref<10240x128xf32, #tpu.memory_space<hbm>> -> memref<10240x128xf32, #tpu.memory_space<hbm>>
        %dma_start3A_676 = tpu.memref_slice %arg11[%dma_start3A_665] : memref<2x!tpu.dma_semaphore, #tpu.memory_space<semaphore_mem>> -> memref<1x!tpu.dma_semaphore, #tpu.memory_space<semaphore_mem>>
        %dma_start3A_677 = tpu.memref_squeeze %dma_start3A_676 : memref<1x!tpu.dma_semaphore, #tpu.memory_space<semaphore_mem>> -> memref<!tpu.dma_semaphore, #tpu.memory_space<semaphore_mem>>
        tpu.enqueue_indirect_dma source(%dma_start3A_675 : memref<10240x128xf32, #tpu.memory_space<hbm>>) target(%dma_start3A_669 : memref<64x128xf32, #tpu.memory_space<vmem>>) offsets(%dma_start3A_672 : memref<64xi32, #tpu.memory_space<vmem>>) semaphore(%dma_start3A_677 : memref<!tpu.dma_semaphore, #tpu.memory_space<semaphore_mem>>)
        %dma_start3A_678 = arith.constant 0 : i32
        %dma_start3A_679 = arith.constant 0 : i32
        %dma_start3A_680 = arith.constant 0 : i32
        %dma_start3A_681 = arith.constant 64 : i32
        %dma_start3A_682 = arith.constant 0 : i32
        %dma_start3A_683 = tpu.memref_slice %arg10[%dma_start3A_679, %dma_start3A_681, %dma_start3A_682] : memref<2x128x128xf32, #tpu.memory_space<vmem>> -> memref<1x64x128xf32, #tpu.memory_space<vmem>>
        %dma_start3A_684 = tpu.memref_squeeze %dma_start3A_683 : memref<1x64x128xf32, #tpu.memory_space<vmem>> -> memref<64x128xf32, #tpu.memory_space<vmem>>
        %dma_start3A_685 = arith.constant 64 : i32
        %dma_start3A_686 = tpu.memref_slice %arg8[%select_n3A_108, %dma_start3A_678, %dma_start3A_685] : memref<2x8x128xi32, #tpu.memory_space<vmem>> -> memref<1x1x64xi32, #tpu.memory_space<vmem>>
        %dma_start3A_687 = tpu.memref_squeeze %dma_start3A_686 : memref<1x1x64xi32, #tpu.memory_space<vmem>> -> memref<64xi32, #tpu.memory_space<vmem>>
        %dma_start3A_688 = arith.constant 0 : i32
        %dma_start3A_689 = arith.constant 0 : i32
        %dma_start3A_690 = tpu.memref_slice %arg2[%dma_start3A_688, %dma_start3A_689] : memref<10240x128xf32, #tpu.memory_space<hbm>> -> memref<10240x128xf32, #tpu.memory_space<hbm>>
        %dma_start3A_691 = tpu.memref_slice %arg11[%dma_start3A_680] : memref<2x!tpu.dma_semaphore, #tpu.memory_space<semaphore_mem>> -> memref<1x!tpu.dma_semaphore, #tpu.memory_space<semaphore_mem>>
        %dma_start3A_692 = tpu.memref_squeeze %dma_start3A_691 : memref<1x!tpu.dma_semaphore, #tpu.memory_space<semaphore_mem>> -> memref<!tpu.dma_semaphore, #tpu.memory_space<semaphore_mem>>
        tpu.enqueue_indirect_dma source(%dma_start3A_690 : memref<10240x128xf32, #tpu.memory_space<hbm>>) target(%dma_start3A_684 : memref<64x128xf32, #tpu.memory_space<vmem>>) offsets(%dma_start3A_687 : memref<64xi32, #tpu.memory_space<vmem>>) semaphore(%dma_start3A_692 : memref<!tpu.dma_semaphore, #tpu.memory_space<semaphore_mem>>)
      } else {
      }
      %dma_wait3A_613 = arith.constant 7 : i32
      %dma_wait3A_614 = arith.constant 1 : i32
      %dma_wait3A_615 = arith.constant 1 : i32
      %dma_wait3A_616 = arith.constant 0 : i32
      %dma_wait3A_617 = arith.constant 0 : i32
      %dma_wait3A_618 = tpu.memref_slice %arg10[%dma_wait3A_614, %dma_wait3A_616, %dma_wait3A_617] : memref<2x128x128xf32, #tpu.memory_space<vmem>> -> memref<1x128x128xf32, #tpu.memory_space<vmem>>
      %dma_wait3A_619 = tpu.memref_squeeze %dma_wait3A_618 : memref<1x128x128xf32, #tpu.memory_space<vmem>> -> memref<128x128xf32, #tpu.memory_space<vmem>>
      %dma_wait3A_620 = arith.constant 0 : i32
      %dma_wait3A_621 = tpu.memref_slice %arg8[%select_n3A_90, %dma_wait3A_613, %dma_wait3A_620] : memref<2x8x128xi32, #tpu.memory_space<vmem>> -> memref<1x1x128xi32, #tpu.memory_space<vmem>>
      %dma_wait3A_622 = tpu.memref_squeeze %dma_wait3A_621 : memref<1x1x128xi32, #tpu.memory_space<vmem>> -> memref<128xi32, #tpu.memory_space<vmem>>
      %dma_wait3A_623 = arith.constant 0 : i32
      %dma_wait3A_624 = arith.constant 0 : i32
      %dma_wait3A_625 = tpu.memref_slice %arg2[%dma_wait3A_623, %dma_wait3A_624] : memref<10240x128xf32, #tpu.memory_space<hbm>> -> memref<10240x128xf32, #tpu.memory_space<hbm>>
      %dma_wait3A_626 = tpu.memref_slice %arg11[%dma_wait3A_615] : memref<2x!tpu.dma_semaphore, #tpu.memory_space<semaphore_mem>> -> memref<1x!tpu.dma_semaphore, #tpu.memory_space<semaphore_mem>>
      %dma_wait3A_627 = tpu.memref_squeeze %dma_wait3A_626 : memref<1x!tpu.dma_semaphore, #tpu.memory_space<semaphore_mem>> -> memref<!tpu.dma_semaphore, #tpu.memory_space<semaphore_mem>>
      tpu.wait_indirect_dma semaphore(%dma_wait3A_627 : memref<!tpu.dma_semaphore, #tpu.memory_space<semaphore_mem>>) src(%dma_wait3A_625 : memref<10240x128xf32, #tpu.memory_space<hbm>>) dst(%dma_wait3A_619 : memref<128x128xf32, #tpu.memory_space<vmem>>)
      %dma_start3A_628 = arith.constant 1 : i32
      %dma_start3A_629 = arith.constant 7 : i32
      %dma_start3A_630 = arith.constant 1 : i32
      %dma_start3A_631 = arith.constant 0 : i32
      %dma_start3A_632 = arith.constant 0 : i32
      %dma_start3A_633 = tpu.memref_slice %arg10[%dma_start3A_628, %dma_start3A_631, %dma_start3A_632] : memref<2x128x128xf32, #tpu.memory_space<vmem>> -> memref<1x128x128xf32, #tpu.memory_space<vmem>>
      %dma_start3A_634 = tpu.memref_squeeze %dma_start3A_633 : memref<1x128x128xf32, #tpu.memory_space<vmem>> -> memref<128x128xf32, #tpu.memory_space<vmem>>
      %dma_start3A_635 = arith.constant 0 : i32
      %dma_start3A_636 = tpu.memref_slice %arg9[%select_n3A_90, %dma_start3A_629, %dma_start3A_635] : memref<2x8x128xi32, #tpu.memory_space<vmem>> -> memref<1x1x128xi32, #tpu.memory_space<vmem>>
      %dma_start3A_637 = tpu.memref_squeeze %dma_start3A_636 : memref<1x1x128xi32, #tpu.memory_space<vmem>> -> memref<128xi32, #tpu.memory_space<vmem>>
      %dma_start3A_638 = arith.constant 0 : i32
      %dma_start3A_639 = arith.constant 0 : i32
      %dma_start3A_640 = tpu.memref_slice %arg7[%dma_start3A_638, %dma_start3A_639] : memref<10240x128xf32, #tpu.memory_space<vmem_shared>> -> memref<10240x128xf32, #tpu.memory_space<vmem_shared>>
      %dma_start3A_641 = tpu.memref_slice %arg12[%dma_start3A_630] : memref<2x!tpu.dma_semaphore, #tpu.memory_space<semaphore_mem>> -> memref<1x!tpu.dma_semaphore, #tpu.memory_space<semaphore_mem>>
      %dma_start3A_642 = tpu.memref_squeeze %dma_start3A_641 : memref<1x!tpu.dma_semaphore, #tpu.memory_space<semaphore_mem>> -> memref<!tpu.dma_semaphore, #tpu.memory_space<semaphore_mem>>
      tpu.enqueue_indirect_dma source(%dma_start3A_634 : memref<128x128xf32, #tpu.memory_space<vmem>>) target(%dma_start3A_640 : memref<10240x128xf32, #tpu.memory_space<vmem_shared>>) offsets(%dma_start3A_637 : memref<128xi32, #tpu.memory_space<vmem>>) semaphore(%dma_start3A_642 : memref<!tpu.dma_semaphore, #tpu.memory_space<semaphore_mem>>) {add = true}
      %dma_wait3A_643 = arith.constant 1 : i32
      %dma_wait3A_644 = arith.constant 7 : i32
      %dma_wait3A_645 = arith.constant 1 : i32
      %dma_wait3A_646 = arith.constant 0 : i32
      %dma_wait3A_647 = arith.constant 0 : i32
      %dma_wait3A_648 = tpu.memref_slice %arg10[%dma_wait3A_643, %dma_wait3A_646, %dma_wait3A_647] : memref<2x128x128xf32, #tpu.memory_space<vmem>> -> memref<1x128x128xf32, #tpu.memory_space<vmem>>
      %dma_wait3A_649 = tpu.memref_squeeze %dma_wait3A_648 : memref<1x128x128xf32, #tpu.memory_space<vmem>> -> memref<128x128xf32, #tpu.memory_space<vmem>>
      %dma_wait3A_650 = arith.constant 0 : i32
      %dma_wait3A_651 = tpu.memref_slice %arg9[%select_n3A_90, %dma_wait3A_644, %dma_wait3A_650] : memref<2x8x128xi32, #tpu.memory_space<vmem>> -> memref<1x1x128xi32, #tpu.memory_space<vmem>>
      %dma_wait3A_652 = tpu.memref_squeeze %dma_wait3A_651 : memref<1x1x128xi32, #tpu.memory_space<vmem>> -> memref<128xi32, #tpu.memory_space<vmem>>
      %dma_wait3A_653 = arith.constant 0 : i32
      %dma_wait3A_654 = arith.constant 0 : i32
      %dma_wait3A_655 = tpu.memref_slice %arg7[%dma_wait3A_653, %dma_wait3A_654] : memref<10240x128xf32, #tpu.memory_space<vmem_shared>> -> memref<10240x128xf32, #tpu.memory_space<vmem_shared>>
      %dma_wait3A_656 = tpu.memref_slice %arg12[%dma_wait3A_645] : memref<2x!tpu.dma_semaphore, #tpu.memory_space<semaphore_mem>> -> memref<1x!tpu.dma_semaphore, #tpu.memory_space<semaphore_mem>>
      %dma_wait3A_657 = tpu.memref_squeeze %dma_wait3A_656 : memref<1x!tpu.dma_semaphore, #tpu.memory_space<semaphore_mem>> -> memref<!tpu.dma_semaphore, #tpu.memory_space<semaphore_mem>>
      tpu.wait_indirect_dma semaphore(%dma_wait3A_657 : memref<!tpu.dma_semaphore, #tpu.memory_space<semaphore_mem>>) src(%dma_wait3A_649 : memref<128x128xf32, #tpu.memory_space<vmem>>) dst(%dma_wait3A_655 : memref<10240x128xf32, #tpu.memory_space<vmem_shared>>)
      %lt3A_658 = arith.constant 9 : i32
      %lt3A_659 = arith.cmpi slt, %scan3A_80, %lt3A_658 : i32
      %convert_element_type3A_660 = arith.extui %lt3A_659 : i1 to i32
      %cond3A_661 = arith.constant 0 : i32
      %cond3A_662 = arith.cmpi ne, %convert_element_type3A_660, %cond3A_661 : i32
      scf.if %cond3A_662 {
        %dma_start3A_663 = arith.constant 1 : i32
        %dma_start3A_664 = arith.constant 1 : i32
        %dma_start3A_665 = arith.constant 1 : i32
        %dma_start3A_666 = arith.constant 0 : i32
        %dma_start3A_667 = arith.constant 0 : i32
        %dma_start3A_668 = tpu.memref_slice %arg10[%dma_start3A_664, %dma_start3A_666, %dma_start3A_667] : memref<2x128x128xf32, #tpu.memory_space<vmem>> -> memref<1x64x128xf32, #tpu.memory_space<vmem>>
        %dma_start3A_669 = tpu.memref_squeeze %dma_start3A_668 : memref<1x64x128xf32, #tpu.memory_space<vmem>> -> memref<64x128xf32, #tpu.memory_space<vmem>>
        %dma_start3A_670 = arith.constant 0 : i32
        %dma_start3A_671 = tpu.memref_slice %arg8[%select_n3A_108, %dma_start3A_663, %dma_start3A_670] : memref<2x8x128xi32, #tpu.memory_space<vmem>> -> memref<1x1x64xi32, #tpu.memory_space<vmem>>
        %dma_start3A_672 = tpu.memref_squeeze %dma_start3A_671 : memref<1x1x64xi32, #tpu.memory_space<vmem>> -> memref<64xi32, #tpu.memory_space<vmem>>
        %dma_start3A_673 = arith.constant 0 : i32
        %dma_start3A_674 = arith.constant 0 : i32
        %dma_start3A_675 = tpu.memref_slice %arg2[%dma_start3A_673, %dma_start3A_674] : memref<10240x128xf32, #tpu.memory_space<hbm>> -> memref<10240x128xf32, #tpu.memory_space<hbm>>
        %dma_start3A_676 = tpu.memref_slice %arg11[%dma_start3A_665] : memref<2x!tpu.dma_semaphore, #tpu.memory_space<semaphore_mem>> -> memref<1x!tpu.dma_semaphore, #tpu.memory_space<semaphore_mem>>
        %dma_start3A_677 = tpu.memref_squeeze %dma_start3A_676 : memref<1x!tpu.dma_semaphore, #tpu.memory_space<semaphore_mem>> -> memref<!tpu.dma_semaphore, #tpu.memory_space<semaphore_mem>>
        tpu.enqueue_indirect_dma source(%dma_start3A_675 : memref<10240x128xf32, #tpu.memory_space<hbm>>) target(%dma_start3A_669 : memref<64x128xf32, #tpu.memory_space<vmem>>) offsets(%dma_start3A_672 : memref<64xi32, #tpu.memory_space<vmem>>) semaphore(%dma_start3A_677 : memref<!tpu.dma_semaphore, #tpu.memory_space<semaphore_mem>>)
        %dma_start3A_678 = arith.constant 1 : i32
        %dma_start3A_679 = arith.constant 1 : i32
        %dma_start3A_680 = arith.constant 1 : i32
        %dma_start3A_681 = arith.constant 64 : i32
        %dma_start3A_682 = arith.constant 0 : i32
        %dma_start3A_683 = tpu.memref_slice %arg10[%dma_start3A_679, %dma_start3A_681, %dma_start3A_682] : memref<2x128x128xf32, #tpu.memory_space<vmem>> -> memref<1x64x128xf32, #tpu.memory_space<vmem>>
        %dma_start3A_684 = tpu.memref_squeeze %dma_start3A_683 : memref<1x64x128xf32, #tpu.memory_space<vmem>> -> memref<64x128xf32, #tpu.memory_space<vmem>>
        %dma_start3A_685 = arith.constant 64 : i32
        %dma_start3A_686 = tpu.memref_slice %arg8[%select_n3A_108, %dma_start3A_678, %dma_start3A_685] : memref<2x8x128xi32, #tpu.memory_space<vmem>> -> memref<1x1x64xi32, #tpu.memory_space<vmem>>
        %dma_start3A_687 = tpu.memref_squeeze %dma_start3A_686 : memref<1x1x64xi32, #tpu.memory_space<vmem>> -> memref<64xi32, #tpu.memory_space<vmem>>
        %dma_start3A_688 = arith.constant 0 : i32
        %dma_start3A_689 = arith.constant 0 : i32
        %dma_start3A_690 = tpu.memref_slice %arg2[%dma_start3A_688, %dma_start3A_689] : memref<10240x128xf32, #tpu.memory_space<hbm>> -> memref<10240x128xf32, #tpu.memory_space<hbm>>
        %dma_start3A_691 = tpu.memref_slice %arg11[%dma_start3A_680] : memref<2x!tpu.dma_semaphore, #tpu.memory_space<semaphore_mem>> -> memref<1x!tpu.dma_semaphore, #tpu.memory_space<semaphore_mem>>
        %dma_start3A_692 = tpu.memref_squeeze %dma_start3A_691 : memref<1x!tpu.dma_semaphore, #tpu.memory_space<semaphore_mem>> -> memref<!tpu.dma_semaphore, #tpu.memory_space<semaphore_mem>>
        tpu.enqueue_indirect_dma source(%dma_start3A_690 : memref<10240x128xf32, #tpu.memory_space<hbm>>) target(%dma_start3A_684 : memref<64x128xf32, #tpu.memory_space<vmem>>) offsets(%dma_start3A_687 : memref<64xi32, #tpu.memory_space<vmem>>) semaphore(%dma_start3A_692 : memref<!tpu.dma_semaphore, #tpu.memory_space<semaphore_mem>>)
      } else {
      }
    }
    %scan3A_78 = arith.constant 10 : i32
    %barrier3A_79 = arith.constant 0 : index
    tpu.barrier barrier_id(%barrier3A_79)
    "tpu.region"() ({
      %run_scoped3A_80 = tpu.sem_alloc : memref<!tpu.dma_semaphore, #tpu.memory_space<semaphore_mem>>
      %dma_start3A_81 = arith.constant 0 : i32
      %dma_start3A_82 = tpu.memref_slice %arg6[%arg0, %mul3A_2, %dma_start3A_81] : memref<2x10240x128xf32, #tpu.memory_space<hbm>> -> memref<1x640x128xf32, #tpu.memory_space<hbm>>
      %dma_start3A_83 = tpu.memref_squeeze %dma_start3A_82 : memref<1x640x128xf32, #tpu.memory_space<hbm>> -> memref<640x128xf32, #tpu.memory_space<hbm>>
      %dma_start3A_84 = arith.constant 0 : i32
      %dma_start3A_85 = tpu.memref_slice %arg7[%mul3A_2, %dma_start3A_84] : memref<10240x128xf32, #tpu.memory_space<vmem_shared>> -> memref<640x128xf32, #tpu.memory_space<vmem_shared>>
      tpu.enqueue_dma source(%dma_start3A_85 : memref<640x128xf32, #tpu.memory_space<vmem_shared>>) target(%dma_start3A_83 : memref<640x128xf32, #tpu.memory_space<hbm>>) target_semaphore(%run_scoped3A_80 : memref<!tpu.dma_semaphore, #tpu.memory_space<semaphore_mem>>)
      %dma_wait3A = arith.constant 0 : i32
      %dma_wait3A_86 = tpu.memref_slice %arg6[%arg0, %mul3A_2, %dma_wait3A] : memref<2x10240x128xf32, #tpu.memory_space<hbm>> -> memref<1x640x128xf32, #tpu.memory_space<hbm>>
      %dma_wait3A_87 = tpu.memref_squeeze %dma_wait3A_86 : memref<1x640x128xf32, #tpu.memory_space<hbm>> -> memref<640x128xf32, #tpu.memory_space<hbm>>
      %dma_wait3A_88 = arith.constant 0 : i32
      %dma_wait3A_89 = tpu.memref_slice %arg7[%mul3A_2, %dma_wait3A_88] : memref<10240x128xf32, #tpu.memory_space<vmem_shared>> -> memref<640x128xf32, #tpu.memory_space<vmem_shared>>
      tpu.wait_dma2 semaphore(%run_scoped3A_80 : memref<!tpu.dma_semaphore, #tpu.memory_space<semaphore_mem>>) src(%dma_wait3A_89 : memref<640x128xf32, #tpu.memory_space<vmem_shared>>) dst(%dma_wait3A_87 : memref<640x128xf32, #tpu.memory_space<hbm>>)
      tpu.yield
    }) : () -> ()
    return
  }
}

module attributes {stable_mosaic.version = 14 : i64} {
  func.func @_tc1_body(%arg0: i32, %arg1: memref<2x1x1x2560xf32, #tpu.memory_space<vmem>>, %arg2: memref<2560x128xf32, #tpu.memory_space<vmem>>, %arg3: memref<128x128xf32, #tpu.memory_space<vmem>>, %arg4: memref<2560x128xf32, #tpu.memory_space<vmem>>, %arg5: memref<1x1x2560xf32, #tpu.memory_space<vmem>>) attributes {dimension_semantics = [#tpu.dimension_semantics<arbitrary>], iteration_bounds = array<i64: 4>, scalar_prefetch = 0 : i64, scratch_operands = 0 : i64, tpu.core_type = #tpu.core_type<tc>, window_params = [{transform_indices = @transform_0, window_bounds = array<i64: 2, 1, 1, 2560>}, {transform_indices = @transform_1, window_bounds = array<i64: 2560, 128>}, {pipeline_mode = #tpu.pipeline_mode<synchronous>, transform_indices = @transform_2, window_bounds = array<i64: 128, 128>}, {transform_indices = @transform_3, window_bounds = array<i64: 2560, 128>}, {transform_indices = @transform_4, window_bounds = array<i64: 1, 1, 2560>}]} {
    %get3A = arith.constant 0 : index
    %get3A_0 = arith.constant 0 : index
    %get3A_1 = arith.constant 0 : index
    %get3A_2 = arith.constant 0 : index
    %get3A_3 = vector.load %arg1[%get3A, %get3A_0, %get3A_1, %get3A_2] : memref<2x1x1x2560xf32, #tpu.memory_space<vmem>>, vector<2x1x1x2560xf32>
    %slice3A = vector.extract_strided_slice %get3A_3 {offsets = [0, 0, 0, 0], sizes = [1, 1, 1, 2560], strides = [1, 1, 1, 1]} : vector<2x1x1x2560xf32> to vector<1x1x1x2560xf32>
    %squeeze3A = vector.shape_cast %slice3A : vector<1x1x1x2560xf32> to vector<1x2560xf32>
    %slice3A_4 = vector.extract_strided_slice %get3A_3 {offsets = [1, 0, 0, 0], sizes = [1, 1, 1, 2560], strides = [1, 1, 1, 1]} : vector<2x1x1x2560xf32> to vector<1x1x1x2560xf32>
    %squeeze3A_5 = vector.shape_cast %slice3A_4 : vector<1x1x1x2560xf32> to vector<1x2560xf32>
    %add3A = arith.addf %squeeze3A, %squeeze3A_5 : vector<1x2560xf32>
    %add3A_6 = arith.constant 1.000000e+00 : f32
    %add3A_7 = vector.broadcast %add3A_6 : f32 to vector<1x2560xf32>
    %add3A_8 = arith.addf %add3A, %add3A_7 : vector<1x2560xf32>
    %rsqrt3A = math.rsqrt %add3A_8 : vector<1x2560xf32>
    %reshape3A = vector.shape_cast %rsqrt3A : vector<1x2560xf32> to vector<2560x1xf32>
    %get3A_9 = arith.constant 0 : index
    %get3A_10 = arith.constant 0 : index
    %get3A_11 = vector.load %arg2[%get3A_9, %get3A_10] : memref<2560x128xf32, #tpu.memory_space<vmem>>, vector<2560x128xf32>
    %get3A_12 = arith.constant 0 : index
    %get3A_13 = arith.constant 0 : index
    %get3A_14 = vector.load %arg3[%get3A_12, %get3A_13] : memref<128x128xf32, #tpu.memory_space<vmem>>, vector<128x128xf32>
    %dot_general3A = arith.constant dense<0.000000e+00> : vector<2560x128xf32>
    %dot_general3A_15 = tpu.matmul %get3A_11, %get3A_14, %dot_general3A {dimension_numbers = #tpu.dot_dimension_numbers<[1], [0], [0], [1], [0, 0, 1, 1], [], []>, transpose_lhs_hint = false} : vector<2560x128xf32>, vector<128x128xf32>, vector<2560x128xf32> -> vector<2560x128xf32>
    %mul3A = vector.broadcast %reshape3A : vector<2560x1xf32> to vector<2560x128xf32>
    %mul3A_16 = arith.mulf %mul3A, %dot_general3A_15 : vector<2560x128xf32>
    %swap3A = arith.constant 0 : index
    %swap3A_17 = arith.constant 0 : index
    %swap3A_18 = vector.load %arg4[%swap3A, %swap3A_17] : memref<2560x128xf32, #tpu.memory_space<vmem>>, vector<2560x128xf32>
    tpu.vector_store %arg4[%swap3A, %swap3A_17], %mul3A_16 {strides = array<i32>} : memref<2560x128xf32, #tpu.memory_space<vmem>>, vector<2560x128xf32>,
    %reshape3A_19 = vector.shape_cast %rsqrt3A : vector<1x2560xf32> to vector<1x1x2560xf32>
    %swap3A_20 = arith.constant 0 : index
    %swap3A_21 = arith.constant 0 : index
    %swap3A_22 = arith.constant 0 : index
    %swap3A_23 = vector.load %arg5[%swap3A_20, %swap3A_21, %swap3A_22] : memref<1x1x2560xf32, #tpu.memory_space<vmem>>, vector<1x1x2560xf32>
    tpu.vector_store %arg5[%swap3A_20, %swap3A_21, %swap3A_22], %reshape3A_19 {strides = array<i32>} : memref<1x1x2560xf32, #tpu.memory_space<vmem>>, vector<1x1x2560xf32>,
    return
  }
  func.func @transform_0(%arg0: i32) -> (i32, i32, i32, i32) {
    %c0_i32 = arith.constant 0 : i32
    %c0_i32_0 = arith.constant 0 : i32
    %c0_i32_1 = arith.constant 0 : i32
    %c0_i32_2 = arith.constant 0 : i32
    return %c0_i32, %arg0, %c0_i32_0, %c0_i32_1 : i32, i32, i32, i32
  }
  func.func @transform_1(%arg0: i32) -> (i32, i32) {
    %c0_i32 = arith.constant 0 : i32
    %c0_i32_0 = arith.constant 0 : i32
    return %arg0, %c0_i32 : i32, i32
  }
  func.func @transform_2(%arg0: i32) -> (i32, i32) {
    %c0_i32 = arith.constant 0 : i32
    %c0_i32_0 = arith.constant 0 : i32
    %c0_i32_1 = arith.constant 0 : i32
    return %c0_i32, %c0_i32_0 : i32, i32
  }
  func.func @transform_3(%arg0: i32) -> (i32, i32) {
    %c0_i32 = arith.constant 0 : i32
    %c0_i32_0 = arith.constant 0 : i32
    return %arg0, %c0_i32 : i32, i32
  }
  func.func @transform_4(%arg0: i32) -> (i32, i32, i32) {
    %c0_i32 = arith.constant 0 : i32
    %c0_i32_0 = arith.constant 0 : i32
    %c0_i32_1 = arith.constant 0 : i32
    return %arg0, %c0_i32, %c0_i32_0 : i32, i32, i32
  }
}

module attributes {stable_mosaic.version = 14 : i64} {
  func.func @_tc_mid_body(%arg0: i32, %arg1: memref<2x2560x128xf32, #tpu.memory_space<vmem>>, %arg2: memref<1x1x2560xf32, #tpu.memory_space<vmem>>, %arg3: memref<1x128xf32, #tpu.memory_space<vmem>>, %arg4: memref<128x128xf32, #tpu.memory_space<vmem>>, %arg5: memref<1x1x2560xi32, #tpu.memory_space<vmem>>, %arg6: memref<2560x128xf32, #tpu.memory_space<vmem>>, %arg7: memref<64x128xf32, #tpu.memory_space<vmem>>) attributes {dimension_semantics = [#tpu.dimension_semantics<arbitrary>], iteration_bounds = array<i64: 4>, scalar_prefetch = 0 : i64, scratch_operands = 0 : i64, tpu.core_type = #tpu.core_type<tc>, window_params = [{transform_indices = @transform_0, window_bounds = array<i64: 2, 2560, 128>}, {transform_indices = @transform_1, window_bounds = array<i64: 1, 1, 2560>}, {pipeline_mode = #tpu.pipeline_mode<synchronous>, transform_indices = @transform_2, window_bounds = array<i64: 1, 128>}, {pipeline_mode = #tpu.pipeline_mode<synchronous>, transform_indices = @transform_3, window_bounds = array<i64: 128, 128>}, {transform_indices = @transform_4, window_bounds = array<i64: 1, 1, 2560>}, {transform_indices = @transform_5, window_bounds = array<i64: 2560, 128>}, {pipeline_mode = #tpu.pipeline_mode<synchronous>, transform_indices = @transform_6, window_bounds = array<i64: 64, 128>}]} {
    %get3A = arith.constant 0 : index
    %get3A_0 = arith.constant 0 : index
    %get3A_1 = arith.constant 0 : index
    %get3A_2 = vector.load %arg1[%get3A, %get3A_0, %get3A_1] : memref<2x2560x128xf32, #tpu.memory_space<vmem>>, vector<2x2560x128xf32>
    %get3A_3 = arith.constant 0 : index
    %get3A_4 = arith.constant 0 : index
    %get3A_5 = arith.constant 0 : index
    %get3A_6 = vector.load %arg2[%get3A_3, %get3A_4, %get3A_5] : memref<1x1x2560xf32, #tpu.memory_space<vmem>>, vector<1x1x2560xf32>
    %reshape3A = vector.shape_cast %get3A_6 : vector<1x1x2560xf32> to vector<2560x1xf32>
    %slice3A = vector.extract_strided_slice %get3A_2 {offsets = [0, 0, 0], sizes = [1, 2560, 128], strides = [1, 1, 1]} : vector<2x2560x128xf32> to vector<1x2560x128xf32>
    %squeeze3A = vector.shape_cast %slice3A : vector<1x2560x128xf32> to vector<2560x128xf32>
    %slice3A_7 = vector.extract_strided_slice %get3A_2 {offsets = [1, 0, 0], sizes = [1, 2560, 128], strides = [1, 1, 1]} : vector<2x2560x128xf32> to vector<1x2560x128xf32>
    %squeeze3A_8 = vector.shape_cast %slice3A_7 : vector<1x2560x128xf32> to vector<2560x128xf32>
    %add3A = arith.addf %squeeze3A, %squeeze3A_8 : vector<2560x128xf32>
    %mul3A = vector.broadcast %reshape3A : vector<2560x1xf32> to vector<2560x128xf32>
    %mul3A_9 = arith.mulf %mul3A, %add3A : vector<2560x128xf32>
    %get3A_10 = arith.constant 0 : index
    %get3A_11 = arith.constant 0 : index
    %get3A_12 = vector.load %arg3[%get3A_10, %get3A_11] : memref<1x128xf32, #tpu.memory_space<vmem>>, vector<1x128xf32>
    %add3A_13 = vector.broadcast %get3A_12 : vector<1x128xf32> to vector<2560x128xf32>
    %add3A_14 = arith.addf %mul3A_9, %add3A_13 : vector<2560x128xf32>
    %gt3A = arith.constant 0.000000e+00 : f32
    %gt3A_15 = vector.broadcast %gt3A : f32 to vector<2560x128xf32>
    %gt3A_16 = arith.cmpf ogt, %add3A_14, %gt3A_15 : vector<2560x128xf32>
    %mul3A_17 = arith.constant 0.00999999977 : f32
    %mul3A_18 = vector.broadcast %mul3A_17 : f32 to vector<2560x128xf32>
    %mul3A_19 = arith.mulf %mul3A_18, %add3A_14 : vector<2560x128xf32>
    %select_n3A = arith.select %gt3A_16, %add3A_14, %mul3A_19 : vector<2560x128xi1>, vector<2560x128xf32>
    %get3A_20 = arith.constant 0 : index
    %get3A_21 = arith.constant 0 : index
    %get3A_22 = vector.load %arg4[%get3A_20, %get3A_21] : memref<128x128xf32, #tpu.memory_space<vmem>>, vector<128x128xf32>
    %dot_general3A = arith.constant dense<0.000000e+00> : vector<2560x128xf32>
    %dot_general3A_23 = tpu.matmul %select_n3A, %get3A_22, %dot_general3A {dimension_numbers = #tpu.dot_dimension_numbers<[1], [0], [0], [1], [0, 0, 1, 1], [], []>, transpose_lhs_hint = false} : vector<2560x128xf32>, vector<128x128xf32>, vector<2560x128xf32> -> vector<2560x128xf32>
    %mul3A_24 = vector.broadcast %reshape3A : vector<2560x1xf32> to vector<2560x128xf32>
    %mul3A_25 = arith.mulf %mul3A_24, %dot_general3A_23 : vector<2560x128xf32>
    %swap3A = arith.constant 0 : index
    %swap3A_26 = arith.constant 0 : index
    %swap3A_27 = vector.load %arg6[%swap3A, %swap3A_26] : memref<2560x128xf32, #tpu.memory_space<vmem>>, vector<2560x128xf32>
    tpu.vector_store %arg6[%swap3A, %swap3A_26], %mul3A_25 {strides = array<i32>} : memref<2560x128xf32, #tpu.memory_space<vmem>>, vector<2560x128xf32>,
    %get3A_28 = arith.constant 0 : index
    %get3A_29 = arith.constant 0 : index
    %get3A_30 = arith.constant 0 : index
    %get3A_31 = vector.load %arg5[%get3A_28, %get3A_29, %get3A_30] : memref<1x1x2560xi32, #tpu.memory_space<vmem>>, vector<1x1x2560xi32>
    %reshape3A_32 = vector.shape_cast %get3A_31 : vector<1x1x2560xi32> to vector<1x2560xi32>
    %iota3A = tpu.iota {dimensions = array<i32: 0>} : vector<64x2560xi32>
    %eq3A = vector.broadcast %reshape3A_32 : vector<1x2560xi32> to vector<64x2560xi32>
    %eq3A_33 = arith.cmpi eq, %iota3A, %eq3A : vector<64x2560xi32>
    %convert_element_type3A = arith.extui %eq3A_33 : vector<64x2560xi1> to vector<64x2560xi32>
    %convert_element_type3A_34 = arith.sitofp %convert_element_type3A : vector<64x2560xi32> to vector<64x2560xf32>
    %eq3A_35 = arith.constant 0 : i32
    %eq3A_36 = arith.cmpi eq, %arg0, %eq3A_35 : i32
    %convert_element_type3A_37 = arith.extui %eq3A_36 : i1 to i32
    %cond3A = arith.constant 0 : i32
    %cond3A_38 = arith.cmpi ne, %convert_element_type3A_37, %cond3A : i32
    scf.if %cond3A_38 {
      %broadcast_in_dim3A = arith.constant 0.000000e+00 : f32
      %broadcast_in_dim3A_48 = vector.broadcast %broadcast_in_dim3A : f32 to vector<64x128xf32>
      %swap3A_49 = arith.constant 0 : index
      %swap3A_50 = arith.constant 0 : index
      %swap3A_51 = vector.load %arg7[%swap3A_49, %swap3A_50] : memref<64x128xf32, #tpu.memory_space<vmem>>, vector<64x128xf32>
      tpu.vector_store %arg7[%swap3A_49, %swap3A_50], %broadcast_in_dim3A_48 {strides = array<i32>} : memref<64x128xf32, #tpu.memory_space<vmem>>, vector<64x128xf32>,
    } else {
    }
    %get3A_39 = arith.constant 0 : index
    %get3A_40 = arith.constant 0 : index
    %get3A_41 = vector.load %arg7[%get3A_39, %get3A_40] : memref<64x128xf32, #tpu.memory_space<vmem>>, vector<64x128xf32>
    %dot_general3A_42 = arith.constant dense<0.000000e+00> : vector<64x128xf32>
    %dot_general3A_43 = tpu.matmul %convert_element_type3A_34, %select_n3A, %dot_general3A_42 {dimension_numbers = #tpu.dot_dimension_numbers<[1], [0], [0], [1], [0, 0, 1, 1], [], []>, transpose_lhs_hint = false} : vector<64x2560xf32>, vector<2560x128xf32>, vector<64x128xf32> -> vector<64x128xf32>
    %add3A_44 = arith.addf %get3A_41, %dot_general3A_43 : vector<64x128xf32>
    %swap3A_45 = arith.constant 0 : index
    %swap3A_46 = arith.constant 0 : index
    %swap3A_47 = vector.load %arg7[%swap3A_45, %swap3A_46] : memref<64x128xf32, #tpu.memory_space<vmem>>, vector<64x128xf32>
    tpu.vector_store %arg7[%swap3A_45, %swap3A_46], %add3A_44 {strides = array<i32>} : memref<64x128xf32, #tpu.memory_space<vmem>>, vector<64x128xf32>,
    return
  }
  func.func @transform_0(%arg0: i32) -> (i32, i32, i32) {
    %c0_i32 = arith.constant 0 : i32
    %c0_i32_0 = arith.constant 0 : i32
    %c0_i32_1 = arith.constant 0 : i32
    return %c0_i32, %arg0, %c0_i32_0 : i32, i32, i32
  }
  func.func @transform_1(%arg0: i32) -> (i32, i32, i32) {
    %c0_i32 = arith.constant 0 : i32
    %c0_i32_0 = arith.constant 0 : i32
    %c0_i32_1 = arith.constant 0 : i32
    return %arg0, %c0_i32, %c0_i32_0 : i32, i32, i32
  }
  func.func @transform_2(%arg0: i32) -> (i32, i32) {
    %c0_i32 = arith.constant 0 : i32
    %c0_i32_0 = arith.constant 0 : i32
    %c0_i32_1 = arith.constant 0 : i32
    return %c0_i32, %c0_i32_0 : i32, i32
  }
  func.func @transform_3(%arg0: i32) -> (i32, i32) {
    %c0_i32 = arith.constant 0 : i32
    %c0_i32_0 = arith.constant 0 : i32
    %c0_i32_1 = arith.constant 0 : i32
    return %c0_i32, %c0_i32_0 : i32, i32
  }
  func.func @transform_4(%arg0: i32) -> (i32, i32, i32) {
    %c0_i32 = arith.constant 0 : i32
    %c0_i32_0 = arith.constant 0 : i32
    %c0_i32_1 = arith.constant 0 : i32
    return %arg0, %c0_i32, %c0_i32_0 : i32, i32, i32
  }
  func.func @transform_5(%arg0: i32) -> (i32, i32) {
    %c0_i32 = arith.constant 0 : i32
    %c0_i32_0 = arith.constant 0 : i32
    return %arg0, %c0_i32 : i32, i32
  }
  func.func @transform_6(%arg0: i32) -> (i32, i32) {
    %c0_i32 = arith.constant 0 : i32
    %c0_i32_0 = arith.constant 0 : i32
    %c0_i32_1 = arith.constant 0 : i32
    return %c0_i32, %c0_i32_0 : i32, i32
  }
}

module attributes {stable_mosaic.version = 14 : i64} {
  func.func @_tc_final_body(%arg0: i32, %arg1: memref<2x2560x128xf32, #tpu.memory_space<vmem>>, %arg2: memref<1x1x2560xf32, #tpu.memory_space<vmem>>, %arg3: memref<1x128xf32, #tpu.memory_space<vmem>>, %arg4: memref<1x1x2560xi32, #tpu.memory_space<vmem>>, %arg5: memref<64x128xf32, #tpu.memory_space<vmem>>, %arg6: memref<64x128xf32, #tpu.memory_space<vmem>>, %arg7: memref<64x128xf32, #tpu.memory_space<vmem>>, %arg8: memref<64x128xf32, #tpu.memory_space<vmem>>, %arg9: memref<64x128xf32, #tpu.memory_space<vmem>>) attributes {dimension_semantics = [#tpu.dimension_semantics<arbitrary>], iteration_bounds = array<i64: 4>, scalar_prefetch = 0 : i64, scratch_operands = 2 : i64, tpu.core_type = #tpu.core_type<tc>, window_params = [{transform_indices = @transform_0, window_bounds = array<i64: 2, 2560, 128>}, {transform_indices = @transform_1, window_bounds = array<i64: 1, 1, 2560>}, {pipeline_mode = #tpu.pipeline_mode<synchronous>, transform_indices = @transform_2, window_bounds = array<i64: 1, 128>}, {transform_indices = @transform_3, window_bounds = array<i64: 1, 1, 2560>}, {pipeline_mode = #tpu.pipeline_mode<synchronous>, transform_indices = @transform_4, window_bounds = array<i64: 64, 128>}, {pipeline_mode = #tpu.pipeline_mode<synchronous>, transform_indices = @transform_5, window_bounds = array<i64: 64, 128>}, {pipeline_mode = #tpu.pipeline_mode<synchronous>, transform_indices = @transform_6, window_bounds = array<i64: 64, 128>}]} {
    %get3A = arith.constant 0 : index
    %get3A_0 = arith.constant 0 : index
    %get3A_1 = arith.constant 0 : index
    %get3A_2 = vector.load %arg1[%get3A, %get3A_0, %get3A_1] : memref<2x2560x128xf32, #tpu.memory_space<vmem>>, vector<2x2560x128xf32>
    %get3A_3 = arith.constant 0 : index
    %get3A_4 = arith.constant 0 : index
    %get3A_5 = arith.constant 0 : index
    %get3A_6 = vector.load %arg2[%get3A_3, %get3A_4, %get3A_5] : memref<1x1x2560xf32, #tpu.memory_space<vmem>>, vector<1x1x2560xf32>
    %reshape3A = vector.shape_cast %get3A_6 : vector<1x1x2560xf32> to vector<2560x1xf32>
    %slice3A = vector.extract_strided_slice %get3A_2 {offsets = [0, 0, 0], sizes = [1, 2560, 128], strides = [1, 1, 1]} : vector<2x2560x128xf32> to vector<1x2560x128xf32>
    %squeeze3A = vector.shape_cast %slice3A : vector<1x2560x128xf32> to vector<2560x128xf32>
    %slice3A_7 = vector.extract_strided_slice %get3A_2 {offsets = [1, 0, 0], sizes = [1, 2560, 128], strides = [1, 1, 1]} : vector<2x2560x128xf32> to vector<1x2560x128xf32>
    %squeeze3A_8 = vector.shape_cast %slice3A_7 : vector<1x2560x128xf32> to vector<2560x128xf32>
    %add3A = arith.addf %squeeze3A, %squeeze3A_8 : vector<2560x128xf32>
    %mul3A = vector.broadcast %reshape3A : vector<2560x1xf32> to vector<2560x128xf32>
    %mul3A_9 = arith.mulf %mul3A, %add3A : vector<2560x128xf32>
    %get3A_10 = arith.constant 0 : index
    %get3A_11 = arith.constant 0 : index
    %get3A_12 = vector.load %arg3[%get3A_10, %get3A_11] : memref<1x128xf32, #tpu.memory_space<vmem>>, vector<1x128xf32>
    %add3A_13 = vector.broadcast %get3A_12 : vector<1x128xf32> to vector<2560x128xf32>
    %add3A_14 = arith.addf %mul3A_9, %add3A_13 : vector<2560x128xf32>
    %gt3A = arith.constant 0.000000e+00 : f32
    %gt3A_15 = vector.broadcast %gt3A : f32 to vector<2560x128xf32>
    %gt3A_16 = arith.cmpf ogt, %add3A_14, %gt3A_15 : vector<2560x128xf32>
    %mul3A_17 = arith.constant 0.00999999977 : f32
    %mul3A_18 = vector.broadcast %mul3A_17 : f32 to vector<2560x128xf32>
    %mul3A_19 = arith.mulf %mul3A_18, %add3A_14 : vector<2560x128xf32>
    %select_n3A = arith.select %gt3A_16, %add3A_14, %mul3A_19 : vector<2560x128xi1>, vector<2560x128xf32>
    %get3A_20 = arith.constant 0 : index
    %get3A_21 = arith.constant 0 : index
    %get3A_22 = arith.constant 0 : index
    %get3A_23 = vector.load %arg4[%get3A_20, %get3A_21, %get3A_22] : memref<1x1x2560xi32, #tpu.memory_space<vmem>>, vector<1x1x2560xi32>
    %reshape3A_24 = vector.shape_cast %get3A_23 : vector<1x1x2560xi32> to vector<1x2560xi32>
    %iota3A = tpu.iota {dimensions = array<i32: 0>} : vector<64x2560xi32>
    %eq3A = vector.broadcast %reshape3A_24 : vector<1x2560xi32> to vector<64x2560xi32>
    %eq3A_25 = arith.cmpi eq, %iota3A, %eq3A : vector<64x2560xi32>
    %convert_element_type3A = arith.extui %eq3A_25 : vector<64x2560xi1> to vector<64x2560xi32>
    %convert_element_type3A_26 = arith.sitofp %convert_element_type3A : vector<64x2560xi32> to vector<64x2560xf32>
    %eq3A_27 = arith.constant 0 : i32
    %eq3A_28 = arith.cmpi eq, %arg0, %eq3A_27 : i32
    %convert_element_type3A_29 = arith.extui %eq3A_28 : i1 to i32
    %cond3A = arith.constant 0 : i32
    %cond3A_30 = arith.cmpi ne, %convert_element_type3A_29, %cond3A : i32
    scf.if %cond3A_30 {
      %broadcast_in_dim3A_53 = arith.constant 0.000000e+00 : f32
      %broadcast_in_dim3A_54 = vector.broadcast %broadcast_in_dim3A_53 : f32 to vector<64x128xf32>
      %swap3A_55 = arith.constant 0 : index
      %swap3A_56 = arith.constant 0 : index
      %swap3A_57 = vector.load %arg8[%swap3A_55, %swap3A_56] : memref<64x128xf32, #tpu.memory_space<vmem>>, vector<64x128xf32>
      tpu.vector_store %arg8[%swap3A_55, %swap3A_56], %broadcast_in_dim3A_54 {strides = array<i32>} : memref<64x128xf32, #tpu.memory_space<vmem>>, vector<64x128xf32>,
      %broadcast_in_dim3A_58 = arith.constant 0.000000e+00 : f32
      %broadcast_in_dim3A_59 = vector.broadcast %broadcast_in_dim3A_58 : f32 to vector<64x128xf32>
      %swap3A_60 = arith.constant 0 : index
      %swap3A_61 = arith.constant 0 : index
      %swap3A_62 = vector.load %arg9[%swap3A_60, %swap3A_61] : memref<64x128xf32, #tpu.memory_space<vmem>>, vector<64x128xf32>
      tpu.vector_store %arg9[%swap3A_60, %swap3A_61], %broadcast_in_dim3A_59 {strides = array<i32>} : memref<64x128xf32, #tpu.memory_space<vmem>>, vector<64x128xf32>,
    } else {
    }
    %get3A_31 = arith.constant 0 : index
    %get3A_32 = arith.constant 0 : index
    %get3A_33 = vector.load %arg8[%get3A_31, %get3A_32] : memref<64x128xf32, #tpu.memory_space<vmem>>, vector<64x128xf32>
    %dot_general3A = arith.constant dense<0.000000e+00> : vector<64x128xf32>
    %dot_general3A_34 = tpu.matmul %convert_element_type3A_26, %select_n3A, %dot_general3A {dimension_numbers = #tpu.dot_dimension_numbers<[1], [0], [0], [1], [0, 0, 1, 1], [], []>, transpose_lhs_hint = false} : vector<64x2560xf32>, vector<2560x128xf32>, vector<64x128xf32> -> vector<64x128xf32>
    %add3A_35 = arith.addf %get3A_33, %dot_general3A_34 : vector<64x128xf32>
    %swap3A = arith.constant 0 : index
    %swap3A_36 = arith.constant 0 : index
    %swap3A_37 = vector.load %arg8[%swap3A, %swap3A_36] : memref<64x128xf32, #tpu.memory_space<vmem>>, vector<64x128xf32>
    tpu.vector_store %arg8[%swap3A, %swap3A_36], %add3A_35 {strides = array<i32>} : memref<64x128xf32, #tpu.memory_space<vmem>>, vector<64x128xf32>,
    %get3A_38 = arith.constant 0 : index
    %get3A_39 = arith.constant 0 : index
    %get3A_40 = vector.load %arg9[%get3A_38, %get3A_39] : memref<64x128xf32, #tpu.memory_space<vmem>>, vector<64x128xf32>
    %reduce_sum3A = arith.constant dense<0.000000e+00> : vector<64xf32>
    %reduce_sum3A_41 = vector.multi_reduction <add>, %convert_element_type3A_26, %reduce_sum3A [1] : vector<64x2560xf32> to vector<64xf32>
    %broadcast_in_dim3A = vector.shape_cast %reduce_sum3A_41 : vector<64xf32> to vector<64x1xf32>
    %broadcast_in_dim3A_42 = vector.shape_cast %broadcast_in_dim3A : vector<64x1xf32> to vector<64x1xf32>
    %broadcast_in_dim3A_43 = vector.broadcast %broadcast_in_dim3A_42 : vector<64x1xf32> to vector<64x128xf32>
    %add3A_44 = arith.addf %get3A_40, %broadcast_in_dim3A_43 : vector<64x128xf32>
    %swap3A_45 = arith.constant 0 : index
    %swap3A_46 = arith.constant 0 : index
    %swap3A_47 = vector.load %arg9[%swap3A_45, %swap3A_46] : memref<64x128xf32, #tpu.memory_space<vmem>>, vector<64x128xf32>
    tpu.vector_store %arg9[%swap3A_45, %swap3A_46], %add3A_44 {strides = array<i32>} : memref<64x128xf32, #tpu.memory_space<vmem>>, vector<64x128xf32>,
    %eq3A_48 = arith.constant 3 : i32
    %eq3A_49 = arith.cmpi eq, %arg0, %eq3A_48 : i32
    %convert_element_type3A_50 = arith.extui %eq3A_49 : i1 to i32
    %cond3A_51 = arith.constant 0 : i32
    %cond3A_52 = arith.cmpi ne, %convert_element_type3A_50, %cond3A_51 : i32
    scf.if %cond3A_52 {
      %get3A_53 = arith.constant 0 : index
      %get3A_54 = arith.constant 0 : index
      %get3A_55 = vector.load %arg5[%get3A_53, %get3A_54] : memref<64x128xf32, #tpu.memory_space<vmem>>, vector<64x128xf32>
      %get3A_56 = arith.constant 0 : index
      %get3A_57 = arith.constant 0 : index
      %get3A_58 = vector.load %arg6[%get3A_56, %get3A_57] : memref<64x128xf32, #tpu.memory_space<vmem>>, vector<64x128xf32>
      %add3A_59 = arith.addf %get3A_55, %get3A_58 : vector<64x128xf32>
      %get3A_60 = arith.constant 0 : index
      %get3A_61 = arith.constant 0 : index
      %get3A_62 = vector.load %arg8[%get3A_60, %get3A_61] : memref<64x128xf32, #tpu.memory_space<vmem>>, vector<64x128xf32>
      %add3A_63 = arith.addf %add3A_59, %get3A_62 : vector<64x128xf32>
      %get3A_64 = arith.constant 0 : index
      %get3A_65 = arith.constant 0 : index
      %get3A_66 = vector.load %arg9[%get3A_64, %get3A_65] : memref<64x128xf32, #tpu.memory_space<vmem>>, vector<64x128xf32>
      %max3A = arith.constant 1.000000e+00 : f32
      %max3A_67 = vector.broadcast %max3A : f32 to vector<64x128xf32>
      %max3A_68 = arith.maximumf %get3A_66, %max3A_67 : vector<64x128xf32>
      %mul3A_69 = arith.constant 3.000000e+00 : f32
      %mul3A_70 = vector.broadcast %mul3A_69 : f32 to vector<64x128xf32>
      %mul3A_71 = arith.mulf %mul3A_70, %max3A_68 : vector<64x128xf32>
      %div3A = arith.divf %add3A_63, %mul3A_71 : vector<64x128xf32>
      %swap3A_72 = arith.constant 0 : index
      %swap3A_73 = arith.constant 0 : index
      %swap3A_74 = vector.load %arg7[%swap3A_72, %swap3A_73] : memref<64x128xf32, #tpu.memory_space<vmem>>, vector<64x128xf32>
      tpu.vector_store %arg7[%swap3A_72, %swap3A_73], %div3A {strides = array<i32>} : memref<64x128xf32, #tpu.memory_space<vmem>>, vector<64x128xf32>,
    } else {
    }
    return
  }
  func.func @transform_0(%arg0: i32) -> (i32, i32, i32) {
    %c0_i32 = arith.constant 0 : i32
    %c0_i32_0 = arith.constant 0 : i32
    %c0_i32_1 = arith.constant 0 : i32
    return %c0_i32, %arg0, %c0_i32_0 : i32, i32, i32
  }
  func.func @transform_1(%arg0: i32) -> (i32, i32, i32) {
    %c0_i32 = arith.constant 0 : i32
    %c0_i32_0 = arith.constant 0 : i32
    %c0_i32_1 = arith.constant 0 : i32
    return %arg0, %c0_i32, %c0_i32_0 : i32, i32, i32
  }
  func.func @transform_2(%arg0: i32) -> (i32, i32) {
    %c0_i32 = arith.constant 0 : i32
    %c0_i32_0 = arith.constant 0 : i32
    %c0_i32_1 = arith.constant 0 : i32
    return %c0_i32, %c0_i32_0 : i32, i32
  }
  func.func @transform_3(%arg0: i32) -> (i32, i32, i32) {
    %c0_i32 = arith.constant 0 : i32
    %c0_i32_0 = arith.constant 0 : i32
    %c0_i32_1 = arith.constant 0 : i32
    return %arg0, %c0_i32, %c0_i32_0 : i32, i32, i32
  }
  func.func @transform_4(%arg0: i32) -> (i32, i32) {
    %c0_i32 = arith.constant 0 : i32
    %c0_i32_0 = arith.constant 0 : i32
    %c0_i32_1 = arith.constant 0 : i32
    return %c0_i32, %c0_i32_0 : i32, i32
  }
  func.func @transform_5(%arg0: i32) -> (i32, i32) {
    %c0_i32 = arith.constant 0 : i32
    %c0_i32_0 = arith.constant 0 : i32
    %c0_i32_1 = arith.constant 0 : i32
    return %c0_i32, %c0_i32_0 : i32, i32
  }
  func.func @transform_6(%arg0: i32) -> (i32, i32) {
    %c0_i32 = arith.constant 0 : i32
    %c0_i32_0 = arith.constant 0 : i32
    %c0_i32_1 = arith.constant 0 : i32
    return %c0_i32, %c0_i32_0 : i32, i32
  }
}

</mosaic_0001>

<sc_bundles>
// kernel: kernel.10.cloned.1.call-start
scs
__scs_entry_jumppad:
0x0: {  	(pc) =	sbr.rel $0x88, $3  }
0x1: {  	(tag) =	ssettag $0x0;
	lr =	simm.s32 $0x1  }
0x2: {  	[smem:$0x3F98] =	sst lr;
	_ =	strace $0xD0000000  }
0x3: {  	_ = 	snop  }
0x4: {  	_ = 	snop  }
0x5: {  	_ = 	snop  }
0x6: {  	_ = 	snop  }
0x7: {  	_ = 	snop  }
__scs_overlays_trampoline_lowered:
0x8: {  	[smem:$0x3FA7] =	sst s0  }
0x9: {  	[smem:$0x3FA8] =	sst s1  }
0xa: {  	[smem:$0x3FA9] =	sst s2  }
0xb: {  	[smem:$0x3FAA] =	sst s3  }
0xc: {  	[smem:$0x3FAB] =	sst s4  }
0xd: {  	[smem:$0x3FAC] =	sst s5  }
0xe: {  	[smem:$0x3FAD] =	sst s6  }
0xf: {  	[smem:$0x3FAE] =	sst s7  }
0x10: {  	[smem:$0x3FAF] =	sst s8  }
0x11: {  	[smem:$0x3FB0] =	sst s9;
	s0 =	simm.s32 @!p0 $0x0  }
0x12: {  	s1 =	sld [smem:$0x3F96];
	s0 =	simm.s32 @p0 $0x1  }
0x13: {  	[smem:$0x3FB1] =	sst s0;
	s0 =	simm.s32 @!p1 $0x0  }
0x14: {  	s2 =	sld [smem:$0x3F95];
	s0 =	simm.s32 @p1 $0x1  }
0x15: {  	[smem:$0x3FB2] =	sst s0;
	s0 =	simm.s32 @!p2 $0x0  }
0x16: {  	s3 =	sld [smem:$0x3FDB];
	s0 =	simm.s32 @p2 $0x1  }
0x17: {  	s4 =	simm.s32 $0x1BF5;
	[smem:$0x3FB4] =	sst s0  }
0x18: {  	s0 =	sld [smem:$0x3F97];
	_ =	swait.ge [sflag:s4], $0x0  }
0x19: {  	s7 =	sld [smem:$0x3F98]  }
0x1a: {  	s8 =	sadd.s32 $0xFFFFE003, lr  }
0x1b: {  	s9 =	sadd.s32 $0xFFFFFEF7, lr;
	s5 =	simm.s32 $0xFFFFFFFF;
	p2 =	slt.u32 s8, $0xFFFFF086  }
0x1c: {  	p1 =	slt.u32 s9, $0xF7A;
	s5 =	simm.s32 @!p2 $0x0  }
0x1d: {  	s5 =	simm.s32 @p1 $0x1;
	p0 =	seq.s32 s7, s2  }
0x1e: {  	s7 =	smul.u32 @!p0 $0xF7A, s2;
	p2 =	seq.s32 @!p0 s5, $0x0  }
0x1f: {  	s9 =	smul.u32 $0xF7A, s1;
	s8 =	simm.s32 @!p0 $0x1BF5;
	p2 =	por !p2, p0  }
0x20: {  	[sflag:s8] =	ssyncset.s32 @!p0 $0xFFFFF086;
	s6 =	sadd.s32 @!p0 s3, s7;
	s7 =	simm.s32 @!p0 $0x108  }
0x21: {  	s3 =	sadd.s32 s3, s9;
	s6 =	sadd.s32 @!p0 $0x88, s6;
	s7 =	simm.s32 @p2 $0x1082  }
0x22: {  	[simem:s7], [sflag:s8] =	dma.local @!p0 [hbm:s6], $0xF7A  }
0x23: {  	s9 =	sor.u32 $0xD0000000, s2;
	s6 =	simm.s32 $0x108;
	_ =	swait.ge @!p0 [sflag:s8], $0x0  }
0x24: {  	s3 =	sadd.s32 $0x88, s3;
	s6 =	simm.s32 @!p1 $0x1082;
	[sflag:s4] =	ssyncset.s32 $0xFFFFF086  }
0x25: {  	[simem:s6], [sflag:s4] =	dma.local [hbm:s3], $0xF7A  }
0x26: {  	[smem:$0x3F98] =	sst s1;
	(tag) =	ssettag s2;
	_ =	strace s9  }
0x27: {  	s1 =	sld [smem:$0x3FA8]  }
0x28: {  	s2 =	sld [smem:$0x3FA9]  }
0x29: {  	s4 =	sld [smem:$0x3FAB]  }
0x2a: {  	p0 =	seq.s32 s5, $0x0;
	s5 =	sld [smem:$0x3FAC]  }
0x2b: {  	s6 =	sld [smem:$0x3FAD]  }
0x2c: {  	s7 =	sld [smem:$0x3FAE]  }
0x2d: {  	s3 =	simm.s32 $0x108;
	s8 =	sld [smem:$0x3FAF]  }
0x2e: {  	s3 =	simm.s32 @!p0 $0x1082;
	s9 =	sld [smem:$0x3FB0]  }
0x2f: {  	lr =	sadd.s32 s0, s3;
	s0 =	sld [smem:$0x3FA7]  }
0x30: {  	s3 =	sld [smem:$0x3FAA]  }
0x31: {  	[smem:$0x3FB3] =	sst s10  }
0x32: {  	s10 =	sld [smem:$0x3FB1];
	_ =	sdelay $0x3  }
0x33: {  	p0 =	seq.s32 s10, $0x1;
	s10 =	sld [smem:$0x3FB3];
	_ =	sdelay $0x3  }
0x34: {  	[smem:$0x3FB3] =	sst s10  }
0x35: {  	s10 =	sld [smem:$0x3FB2];
	_ =	sdelay $0x3  }
0x36: {  	p1 =	seq.s32 s10, $0x1;
	s10 =	sld [smem:$0x3FB3];
	_ =	sdelay $0x3  }
0x37: {  	[smem:$0x3FB3] =	sst s10  }
0x38: {  	s10 =	sld [smem:$0x3FB4]  }
0x39: {  	_ = 	snop;
	(pc) =	sbr.ind lr, $3  }
0x3a: {  	_ = 	snop  }
0x3b: {  	_ = 	snop  }
0x3c: {  	p2 =	seq.s32 s10, $0x1;
	s10 =	sld [smem:$0x3FB3]  }
0x3d: {  	_ =	shalt  }
0x3e: {  	_ =	shalt  }
0x3f: {  	_ =	shalt  }
0x40: {  	_ =	shalt  }
0x41: {  	_ =	shalt  }
0x42: {  	_ =	shalt  }
0x43: {  	_ =	shalt  }
0x44: {  	_ =	shalt  }
0x45: {  	_ =	shalt  }
0x46: {  	_ =	shalt  }
0x47: {  	_ =	shalt  }
0x48: {  	_ =	shalt  }
0x49: {  	_ =	shalt  }
0x4a: {  	_ =	shalt  }
0x4b: {  	_ =	shalt  }
0x4c: {  	_ =	shalt  }
0x4d: {  	_ =	shalt  }
0x4e: {  	_ =	shalt  }
0x4f: {  	_ =	shalt  }
0x50: {  	_ =	shalt  }
0x51: {  	_ =	shalt  }
0x52: {  	_ =	shalt  }
0x53: {  	_ =	shalt  }
0x54: {  	_ =	shalt  }
0x55: {  	_ =	shalt  }
0x56: {  	_ =	shalt  }
0x57: {  	_ =	shalt  }
0x58: {  	_ =	shalt  }
0x59: {  	_ =	shalt  }
0x5a: {  	_ =	shalt  }
0x5b: {  	_ =	shalt  }
0x5c: {  	_ =	shalt  }
0x5d: {  	_ =	shalt  }
0x5e: {  	_ =	shalt  }
0x5f: {  	_ =	shalt  }
0x60: {  	_ =	shalt  }
0x61: {  	_ =	shalt  }
0x62: {  	_ =	shalt  }
0x63: {  	_ =	shalt  }
0x64: {  	_ =	shalt  }
0x65: {  	_ =	shalt  }
0x66: {  	_ =	shalt  }
0x67: {  	_ =	shalt  }
0x68: {  	_ =	shalt  }
0x69: {  	_ =	shalt  }
0x6a: {  	_ =	shalt  }
0x6b: {  	_ =	shalt  }
0x6c: {  	_ =	shalt  }
0x6d: {  	_ =	shalt  }
0x6e: {  	_ =	shalt  }
0x6f: {  	_ =	shalt  }
0x70: {  	_ =	shalt  }
0x71: {  	_ =	shalt  }
0x72: {  	_ =	shalt  }
0x73: {  	_ =	shalt  }
0x74: {  	_ =	shalt  }
0x75: {  	_ =	shalt  }
0x76: {  	_ =	shalt  }
0x77: {  	_ =	shalt  }
0x78: {  	_ =	shalt  }
0x79: {  	_ =	shalt  }
0x7a: {  	_ =	shalt  }
0x7b: {  	_ =	shalt  }
0x7c: {  	_ =	shalt  }
0x7d: {  	_ =	shalt  }
0x7e: {  	_ =	shalt  }
0x7f: {  	_ =	shalt  }
0x80: {  	_ =	shalt  }
0x81: {  	_ =	shalt  }
0x82: {  	_ =	shalt  }
0x83: {  	_ =	shalt  }
0x84: {  	_ =	shalt  }
0x85: {  	_ =	shalt  }
0x86: {  	_ =	shalt  }
0x87: {  	_ =	shalt  }
.Lfunc_end0:
.L_simem_size_0:
called_computation_lowered:
.L_overlay_start_0:
0x88: {  	s2 =	sld [smem:$0x3FD9]  }
0x89: {  	s3 =	sld [smem:$0x3FFE];
	_ =	sdelay $0x1  }
0x8a: {  	s1 =	srdreg.scid  }
0x8b: {  	s0 =	sand.u32 $0x1, s1  }
0x8c: {  	s14 =	sshll.u32 s0, $0xA;
	s2 =	sadd.s32 s3, s2  }
0x8d: {  	s2 =	sadd.s32 s2, s14  }
0x8e: {  	[smem:$0x3FBF] =	sst s2  }
0x8f: {  	_ = 	snop  }
0x90: {  	s2 =	sld [smem:$0x3FD0];
	_ =	sdelay $0x2  }
0x91: {  	s15 =	simm.s32 $0xA;
	s4 =	simm.s32 $0x10  }
0x92: {  	[smem:s4], [sflag:s15] =	dma.local [hbm:s2], $0x1  }
0x93: {  	_ =	swait.eq [sflag:s15], $0x1  }
0x94: {  	[sflag:s15] =	ssyncset.done $0x0  }
0x95: {  	[sflag:s15] =	ssyncadd.s32 $0xFFFFFFFF  }
0x96: {  	s16 =	sld [smem:$0x11];
	(tm) =	ssettm $0x1  }
0x97: {  	s17 =	sld [smem:$0x3FFB];
	_ =	sdelay $0x3  }
0x98: {  	_ =	strace s17  }
0x99: {  	s3 =	sld [smem:$0x3FFC];
	_ =	sdelay $0x3  }
0x9a: {  	_ =	strace s3  }
0x9b: {  	s3 =	sld [smem:$0x3FFD];
	_ =	sdelay $0x3  }
0x9c: {  	_ =	strace s3  }
0x9d: {  	_ =	strace $0x8FFFFFFF  }
0x9e: {  	s18 =	sld [smem:$0x3FDB];
	_ =	sdelay $0x1  }
0x9f: {  	s19 =	simm.s32 $_scs_section_size  }
0xa0: {  	s5 =	simm.s32 $_size__tile_overlayer_lowered;
	s6 =	simm.s32 $_tile_overlayer_lowered  }
0xa1: {  	s22 =	simm.s32 $0x1BFF;
	s21 =	sshll.u32 s6, $0x1;
	s3 =	sadd.s32 s19, s18  }
0xa2: {  	s7 =	simm.s32 $0x0;
	s20 =	sshll.u32 s5, $0x1;
	s5 =	sadd.s32 s21, s3  }
0xa3: {  	[timem:s7], [sflag:s22] =	dma.local [hbm:s5], s20  }
0xa4: {  	_ =	swait.ge [sflag:s22], s20  }
0xa5: {  	s4 =	ssub.s32 $0x0, s20;
	[sflag:s22] =	ssyncset.done $0x0  }
0xa6: {  	[sflag:s22] =	ssyncadd.s32 s4;
	_ =	sdelay $0x1  }
0xa7: {  	s23 =	simm.s32 $0x1B8B  }
0xa8: {  	_ =	swait.ge [sflag:s23], $0x1  }
0xa9: {  	[sflag:s23] =	ssyncset.done $0x0  }
0xaa: {  	s25 =	simm.s32 $0x1B8E;
	s24 =	sld [smem:$0x3FFE];
	[sflag:s23] =	ssyncadd.s32 $0xFFFFFFFF  }
0xab: {  	s26 =	simm.s32 $execute0_lowered;
	[smem:$0x3FD2] =	sst s25  }
0xac: {  	s5 =	sshll.u32 s26, $0x1;
	_ =	strace $0x80000046;
	[dreg:$0x1] =	wrdreg $0xFFFFFFFF  }
0xad: {  	s28 =	simm.s32 $_size_execute0_lowered;
	s3 =	sadd.s32 s3, s5;
	[dreg:$0x0] =	wrdreg $0x0  }
0xae: {  	s5 =	sshll.u32 s28, $0x1;
	[dreg:$0x2] =	wrdreg s3  }
0xaf: {  	[dreg:$0x3] =	wrdreg s5  }
0xb0: {  	[dreg:$0x4] =	wrdreg $0xC0  }
0xb1: {  	_ =	task [dreg:s7], $0x5FFFF  }
0xb2: {  	[dreg:$0x1] =	wrdreg $0xFFFFFFFF  }
0xb3: {  	[dreg:$0x0] =	wrdreg $0x60  }
0xb4: {  	[dreg:$0x2] =	wrdreg s24  }
0xb5: {  	[dreg:$0x3] =	wrdreg s16  }
0xb6: {  	[dreg:$0x4] =	wrdreg $0x0  }
0xb7: {  	[dreg:$0x5] =	wrdreg $0x9  }
0xb8: {  	_ =	task.clear_ibuf [dreg:s7], $0x6FFFF;
	_ =	strace $0x90000046  }
0xb9: {  	s29 =	simm.s32 $0x9;
	_ =	strace $0x80000048  }
0xba: {  	_ =	swait.ge [sflag:s29], $0x1  }
0xbb: {  	[sflag:s29] =	ssyncadd.s32 $0xFFFFFFFF  }
0xbc: {  	_ =	strace $0x90000048  }
0xbd: {  	_ =	sfence  }
0xbe: {  	s30 =	sld [smem:$0x0];
	_ =	sdelay $0x2  }
0xbf: {  	s31 =	sshll.u32 s1, $0xD;
	s1 =	sshrl.u32 s1, $0x2  }
0xc0: {  	s3 =	sand.u32 $0x4000, s31;
	s1 =	sadd.s32 s1, s30  }
0xc1: {  	s0 =	sor.u32 s3, s0;
	s1 =	sshll.u32 s1, $0x11  }
0xc2: {  	s0 =	sor.u32 s1, s0  }
0xc3: {  	s0 =	sadd.s32 $0x8F2B, s0  }
0xc4: {  	[sflag:s0] =	ssyncadd.remote.s32 $0x1  }
0xc5: {  	_ =	sfence.sel $0xFFFF  }
0xc6: {  	[dreg:$0x0] =	wrdreg $0xFFFFFFFF;
	(pc) =	sbr.abs _section_cstart, $3  }
0xc7: {  	[dreg:$0x1] =	wrdreg $0xFFFFFFFF  }
0xc8: {  	_ =	task.clear_ibuf [dreg:s7], $0x2FFFF;
	_ =	strace $0x9FFFFFFF  }
0xc9: {  	(tm) =	ssettm $0x7FFFFFFF  }
tec
execute0_lowered:
.L_overlay_start_1:
0x0: {  	(tag) =	ssettag $0x1  }
0x1: {  	s5 =	rddreg [dreg:$0x0]  }
0x2: {  	s2 =	rddreg [dreg:$0x1]  }
0x3: {  	s0 =	srdreg.scid;
	s3 =	rddreg [dreg:$0x2]  }
0x4: {  	s4 =	simm.s32 $0x0;
	s14 =	simm.s32 $0x80;
	s15 =	simm.s32 $0x20  }
0x5: {  	s16 =	simm.s32 $0x10;
	s6 =	sand.u32 $0x1, s0;
	s0 =	stileid.u32  }
0x6: {  	s17 =	simm.s32 $0x0;
	[smem:$0x7FF] =	sst s4;
	s8 =	smul.u32 $0x500, s0  }
0x7: {  	s1 =	sshll.u32 s6, $0x4;
	s9 =	smul.u32 $0x280, s0;
	s10 =	sshll.u32 s6, $0x7  }
0x8: {  	s6 =	ssub.s32 $0x2, s6;
	s12 =	sshll.u32 s0, $0x6;
	s7 =	sor.u32 s0, s1  }
0x9: {  	s1 =	rddreg [dreg:$0x3];
	_ =	strace $0x80000047;
	s11 =	sshrl.u32 s6, $0x1  }
0xa: {  	s12 =	sor.u32 $0x1C01, s12;
	s7 =	smul.u32 $0x500, s7;
	s8 =	sor.u32 s10, s8  }
0xb: {  	s31 =	sshrl.u32 s9, $0x3;
	s11 =	ssub.s32 s6, s11;
	s13 =	sadd.s32 s9, s3  }
0xc: {  	s9 =	simm.s32 $0x280;
	s8 =	sshrl.u32 s8, $0x3;
	s10 =	sadd.s32 s31, s5  }
0xd: {  	s13 =	sshrl.u32 s13, $0x3;
	s7 =	sadd.s32 s7, s5;
	s8 =	sadd.s32 s8, s5  }
0xe: {  	s6 =	sadd.s32 $0xD200, s10;
	s10 =	simm.s32 $0x1;
	s5 =	sadd.s32 $0x3200, s7  }
0xf: {  	s7 =	sadd.s32 $0xD800, s8;
	s8 =	smax.u32 s11, $0x1;
	s11 =	simm.s32 $0x2A80  }
.LBB2_1:
0x10: {  	[tilespmem:s9], [sflag:$0x1] =	stream.linear.gather [hbm4b:s5+s4], $0x2800, $0x38;
	[tilespmem:$0x2B00] =	vst v63  }
0x11: {  	_ =	swait.ge [sflag:s10], $0x2800  }
0x12: {  	[sflag:s10] =	ssyncset.done $0x0  }
0x13: {  	[sflag:s10] =	ssyncadd.s32 $0xFFFFD800  }
0x14: {  	[tilespmem:s11], [sflag:$0x1] =	stream.linear.gather [hbm4b:s2+s4], $0x80, $0x38;
	[tilespmem:$0x2B00] =	vst v63  }
0x15: {  	_ =	swait.ge [sflag:s10], $0x80  }
0x16: {  	[sflag:s10] =	ssyncset.done $0x0  }
0x17: {  	[sflag:s10] =	ssyncadd.s32 $0xFFFFFF80  }
0x18: {  	[spmem:s13], [sflag:s12] =	dma.local [hbm:s6], $0x50  }
0x19: {  	_ =	swait.ge [sflag:s10], $0x50  }
0x1a: {  	[sflag:s10] =	ssyncset.done $0x0  }
0x1b: {  	[sflag:s10] =	ssyncadd.s32 $0xFFFFFFB0  }
0x1c: {  	s18 =	simm.s32 $0x280;
	[bflag:$0x0] =	sbarrier.arrive $0xFFFF  }
0x1d: {  	[spmem:s3] =	stream.indirect.scatter.add.f32 [tilespmem:s11], [sflag:$0x1], $0x1, s18, s14, $0xb8;
	[tilespmem:$0x2B00] =	vst v63  }
0x1e: {  	_ =	swait.ge [sflag:s10], $0x80  }
0x1f: {  	[sflag:s10] =	ssyncset.done $0x0  }
0x20: {  	s29 =	simm.s32 $0x300;
	[sflag:s10] =	ssyncadd.s32 $0xFFFFFF80  }
0x21: {  	[spmem:s3] =	stream.indirect.scatter.add.f32 [tilespmem:s11], [sflag:$0x1], $0x1, s29, s14, $0xb8;
	[tilespmem:$0x2B00] =	vst v63  }
0x22: {  	_ =	swait.ge [sflag:s10], $0x80  }
0x23: {  	[sflag:s10] =	ssyncset.done $0x0  }
0x24: {  	s30 =	simm.s32 $0x380;
	[sflag:s10] =	ssyncadd.s32 $0xFFFFFF80  }
0x25: {  	[spmem:s3] =	stream.indirect.scatter.add.f32 [tilespmem:s11], [sflag:$0x1], $0x1, s30, s14, $0xb8;
	[tilespmem:$0x2B00] =	vst v63  }
0x26: {  	_ =	swait.ge [sflag:s10], $0x80  }
0x27: {  	[sflag:s10] =	ssyncset.done $0x0  }
0x28: {  	s31 =	simm.s32 $0x400;
	[sflag:s10] =	ssyncadd.s32 $0xFFFFFF80  }
0x29: {  	[spmem:s3] =	stream.indirect.scatter.add.f32 [tilespmem:s11], [sflag:$0x1], $0x1, s31, s14, $0xb8;
	[tilespmem:$0x2B00] =	vst v63  }
0x2a: {  	_ =	swait.ge [sflag:s10], $0x80  }
0x2b: {  	s19 =	simm.s32 $0x4;
	s18 =	simm.s32 $0x600;
	[sflag:s10] =	ssyncset.done $0x0  }
.LBB2_2:
0x2c: {  	s19 =	sadd.s32 $0x4, s19;
	s20 =	sadd.s32 $0xFFFFFE80, s18;
	[sflag:s10] =	ssyncadd.s32 $0xFFFFFF80  }
0x2d: {  	[spmem:s3] =	stream.indirect.scatter.add.f32 [tilespmem:s11], [sflag:$0x1], $0x1, s20, s14, $0xb8;
	[tilespmem:$0x2B00] =	vst v63  }
0x2e: {  	p0 =	slt.u32 s19, $0x4C;
	_ =	swait.ge [sflag:s10], $0x80  }
0x2f: {  	[sflag:s10] =	ssyncset.done $0x0  }
0x30: {  	s20 =	sadd.s32 $0xFFFFFF00, s18;
	[sflag:s10] =	ssyncadd.s32 $0xFFFFFF80  }
0x31: {  	[spmem:s3] =	stream.indirect.scatter.add.f32 [tilespmem:s11], [sflag:$0x1], $0x1, s20, s14, $0xb8;
	[tilespmem:$0x2B00] =	vst v63  }
0x32: {  	_ =	swait.ge [sflag:s10], $0x80  }
0x33: {  	[sflag:s10] =	ssyncset.done $0x0  }
0x34: {  	s20 =	sadd.s32 $0xFFFFFF80, s18;
	[sflag:s10] =	ssyncadd.s32 $0xFFFFFF80  }
0x35: {  	[spmem:s3] =	stream.indirect.scatter.add.f32 [tilespmem:s11], [sflag:$0x1], $0x1, s20, s14, $0xb8;
	[tilespmem:$0x2B00] =	vst v63  }
0x36: {  	_ =	swait.ge [sflag:s10], $0x80  }
.Ltmp0:
0x37: {  	[sflag:s10] =	ssyncset.done $0x0;
	(pc) =	sbr.rel @p0 .LBB2_2-.Ltmp0, $4  }
0x38: {  	[sflag:s10] =	ssyncadd.s32 $0xFFFFFF80  }
0x39: {  	[spmem:s3] =	stream.indirect.scatter.add.f32 [tilespmem:s11], [sflag:$0x1], $0x1, s18, s14, $0xb8;
	[tilespmem:$0x2B00] =	vst v63  }
0x3a: {  	_ =	swait.ge [sflag:s10], $0x80  }
0x3b: {  	s18 =	sadd.s32 $0x200, s18;
	[sflag:s10] =	ssyncset.done $0x0  }
0x3c: {  	s19 =	sadd.s32 $0xFFFFFE80, s18;
	[sflag:s10] =	ssyncadd.s32 $0xFFFFFF80  }
0x3d: {  	[spmem:s3] =	stream.indirect.scatter.add.f32 [tilespmem:s11], [sflag:$0x1], $0x1, s19, s14, $0xb8;
	[tilespmem:$0x2B00] =	vst v63  }
0x3e: {  	_ =	swait.ge [sflag:s10], $0x80  }
0x3f: {  	[sflag:s10] =	ssyncset.done $0x0  }
0x40: {  	s30 =	sadd.s32 $0xFFFFFF00, s18;
	[sflag:s10] =	ssyncadd.s32 $0xFFFFFF80  }
0x41: {  	[spmem:s3] =	stream.indirect.scatter.add.f32 [tilespmem:s11], [sflag:$0x1], $0x1, s30, s14, $0xb8;
	[tilespmem:$0x2B00] =	vst v63  }
0x42: {  	_ =	swait.ge [sflag:s10], $0x80  }
0x43: {  	[sflag:s10] =	ssyncset.done $0x0  }
0x44: {  	s31 =	sadd.s32 $0xFFFFFF80, s18;
	[sflag:s10] =	ssyncadd.s32 $0xFFFFFF80  }
0x45: {  	[spmem:s3] =	stream.indirect.scatter.add.f32 [tilespmem:s11], [sflag:$0x1], $0x1, s31, s14, $0xb8;
	[tilespmem:$0x2B00] =	vst v63  }
0x46: {  	_ =	swait.ge [sflag:s10], $0x80  }
0x47: {  	[sflag:s10] =	ssyncset.done $0x0  }
0x48: {  	[sflag:s10] =	ssyncadd.s32 $0xFFFFFF80  }
0x49: {  	[spmem:s3] =	stream.indirect.scatter.add.f32 [tilespmem:s11], [sflag:$0x1], $0x1, s18, s14, $0xb8;
	[tilespmem:$0x2B00] =	vst v63  }
0x4a: {  	_ =	swait.ge [sflag:s10], $0x80  }
0x4b: {  	s17 =	sadd.s32 $0x1, s17;
	[sflag:s10] =	ssyncset.done $0x0  }
0x4c: {  	p0 =	sne.s32 s17, s8;
	[sflag:s10] =	ssyncadd.s32 $0xFFFFFF80  }
.Ltmp1:
0x4d: {  	[bflag:$0x0] =	sbarrier.arrive $0xFFFF;
	(pc) =	sbr.rel @p0 .LBB2_1-.Ltmp1, $4  }
0x4e: {  	[hbm:s7@s15], [sflag:s12] =	dma.strided [spmem:s13@s16], $0x50, s10, $0x10   }
0x4f: {  	_ =	swait.ge [sflag:s10], $0x50  }
0x50: {  	[sflag:s10] =	ssyncset.done $0x0  }
0x51: {  	[sflag:s10] =	ssyncadd.s32 $0xFFFFFFB0  }
0x52: {  	_ =	sfence.sel $0x180000  }
0x53: {  	[bflag:$0x0] =	sbarrier.arrive $0xFFFF  }
0x54: {  	p0 =	sne.s32 s0, $0x0;
	_ =	strace $0x90000047  }
0x55: {  	s0 =	sadd.s32 @!p0 $0x100000, s1;
	[bflag:$0x2] =	sbarrier.arrive $0xFFFF  }
0x56: {  	[sflag:s0] =	ssyncadd.tile.s32 @!p0 $0x1;
	_ =	shalt  }
.Lfunc_end2:
_tile_overlayer_lowered:
.L_overlay_start_2:
0x57: {  	(tag) =	ssettag $0x2  }
0x58: {  	s0 =	rddreg [dreg:$0x0];
	s2 =	stileid.u32  }
0x59: {  	s1 =	rddreg [dreg:$0x1];
	p0 =	sne.s32 s2, $0x0  }
0x5a: {  	s3 =	rddreg [dreg:$0x2];
	[bflag:$0x3] =	sbarrier.arrive $0xFFFF;
	s2 =	simm.s32 @!p0 $0x1C01  }
0x5b: {  	[timem:s3], [sflag:s2] =	dma.local @!p0 [hbm:s0], s1  }
0x5c: {  	s0 =	simm.s32 @!p0 $0x1  }
0x5d: {  	_ =	swait.ge @!p0 [sflag:s0], s1  }
0x5e: {  	s1 =	ssub.s32 @!p0 $0x0, s1;
	[sflag:s0] =	ssyncset.done @!p0 $0x0  }
0x5f: {  	[sflag:s0] =	ssyncadd.s32 @!p0 s1  }
0x60: {  	[bflag:$0x3] =	sbarrier.arrive $0xFFFF  }
0x61: {  	_ =	shalt  }

// kernel: kernel.13.cloned.1.call-start
scs
__scs_entry_jumppad:
0x0: {  	(pc) =	sbr.rel $0x88, $3  }
0x1: {  	(tag) =	ssettag $0x0;
	lr =	simm.s32 $0x1  }
0x2: {  	[smem:$0x3F98] =	sst lr;
	_ =	strace $0xD0000000  }
0x3: {  	_ = 	snop  }
0x4: {  	_ = 	snop  }
0x5: {  	_ = 	snop  }
0x6: {  	_ = 	snop  }
0x7: {  	_ = 	snop  }
__scs_overlays_trampoline_lowered:
0x8: {  	[smem:$0x3FA7] =	sst s0  }
0x9: {  	[smem:$0x3FA8] =	sst s1  }
0xa: {  	[smem:$0x3FA9] =	sst s2  }
0xb: {  	[smem:$0x3FAA] =	sst s3  }
0xc: {  	[smem:$0x3FAB] =	sst s4  }
0xd: {  	[smem:$0x3FAC] =	sst s5  }
0xe: {  	[smem:$0x3FAD] =	sst s6  }
0xf: {  	[smem:$0x3FAE] =	sst s7  }
0x10: {  	[smem:$0x3FAF] =	sst s8  }
0x11: {  	[smem:$0x3FB0] =	sst s9;
	s0 =	simm.s32 @!p0 $0x0  }
0x12: {  	s1 =	sld [smem:$0x3F96];
	s0 =	simm.s32 @p0 $0x1  }
0x13: {  	[smem:$0x3FB1] =	sst s0;
	s0 =	simm.s32 @!p1 $0x0  }
0x14: {  	s2 =	sld [smem:$0x3F95];
	s0 =	simm.s32 @p1 $0x1  }
0x15: {  	[smem:$0x3FB2] =	sst s0;
	s0 =	simm.s32 @!p2 $0x0  }
0x16: {  	s3 =	sld [smem:$0x3FDB];
	s0 =	simm.s32 @p2 $0x1  }
0x17: {  	s4 =	simm.s32 $0x1BF5;
	[smem:$0x3FB4] =	sst s0  }
0x18: {  	s0 =	sld [smem:$0x3F97];
	_ =	swait.ge [sflag:s4], $0x0  }
0x19: {  	s7 =	sld [smem:$0x3F98]  }
0x1a: {  	s8 =	sadd.s32 $0xFFFFE003, lr  }
0x1b: {  	s9 =	sadd.s32 $0xFFFFFEF7, lr;
	s5 =	simm.s32 $0xFFFFFFFF;
	p2 =	slt.u32 s8, $0xFFFFF086  }
0x1c: {  	p1 =	slt.u32 s9, $0xF7A;
	s5 =	simm.s32 @!p2 $0x0  }
0x1d: {  	s5 =	simm.s32 @p1 $0x1;
	p0 =	seq.s32 s7, s2  }
0x1e: {  	s7 =	smul.u32 @!p0 $0xF7A, s2;
	p2 =	seq.s32 @!p0 s5, $0x0  }
0x1f: {  	s9 =	smul.u32 $0xF7A, s1;
	s8 =	simm.s32 @!p0 $0x1BF5;
	p2 =	por !p2, p0  }
0x20: {  	[sflag:s8] =	ssyncset.s32 @!p0 $0xFFFFF086;
	s6 =	sadd.s32 @!p0 s3, s7;
	s7 =	simm.s32 @!p0 $0x108  }
0x21: {  	s3 =	sadd.s32 s3, s9;
	s6 =	sadd.s32 @!p0 $0x88, s6;
	s7 =	simm.s32 @p2 $0x1082  }
0x22: {  	[simem:s7], [sflag:s8] =	dma.local @!p0 [hbm:s6], $0xF7A  }
0x23: {  	s9 =	sor.u32 $0xD0000000, s2;
	s6 =	simm.s32 $0x108;
	_ =	swait.ge @!p0 [sflag:s8], $0x0  }
0x24: {  	s3 =	sadd.s32 $0x88, s3;
	s6 =	simm.s32 @!p1 $0x1082;
	[sflag:s4] =	ssyncset.s32 $0xFFFFF086  }
0x25: {  	[simem:s6], [sflag:s4] =	dma.local [hbm:s3], $0xF7A  }
0x26: {  	[smem:$0x3F98] =	sst s1;
	(tag) =	ssettag s2;
	_ =	strace s9  }
0x27: {  	s1 =	sld [smem:$0x3FA8]  }
0x28: {  	s2 =	sld [smem:$0x3FA9]  }
0x29: {  	s4 =	sld [smem:$0x3FAB]  }
0x2a: {  	p0 =	seq.s32 s5, $0x0;
	s5 =	sld [smem:$0x3FAC]  }
0x2b: {  	s6 =	sld [smem:$0x3FAD]  }
0x2c: {  	s7 =	sld [smem:$0x3FAE]  }
0x2d: {  	s3 =	simm.s32 $0x108;
	s8 =	sld [smem:$0x3FAF]  }
0x2e: {  	s3 =	simm.s32 @!p0 $0x1082;
	s9 =	sld [smem:$0x3FB0]  }
0x2f: {  	lr =	sadd.s32 s0, s3;
	s0 =	sld [smem:$0x3FA7]  }
0x30: {  	s3 =	sld [smem:$0x3FAA]  }
0x31: {  	[smem:$0x3FB3] =	sst s10  }
0x32: {  	s10 =	sld [smem:$0x3FB1];
	_ =	sdelay $0x3  }
0x33: {  	p0 =	seq.s32 s10, $0x1;
	s10 =	sld [smem:$0x3FB3];
	_ =	sdelay $0x3  }
0x34: {  	[smem:$0x3FB3] =	sst s10  }
0x35: {  	s10 =	sld [smem:$0x3FB2];
	_ =	sdelay $0x3  }
0x36: {  	p1 =	seq.s32 s10, $0x1;
	s10 =	sld [smem:$0x3FB3];
	_ =	sdelay $0x3  }
0x37: {  	[smem:$0x3FB3] =	sst s10  }
0x38: {  	s10 =	sld [smem:$0x3FB4]  }
0x39: {  	_ = 	snop;
	(pc) =	sbr.ind lr, $3  }
0x3a: {  	_ = 	snop  }
0x3b: {  	_ = 	snop  }
0x3c: {  	p2 =	seq.s32 s10, $0x1;
	s10 =	sld [smem:$0x3FB3]  }
0x3d: {  	_ =	shalt  }
0x3e: {  	_ =	shalt  }
0x3f: {  	_ =	shalt  }
0x40: {  	_ =	shalt  }
0x41: {  	_ =	shalt  }
0x42: {  	_ =	shalt  }
0x43: {  	_ =	shalt  }
0x44: {  	_ =	shalt  }
0x45: {  	_ =	shalt  }
0x46: {  	_ =	shalt  }
0x47: {  	_ =	shalt  }
0x48: {  	_ =	shalt  }
0x49: {  	_ =	shalt  }
0x4a: {  	_ =	shalt  }
0x4b: {  	_ =	shalt  }
0x4c: {  	_ =	shalt  }
0x4d: {  	_ =	shalt  }
0x4e: {  	_ =	shalt  }
0x4f: {  	_ =	shalt  }
0x50: {  	_ =	shalt  }
0x51: {  	_ =	shalt  }
0x52: {  	_ =	shalt  }
0x53: {  	_ =	shalt  }
0x54: {  	_ =	shalt  }
0x55: {  	_ =	shalt  }
0x56: {  	_ =	shalt  }
0x57: {  	_ =	shalt  }
0x58: {  	_ =	shalt  }
0x59: {  	_ =	shalt  }
0x5a: {  	_ =	shalt  }
0x5b: {  	_ =	shalt  }
0x5c: {  	_ =	shalt  }
0x5d: {  	_ =	shalt  }
0x5e: {  	_ =	shalt  }
0x5f: {  	_ =	shalt  }
0x60: {  	_ =	shalt  }
0x61: {  	_ =	shalt  }
0x62: {  	_ =	shalt  }
0x63: {  	_ =	shalt  }
0x64: {  	_ =	shalt  }
0x65: {  	_ =	shalt  }
0x66: {  	_ =	shalt  }
0x67: {  	_ =	shalt  }
0x68: {  	_ =	shalt  }
0x69: {  	_ =	shalt  }
0x6a: {  	_ =	shalt  }
0x6b: {  	_ =	shalt  }
0x6c: {  	_ =	shalt  }
0x6d: {  	_ =	shalt  }
0x6e: {  	_ =	shalt  }
0x6f: {  	_ =	shalt  }
0x70: {  	_ =	shalt  }
0x71: {  	_ =	shalt  }
0x72: {  	_ =	shalt  }
0x73: {  	_ =	shalt  }
0x74: {  	_ =	shalt  }
0x75: {  	_ =	shalt  }
0x76: {  	_ =	shalt  }
0x77: {  	_ =	shalt  }
0x78: {  	_ =	shalt  }
0x79: {  	_ =	shalt  }
0x7a: {  	_ =	shalt  }
0x7b: {  	_ =	shalt  }
0x7c: {  	_ =	shalt  }
0x7d: {  	_ =	shalt  }
0x7e: {  	_ =	shalt  }
0x7f: {  	_ =	shalt  }
0x80: {  	_ =	shalt  }
0x81: {  	_ =	shalt  }
0x82: {  	_ =	shalt  }
0x83: {  	_ =	shalt  }
0x84: {  	_ =	shalt  }
0x85: {  	_ =	shalt  }
0x86: {  	_ =	shalt  }
0x87: {  	_ =	shalt  }
.Lfunc_end0:
.L_simem_size_0:
called_computation.1_lowered:
.L_overlay_start_0:
0x88: {  	s2 =	sld [smem:$0x3FD9]  }
0x89: {  	s3 =	sld [smem:$0x3FFE];
	_ =	sdelay $0x1  }
0x8a: {  	s1 =	srdreg.scid  }
0x8b: {  	s0 =	sand.u32 $0x1, s1  }
0x8c: {  	s16 =	sshll.u32 s0, $0xA;
	s2 =	sadd.s32 s3, s2  }
0x8d: {  	s2 =	sadd.s32 s2, s16  }
0x8e: {  	[smem:$0x3FBF] =	sst s2  }
0x8f: {  	_ = 	snop  }
0x90: {  	(tm) =	ssettm $0x1  }
0x91: {  	s17 =	sld [smem:$0x3FFB];
	_ =	sdelay $0x3  }
0x92: {  	_ =	strace s17  }
0x93: {  	s2 =	sld [smem:$0x3FFC];
	_ =	sdelay $0x3  }
0x94: {  	_ =	strace s2  }
0x95: {  	s2 =	sld [smem:$0x3FFD];
	_ =	sdelay $0x3  }
0x96: {  	_ =	strace s2  }
0x97: {  	_ =	strace $0x8FFFFFFF  }
0x98: {  	s18 =	sld [smem:$0x3FDB];
	_ =	sdelay $0x1  }
0x99: {  	s19 =	simm.s32 $_scs_section_size  }
0x9a: {  	s4 =	simm.s32 $_size__tile_overlayer_lowered;
	s5 =	simm.s32 $_tile_overlayer_lowered  }
0x9b: {  	s22 =	simm.s32 $0x1BFF;
	s21 =	sshll.u32 s5, $0x1;
	s2 =	sadd.s32 s19, s18  }
0x9c: {  	s6 =	simm.s32 $0x0;
	s20 =	sshll.u32 s4, $0x1;
	s4 =	sadd.s32 s21, s2  }
0x9d: {  	[timem:s6], [sflag:s22] =	dma.local [hbm:s4], s20  }
0x9e: {  	_ =	swait.ge [sflag:s22], s20  }
0x9f: {  	s3 =	ssub.s32 $0x0, s20;
	[sflag:s22] =	ssyncset.done $0x0  }
0xa0: {  	[sflag:s22] =	ssyncadd.s32 s3;
	_ =	sdelay $0x1  }
0xa1: {  	s23 =	simm.s32 $0x1B8B  }
0xa2: {  	_ =	swait.ge [sflag:s23], $0x1  }
0xa3: {  	[sflag:s23] =	ssyncset.done $0x0  }
0xa4: {  	s25 =	simm.s32 $0x1B8E;
	s24 =	sld [smem:$0x3FFE];
	[sflag:s23] =	ssyncadd.s32 $0xFFFFFFFF  }
0xa5: {  	s26 =	simm.s32 $execute0_lowered;
	[smem:$0x3FD2] =	sst s25  }
0xa6: {  	s4 =	sshll.u32 s26, $0x1;
	_ =	strace $0x80000049;
	[dreg:$0x1] =	wrdreg $0xFFFFFFFF  }
0xa7: {  	s28 =	simm.s32 $_size_execute0_lowered;
	s2 =	sadd.s32 s2, s4;
	[dreg:$0x0] =	wrdreg $0x0  }
0xa8: {  	s4 =	sshll.u32 s28, $0x1;
	[dreg:$0x2] =	wrdreg s2  }
0xa9: {  	[dreg:$0x3] =	wrdreg s4  }
0xaa: {  	[dreg:$0x4] =	wrdreg $0xC0  }
0xab: {  	_ =	task [dreg:s6], $0x5FFFF  }
0xac: {  	[dreg:$0x1] =	wrdreg $0xFFFFFFFF  }
0xad: {  	[dreg:$0x0] =	wrdreg $0x60  }
0xae: {  	[dreg:$0x2] =	wrdreg s24  }
0xaf: {  	[dreg:$0x3] =	wrdreg $0x0  }
0xb0: {  	[dreg:$0x4] =	wrdreg $0x9  }
0xb1: {  	_ =	task.clear_ibuf [dreg:s6], $0x5FFFF;
	_ =	strace $0x90000049  }
0xb2: {  	s29 =	simm.s32 $0x9;
	_ =	strace $0x8000004B  }
0xb3: {  	_ =	swait.ge [sflag:s29], $0x1  }
0xb4: {  	[sflag:s29] =	ssyncadd.s32 $0xFFFFFFFF  }
0xb5: {  	_ =	strace $0x9000004B  }
0xb6: {  	_ =	sfence  }
0xb7: {  	s30 =	sld [smem:$0x0];
	_ =	sdelay $0x2  }
0xb8: {  	s31 =	sshll.u32 s1, $0xD;
	s1 =	sshrl.u32 s1, $0x2  }
0xb9: {  	s3 =	sand.u32 $0x4000, s31;
	s1 =	sadd.s32 s1, s30  }
0xba: {  	s0 =	sor.u32 s3, s0;
	s1 =	sshll.u32 s1, $0x11  }
0xbb: {  	s0 =	sor.u32 s1, s0  }
0xbc: {  	s0 =	sadd.s32 $0x8F2B, s0  }
0xbd: {  	[sflag:s0] =	ssyncadd.remote.s32 $0x1  }
0xbe: {  	_ =	sfence.sel $0xFFFF  }
0xbf: {  	[dreg:$0x0] =	wrdreg $0xFFFFFFFF;
	(pc) =	sbr.abs _section_cstart, $3  }
0xc0: {  	[dreg:$0x1] =	wrdreg $0xFFFFFFFF  }
0xc1: {  	_ =	task.clear_ibuf [dreg:s6], $0x2FFFF;
	_ =	strace $0x9FFFFFFF  }
0xc2: {  	(tm) =	ssettm $0x7FFFFFFF  }
0xc3: {  	_ =	shalt  }
tec
execute0_lowered:
.L_overlay_start_1:
0x0: {  	(tag) =	ssettag $0x1  }
0x1: {  	s0 =	rddreg [dreg:$0x0]  }
0x2: {  	s1 =	rddreg [dreg:$0x1];
	s3 =	simm.s32 $0x0;
	s2 =	srdreg.scid  }
0x3: {  	s17 =	stileid.u32;
	s15 =	simm.s32 $0x14000;
	s28 =	simm.s32 $0x3  }
0x4: {  	s29 =	simm.s32 $0x2;
	s30 =	simm.s32 $0x4;
	s31 =	simm.s32 $0x0  }
0x5: {  	[smem:$0x7FF] =	sst s3;
	s2 =	sand.u32 $0x1, s2;
	s6 =	smul.u32 $0x14000, s17  }
0x6: {  	s4 =	sadd.s32 $0x18200, s0;
	s12 =	sadd.s32 $0xE200, s0;
	s8 =	smul.u32 $0x50000, s17  }
0x7: {  	s11 =	sadd.s32 $0x3200, s0;
	s9 =	sadd.s32 $0x40200, s0;
	s13 =	smul.u32 $0x2800, s17  }
0x8: {  	s25 =	sshll.u32 s17, $0x6;
	s5 =	smul.u32 $0x140000, s2;
	_ =	strace $0x8000004A  }
0x9: {  	s18 =	sshll.u32 s2, $0x4;
	s7 =	ssub.s32 $0x2, s2;
	s20 =	smul.u32 $0x28000, s2  }
0xa: {  	p0 =	seq.s32 s2, $0x1;
	s10 =	sshrl.u32 s7, $0x1;
	s19 =	sshrl.u32 s8, $0x2  }
0xb: {  	s5 =	sadd.s32 s6, s5;
	s6 =	sor.u32 s17, s18;
	s10 =	ssub.s32 s7, s10  }
0xc: {  	s21 =	sadd.s32 s19, s1;
	s14 =	sadd.s32 s13, s20;
	s17 =	simm.s32 $0x40  }
0xd: {  	s18 =	simm.s32 $0x15000;
	s20 =	simm.s32 $0x17000;
	s5 =	sshrl.u32 s5, $0x3  }
0xe: {  	s6 =	smul.u32 $0x2800, s6;
	s8 =	smax.u32 s10, $0x1;
	s24 =	sor.u32 $0x400, s14  }
0xf: {  	s10 =	sor.u32 $0x1C05, s25;
	s14 =	simm.s32 $0x5;
	s25 =	simm.s32 $0x1  }
0x10: {  	s0 =	sadd.s32 s5, s0;
	s26 =	sshrl.u32 s24, $0x3;
	s24 =	simm.s32 $0x1B000  }
.Ltmp0:
0x11: {  	s6 =	sshrl.u32 s6, $0x3;
	s7 =	sadd.s32 $0x68200, s0;
	(pc) =	sbr.rel .LBB2_1-.Ltmp0, $4  }
0x12: {  	s0 =	smov.u32 s4;
	s22 =	sadd.s32 s12, s6;
	s23 =	sadd.s32 s11, s6  }
0x13: {  	s0 =	smov.u32 @p0 s9;
	s11 =	sadd.s32 s26, s11;
	[dreg:$0x3] =	wrdreg s22  }
0x14: {  	s12 =	sadd.s32 s26, s12;
	s26 =	simm.s32 $0x80;
	[dreg:$0x4] =	wrdreg s23  }
0x15: {  	s9 =	sadd.s32 s0, s13;
	s13 =	sshrl.u32 s21, $0x3;
	s22 =	simm.s32 $0x19000  }
.LBB2_3:
0x16: {  	_ =	swait.ge [sflag:s29], $0x4000  }
0x17: {  	[sflag:s29] =	ssyncset.done $0x0  }
0x18: {  	s0 =	sor.u32 $0x14800, s19;
	[sflag:s29] =	ssyncadd.s32 $0xFFFFC000  }
0x19: {  	[spmem:s1] =	stream.indirect.scatter.add.f32 [tilespmem:s22], [sflag:$0x4], $0x80, s0, s26, $0xb8;
	[tilespmem:$0x1D000] =	vst v63  }
0x1a: {  	_ =	swait.ge [sflag:s30], $0x4000  }
0x1b: {  	[sflag:s30] =	ssyncset.done $0x0  }
0x1c: {  	[sflag:s30] =	ssyncadd.s32 $0xFFFFC000  }
.LBB2_5:
0x1d: {  	s31 =	sadd.s32 $0x1, s31  }
0x1e: {  	p0 =	sne.s32 s31, s8  }
.Ltmp1:
0x1f: {  	[bflag:$0x0] =	sbarrier.arrive $0xFFFF;
	(pc) =	sbr.rel @!p0 .LBB2_6-.Ltmp1, $4  }
0x20: {  	[hbm:s7], [sflag:s10] =	dma.local [spmem:s13], $0x2800  }
0x21: {  	_ =	swait.ge [sflag:s14], $0x2800  }
0x22: {  	[sflag:s14] =	ssyncset.done $0x0  }
0x23: {  	[sflag:s14] =	ssyncadd.s32 $0xFFFFD800  }
.LBB2_1:
0x24: {  	[spmem:s13], [sflag:s10] =	dma.local [hbm:s9], $0x2800  }
0x25: {  	_ =	swait.ge [sflag:s14], $0x2800  }
0x26: {  	[sflag:s14] =	ssyncset.done $0x0  }
0x27: {  	[sflag:s14] =	ssyncadd.s32 $0xFFFFD800  }
0x28: {  	[bflag:$0x0] =	sbarrier.arrive $0xFFFF  }
0x29: {  	s0 =	simm.s32 $0x0;
	s2 =	rddreg [dreg:$0x3]  }
0x2a: {  	[tilespmem:s15], [sflag:$0x5] =	stream.linear.gather [hbm4b:s2+s0], $0x400, $0x38;
	[tilespmem:$0x1D000] =	vst v63  }
0x2b: {  	_ =	swait.ge [sflag:s14], $0x400  }
0x2c: {  	[sflag:s14] =	ssyncset.done $0x0  }
0x2d: {  	s3 =	simm.s32 $0x14800;
	s16 =	rddreg [dreg:$0x4];
	[sflag:s14] =	ssyncadd.s32 $0xFFFFFC00  }
0x2e: {  	[tilespmem:s3], [sflag:$0x5] =	stream.linear.gather [hbm4b:s16+s0], $0x400, $0x38;
	[tilespmem:$0x1D000] =	vst v63  }
0x2f: {  	_ =	swait.ge [sflag:s14], $0x400  }
0x30: {  	[sflag:s14] =	ssyncset.done $0x0  }
0x31: {  	[sflag:s14] =	ssyncadd.s32 $0xFFFFFC00  }
0x32: {  	[tilespmem:s18], [sflag:$0x1] =	stream.indirect.gather [hbm4b:s4+s17], $0x80, s15, s17, $0xb8;
	[tilespmem:$0x1D000] =	vst v63  }
0x33: {  	s19 =	simm.s32 $0x14040  }
0x34: {  	[tilespmem:s20], [sflag:$0x1] =	stream.indirect.gather [hbm4b:s4+s17], $0x80, s19, s17, $0xb8;
	[tilespmem:$0x1D000] =	vst v63  }
0x35: {  	s21 =	simm.s32 $0x14080;
	s23 =	simm.s32 $0x140C0  }
0x36: {  	[tilespmem:s22], [sflag:$0x2] =	stream.indirect.gather [hbm4b:s4+s17], $0x80, s21, s17, $0xb8;
	[tilespmem:$0x1D000] =	vst v63  }
0x37: {  	s2 =	simm.s32 $0x0;
	s0 =	simm.s32 $0x1;
	s16 =	simm.s32 $0x0  }
0x38: {  	[tilespmem:s24], [sflag:$0x2] =	stream.indirect.gather [hbm4b:s4+s17], $0x80, s23, s17, $0xb8;
	[tilespmem:$0x1D000] =	vst v63  }
.LBB2_2:
0x39: {  	_ =	swait.ge [sflag:s25], $0x4000  }
0x3a: {  	s19 =	sand.u32 $0x400, s2;
	[sflag:s25] =	ssyncset.done $0x0  }
0x3b: {  	s21 =	sor.u32 $0x14800, s19;
	[sflag:s25] =	ssyncadd.s32 $0xFFFFC000  }
0x3c: {  	[spmem:s1] =	stream.indirect.scatter.add.f32 [tilespmem:s18], [sflag:$0x3], $0x80, s21, s26, $0xb8;
	[tilespmem:$0x1D000] =	vst v63  }
0x3d: {  	_ =	swait.ge [sflag:s28], $0x4000  }
0x3e: {  	[sflag:s28] =	ssyncset.done $0x0  }
0x3f: {  	s6 =	sor.u32 $0x14100, s19;
	[sflag:s28] =	ssyncadd.s32 $0xFFFFC000  }
0x40: {  	[tilespmem:s18], [sflag:$0x1] =	stream.indirect.gather [hbm4b:s4+s17], $0x80, s6, s17, $0xb8;
	[tilespmem:$0x1D000] =	vst v63  }
0x41: {  	s23 =	sor.u32 $0x14140, s19  }
0x42: {  	[tilespmem:s20], [sflag:$0x1] =	stream.indirect.gather [hbm4b:s4+s17], $0x80, s23, s17, $0xb8;
	[tilespmem:$0x1D000] =	vst v63  }
0x43: {  	_ =	swait.ge [sflag:s29], $0x4000  }
0x44: {  	[sflag:s29] =	ssyncset.done $0x0  }
0x45: {  	s3 =	sor.u32 $0x14880, s19;
	[sflag:s29] =	ssyncadd.s32 $0xFFFFC000  }
0x46: {  	[spmem:s1] =	stream.indirect.scatter.add.f32 [tilespmem:s22], [sflag:$0x4], $0x80, s3, s26, $0xb8;
	[tilespmem:$0x1D000] =	vst v63  }
0x47: {  	_ =	swait.ge [sflag:s30], $0x4000  }
0x48: {  	[sflag:s30] =	ssyncset.done $0x0  }
0x49: {  	s5 =	sor.u32 $0x14180, s19;
	[sflag:s30] =	ssyncadd.s32 $0xFFFFC000  }
0x4a: {  	[tilespmem:s22], [sflag:$0x2] =	stream.indirect.gather [hbm4b:s4+s17], $0x80, s5, s17, $0xb8;
	[tilespmem:$0x1D000] =	vst v63  }
0x4b: {  	s6 =	sor.u32 $0x141C0, s19  }
0x4c: {  	[tilespmem:s24], [sflag:$0x2] =	stream.indirect.gather [hbm4b:s4+s17], $0x80, s6, s17, $0xb8;
	[tilespmem:$0x1D000] =	vst v63  }
0x4d: {  	_ =	swait.ge [sflag:s25], $0x4000  }
0x4e: {  	[sflag:s25] =	ssyncset.done $0x0  }
0x4f: {  	s23 =	sor.u32 $0x14900, s19;
	[sflag:s25] =	ssyncadd.s32 $0xFFFFC000  }
0x50: {  	[spmem:s1] =	stream.indirect.scatter.add.f32 [tilespmem:s18], [sflag:$0x3], $0x80, s23, s26, $0xb8;
	[tilespmem:$0x1D000] =	vst v63  }
0x51: {  	_ =	swait.ge [sflag:s28], $0x4000  }
0x52: {  	[sflag:s28] =	ssyncset.done $0x0  }
0x53: {  	s3 =	sor.u32 $0x14200, s19;
	[sflag:s28] =	ssyncadd.s32 $0xFFFFC000  }
0x54: {  	[tilespmem:s18], [sflag:$0x1] =	stream.indirect.gather [hbm4b:s4+s17], $0x80, s3, s17, $0xb8;
	[tilespmem:$0x1D000] =	vst v63  }
0x55: {  	s5 =	sor.u32 $0x14240, s19  }
0x56: {  	[tilespmem:s20], [sflag:$0x1] =	stream.indirect.gather [hbm4b:s4+s17], $0x80, s5, s17, $0xb8;
	[tilespmem:$0x1D000] =	vst v63  }
0x57: {  	_ =	swait.ge [sflag:s29], $0x4000  }
0x58: {  	[sflag:s29] =	ssyncset.done $0x0  }
0x59: {  	s6 =	sor.u32 $0x14980, s19;
	[sflag:s29] =	ssyncadd.s32 $0xFFFFC000  }
0x5a: {  	[spmem:s1] =	stream.indirect.scatter.add.f32 [tilespmem:s22], [sflag:$0x4], $0x80, s6, s26, $0xb8;
	[tilespmem:$0x1D000] =	vst v63  }
0x5b: {  	_ =	swait.ge [sflag:s30], $0x4000  }
0x5c: {  	[sflag:s30] =	ssyncset.done $0x0  }
0x5d: {  	s23 =	sor.u32 $0x14280, s19;
	[sflag:s30] =	ssyncadd.s32 $0xFFFFC000  }
0x5e: {  	[tilespmem:s22], [sflag:$0x2] =	stream.indirect.gather [hbm4b:s4+s17], $0x80, s23, s17, $0xb8;
	[tilespmem:$0x1D000] =	vst v63  }
0x5f: {  	s3 =	sor.u32 $0x142C0, s19  }
0x60: {  	[tilespmem:s24], [sflag:$0x2] =	stream.indirect.gather [hbm4b:s4+s17], $0x80, s3, s17, $0xb8;
	[tilespmem:$0x1D000] =	vst v63  }
0x61: {  	_ =	swait.ge [sflag:s25], $0x4000  }
0x62: {  	[sflag:s25] =	ssyncset.done $0x0  }
0x63: {  	s5 =	sor.u32 $0x14A00, s19;
	[sflag:s25] =	ssyncadd.s32 $0xFFFFC000  }
0x64: {  	[spmem:s1] =	stream.indirect.scatter.add.f32 [tilespmem:s18], [sflag:$0x3], $0x80, s5, s26, $0xb8;
	[tilespmem:$0x1D000] =	vst v63  }
0x65: {  	_ =	swait.ge [sflag:s28], $0x4000  }
0x66: {  	[sflag:s28] =	ssyncset.done $0x0  }
0x67: {  	s6 =	sor.u32 $0x14300, s19;
	[sflag:s28] =	ssyncadd.s32 $0xFFFFC000  }
0x68: {  	[tilespmem:s18], [sflag:$0x1] =	stream.indirect.gather [hbm4b:s4+s17], $0x80, s6, s17, $0xb8;
	[tilespmem:$0x1D000] =	vst v63  }
0x69: {  	s23 =	sor.u32 $0x14340, s19  }
0x6a: {  	[tilespmem:s20], [sflag:$0x1] =	stream.indirect.gather [hbm4b:s4+s17], $0x80, s23, s17, $0xb8;
	[tilespmem:$0x1D000] =	vst v63  }
0x6b: {  	_ =	swait.ge [sflag:s29], $0x4000  }
0x6c: {  	p0 =	seq.s32 s16, $0x480;
	s21 =	sand.u32 $0x1, s0;
	[sflag:s29] =	ssyncset.done $0x0  }
0x6d: {  	s3 =	sor.u32 $0x14A80, s19;
	s23 =	sshll.u32 @!p0 s21, $0xA;
	[sflag:s29] =	ssyncadd.s32 $0xFFFFC000  }
0x6e: {  	[spmem:s1] =	stream.indirect.scatter.add.f32 [tilespmem:s22], [sflag:$0x4], $0x80, s3, s26, $0xb8;
	[tilespmem:$0x1D000] =	vst v63  }
0x6f: {  	s5 =	sadd.s32 @!p0 s16, s12;
	s6 =	simm.s32 @!p0 $0x0;
	s3 =	sor.u32 @!p0 $0x14000, s23  }
0x70: {  	[tilespmem:s3], [sflag:$0x5] =	stream.linear.gather @!p0 [hbm4b:s5+s6], $0x400, $0x38;
	[tilespmem:$0x1D000] =	vst v63  }
0x71: {  	s3 =	simm.s32 @!p0 $0x5  }
0x72: {  	_ =	swait.ge @!p0 [sflag:s3], $0x400  }
0x73: {  	[sflag:s3] =	ssyncset.done @!p0 $0x0  }
0x74: {  	s5 =	sor.u32 @!p0 $0x14800, s23;
	s23 =	sadd.s32 @!p0 s16, s11;
	[sflag:s3] =	ssyncadd.s32 @!p0 $0xFFFFFC00  }
0x75: {  	[tilespmem:s5], [sflag:$0x5] =	stream.linear.gather @!p0 [hbm4b:s23+s6], $0x400, $0x38;
	[tilespmem:$0x1D000] =	vst v63  }
0x76: {  	_ =	swait.ge @!p0 [sflag:s3], $0x400  }
0x77: {  	[sflag:s3] =	ssyncset.done @!p0 $0x0  }
0x78: {  	[sflag:s3] =	ssyncadd.s32 @!p0 $0xFFFFFC00  }
0x79: {  	_ =	swait.ge [sflag:s30], $0x4000  }
0x7a: {  	[sflag:s30] =	ssyncset.done $0x0  }
0x7b: {  	s5 =	sor.u32 $0x14380, s19;
	[sflag:s30] =	ssyncadd.s32 $0xFFFFC000  }
0x7c: {  	[tilespmem:s22], [sflag:$0x2] =	stream.indirect.gather [hbm4b:s4+s17], $0x80, s5, s17, $0xb8;
	[tilespmem:$0x1D000] =	vst v63  }
0x7d: {  	s6 =	sadd.s32 $0x143C0, s19  }
0x7e: {  	[tilespmem:s24], [sflag:$0x2] =	stream.indirect.gather [hbm4b:s4+s17], $0x80, s6, s17, $0xb8;
	[tilespmem:$0x1D000] =	vst v63  }
0x7f: {  	_ =	swait.ge [sflag:s25], $0x4000  }
0x80: {  	s23 =	sor.u32 $0x300, s19;
	p0 =	sne.s32 s16, $0x480;
	[sflag:s25] =	ssyncset.done $0x0  }
.Ltmp2:
0x81: {  	s3 =	sor.u32 $0x14800, s23;
	[sflag:s25] =	ssyncadd.s32 $0xFFFFC000;
	(pc) =	sbr.rel @!p0 .LBB2_3-.Ltmp2, $4  }
0x82: {  	[spmem:s1] =	stream.indirect.scatter.add.f32 [tilespmem:s18], [sflag:$0x3], $0x80, s3, s26, $0xb8;
	[tilespmem:$0x1D000] =	vst v63  }
0x83: {  	_ =	swait.ge [sflag:s28], $0x4000  }
0x84: {  	[sflag:s28] =	ssyncset.done $0x0  }
0x85: {  	s19 =	sor.u32 $0x380, s19;
	[sflag:s28] =	ssyncadd.s32 $0xFFFFC000  }
0x86: {  	s3 =	sshll.u32 s21, $0xA  }
0x87: {  	s5 =	sor.u32 $0x14000, s3  }
0x88: {  	[tilespmem:s18], [sflag:$0x1] =	stream.indirect.gather [hbm4b:s4+s17], $0x80, s5, s17, $0xb8;
	[tilespmem:$0x1D000] =	vst v63  }
0x89: {  	s6 =	sor.u32 $0x14040, s3  }
0x8a: {  	[tilespmem:s20], [sflag:$0x1] =	stream.indirect.gather [hbm4b:s4+s17], $0x80, s6, s17, $0xb8;
	[tilespmem:$0x1D000] =	vst v63  }
0x8b: {  	_ =	swait.ge [sflag:s29], $0x4000  }
0x8c: {  	[sflag:s29] =	ssyncset.done $0x0  }
0x8d: {  	s21 =	sor.u32 $0x14800, s19;
	s16 =	sadd.s32 $0x80, s16;
	[sflag:s29] =	ssyncadd.s32 $0xFFFFC000  }
0x8e: {  	[spmem:s1] =	stream.indirect.scatter.add.f32 [tilespmem:s22], [sflag:$0x4], $0x80, s21, s26, $0xb8;
	[tilespmem:$0x1D000] =	vst v63  }
0x8f: {  	p0 =	sne.s32 s16, $0x500;
	_ =	swait.ge [sflag:s30], $0x4000  }
.Ltmp3:
0x90: {  	[sflag:s30] =	ssyncset.done $0x0;
	(pc) =	sbr.rel @p0 .LBB2_2-.Ltmp3, $4  }
.Ltmp4:
0x91: {  	s23 =	sor.u32 $0x14080, s3;
	[sflag:s30] =	ssyncadd.s32 $0xFFFFC000;
	(pc) =	sbr.rel @!p0 .LBB2_5-.Ltmp4, $4  }
0x92: {  	[tilespmem:s22], [sflag:$0x2] =	stream.indirect.gather [hbm4b:s4+s17], $0x80, s23, s17, $0xb8;
	[tilespmem:$0x1D000] =	vst v63  }
0x93: {  	s2 =	sadd.s32 $0x400, s2;
	s0 =	sadd.s32 $0x1, s0;
	s3 =	sor.u32 $0x140C0, s3  }
0x94: {  	[tilespmem:s24], [sflag:$0x2] =	stream.indirect.gather [hbm4b:s4+s17], $0x80, s3, s17, $0xb8;
	[tilespmem:$0x1D000] =	vst v63  }
0x95: {  	_ = 	snop  }
.LBB2_6:
0x96: {  	_ =	sfence.sel $0x180000  }
0x97: {  	[bflag:$0x0] =	sbarrier.arrive $0xFFFF  }
0x98: {  	_ =	strace $0x9000004A  }
0x99: {  	s0 =	stileid.u32;
	[bflag:$0x2] =	sbarrier.arrive $0xFFFF  }
0x9a: {  	p0 =	sne.s32 s0, $0x0;
	s0 =	rddreg [dreg:$0x2]  }
0x9b: {  	s0 =	sadd.s32 @!p0 $0x100000, s0  }
0x9c: {  	[sflag:s0] =	ssyncadd.tile.s32 @!p0 $0x1;
	_ =	shalt  }
.Lfunc_end2:
_tile_overlayer_lowered:
.L_overlay_start_2:
0x9d: {  	(tag) =	ssettag $0x2  }
0x9e: {  	s0 =	rddreg [dreg:$0x0];
	s2 =	stileid.u32  }
0x9f: {  	s1 =	rddreg [dreg:$0x1];
	p0 =	sne.s32 s2, $0x0  }
0xa0: {  	s3 =	rddreg [dreg:$0x2];
	[bflag:$0x3] =	sbarrier.arrive $0xFFFF;
	s2 =	simm.s32 @!p0 $0x1C05  }
0xa1: {  	[timem:s3], [sflag:s2] =	dma.local @!p0 [hbm:s0], s1  }
0xa2: {  	s0 =	simm.s32 @!p0 $0x5  }
0xa3: {  	_ =	swait.ge @!p0 [sflag:s0], s1  }
0xa4: {  	s1 =	ssub.s32 @!p0 $0x0, s1;
	[sflag:s0] =	ssyncset.done @!p0 $0x0  }
0xa5: {  	[sflag:s0] =	ssyncadd.s32 @!p0 s1  }
0xa6: {  	[bflag:$0x3] =	sbarrier.arrive $0xFFFF  }
0xa7: {  	_ =	shalt  }

// kernel: kernel.16.cloned.1.call-start
scs
__scs_entry_jumppad:
0x0: {  	(pc) =	sbr.rel $0x88, $3  }
0x1: {  	(tag) =	ssettag $0x0;
	lr =	simm.s32 $0x1  }
0x2: {  	[smem:$0x3F98] =	sst lr;
	_ =	strace $0xD0000000  }
0x3: {  	_ = 	snop  }
0x4: {  	_ = 	snop  }
0x5: {  	_ = 	snop  }
0x6: {  	_ = 	snop  }
0x7: {  	_ = 	snop  }
__scs_overlays_trampoline_lowered:
0x8: {  	[smem:$0x3FA7] =	sst s0  }
0x9: {  	[smem:$0x3FA8] =	sst s1  }
0xa: {  	[smem:$0x3FA9] =	sst s2  }
0xb: {  	[smem:$0x3FAA] =	sst s3  }
0xc: {  	[smem:$0x3FAB] =	sst s4  }
0xd: {  	[smem:$0x3FAC] =	sst s5  }
0xe: {  	[smem:$0x3FAD] =	sst s6  }
0xf: {  	[smem:$0x3FAE] =	sst s7  }
0x10: {  	[smem:$0x3FAF] =	sst s8  }
0x11: {  	[smem:$0x3FB0] =	sst s9;
	s0 =	simm.s32 @!p0 $0x0  }
0x12: {  	s1 =	sld [smem:$0x3F96];
	s0 =	simm.s32 @p0 $0x1  }
0x13: {  	[smem:$0x3FB1] =	sst s0;
	s0 =	simm.s32 @!p1 $0x0  }
0x14: {  	s2 =	sld [smem:$0x3F95];
	s0 =	simm.s32 @p1 $0x1  }
0x15: {  	[smem:$0x3FB2] =	sst s0;
	s0 =	simm.s32 @!p2 $0x0  }
0x16: {  	s3 =	sld [smem:$0x3FDB];
	s0 =	simm.s32 @p2 $0x1  }
0x17: {  	s4 =	simm.s32 $0x1BF5;
	[smem:$0x3FB4] =	sst s0  }
0x18: {  	s0 =	sld [smem:$0x3F97];
	_ =	swait.ge [sflag:s4], $0x0  }
0x19: {  	s7 =	sld [smem:$0x3F98]  }
0x1a: {  	s8 =	sadd.s32 $0xFFFFE003, lr  }
0x1b: {  	s9 =	sadd.s32 $0xFFFFFEF7, lr;
	s5 =	simm.s32 $0xFFFFFFFF;
	p2 =	slt.u32 s8, $0xFFFFF086  }
0x1c: {  	p1 =	slt.u32 s9, $0xF7A;
	s5 =	simm.s32 @!p2 $0x0  }
0x1d: {  	s5 =	simm.s32 @p1 $0x1;
	p0 =	seq.s32 s7, s2  }
0x1e: {  	s7 =	smul.u32 @!p0 $0xF7A, s2;
	p2 =	seq.s32 @!p0 s5, $0x0  }
0x1f: {  	s9 =	smul.u32 $0xF7A, s1;
	s8 =	simm.s32 @!p0 $0x1BF5;
	p2 =	por !p2, p0  }
0x20: {  	[sflag:s8] =	ssyncset.s32 @!p0 $0xFFFFF086;
	s6 =	sadd.s32 @!p0 s3, s7;
	s7 =	simm.s32 @!p0 $0x108  }
0x21: {  	s3 =	sadd.s32 s3, s9;
	s6 =	sadd.s32 @!p0 $0x88, s6;
	s7 =	simm.s32 @p2 $0x1082  }
0x22: {  	[simem:s7], [sflag:s8] =	dma.local @!p0 [hbm:s6], $0xF7A  }
0x23: {  	s9 =	sor.u32 $0xD0000000, s2;
	s6 =	simm.s32 $0x108;
	_ =	swait.ge @!p0 [sflag:s8], $0x0  }
0x24: {  	s3 =	sadd.s32 $0x88, s3;
	s6 =	simm.s32 @!p1 $0x1082;
	[sflag:s4] =	ssyncset.s32 $0xFFFFF086  }
0x25: {  	[simem:s6], [sflag:s4] =	dma.local [hbm:s3], $0xF7A  }
0x26: {  	[smem:$0x3F98] =	sst s1;
	(tag) =	ssettag s2;
	_ =	strace s9  }
0x27: {  	s1 =	sld [smem:$0x3FA8]  }
0x28: {  	s2 =	sld [smem:$0x3FA9]  }
0x29: {  	s4 =	sld [smem:$0x3FAB]  }
0x2a: {  	p0 =	seq.s32 s5, $0x0;
	s5 =	sld [smem:$0x3FAC]  }
0x2b: {  	s6 =	sld [smem:$0x3FAD]  }
0x2c: {  	s7 =	sld [smem:$0x3FAE]  }
0x2d: {  	s3 =	simm.s32 $0x108;
	s8 =	sld [smem:$0x3FAF]  }
0x2e: {  	s3 =	simm.s32 @!p0 $0x1082;
	s9 =	sld [smem:$0x3FB0]  }
0x2f: {  	lr =	sadd.s32 s0, s3;
	s0 =	sld [smem:$0x3FA7]  }
0x30: {  	s3 =	sld [smem:$0x3FAA]  }
0x31: {  	[smem:$0x3FB3] =	sst s10  }
0x32: {  	s10 =	sld [smem:$0x3FB1];
	_ =	sdelay $0x3  }
0x33: {  	p0 =	seq.s32 s10, $0x1;
	s10 =	sld [smem:$0x3FB3];
	_ =	sdelay $0x3  }
0x34: {  	[smem:$0x3FB3] =	sst s10  }
0x35: {  	s10 =	sld [smem:$0x3FB2];
	_ =	sdelay $0x3  }
0x36: {  	p1 =	seq.s32 s10, $0x1;
	s10 =	sld [smem:$0x3FB3];
	_ =	sdelay $0x3  }
0x37: {  	[smem:$0x3FB3] =	sst s10  }
0x38: {  	s10 =	sld [smem:$0x3FB4]  }
0x39: {  	_ = 	snop;
	(pc) =	sbr.ind lr, $3  }
0x3a: {  	_ = 	snop  }
0x3b: {  	_ = 	snop  }
0x3c: {  	p2 =	seq.s32 s10, $0x1;
	s10 =	sld [smem:$0x3FB3]  }
0x3d: {  	_ =	shalt  }
0x3e: {  	_ =	shalt  }
0x3f: {  	_ =	shalt  }
0x40: {  	_ =	shalt  }
0x41: {  	_ =	shalt  }
0x42: {  	_ =	shalt  }
0x43: {  	_ =	shalt  }
0x44: {  	_ =	shalt  }
0x45: {  	_ =	shalt  }
0x46: {  	_ =	shalt  }
0x47: {  	_ =	shalt  }
0x48: {  	_ =	shalt  }
0x49: {  	_ =	shalt  }
0x4a: {  	_ =	shalt  }
0x4b: {  	_ =	shalt  }
0x4c: {  	_ =	shalt  }
0x4d: {  	_ =	shalt  }
0x4e: {  	_ =	shalt  }
0x4f: {  	_ =	shalt  }
0x50: {  	_ =	shalt  }
0x51: {  	_ =	shalt  }
0x52: {  	_ =	shalt  }
0x53: {  	_ =	shalt  }
0x54: {  	_ =	shalt  }
0x55: {  	_ =	shalt  }
0x56: {  	_ =	shalt  }
0x57: {  	_ =	shalt  }
0x58: {  	_ =	shalt  }
0x59: {  	_ =	shalt  }
0x5a: {  	_ =	shalt  }
0x5b: {  	_ =	shalt  }
0x5c: {  	_ =	shalt  }
0x5d: {  	_ =	shalt  }
0x5e: {  	_ =	shalt  }
0x5f: {  	_ =	shalt  }
0x60: {  	_ =	shalt  }
0x61: {  	_ =	shalt  }
0x62: {  	_ =	shalt  }
0x63: {  	_ =	shalt  }
0x64: {  	_ =	shalt  }
0x65: {  	_ =	shalt  }
0x66: {  	_ =	shalt  }
0x67: {  	_ =	shalt  }
0x68: {  	_ =	shalt  }
0x69: {  	_ =	shalt  }
0x6a: {  	_ =	shalt  }
0x6b: {  	_ =	shalt  }
0x6c: {  	_ =	shalt  }
0x6d: {  	_ =	shalt  }
0x6e: {  	_ =	shalt  }
0x6f: {  	_ =	shalt  }
0x70: {  	_ =	shalt  }
0x71: {  	_ =	shalt  }
0x72: {  	_ =	shalt  }
0x73: {  	_ =	shalt  }
0x74: {  	_ =	shalt  }
0x75: {  	_ =	shalt  }
0x76: {  	_ =	shalt  }
0x77: {  	_ =	shalt  }
0x78: {  	_ =	shalt  }
0x79: {  	_ =	shalt  }
0x7a: {  	_ =	shalt  }
0x7b: {  	_ =	shalt  }
0x7c: {  	_ =	shalt  }
0x7d: {  	_ =	shalt  }
0x7e: {  	_ =	shalt  }
0x7f: {  	_ =	shalt  }
0x80: {  	_ =	shalt  }
0x81: {  	_ =	shalt  }
0x82: {  	_ =	shalt  }
0x83: {  	_ =	shalt  }
0x84: {  	_ =	shalt  }
0x85: {  	_ =	shalt  }
0x86: {  	_ =	shalt  }
0x87: {  	_ =	shalt  }
.Lfunc_end0:
.L_simem_size_0:
called_computation.2_lowered:
.L_overlay_start_0:
0x88: {  	s2 =	sld [smem:$0x3FD9]  }
0x89: {  	s3 =	sld [smem:$0x3FFE];
	_ =	sdelay $0x1  }
0x8a: {  	s1 =	srdreg.scid  }
0x8b: {  	s0 =	sand.u32 $0x1, s1  }
0x8c: {  	s16 =	sshll.u32 s0, $0xA;
	s2 =	sadd.s32 s3, s2  }
0x8d: {  	s2 =	sadd.s32 s2, s16  }
0x8e: {  	[smem:$0x3FBF] =	sst s2  }
0x8f: {  	_ = 	snop  }
0x90: {  	(tm) =	ssettm $0x1  }
0x91: {  	s17 =	sld [smem:$0x3FFB];
	_ =	sdelay $0x3  }
0x92: {  	_ =	strace s17  }
0x93: {  	s2 =	sld [smem:$0x3FFC];
	_ =	sdelay $0x3  }
0x94: {  	_ =	strace s2  }
0x95: {  	s2 =	sld [smem:$0x3FFD];
	_ =	sdelay $0x3  }
0x96: {  	_ =	strace s2  }
0x97: {  	_ =	strace $0x8FFFFFFF  }
0x98: {  	s18 =	sld [smem:$0x3FDB];
	_ =	sdelay $0x1  }
0x99: {  	s19 =	simm.s32 $_scs_section_size  }
0x9a: {  	s4 =	simm.s32 $_size__tile_overlayer_lowered;
	s5 =	simm.s32 $_tile_overlayer_lowered  }
0x9b: {  	s22 =	simm.s32 $0x1BFF;
	s21 =	sshll.u32 s5, $0x1;
	s2 =	sadd.s32 s19, s18  }
0x9c: {  	s6 =	simm.s32 $0x0;
	s20 =	sshll.u32 s4, $0x1;
	s4 =	sadd.s32 s21, s2  }
0x9d: {  	[timem:s6], [sflag:s22] =	dma.local [hbm:s4], s20  }
0x9e: {  	_ =	swait.ge [sflag:s22], s20  }
0x9f: {  	s3 =	ssub.s32 $0x0, s20;
	[sflag:s22] =	ssyncset.done $0x0  }
0xa0: {  	[sflag:s22] =	ssyncadd.s32 s3;
	_ =	sdelay $0x1  }
0xa1: {  	s23 =	simm.s32 $0x1B8B  }
0xa2: {  	_ =	swait.ge [sflag:s23], $0x1  }
0xa3: {  	[sflag:s23] =	ssyncset.done $0x0  }
0xa4: {  	s25 =	simm.s32 $0x1B8E;
	s24 =	sld [smem:$0x3FFE];
	[sflag:s23] =	ssyncadd.s32 $0xFFFFFFFF  }
0xa5: {  	s26 =	simm.s32 $execute0_lowered;
	[smem:$0x3FD2] =	sst s25  }
0xa6: {  	s4 =	sshll.u32 s26, $0x1;
	_ =	strace $0x8000004C;
	[dreg:$0x1] =	wrdreg $0xFFFFFFFF  }
0xa7: {  	s28 =	simm.s32 $_size_execute0_lowered;
	s2 =	sadd.s32 s2, s4;
	[dreg:$0x0] =	wrdreg $0x0  }
0xa8: {  	s4 =	sshll.u32 s28, $0x1;
	[dreg:$0x2] =	wrdreg s2  }
0xa9: {  	[dreg:$0x3] =	wrdreg s4  }
0xaa: {  	[dreg:$0x4] =	wrdreg $0xC0  }
0xab: {  	_ =	task [dreg:s6], $0x5FFFF  }
0xac: {  	[dreg:$0x1] =	wrdreg $0xFFFFFFFF  }
0xad: {  	[dreg:$0x0] =	wrdreg $0x60  }
0xae: {  	[dreg:$0x2] =	wrdreg s24  }
0xaf: {  	[dreg:$0x3] =	wrdreg $0x0  }
0xb0: {  	[dreg:$0x4] =	wrdreg $0x9  }
0xb1: {  	_ =	task.clear_ibuf [dreg:s6], $0x5FFFF;
	_ =	strace $0x9000004C  }
0xb2: {  	s29 =	simm.s32 $0x9;
	_ =	strace $0x8000004E  }
0xb3: {  	_ =	swait.ge [sflag:s29], $0x1  }
0xb4: {  	[sflag:s29] =	ssyncadd.s32 $0xFFFFFFFF  }
0xb5: {  	_ =	strace $0x9000004E  }
0xb6: {  	_ =	sfence  }
0xb7: {  	s30 =	sld [smem:$0x0];
	_ =	sdelay $0x2  }
0xb8: {  	s31 =	sshll.u32 s1, $0xD;
	s1 =	sshrl.u32 s1, $0x2  }
0xb9: {  	s3 =	sand.u32 $0x4000, s31;
	s1 =	sadd.s32 s1, s30  }
0xba: {  	s0 =	sor.u32 s3, s0;
	s1 =	sshll.u32 s1, $0x11  }
0xbb: {  	s0 =	sor.u32 s1, s0  }
0xbc: {  	s0 =	sadd.s32 $0x8F2B, s0  }
0xbd: {  	[sflag:s0] =	ssyncadd.remote.s32 $0x1  }
0xbe: {  	_ =	sfence.sel $0xFFFF  }
0xbf: {  	[dreg:$0x0] =	wrdreg $0xFFFFFFFF;
	(pc) =	sbr.abs _section_cstart, $3  }
0xc0: {  	[dreg:$0x1] =	wrdreg $0xFFFFFFFF  }
0xc1: {  	_ =	task.clear_ibuf [dreg:s6], $0x2FFFF;
	_ =	strace $0x9FFFFFFF  }
0xc2: {  	(tm) =	ssettm $0x7FFFFFFF  }
0xc3: {  	_ =	shalt  }
tec
execute0_lowered:
.L_overlay_start_1:
0x0: {  	(tag) =	ssettag $0x1  }
0x1: {  	s0 =	rddreg [dreg:$0x0]  }
0x2: {  	s1 =	rddreg [dreg:$0x1];
	s3 =	simm.s32 $0x0;
	s2 =	srdreg.scid  }
0x3: {  	s17 =	stileid.u32;
	s15 =	simm.s32 $0x14000;
	s28 =	simm.s32 $0x3  }
0x4: {  	s29 =	simm.s32 $0x2;
	s30 =	simm.s32 $0x4;
	s31 =	simm.s32 $0x0  }
0x5: {  	[smem:$0x7FF] =	sst s3;
	s2 =	sand.u32 $0x1, s2;
	s6 =	smul.u32 $0x14000, s17  }
0x6: {  	s4 =	sadd.s32 $0x18200, s0;
	s12 =	sadd.s32 $0xE200, s0;
	s8 =	smul.u32 $0x50000, s17  }
0x7: {  	s11 =	sadd.s32 $0x3200, s0;
	s9 =	sadd.s32 $0x40200, s0;
	s13 =	smul.u32 $0x2800, s17  }
0x8: {  	s25 =	sshll.u32 s17, $0x6;
	s5 =	smul.u32 $0x140000, s2;
	_ =	strace $0x8000004D  }
0x9: {  	s18 =	sshll.u32 s2, $0x4;
	s7 =	ssub.s32 $0x2, s2;
	s20 =	smul.u32 $0x28000, s2  }
0xa: {  	p0 =	seq.s32 s2, $0x1;
	s10 =	sshrl.u32 s7, $0x1;
	s19 =	sshrl.u32 s8, $0x2  }
0xb: {  	s5 =	sadd.s32 s6, s5;
	s6 =	sor.u32 s17, s18;
	s10 =	ssub.s32 s7, s10  }
0xc: {  	s21 =	sadd.s32 s19, s1;
	s14 =	sadd.s32 s13, s20;
	s17 =	simm.s32 $0x40  }
0xd: {  	s18 =	simm.s32 $0x15000;
	s20 =	simm.s32 $0x17000;
	s5 =	sshrl.u32 s5, $0x3  }
0xe: {  	s6 =	smul.u32 $0x2800, s6;
	s8 =	smax.u32 s10, $0x1;
	s24 =	sor.u32 $0x400, s14  }
0xf: {  	s10 =	sor.u32 $0x1C05, s25;
	s14 =	simm.s32 $0x5;
	s25 =	simm.s32 $0x1  }
0x10: {  	s0 =	sadd.s32 s5, s0;
	s26 =	sshrl.u32 s24, $0x3;
	s24 =	simm.s32 $0x1B000  }
.Ltmp0:
0x11: {  	s6 =	sshrl.u32 s6, $0x3;
	s7 =	sadd.s32 $0x68200, s0;
	(pc) =	sbr.rel .LBB2_1-.Ltmp0, $4  }
0x12: {  	s0 =	smov.u32 s4;
	s22 =	sadd.s32 s12, s6;
	s23 =	sadd.s32 s11, s6  }
0x13: {  	s0 =	smov.u32 @p0 s9;
	s11 =	sadd.s32 s26, s11;
	[dreg:$0x3] =	wrdreg s22  }
0x14: {  	s12 =	sadd.s32 s26, s12;
	s26 =	simm.s32 $0x80;
	[dreg:$0x4] =	wrdreg s23  }
0x15: {  	s9 =	sadd.s32 s0, s13;
	s13 =	sshrl.u32 s21, $0x3;
	s22 =	simm.s32 $0x19000  }
.LBB2_3:
0x16: {  	_ =	swait.ge [sflag:s29], $0x4000  }
0x17: {  	[sflag:s29] =	ssyncset.done $0x0  }
0x18: {  	s0 =	sor.u32 $0x14800, s19;
	[sflag:s29] =	ssyncadd.s32 $0xFFFFC000  }
0x19: {  	[spmem:s1] =	stream.indirect.scatter.add.f32 [tilespmem:s22], [sflag:$0x4], $0x80, s0, s26, $0xb8;
	[tilespmem:$0x1D000] =	vst v63  }
0x1a: {  	_ =	swait.ge [sflag:s30], $0x4000  }
0x1b: {  	[sflag:s30] =	ssyncset.done $0x0  }
0x1c: {  	[sflag:s30] =	ssyncadd.s32 $0xFFFFC000  }
.LBB2_5:
0x1d: {  	s31 =	sadd.s32 $0x1, s31  }
0x1e: {  	p0 =	sne.s32 s31, s8  }
.Ltmp1:
0x1f: {  	[bflag:$0x0] =	sbarrier.arrive $0xFFFF;
	(pc) =	sbr.rel @!p0 .LBB2_6-.Ltmp1, $4  }
0x20: {  	[hbm:s7], [sflag:s10] =	dma.local [spmem:s13], $0x2800  }
0x21: {  	_ =	swait.ge [sflag:s14], $0x2800  }
0x22: {  	[sflag:s14] =	ssyncset.done $0x0  }
0x23: {  	[sflag:s14] =	ssyncadd.s32 $0xFFFFD800  }
.LBB2_1:
0x24: {  	[spmem:s13], [sflag:s10] =	dma.local [hbm:s9], $0x2800  }
0x25: {  	_ =	swait.ge [sflag:s14], $0x2800  }
0x26: {  	[sflag:s14] =	ssyncset.done $0x0  }
0x27: {  	[sflag:s14] =	ssyncadd.s32 $0xFFFFD800  }
0x28: {  	[bflag:$0x0] =	sbarrier.arrive $0xFFFF  }
0x29: {  	s0 =	simm.s32 $0x0;
	s2 =	rddreg [dreg:$0x3]  }
0x2a: {  	[tilespmem:s15], [sflag:$0x5] =	stream.linear.gather [hbm4b:s2+s0], $0x400, $0x38;
	[tilespmem:$0x1D000] =	vst v63  }
0x2b: {  	_ =	swait.ge [sflag:s14], $0x400  }
0x2c: {  	[sflag:s14] =	ssyncset.done $0x0  }
0x2d: {  	s3 =	simm.s32 $0x14800;
	s16 =	rddreg [dreg:$0x4];
	[sflag:s14] =	ssyncadd.s32 $0xFFFFFC00  }
0x2e: {  	[tilespmem:s3], [sflag:$0x5] =	stream.linear.gather [hbm4b:s16+s0], $0x400, $0x38;
	[tilespmem:$0x1D000] =	vst v63  }
0x2f: {  	_ =	swait.ge [sflag:s14], $0x400  }
0x30: {  	[sflag:s14] =	ssyncset.done $0x0  }
0x31: {  	[sflag:s14] =	ssyncadd.s32 $0xFFFFFC00  }
0x32: {  	[tilespmem:s18], [sflag:$0x1] =	stream.indirect.gather [hbm4b:s4+s17], $0x80, s15, s17, $0xb8;
	[tilespmem:$0x1D000] =	vst v63  }
0x33: {  	s19 =	simm.s32 $0x14040  }
0x34: {  	[tilespmem:s20], [sflag:$0x1] =	stream.indirect.gather [hbm4b:s4+s17], $0x80, s19, s17, $0xb8;
	[tilespmem:$0x1D000] =	vst v63  }
0x35: {  	s21 =	simm.s32 $0x14080;
	s23 =	simm.s32 $0x140C0  }
0x36: {  	[tilespmem:s22], [sflag:$0x2] =	stream.indirect.gather [hbm4b:s4+s17], $0x80, s21, s17, $0xb8;
	[tilespmem:$0x1D000] =	vst v63  }
0x37: {  	s2 =	simm.s32 $0x0;
	s0 =	simm.s32 $0x1;
	s16 =	simm.s32 $0x0  }
0x38: {  	[tilespmem:s24], [sflag:$0x2] =	stream.indirect.gather [hbm4b:s4+s17], $0x80, s23, s17, $0xb8;
	[tilespmem:$0x1D000] =	vst v63  }
.LBB2_2:
0x39: {  	_ =	swait.ge [sflag:s25], $0x4000  }
0x3a: {  	s19 =	sand.u32 $0x400, s2;
	[sflag:s25] =	ssyncset.done $0x0  }
0x3b: {  	s21 =	sor.u32 $0x14800, s19;
	[sflag:s25] =	ssyncadd.s32 $0xFFFFC000  }
0x3c: {  	[spmem:s1] =	stream.indirect.scatter.add.f32 [tilespmem:s18], [sflag:$0x3], $0x80, s21, s26, $0xb8;
	[tilespmem:$0x1D000] =	vst v63  }
0x3d: {  	_ =	swait.ge [sflag:s28], $0x4000  }
0x3e: {  	[sflag:s28] =	ssyncset.done $0x0  }
0x3f: {  	s6 =	sor.u32 $0x14100, s19;
	[sflag:s28] =	ssyncadd.s32 $0xFFFFC000  }
0x40: {  	[tilespmem:s18], [sflag:$0x1] =	stream.indirect.gather [hbm4b:s4+s17], $0x80, s6, s17, $0xb8;
	[tilespmem:$0x1D000] =	vst v63  }
0x41: {  	s23 =	sor.u32 $0x14140, s19  }
0x42: {  	[tilespmem:s20], [sflag:$0x1] =	stream.indirect.gather [hbm4b:s4+s17], $0x80, s23, s17, $0xb8;
	[tilespmem:$0x1D000] =	vst v63  }
0x43: {  	_ =	swait.ge [sflag:s29], $0x4000  }
0x44: {  	[sflag:s29] =	ssyncset.done $0x0  }
0x45: {  	s3 =	sor.u32 $0x14880, s19;
	[sflag:s29] =	ssyncadd.s32 $0xFFFFC000  }
0x46: {  	[spmem:s1] =	stream.indirect.scatter.add.f32 [tilespmem:s22], [sflag:$0x4], $0x80, s3, s26, $0xb8;
	[tilespmem:$0x1D000] =	vst v63  }
0x47: {  	_ =	swait.ge [sflag:s30], $0x4000  }
0x48: {  	[sflag:s30] =	ssyncset.done $0x0  }
0x49: {  	s5 =	sor.u32 $0x14180, s19;
	[sflag:s30] =	ssyncadd.s32 $0xFFFFC000  }
0x4a: {  	[tilespmem:s22], [sflag:$0x2] =	stream.indirect.gather [hbm4b:s4+s17], $0x80, s5, s17, $0xb8;
	[tilespmem:$0x1D000] =	vst v63  }
0x4b: {  	s6 =	sor.u32 $0x141C0, s19  }
0x4c: {  	[tilespmem:s24], [sflag:$0x2] =	stream.indirect.gather [hbm4b:s4+s17], $0x80, s6, s17, $0xb8;
	[tilespmem:$0x1D000] =	vst v63  }
0x4d: {  	_ =	swait.ge [sflag:s25], $0x4000  }
0x4e: {  	[sflag:s25] =	ssyncset.done $0x0  }
0x4f: {  	s23 =	sor.u32 $0x14900, s19;
	[sflag:s25] =	ssyncadd.s32 $0xFFFFC000  }
0x50: {  	[spmem:s1] =	stream.indirect.scatter.add.f32 [tilespmem:s18], [sflag:$0x3], $0x80, s23, s26, $0xb8;
	[tilespmem:$0x1D000] =	vst v63  }
0x51: {  	_ =	swait.ge [sflag:s28], $0x4000  }
0x52: {  	[sflag:s28] =	ssyncset.done $0x0  }
0x53: {  	s3 =	sor.u32 $0x14200, s19;
	[sflag:s28] =	ssyncadd.s32 $0xFFFFC000  }
0x54: {  	[tilespmem:s18], [sflag:$0x1] =	stream.indirect.gather [hbm4b:s4+s17], $0x80, s3, s17, $0xb8;
	[tilespmem:$0x1D000] =	vst v63  }
0x55: {  	s5 =	sor.u32 $0x14240, s19  }
0x56: {  	[tilespmem:s20], [sflag:$0x1] =	stream.indirect.gather [hbm4b:s4+s17], $0x80, s5, s17, $0xb8;
	[tilespmem:$0x1D000] =	vst v63  }
0x57: {  	_ =	swait.ge [sflag:s29], $0x4000  }
0x58: {  	[sflag:s29] =	ssyncset.done $0x0  }
0x59: {  	s6 =	sor.u32 $0x14980, s19;
	[sflag:s29] =	ssyncadd.s32 $0xFFFFC000  }
0x5a: {  	[spmem:s1] =	stream.indirect.scatter.add.f32 [tilespmem:s22], [sflag:$0x4], $0x80, s6, s26, $0xb8;
	[tilespmem:$0x1D000] =	vst v63  }
0x5b: {  	_ =	swait.ge [sflag:s30], $0x4000  }
0x5c: {  	[sflag:s30] =	ssyncset.done $0x0  }
0x5d: {  	s23 =	sor.u32 $0x14280, s19;
	[sflag:s30] =	ssyncadd.s32 $0xFFFFC000  }
0x5e: {  	[tilespmem:s22], [sflag:$0x2] =	stream.indirect.gather [hbm4b:s4+s17], $0x80, s23, s17, $0xb8;
	[tilespmem:$0x1D000] =	vst v63  }
0x5f: {  	s3 =	sor.u32 $0x142C0, s19  }
0x60: {  	[tilespmem:s24], [sflag:$0x2] =	stream.indirect.gather [hbm4b:s4+s17], $0x80, s3, s17, $0xb8;
	[tilespmem:$0x1D000] =	vst v63  }
0x61: {  	_ =	swait.ge [sflag:s25], $0x4000  }
0x62: {  	[sflag:s25] =	ssyncset.done $0x0  }
0x63: {  	s5 =	sor.u32 $0x14A00, s19;
	[sflag:s25] =	ssyncadd.s32 $0xFFFFC000  }
0x64: {  	[spmem:s1] =	stream.indirect.scatter.add.f32 [tilespmem:s18], [sflag:$0x3], $0x80, s5, s26, $0xb8;
	[tilespmem:$0x1D000] =	vst v63  }
0x65: {  	_ =	swait.ge [sflag:s28], $0x4000  }
0x66: {  	[sflag:s28] =	ssyncset.done $0x0  }
0x67: {  	s6 =	sor.u32 $0x14300, s19;
	[sflag:s28] =	ssyncadd.s32 $0xFFFFC000  }
0x68: {  	[tilespmem:s18], [sflag:$0x1] =	stream.indirect.gather [hbm4b:s4+s17], $0x80, s6, s17, $0xb8;
	[tilespmem:$0x1D000] =	vst v63  }
0x69: {  	s23 =	sor.u32 $0x14340, s19  }
0x6a: {  	[tilespmem:s20], [sflag:$0x1] =	stream.indirect.gather [hbm4b:s4+s17], $0x80, s23, s17, $0xb8;
	[tilespmem:$0x1D000] =	vst v63  }
0x6b: {  	_ =	swait.ge [sflag:s29], $0x4000  }
0x6c: {  	p0 =	seq.s32 s16, $0x480;
	s21 =	sand.u32 $0x1, s0;
	[sflag:s29] =	ssyncset.done $0x0  }
0x6d: {  	s3 =	sor.u32 $0x14A80, s19;
	s23 =	sshll.u32 @!p0 s21, $0xA;
	[sflag:s29] =	ssyncadd.s32 $0xFFFFC000  }
0x6e: {  	[spmem:s1] =	stream.indirect.scatter.add.f32 [tilespmem:s22], [sflag:$0x4], $0x80, s3, s26, $0xb8;
	[tilespmem:$0x1D000] =	vst v63  }
0x6f: {  	s5 =	sadd.s32 @!p0 s16, s12;
	s6 =	simm.s32 @!p0 $0x0;
	s3 =	sor.u32 @!p0 $0x14000, s23  }
0x70: {  	[tilespmem:s3], [sflag:$0x5] =	stream.linear.gather @!p0 [hbm4b:s5+s6], $0x400, $0x38;
	[tilespmem:$0x1D000] =	vst v63  }
0x71: {  	s3 =	simm.s32 @!p0 $0x5  }
0x72: {  	_ =	swait.ge @!p0 [sflag:s3], $0x400  }
0x73: {  	[sflag:s3] =	ssyncset.done @!p0 $0x0  }
0x74: {  	s5 =	sor.u32 @!p0 $0x14800, s23;
	s23 =	sadd.s32 @!p0 s16, s11;
	[sflag:s3] =	ssyncadd.s32 @!p0 $0xFFFFFC00  }
0x75: {  	[tilespmem:s5], [sflag:$0x5] =	stream.linear.gather @!p0 [hbm4b:s23+s6], $0x400, $0x38;
	[tilespmem:$0x1D000] =	vst v63  }
0x76: {  	_ =	swait.ge @!p0 [sflag:s3], $0x400  }
0x77: {  	[sflag:s3] =	ssyncset.done @!p0 $0x0  }
0x78: {  	[sflag:s3] =	ssyncadd.s32 @!p0 $0xFFFFFC00  }
0x79: {  	_ =	swait.ge [sflag:s30], $0x4000  }
0x7a: {  	[sflag:s30] =	ssyncset.done $0x0  }
0x7b: {  	s5 =	sor.u32 $0x14380, s19;
	[sflag:s30] =	ssyncadd.s32 $0xFFFFC000  }
0x7c: {  	[tilespmem:s22], [sflag:$0x2] =	stream.indirect.gather [hbm4b:s4+s17], $0x80, s5, s17, $0xb8;
	[tilespmem:$0x1D000] =	vst v63  }
0x7d: {  	s6 =	sadd.s32 $0x143C0, s19  }
0x7e: {  	[tilespmem:s24], [sflag:$0x2] =	stream.indirect.gather [hbm4b:s4+s17], $0x80, s6, s17, $0xb8;
	[tilespmem:$0x1D000] =	vst v63  }
0x7f: {  	_ =	swait.ge [sflag:s25], $0x4000  }
0x80: {  	s23 =	sor.u32 $0x300, s19;
	p0 =	sne.s32 s16, $0x480;
	[sflag:s25] =	ssyncset.done $0x0  }
.Ltmp2:
0x81: {  	s3 =	sor.u32 $0x14800, s23;
	[sflag:s25] =	ssyncadd.s32 $0xFFFFC000;
	(pc) =	sbr.rel @!p0 .LBB2_3-.Ltmp2, $4  }
0x82: {  	[spmem:s1] =	stream.indirect.scatter.add.f32 [tilespmem:s18], [sflag:$0x3], $0x80, s3, s26, $0xb8;
	[tilespmem:$0x1D000] =	vst v63  }
0x83: {  	_ =	swait.ge [sflag:s28], $0x4000  }
0x84: {  	[sflag:s28] =	ssyncset.done $0x0  }
0x85: {  	s19 =	sor.u32 $0x380, s19;
	[sflag:s28] =	ssyncadd.s32 $0xFFFFC000  }
0x86: {  	s3 =	sshll.u32 s21, $0xA  }
0x87: {  	s5 =	sor.u32 $0x14000, s3  }
0x88: {  	[tilespmem:s18], [sflag:$0x1] =	stream.indirect.gather [hbm4b:s4+s17], $0x80, s5, s17, $0xb8;
	[tilespmem:$0x1D000] =	vst v63  }
0x89: {  	s6 =	sor.u32 $0x14040, s3  }
0x8a: {  	[tilespmem:s20], [sflag:$0x1] =	stream.indirect.gather [hbm4b:s4+s17], $0x80, s6, s17, $0xb8;
	[tilespmem:$0x1D000] =	vst v63  }
0x8b: {  	_ =	swait.ge [sflag:s29], $0x4000  }
0x8c: {  	[sflag:s29] =	ssyncset.done $0x0  }
0x8d: {  	s21 =	sor.u32 $0x14800, s19;
	s16 =	sadd.s32 $0x80, s16;
	[sflag:s29] =	ssyncadd.s32 $0xFFFFC000  }
0x8e: {  	[spmem:s1] =	stream.indirect.scatter.add.f32 [tilespmem:s22], [sflag:$0x4], $0x80, s21, s26, $0xb8;
	[tilespmem:$0x1D000] =	vst v63  }
0x8f: {  	p0 =	sne.s32 s16, $0x500;
	_ =	swait.ge [sflag:s30], $0x4000  }
.Ltmp3:
0x90: {  	[sflag:s30] =	ssyncset.done $0x0;
	(pc) =	sbr.rel @p0 .LBB2_2-.Ltmp3, $4  }
.Ltmp4:
0x91: {  	s23 =	sor.u32 $0x14080, s3;
	[sflag:s30] =	ssyncadd.s32 $0xFFFFC000;
	(pc) =	sbr.rel @!p0 .LBB2_5-.Ltmp4, $4  }
0x92: {  	[tilespmem:s22], [sflag:$0x2] =	stream.indirect.gather [hbm4b:s4+s17], $0x80, s23, s17, $0xb8;
	[tilespmem:$0x1D000] =	vst v63  }
0x93: {  	s2 =	sadd.s32 $0x400, s2;
	s0 =	sadd.s32 $0x1, s0;
	s3 =	sor.u32 $0x140C0, s3  }
0x94: {  	[tilespmem:s24], [sflag:$0x2] =	stream.indirect.gather [hbm4b:s4+s17], $0x80, s3, s17, $0xb8;
	[tilespmem:$0x1D000] =	vst v63  }
0x95: {  	_ = 	snop  }
.LBB2_6:
0x96: {  	_ =	sfence.sel $0x180000  }
0x97: {  	[bflag:$0x0] =	sbarrier.arrive $0xFFFF  }
0x98: {  	_ =	strace $0x9000004D  }
0x99: {  	s0 =	stileid.u32;
	[bflag:$0x2] =	sbarrier.arrive $0xFFFF  }
0x9a: {  	p0 =	sne.s32 s0, $0x0;
	s0 =	rddreg [dreg:$0x2]  }
0x9b: {  	s0 =	sadd.s32 @!p0 $0x100000, s0  }
0x9c: {  	[sflag:s0] =	ssyncadd.tile.s32 @!p0 $0x1;
	_ =	shalt  }
.Lfunc_end2:
_tile_overlayer_lowered:
.L_overlay_start_2:
0x9d: {  	(tag) =	ssettag $0x2  }
0x9e: {  	s0 =	rddreg [dreg:$0x0];
	s2 =	stileid.u32  }
0x9f: {  	s1 =	rddreg [dreg:$0x1];
	p0 =	sne.s32 s2, $0x0  }
0xa0: {  	s3 =	rddreg [dreg:$0x2];
	[bflag:$0x3] =	sbarrier.arrive $0xFFFF;
	s2 =	simm.s32 @!p0 $0x1C05  }
0xa1: {  	[timem:s3], [sflag:s2] =	dma.local @!p0 [hbm:s0], s1  }
0xa2: {  	s0 =	simm.s32 @!p0 $0x5  }
0xa3: {  	_ =	swait.ge @!p0 [sflag:s0], s1  }
0xa4: {  	s1 =	ssub.s32 @!p0 $0x0, s1;
	[sflag:s0] =	ssyncset.done @!p0 $0x0  }
0xa5: {  	[sflag:s0] =	ssyncadd.s32 @!p0 s1  }
0xa6: {  	[bflag:$0x3] =	sbarrier.arrive $0xFFFF  }
0xa7: {  	_ =	shalt  }

// kernel: kernel.19.cloned.1.call-start
scs
__scs_entry_jumppad:
0x0: {  	(pc) =	sbr.rel $0x88, $3  }
0x1: {  	(tag) =	ssettag $0x0;
	lr =	simm.s32 $0x1  }
0x2: {  	[smem:$0x3F98] =	sst lr;
	_ =	strace $0xD0000000  }
0x3: {  	_ = 	snop  }
0x4: {  	_ = 	snop  }
0x5: {  	_ = 	snop  }
0x6: {  	_ = 	snop  }
0x7: {  	_ = 	snop  }
__scs_overlays_trampoline_lowered:
0x8: {  	[smem:$0x3FA7] =	sst s0  }
0x9: {  	[smem:$0x3FA8] =	sst s1  }
0xa: {  	[smem:$0x3FA9] =	sst s2  }
0xb: {  	[smem:$0x3FAA] =	sst s3  }
0xc: {  	[smem:$0x3FAB] =	sst s4  }
0xd: {  	[smem:$0x3FAC] =	sst s5  }
0xe: {  	[smem:$0x3FAD] =	sst s6  }
0xf: {  	[smem:$0x3FAE] =	sst s7  }
0x10: {  	[smem:$0x3FAF] =	sst s8  }
0x11: {  	[smem:$0x3FB0] =	sst s9;
	s0 =	simm.s32 @!p0 $0x0  }
0x12: {  	s1 =	sld [smem:$0x3F96];
	s0 =	simm.s32 @p0 $0x1  }
0x13: {  	[smem:$0x3FB1] =	sst s0;
	s0 =	simm.s32 @!p1 $0x0  }
0x14: {  	s2 =	sld [smem:$0x3F95];
	s0 =	simm.s32 @p1 $0x1  }
0x15: {  	[smem:$0x3FB2] =	sst s0;
	s0 =	simm.s32 @!p2 $0x0  }
0x16: {  	s3 =	sld [smem:$0x3FDB];
	s0 =	simm.s32 @p2 $0x1  }
0x17: {  	s4 =	simm.s32 $0x1BF5;
	[smem:$0x3FB4] =	sst s0  }
0x18: {  	s0 =	sld [smem:$0x3F97];
	_ =	swait.ge [sflag:s4], $0x0  }
0x19: {  	s7 =	sld [smem:$0x3F98]  }
0x1a: {  	s8 =	sadd.s32 $0xFFFFE003, lr  }
0x1b: {  	s9 =	sadd.s32 $0xFFFFFEF7, lr;
	s5 =	simm.s32 $0xFFFFFFFF;
	p2 =	slt.u32 s8, $0xFFFFF086  }
0x1c: {  	p1 =	slt.u32 s9, $0xF7A;
	s5 =	simm.s32 @!p2 $0x0  }
0x1d: {  	s5 =	simm.s32 @p1 $0x1;
	p0 =	seq.s32 s7, s2  }
0x1e: {  	s7 =	smul.u32 @!p0 $0xF7A, s2;
	p2 =	seq.s32 @!p0 s5, $0x0  }
0x1f: {  	s9 =	smul.u32 $0xF7A, s1;
	s8 =	simm.s32 @!p0 $0x1BF5;
	p2 =	por !p2, p0  }
0x20: {  	[sflag:s8] =	ssyncset.s32 @!p0 $0xFFFFF086;
	s6 =	sadd.s32 @!p0 s3, s7;
	s7 =	simm.s32 @!p0 $0x108  }
0x21: {  	s3 =	sadd.s32 s3, s9;
	s6 =	sadd.s32 @!p0 $0x88, s6;
	s7 =	simm.s32 @p2 $0x1082  }
0x22: {  	[simem:s7], [sflag:s8] =	dma.local @!p0 [hbm:s6], $0xF7A  }
0x23: {  	s9 =	sor.u32 $0xD0000000, s2;
	s6 =	simm.s32 $0x108;
	_ =	swait.ge @!p0 [sflag:s8], $0x0  }
0x24: {  	s3 =	sadd.s32 $0x88, s3;
	s6 =	simm.s32 @!p1 $0x1082;
	[sflag:s4] =	ssyncset.s32 $0xFFFFF086  }
0x25: {  	[simem:s6], [sflag:s4] =	dma.local [hbm:s3], $0xF7A  }
0x26: {  	[smem:$0x3F98] =	sst s1;
	(tag) =	ssettag s2;
	_ =	strace s9  }
0x27: {  	s1 =	sld [smem:$0x3FA8]  }
0x28: {  	s2 =	sld [smem:$0x3FA9]  }
0x29: {  	s4 =	sld [smem:$0x3FAB]  }
0x2a: {  	p0 =	seq.s32 s5, $0x0;
	s5 =	sld [smem:$0x3FAC]  }
0x2b: {  	s6 =	sld [smem:$0x3FAD]  }
0x2c: {  	s7 =	sld [smem:$0x3FAE]  }
0x2d: {  	s3 =	simm.s32 $0x108;
	s8 =	sld [smem:$0x3FAF]  }
0x2e: {  	s3 =	simm.s32 @!p0 $0x1082;
	s9 =	sld [smem:$0x3FB0]  }
0x2f: {  	lr =	sadd.s32 s0, s3;
	s0 =	sld [smem:$0x3FA7]  }
0x30: {  	s3 =	sld [smem:$0x3FAA]  }
0x31: {  	[smem:$0x3FB3] =	sst s10  }
0x32: {  	s10 =	sld [smem:$0x3FB1];
	_ =	sdelay $0x3  }
0x33: {  	p0 =	seq.s32 s10, $0x1;
	s10 =	sld [smem:$0x3FB3];
	_ =	sdelay $0x3  }
0x34: {  	[smem:$0x3FB3] =	sst s10  }
0x35: {  	s10 =	sld [smem:$0x3FB2];
	_ =	sdelay $0x3  }
0x36: {  	p1 =	seq.s32 s10, $0x1;
	s10 =	sld [smem:$0x3FB3];
	_ =	sdelay $0x3  }
0x37: {  	[smem:$0x3FB3] =	sst s10  }
0x38: {  	s10 =	sld [smem:$0x3FB4]  }
0x39: {  	_ = 	snop;
	(pc) =	sbr.ind lr, $3  }
0x3a: {  	_ = 	snop  }
0x3b: {  	_ = 	snop  }
0x3c: {  	p2 =	seq.s32 s10, $0x1;
	s10 =	sld [smem:$0x3FB3]  }
0x3d: {  	_ =	shalt  }
0x3e: {  	_ =	shalt  }
0x3f: {  	_ =	shalt  }
0x40: {  	_ =	shalt  }
0x41: {  	_ =	shalt  }
0x42: {  	_ =	shalt  }
0x43: {  	_ =	shalt  }
0x44: {  	_ =	shalt  }
0x45: {  	_ =	shalt  }
0x46: {  	_ =	shalt  }
0x47: {  	_ =	shalt  }
0x48: {  	_ =	shalt  }
0x49: {  	_ =	shalt  }
0x4a: {  	_ =	shalt  }
0x4b: {  	_ =	shalt  }
0x4c: {  	_ =	shalt  }
0x4d: {  	_ =	shalt  }
0x4e: {  	_ =	shalt  }
0x4f: {  	_ =	shalt  }
0x50: {  	_ =	shalt  }
0x51: {  	_ =	shalt  }
0x52: {  	_ =	shalt  }
0x53: {  	_ =	shalt  }
0x54: {  	_ =	shalt  }
0x55: {  	_ =	shalt  }
0x56: {  	_ =	shalt  }
0x57: {  	_ =	shalt  }
0x58: {  	_ =	shalt  }
0x59: {  	_ =	shalt  }
0x5a: {  	_ =	shalt  }
0x5b: {  	_ =	shalt  }
0x5c: {  	_ =	shalt  }
0x5d: {  	_ =	shalt  }
0x5e: {  	_ =	shalt  }
0x5f: {  	_ =	shalt  }
0x60: {  	_ =	shalt  }
0x61: {  	_ =	shalt  }
0x62: {  	_ =	shalt  }
0x63: {  	_ =	shalt  }
0x64: {  	_ =	shalt  }
0x65: {  	_ =	shalt  }
0x66: {  	_ =	shalt  }
0x67: {  	_ =	shalt  }
0x68: {  	_ =	shalt  }
0x69: {  	_ =	shalt  }
0x6a: {  	_ =	shalt  }
0x6b: {  	_ =	shalt  }
0x6c: {  	_ =	shalt  }
0x6d: {  	_ =	shalt  }
0x6e: {  	_ =	shalt  }
0x6f: {  	_ =	shalt  }
0x70: {  	_ =	shalt  }
0x71: {  	_ =	shalt  }
0x72: {  	_ =	shalt  }
0x73: {  	_ =	shalt  }
0x74: {  	_ =	shalt  }
0x75: {  	_ =	shalt  }
0x76: {  	_ =	shalt  }
0x77: {  	_ =	shalt  }
0x78: {  	_ =	shalt  }
0x79: {  	_ =	shalt  }
0x7a: {  	_ =	shalt  }
0x7b: {  	_ =	shalt  }
0x7c: {  	_ =	shalt  }
0x7d: {  	_ =	shalt  }
0x7e: {  	_ =	shalt  }
0x7f: {  	_ =	shalt  }
0x80: {  	_ =	shalt  }
0x81: {  	_ =	shalt  }
0x82: {  	_ =	shalt  }
0x83: {  	_ =	shalt  }
0x84: {  	_ =	shalt  }
0x85: {  	_ =	shalt  }
0x86: {  	_ =	shalt  }
0x87: {  	_ =	shalt  }
.Lfunc_end0:
.L_simem_size_0:
called_computation.3_lowered:
.L_overlay_start_0:
0x88: {  	s2 =	sld [smem:$0x3FD9]  }
0x89: {  	s3 =	sld [smem:$0x3FFE];
	_ =	sdelay $0x1  }
0x8a: {  	s1 =	srdreg.scid  }
0x8b: {  	s0 =	sand.u32 $0x1, s1  }
0x8c: {  	s16 =	sshll.u32 s0, $0xA;
	s2 =	sadd.s32 s3, s2  }
0x8d: {  	s2 =	sadd.s32 s2, s16  }
0x8e: {  	[smem:$0x3FBF] =	sst s2  }
0x8f: {  	_ = 	snop  }
0x90: {  	(tm) =	ssettm $0x1  }
0x91: {  	s17 =	sld [smem:$0x3FFB];
	_ =	sdelay $0x3  }
0x92: {  	_ =	strace s17  }
0x93: {  	s2 =	sld [smem:$0x3FFC];
	_ =	sdelay $0x3  }
0x94: {  	_ =	strace s2  }
0x95: {  	s2 =	sld [smem:$0x3FFD];
	_ =	sdelay $0x3  }
0x96: {  	_ =	strace s2  }
0x97: {  	_ =	strace $0x8FFFFFFF  }
0x98: {  	s18 =	sld [smem:$0x3FDB];
	_ =	sdelay $0x1  }
0x99: {  	s19 =	simm.s32 $_scs_section_size  }
0x9a: {  	s4 =	simm.s32 $_size__tile_overlayer_lowered;
	s5 =	simm.s32 $_tile_overlayer_lowered  }
0x9b: {  	s22 =	simm.s32 $0x1BFF;
	s21 =	sshll.u32 s5, $0x1;
	s2 =	sadd.s32 s19, s18  }
0x9c: {  	s6 =	simm.s32 $0x0;
	s20 =	sshll.u32 s4, $0x1;
	s4 =	sadd.s32 s21, s2  }
0x9d: {  	[timem:s6], [sflag:s22] =	dma.local [hbm:s4], s20  }
0x9e: {  	_ =	swait.ge [sflag:s22], s20  }
0x9f: {  	s3 =	ssub.s32 $0x0, s20;
	[sflag:s22] =	ssyncset.done $0x0  }
0xa0: {  	[sflag:s22] =	ssyncadd.s32 s3;
	_ =	sdelay $0x1  }
0xa1: {  	s23 =	simm.s32 $0x1B8B  }
0xa2: {  	_ =	swait.ge [sflag:s23], $0x1  }
0xa3: {  	[sflag:s23] =	ssyncset.done $0x0  }
0xa4: {  	s25 =	simm.s32 $0x1B8E;
	s24 =	sld [smem:$0x3FFE];
	[sflag:s23] =	ssyncadd.s32 $0xFFFFFFFF  }
0xa5: {  	s26 =	simm.s32 $execute0_lowered;
	[smem:$0x3FD2] =	sst s25  }
0xa6: {  	s4 =	sshll.u32 s26, $0x1;
	_ =	strace $0x8000004F;
	[dreg:$0x1] =	wrdreg $0xFFFFFFFF  }
0xa7: {  	s28 =	simm.s32 $_size_execute0_lowered;
	s2 =	sadd.s32 s2, s4;
	[dreg:$0x0] =	wrdreg $0x0  }
0xa8: {  	s4 =	sshll.u32 s28, $0x1;
	[dreg:$0x2] =	wrdreg s2  }
0xa9: {  	[dreg:$0x3] =	wrdreg s4  }
0xaa: {  	[dreg:$0x4] =	wrdreg $0xC0  }
0xab: {  	_ =	task [dreg:s6], $0x5FFFF  }
0xac: {  	[dreg:$0x1] =	wrdreg $0xFFFFFFFF  }
0xad: {  	[dreg:$0x0] =	wrdreg $0x60  }
0xae: {  	[dreg:$0x2] =	wrdreg s24  }
0xaf: {  	[dreg:$0x3] =	wrdreg $0x0  }
0xb0: {  	[dreg:$0x4] =	wrdreg $0x9  }
0xb1: {  	_ =	task.clear_ibuf [dreg:s6], $0x5FFFF;
	_ =	strace $0x9000004F  }
0xb2: {  	s29 =	simm.s32 $0x9;
	_ =	strace $0x80000051  }
0xb3: {  	_ =	swait.ge [sflag:s29], $0x1  }
0xb4: {  	[sflag:s29] =	ssyncadd.s32 $0xFFFFFFFF  }
0xb5: {  	_ =	strace $0x90000051  }
0xb6: {  	_ =	sfence  }
0xb7: {  	s30 =	sld [smem:$0x0];
	_ =	sdelay $0x2  }
0xb8: {  	s31 =	sshll.u32 s1, $0xD;
	s1 =	sshrl.u32 s1, $0x2  }
0xb9: {  	s3 =	sand.u32 $0x4000, s31;
	s1 =	sadd.s32 s1, s30  }
0xba: {  	s0 =	sor.u32 s3, s0;
	s1 =	sshll.u32 s1, $0x11  }
0xbb: {  	s0 =	sor.u32 s1, s0  }
0xbc: {  	s0 =	sadd.s32 $0x8F2B, s0  }
0xbd: {  	[sflag:s0] =	ssyncadd.remote.s32 $0x1  }
0xbe: {  	_ =	sfence.sel $0xFFFF  }
0xbf: {  	[dreg:$0x0] =	wrdreg $0xFFFFFFFF;
	(pc) =	sbr.abs _section_cstart, $3  }
0xc0: {  	[dreg:$0x1] =	wrdreg $0xFFFFFFFF  }
0xc1: {  	_ =	task.clear_ibuf [dreg:s6], $0x2FFFF;
	_ =	strace $0x9FFFFFFF  }
0xc2: {  	(tm) =	ssettm $0x7FFFFFFF  }
0xc3: {  	_ =	shalt  }
tec
execute0_lowered:
.L_overlay_start_1:
0x0: {  	(tag) =	ssettag $0x1  }
0x1: {  	s0 =	rddreg [dreg:$0x0]  }
0x2: {  	s1 =	rddreg [dreg:$0x1];
	s3 =	simm.s32 $0x0;
	s2 =	srdreg.scid  }
0x3: {  	s17 =	stileid.u32;
	s15 =	simm.s32 $0x14000;
	s28 =	simm.s32 $0x3  }
0x4: {  	s29 =	simm.s32 $0x2;
	s30 =	simm.s32 $0x4;
	s31 =	simm.s32 $0x0  }
0x5: {  	[smem:$0x7FF] =	sst s3;
	s2 =	sand.u32 $0x1, s2;
	s6 =	smul.u32 $0x14000, s17  }
0x6: {  	s4 =	sadd.s32 $0x18200, s0;
	s12 =	sadd.s32 $0xE200, s0;
	s8 =	smul.u32 $0x50000, s17  }
0x7: {  	s11 =	sadd.s32 $0x3200, s0;
	s9 =	sadd.s32 $0x40200, s0;
	s13 =	smul.u32 $0x2800, s17  }
0x8: {  	s25 =	sshll.u32 s17, $0x6;
	s5 =	smul.u32 $0x140000, s2;
	_ =	strace $0x80000050  }
0x9: {  	s18 =	sshll.u32 s2, $0x4;
	s7 =	ssub.s32 $0x2, s2;
	s20 =	smul.u32 $0x28000, s2  }
0xa: {  	p0 =	seq.s32 s2, $0x1;
	s10 =	sshrl.u32 s7, $0x1;
	s19 =	sshrl.u32 s8, $0x2  }
0xb: {  	s5 =	sadd.s32 s6, s5;
	s6 =	sor.u32 s17, s18;
	s10 =	ssub.s32 s7, s10  }
0xc: {  	s21 =	sadd.s32 s19, s1;
	s14 =	sadd.s32 s13, s20;
	s17 =	simm.s32 $0x40  }
0xd: {  	s18 =	simm.s32 $0x15000;
	s20 =	simm.s32 $0x17000;
	s5 =	sshrl.u32 s5, $0x3  }
0xe: {  	s6 =	smul.u32 $0x2800, s6;
	s8 =	smax.u32 s10, $0x1;
	s24 =	sor.u32 $0x400, s14  }
0xf: {  	s10 =	sor.u32 $0x1C05, s25;
	s14 =	simm.s32 $0x5;
	s25 =	simm.s32 $0x1  }
0x10: {  	s0 =	sadd.s32 s5, s0;
	s26 =	sshrl.u32 s24, $0x3;
	s24 =	simm.s32 $0x1B000  }
.Ltmp0:
0x11: {  	s6 =	sshrl.u32 s6, $0x3;
	s7 =	sadd.s32 $0x68200, s0;
	(pc) =	sbr.rel .LBB2_1-.Ltmp0, $4  }
0x12: {  	s0 =	smov.u32 s4;
	s22 =	sadd.s32 s12, s6;
	s23 =	sadd.s32 s11, s6  }
0x13: {  	s0 =	smov.u32 @p0 s9;
	s11 =	sadd.s32 s26, s11;
	[dreg:$0x3] =	wrdreg s22  }
0x14: {  	s12 =	sadd.s32 s26, s12;
	s26 =	simm.s32 $0x80;
	[dreg:$0x4] =	wrdreg s23  }
0x15: {  	s9 =	sadd.s32 s0, s13;
	s13 =	sshrl.u32 s21, $0x3;
	s22 =	simm.s32 $0x19000  }
.LBB2_3:
0x16: {  	_ =	swait.ge [sflag:s29], $0x4000  }
0x17: {  	[sflag:s29] =	ssyncset.done $0x0  }
0x18: {  	s0 =	sor.u32 $0x14800, s19;
	[sflag:s29] =	ssyncadd.s32 $0xFFFFC000  }
0x19: {  	[spmem:s1] =	stream.indirect.scatter.add.f32 [tilespmem:s22], [sflag:$0x4], $0x80, s0, s26, $0xb8;
	[tilespmem:$0x1D000] =	vst v63  }
0x1a: {  	_ =	swait.ge [sflag:s30], $0x4000  }
0x1b: {  	[sflag:s30] =	ssyncset.done $0x0  }
0x1c: {  	[sflag:s30] =	ssyncadd.s32 $0xFFFFC000  }
.LBB2_5:
0x1d: {  	s31 =	sadd.s32 $0x1, s31  }
0x1e: {  	p0 =	sne.s32 s31, s8  }
.Ltmp1:
0x1f: {  	[bflag:$0x0] =	sbarrier.arrive $0xFFFF;
	(pc) =	sbr.rel @!p0 .LBB2_6-.Ltmp1, $4  }
0x20: {  	[hbm:s7], [sflag:s10] =	dma.local [spmem:s13], $0x2800  }
0x21: {  	_ =	swait.ge [sflag:s14], $0x2800  }
0x22: {  	[sflag:s14] =	ssyncset.done $0x0  }
0x23: {  	[sflag:s14] =	ssyncadd.s32 $0xFFFFD800  }
.LBB2_1:
0x24: {  	[spmem:s13], [sflag:s10] =	dma.local [hbm:s9], $0x2800  }
0x25: {  	_ =	swait.ge [sflag:s14], $0x2800  }
0x26: {  	[sflag:s14] =	ssyncset.done $0x0  }
0x27: {  	[sflag:s14] =	ssyncadd.s32 $0xFFFFD800  }
0x28: {  	[bflag:$0x0] =	sbarrier.arrive $0xFFFF  }
0x29: {  	s0 =	simm.s32 $0x0;
	s2 =	rddreg [dreg:$0x3]  }
0x2a: {  	[tilespmem:s15], [sflag:$0x5] =	stream.linear.gather [hbm4b:s2+s0], $0x400, $0x38;
	[tilespmem:$0x1D000] =	vst v63  }
0x2b: {  	_ =	swait.ge [sflag:s14], $0x400  }
0x2c: {  	[sflag:s14] =	ssyncset.done $0x0  }
0x2d: {  	s3 =	simm.s32 $0x14800;
	s16 =	rddreg [dreg:$0x4];
	[sflag:s14] =	ssyncadd.s32 $0xFFFFFC00  }
0x2e: {  	[tilespmem:s3], [sflag:$0x5] =	stream.linear.gather [hbm4b:s16+s0], $0x400, $0x38;
	[tilespmem:$0x1D000] =	vst v63  }
0x2f: {  	_ =	swait.ge [sflag:s14], $0x400  }
0x30: {  	[sflag:s14] =	ssyncset.done $0x0  }
0x31: {  	[sflag:s14] =	ssyncadd.s32 $0xFFFFFC00  }
0x32: {  	[tilespmem:s18], [sflag:$0x1] =	stream.indirect.gather [hbm4b:s4+s17], $0x80, s15, s17, $0xb8;
	[tilespmem:$0x1D000] =	vst v63  }
0x33: {  	s19 =	simm.s32 $0x14040  }
0x34: {  	[tilespmem:s20], [sflag:$0x1] =	stream.indirect.gather [hbm4b:s4+s17], $0x80, s19, s17, $0xb8;
	[tilespmem:$0x1D000] =	vst v63  }
0x35: {  	s21 =	simm.s32 $0x14080;
	s23 =	simm.s32 $0x140C0  }
0x36: {  	[tilespmem:s22], [sflag:$0x2] =	stream.indirect.gather [hbm4b:s4+s17], $0x80, s21, s17, $0xb8;
	[tilespmem:$0x1D000] =	vst v63  }
0x37: {  	s2 =	simm.s32 $0x0;
	s0 =	simm.s32 $0x1;
	s16 =	simm.s32 $0x0  }
0x38: {  	[tilespmem:s24], [sflag:$0x2] =	stream.indirect.gather [hbm4b:s4+s17], $0x80, s23, s17, $0xb8;
	[tilespmem:$0x1D000] =	vst v63  }
.LBB2_2:
0x39: {  	_ =	swait.ge [sflag:s25], $0x4000  }
0x3a: {  	s19 =	sand.u32 $0x400, s2;
	[sflag:s25] =	ssyncset.done $0x0  }
0x3b: {  	s21 =	sor.u32 $0x14800, s19;
	[sflag:s25] =	ssyncadd.s32 $0xFFFFC000  }
0x3c: {  	[spmem:s1] =	stream.indirect.scatter.add.f32 [tilespmem:s18], [sflag:$0x3], $0x80, s21, s26, $0xb8;
	[tilespmem:$0x1D000] =	vst v63  }
0x3d: {  	_ =	swait.ge [sflag:s28], $0x4000  }
0x3e: {  	[sflag:s28] =	ssyncset.done $0x0  }
0x3f: {  	s6 =	sor.u32 $0x14100, s19;
	[sflag:s28] =	ssyncadd.s32 $0xFFFFC000  }
0x40: {  	[tilespmem:s18], [sflag:$0x1] =	stream.indirect.gather [hbm4b:s4+s17], $0x80, s6, s17, $0xb8;
	[tilespmem:$0x1D000] =	vst v63  }
0x41: {  	s23 =	sor.u32 $0x14140, s19  }
0x42: {  	[tilespmem:s20], [sflag:$0x1] =	stream.indirect.gather [hbm4b:s4+s17], $0x80, s23, s17, $0xb8;
	[tilespmem:$0x1D000] =	vst v63  }
0x43: {  	_ =	swait.ge [sflag:s29], $0x4000  }
0x44: {  	[sflag:s29] =	ssyncset.done $0x0  }
0x45: {  	s3 =	sor.u32 $0x14880, s19;
	[sflag:s29] =	ssyncadd.s32 $0xFFFFC000  }
0x46: {  	[spmem:s1] =	stream.indirect.scatter.add.f32 [tilespmem:s22], [sflag:$0x4], $0x80, s3, s26, $0xb8;
	[tilespmem:$0x1D000] =	vst v63  }
0x47: {  	_ =	swait.ge [sflag:s30], $0x4000  }
0x48: {  	[sflag:s30] =	ssyncset.done $0x0  }
0x49: {  	s5 =	sor.u32 $0x14180, s19;
	[sflag:s30] =	ssyncadd.s32 $0xFFFFC000  }
0x4a: {  	[tilespmem:s22], [sflag:$0x2] =	stream.indirect.gather [hbm4b:s4+s17], $0x80, s5, s17, $0xb8;
	[tilespmem:$0x1D000] =	vst v63  }
0x4b: {  	s6 =	sor.u32 $0x141C0, s19  }
0x4c: {  	[tilespmem:s24], [sflag:$0x2] =	stream.indirect.gather [hbm4b:s4+s17], $0x80, s6, s17, $0xb8;
	[tilespmem:$0x1D000] =	vst v63  }
0x4d: {  	_ =	swait.ge [sflag:s25], $0x4000  }
0x4e: {  	[sflag:s25] =	ssyncset.done $0x0  }
0x4f: {  	s23 =	sor.u32 $0x14900, s19;
	[sflag:s25] =	ssyncadd.s32 $0xFFFFC000  }
0x50: {  	[spmem:s1] =	stream.indirect.scatter.add.f32 [tilespmem:s18], [sflag:$0x3], $0x80, s23, s26, $0xb8;
	[tilespmem:$0x1D000] =	vst v63  }
0x51: {  	_ =	swait.ge [sflag:s28], $0x4000  }
0x52: {  	[sflag:s28] =	ssyncset.done $0x0  }
0x53: {  	s3 =	sor.u32 $0x14200, s19;
	[sflag:s28] =	ssyncadd.s32 $0xFFFFC000  }
0x54: {  	[tilespmem:s18], [sflag:$0x1] =	stream.indirect.gather [hbm4b:s4+s17], $0x80, s3, s17, $0xb8;
	[tilespmem:$0x1D000] =	vst v63  }
0x55: {  	s5 =	sor.u32 $0x14240, s19  }
0x56: {  	[tilespmem:s20], [sflag:$0x1] =	stream.indirect.gather [hbm4b:s4+s17], $0x80, s5, s17, $0xb8;
	[tilespmem:$0x1D000] =	vst v63  }
0x57: {  	_ =	swait.ge [sflag:s29], $0x4000  }
0x58: {  	[sflag:s29] =	ssyncset.done $0x0  }
0x59: {  	s6 =	sor.u32 $0x14980, s19;
	[sflag:s29] =	ssyncadd.s32 $0xFFFFC000  }
0x5a: {  	[spmem:s1] =	stream.indirect.scatter.add.f32 [tilespmem:s22], [sflag:$0x4], $0x80, s6, s26, $0xb8;
	[tilespmem:$0x1D000] =	vst v63  }
0x5b: {  	_ =	swait.ge [sflag:s30], $0x4000  }
0x5c: {  	[sflag:s30] =	ssyncset.done $0x0  }
0x5d: {  	s23 =	sor.u32 $0x14280, s19;
	[sflag:s30] =	ssyncadd.s32 $0xFFFFC000  }
0x5e: {  	[tilespmem:s22], [sflag:$0x2] =	stream.indirect.gather [hbm4b:s4+s17], $0x80, s23, s17, $0xb8;
	[tilespmem:$0x1D000] =	vst v63  }
0x5f: {  	s3 =	sor.u32 $0x142C0, s19  }
0x60: {  	[tilespmem:s24], [sflag:$0x2] =	stream.indirect.gather [hbm4b:s4+s17], $0x80, s3, s17, $0xb8;
	[tilespmem:$0x1D000] =	vst v63  }
0x61: {  	_ =	swait.ge [sflag:s25], $0x4000  }
0x62: {  	[sflag:s25] =	ssyncset.done $0x0  }
0x63: {  	s5 =	sor.u32 $0x14A00, s19;
	[sflag:s25] =	ssyncadd.s32 $0xFFFFC000  }
0x64: {  	[spmem:s1] =	stream.indirect.scatter.add.f32 [tilespmem:s18], [sflag:$0x3], $0x80, s5, s26, $0xb8;
	[tilespmem:$0x1D000] =	vst v63  }
0x65: {  	_ =	swait.ge [sflag:s28], $0x4000  }
0x66: {  	[sflag:s28] =	ssyncset.done $0x0  }
0x67: {  	s6 =	sor.u32 $0x14300, s19;
	[sflag:s28] =	ssyncadd.s32 $0xFFFFC000  }
0x68: {  	[tilespmem:s18], [sflag:$0x1] =	stream.indirect.gather [hbm4b:s4+s17], $0x80, s6, s17, $0xb8;
	[tilespmem:$0x1D000] =	vst v63  }
0x69: {  	s23 =	sor.u32 $0x14340, s19  }
0x6a: {  	[tilespmem:s20], [sflag:$0x1] =	stream.indirect.gather [hbm4b:s4+s17], $0x80, s23, s17, $0xb8;
	[tilespmem:$0x1D000] =	vst v63  }
0x6b: {  	_ =	swait.ge [sflag:s29], $0x4000  }
0x6c: {  	p0 =	seq.s32 s16, $0x480;
	s21 =	sand.u32 $0x1, s0;
	[sflag:s29] =	ssyncset.done $0x0  }
0x6d: {  	s3 =	sor.u32 $0x14A80, s19;
	s23 =	sshll.u32 @!p0 s21, $0xA;
	[sflag:s29] =	ssyncadd.s32 $0xFFFFC000  }
0x6e: {  	[spmem:s1] =	stream.indirect.scatter.add.f32 [tilespmem:s22], [sflag:$0x4], $0x80, s3, s26, $0xb8;
	[tilespmem:$0x1D000] =	vst v63  }
0x6f: {  	s5 =	sadd.s32 @!p0 s16, s12;
	s6 =	simm.s32 @!p0 $0x0;
	s3 =	sor.u32 @!p0 $0x14000, s23  }
0x70: {  	[tilespmem:s3], [sflag:$0x5] =	stream.linear.gather @!p0 [hbm4b:s5+s6], $0x400, $0x38;
	[tilespmem:$0x1D000] =	vst v63  }
0x71: {  	s3 =	simm.s32 @!p0 $0x5  }
0x72: {  	_ =	swait.ge @!p0 [sflag:s3], $0x400  }
0x73: {  	[sflag:s3] =	ssyncset.done @!p0 $0x0  }
0x74: {  	s5 =	sor.u32 @!p0 $0x14800, s23;
	s23 =	sadd.s32 @!p0 s16, s11;
	[sflag:s3] =	ssyncadd.s32 @!p0 $0xFFFFFC00  }
0x75: {  	[tilespmem:s5], [sflag:$0x5] =	stream.linear.gather @!p0 [hbm4b:s23+s6], $0x400, $0x38;
	[tilespmem:$0x1D000] =	vst v63  }
0x76: {  	_ =	swait.ge @!p0 [sflag:s3], $0x400  }
0x77: {  	[sflag:s3] =	ssyncset.done @!p0 $0x0  }
0x78: {  	[sflag:s3] =	ssyncadd.s32 @!p0 $0xFFFFFC00  }
0x79: {  	_ =	swait.ge [sflag:s30], $0x4000  }
0x7a: {  	[sflag:s30] =	ssyncset.done $0x0  }
0x7b: {  	s5 =	sor.u32 $0x14380, s19;
	[sflag:s30] =	ssyncadd.s32 $0xFFFFC000  }
0x7c: {  	[tilespmem:s22], [sflag:$0x2] =	stream.indirect.gather [hbm4b:s4+s17], $0x80, s5, s17, $0xb8;
	[tilespmem:$0x1D000] =	vst v63  }
0x7d: {  	s6 =	sadd.s32 $0x143C0, s19  }
0x7e: {  	[tilespmem:s24], [sflag:$0x2] =	stream.indirect.gather [hbm4b:s4+s17], $0x80, s6, s17, $0xb8;
	[tilespmem:$0x1D000] =	vst v63  }
0x7f: {  	_ =	swait.ge [sflag:s25], $0x4000  }
0x80: {  	s23 =	sor.u32 $0x300, s19;
	p0 =	sne.s32 s16, $0x480;
	[sflag:s25] =	ssyncset.done $0x0  }
.Ltmp2:
0x81: {  	s3 =	sor.u32 $0x14800, s23;
	[sflag:s25] =	ssyncadd.s32 $0xFFFFC000;
	(pc) =	sbr.rel @!p0 .LBB2_3-.Ltmp2, $4  }
0x82: {  	[spmem:s1] =	stream.indirect.scatter.add.f32 [tilespmem:s18], [sflag:$0x3], $0x80, s3, s26, $0xb8;
	[tilespmem:$0x1D000] =	vst v63  }
0x83: {  	_ =	swait.ge [sflag:s28], $0x4000  }
0x84: {  	[sflag:s28] =	ssyncset.done $0x0  }
0x85: {  	s19 =	sor.u32 $0x380, s19;
	[sflag:s28] =	ssyncadd.s32 $0xFFFFC000  }
0x86: {  	s3 =	sshll.u32 s21, $0xA  }
0x87: {  	s5 =	sor.u32 $0x14000, s3  }
0x88: {  	[tilespmem:s18], [sflag:$0x1] =	stream.indirect.gather [hbm4b:s4+s17], $0x80, s5, s17, $0xb8;
	[tilespmem:$0x1D000] =	vst v63  }
0x89: {  	s6 =	sor.u32 $0x14040, s3  }
0x8a: {  	[tilespmem:s20], [sflag:$0x1] =	stream.indirect.gather [hbm4b:s4+s17], $0x80, s6, s17, $0xb8;
	[tilespmem:$0x1D000] =	vst v63  }
0x8b: {  	_ =	swait.ge [sflag:s29], $0x4000  }
0x8c: {  	[sflag:s29] =	ssyncset.done $0x0  }
0x8d: {  	s21 =	sor.u32 $0x14800, s19;
	s16 =	sadd.s32 $0x80, s16;
	[sflag:s29] =	ssyncadd.s32 $0xFFFFC000  }
0x8e: {  	[spmem:s1] =	stream.indirect.scatter.add.f32 [tilespmem:s22], [sflag:$0x4], $0x80, s21, s26, $0xb8;
	[tilespmem:$0x1D000] =	vst v63  }
0x8f: {  	p0 =	sne.s32 s16, $0x500;
	_ =	swait.ge [sflag:s30], $0x4000  }
.Ltmp3:
0x90: {  	[sflag:s30] =	ssyncset.done $0x0;
	(pc) =	sbr.rel @p0 .LBB2_2-.Ltmp3, $4  }
.Ltmp4:
0x91: {  	s23 =	sor.u32 $0x14080, s3;
	[sflag:s30] =	ssyncadd.s32 $0xFFFFC000;
	(pc) =	sbr.rel @!p0 .LBB2_5-.Ltmp4, $4  }
0x92: {  	[tilespmem:s22], [sflag:$0x2] =	stream.indirect.gather [hbm4b:s4+s17], $0x80, s23, s17, $0xb8;
	[tilespmem:$0x1D000] =	vst v63  }
0x93: {  	s2 =	sadd.s32 $0x400, s2;
	s0 =	sadd.s32 $0x1, s0;
	s3 =	sor.u32 $0x140C0, s3  }
0x94: {  	[tilespmem:s24], [sflag:$0x2] =	stream.indirect.gather [hbm4b:s4+s17], $0x80, s3, s17, $0xb8;
	[tilespmem:$0x1D000] =	vst v63  }
0x95: {  	_ = 	snop  }
.LBB2_6:
0x96: {  	_ =	sfence.sel $0x180000  }
0x97: {  	[bflag:$0x0] =	sbarrier.arrive $0xFFFF  }
0x98: {  	_ =	strace $0x90000050  }
0x99: {  	s0 =	stileid.u32;
	[bflag:$0x2] =	sbarrier.arrive $0xFFFF  }
0x9a: {  	p0 =	sne.s32 s0, $0x0;
	s0 =	rddreg [dreg:$0x2]  }
0x9b: {  	s0 =	sadd.s32 @!p0 $0x100000, s0  }
0x9c: {  	[sflag:s0] =	ssyncadd.tile.s32 @!p0 $0x1;
	_ =	shalt  }
.Lfunc_end2:
_tile_overlayer_lowered:
.L_overlay_start_2:
0x9d: {  	(tag) =	ssettag $0x2  }
0x9e: {  	s0 =	rddreg [dreg:$0x0];
	s2 =	stileid.u32  }
0x9f: {  	s1 =	rddreg [dreg:$0x1];
	p0 =	sne.s32 s2, $0x0  }
0xa0: {  	s3 =	rddreg [dreg:$0x2];
	[bflag:$0x3] =	sbarrier.arrive $0xFFFF;
	s2 =	simm.s32 @!p0 $0x1C05  }
0xa1: {  	[timem:s3], [sflag:s2] =	dma.local @!p0 [hbm:s0], s1  }
0xa2: {  	s0 =	simm.s32 @!p0 $0x5  }
0xa3: {  	_ =	swait.ge @!p0 [sflag:s0], s1  }
0xa4: {  	s1 =	ssub.s32 @!p0 $0x0, s1;
	[sflag:s0] =	ssyncset.done @!p0 $0x0  }
0xa5: {  	[sflag:s0] =	ssyncadd.s32 @!p0 s1  }
0xa6: {  	[bflag:$0x3] =	sbarrier.arrive $0xFFFF  }
0xa7: {  	_ =	shalt  }

</sc_bundles>
